<compile_context>
chip_gen: v7x
topology: tpu7x:2x2x1
jax: 0.10.2.dev20260603
libtpu: 0.0.44.dev20260713+nightly
codegen_flags: <defaults>
</compile_context>

<pallas_src>
import jax
import jax.numpy as jnp
from jax import lax
from jax.experimental import pallas as pl
from jax.experimental.pallas import tpu as pltpu
from jax.experimental.pallas import tpu_sc as plsc

N = 10000
D = 128
H = 64
K = 10
ALPHA = 0.1
E = 320000

NS = 16
L = 16
NODE_W = 640
N_PAD = NS * NODE_W
B = 128
CPT = 160
E_PAD = NS * CPT * B
NCH = E_PAD // B


def _mlp_body(x_ref, w1_ref, b1_ref, w2_ref, b2_ref, o_ref):
    t = jnp.dot(x_ref[...], w1_ref[...], preferred_element_type=jnp.float32)
    t = jnp.maximum(t + b1_ref[...][None, :], 0.0)
    w2col = w2_ref[...][:, 0]
    o_ref[...] = (jnp.sum(t * w2col[None, :], axis=1, keepdims=True)
                  + b2_ref[...][None, :])


def _sc_body(src_hbm, dst_hbm, h_hbm, z_hbm,
             u_sp, raw_sp, src_v, dst_v, vals_v,
             h_v, dinv_v, z_v, u_v, tmp_v, zero_v, ones_v,
             sem_ld, sem_g, sem_s):
    c = lax.axis_index("c")
    s = lax.axis_index("s")
    row0 = s * CPT
    nbase = s * NODE_W
    nsl = pl.ds(nbase, NODE_W)

    cp_a = pltpu.async_copy(src_hbm.at[pl.ds(row0, CPT)], src_v, sem_ld)
    cp_b = pltpu.async_copy(dst_hbm.at[pl.ds(row0, CPT)], dst_v, sem_ld)
    cp_c = pltpu.async_copy(h_hbm.at[nsl], h_v, sem_ld)
    cp_a.wait()
    cp_b.wait()
    cp_c.wait()

    for j in range(B // L):
        ones_v[pl.ds(j * L, L)] = jnp.full((L,), 1.0, jnp.float32)
    for j in range(NODE_W // L):
        zero_v[pl.ds(j * L, L)] = jnp.zeros((L,), jnp.float32)

    def fire_scatter_from(src_ref):
        def body(j, carry):
            pltpu.async_copy(src_ref.at[j] if src_ref is vals_v else src_ref,
                             raw_sp.at[dst_v.at[j]], sem_s, add=True)
            return carry
        return body

    def drain_scatter(j, carry):
        pltpu.make_async_copy(ones_v, raw_sp.at[dst_v.at[0]], sem_s).wait()
        return carry

    pltpu.sync_copy(zero_v, raw_sp.at[nsl])
    plsc.subcore_barrier()
    lax.fori_loop(0, CPT, fire_scatter_from(ones_v), 0)
    lax.fori_loop(0, CPT, drain_scatter, 0)
    plsc.subcore_barrier()

    pltpu.sync_copy(raw_sp.at[nsl], tmp_v)
    for j in range(NODE_W // L):
        sl = pl.ds(j * L, L)
        deg = tmp_v[sl] + 1.0
        bits = plsc.bitcast(deg, jnp.int32)
        y = plsc.bitcast(jnp.int32(0x5F3759DF) - (bits >> 1), jnp.float32)
        half = 0.5 * deg
        y = y * (1.5 - half * y * y)
        y = y * (1.5 - half * y * y)
        y = y * (1.5 - half * y * y)
        gidx = lax.iota(jnp.int32, L) + (nbase + j * L)
        y = jnp.where(gidx < N, y, 0.0)
        dinv_v[sl] = y
        hv = h_v[sl]
        z_v[sl] = hv
        u_v[sl] = y * hv

    def iter_body(k, carry):
        pltpu.sync_copy(zero_v, raw_sp.at[nsl])
        pltpu.sync_copy(u_v, u_sp.at[nsl])
        plsc.subcore_barrier()

        def fire_gather(j, cy):
            pltpu.async_copy(u_sp.at[src_v.at[j]], vals_v.at[j], sem_g)
            return cy
        lax.fori_loop(0, CPT, fire_gather, 0)

        def drain_gather(j, cy):
            pltpu.make_async_copy(u_sp.at[src_v.at[0]], vals_v.at[0],
                                  sem_g).wait()
            return cy
        lax.fori_loop(0, CPT, drain_gather, 0)

        lax.fori_loop(0, CPT, fire_scatter_from(vals_v), 0)
        lax.fori_loop(0, CPT, drain_scatter, 0)
        plsc.subcore_barrier()

        pltpu.sync_copy(raw_sp.at[nsl], tmp_v)
        for j in range(NODE_W // L):
            sl = pl.ds(j * L, L)
            dv = dinv_v[sl]
            znew = ((1.0 - ALPHA) * dv * (tmp_v[sl] + dv * z_v[sl])
                    + ALPHA * h_v[sl])
            z_v[sl] = znew
            u_v[sl] = dv * znew
        return carry
    lax.fori_loop(0, K, iter_body, 0)

    @pl.when(c == 0)
    def _():
        pltpu.sync_copy(z_v, z_hbm.at[nsl])


def kernel(x, edge_index, W1, b1, W2, b2):
    h = pl.pallas_call(
        _mlp_body,
        out_shape=jax.ShapeDtypeStruct((N, 1), jnp.float32),
    )(x, W1, b1, W2, b2)
    h_pad = jnp.pad(h[:, 0], (0, N_PAD - N))

    idx = edge_index.astype(jnp.int32)
    pad = E_PAD - E
    pidx = jnp.arange(pad, dtype=jnp.int32)
    src2 = jnp.concatenate([idx[0], pidx % N]).reshape(NCH, B)
    dst2 = jnp.concatenate([idx[1], N + pidx % (N_PAD - N)]).reshape(NCH, B)

    mesh = plsc.VectorSubcoreMesh(core_axis_name="c", subcore_axis_name="s")
    z_pad = pl.kernel(
        _sc_body,
        out_type=jax.ShapeDtypeStruct((N_PAD,), jnp.float32),
        mesh=mesh,
        compiler_params=pltpu.CompilerParams(needs_layout_passes=False),
        scratch_types=[
            pltpu.VMEM_SHARED((N_PAD,), jnp.float32),
            pltpu.VMEM_SHARED((N_PAD,), jnp.float32),
            pltpu.VMEM((CPT, B), jnp.int32),
            pltpu.VMEM((CPT, B), jnp.int32),
            pltpu.VMEM((CPT, B), jnp.float32),
            pltpu.VMEM((NODE_W,), jnp.float32),
            pltpu.VMEM((NODE_W,), jnp.float32),
            pltpu.VMEM((NODE_W,), jnp.float32),
            pltpu.VMEM((NODE_W,), jnp.float32),
            pltpu.VMEM((NODE_W,), jnp.float32),
            pltpu.VMEM((NODE_W,), jnp.float32),
            pltpu.VMEM((B,), jnp.float32),
            pltpu.SemaphoreType.DMA,
            pltpu.SemaphoreType.DMA,
            pltpu.SemaphoreType.DMA,
        ],
    )(src2, dst2, h_pad)
    return z_pad[:N, None]

# --- scband reference (transcript-rebuilt; emitter-appended) ---
"""Pipeline reference for scband-appnpmodel-16295105921230 (READ-ONLY COPY).

The authoritative reference and input builder live on the scoring server;
editing this copy changes nothing except your own understanding.
"""

import jax, jax.numpy as jnp
import numpy as np

N = 10000
E = 320000
D = 128
H = 64
K = 10
ALPHA = 0.1


def setup_inputs(seed: int = 0) -> dict:
    key = jax.random.key(seed)
    ks = jax.random.split(key, 6)
    x = jax.random.normal(ks[0], (N, D), dtype=jnp.float32)
    edge_index = jax.random.randint(ks[1], (2, E), 0, N, dtype=jnp.int32)
    # MLP params (torch Linear: y = x @ W^T + b; here stored pre-transposed as [in, out])
    W1 = jax.random.normal(ks[2], (D, H), dtype=jnp.float32) * (1.0 / np.sqrt(D))
    b1 = jnp.zeros((H,), dtype=jnp.float32)
    W2 = jax.random.normal(ks[3], (H, 1), dtype=jnp.float32) * (1.0 / np.sqrt(H))
    b2 = jnp.zeros((1,), dtype=jnp.float32)
    return {"x": x, "edge_index": edge_index, "W1": W1, "b1": b1, "W2": W2, "b2": b2}


def reference(x, edge_index, W1, b1, W2, b2):
    # MLP: Linear -> ReLU -> Linear
    h = jnp.maximum(x @ W1 + b1, 0.0) @ W2 + b2  # [N, 1]
    # APPNP propagation with GCN normalization (add self loops, symmetric norm)
    idx = edge_index.astype(jnp.int32)
    loop = jnp.arange(N, dtype=jnp.int32)
    src = jnp.concatenate([idx[0], loop])
    dst = jnp.concatenate([idx[1], loop])
    deg = jax.ops.segment_sum(jnp.ones_like(src, dtype=h.dtype), dst, num_segments=N)
    dinv = jnp.where(deg > 0, jax.lax.rsqrt(jnp.where(deg > 0, deg, 1.0)), 0.0)
    norm = dinv[src] * dinv[dst]  # [E + N]
    z = h
    for _ in range(K):
        m = norm[:, None] * z[src]  # gather + scale
        agg = jax.ops.segment_sum(m, dst, num_segments=N)  # scatter-add
        z = (1.0 - ALPHA) * agg + ALPHA * h
    return z

if __name__ == "__main__":
    import jax
    _d = setup_inputs()
    print(jax.jit(kernel)(*tuple(_d.values())))

</pallas_src>

<mosaic_0001>
#map = affine_map<(d0, d1) -> (0, 0)>
#map1 = affine_map<(d0, d1) -> (0)>
module attributes {stable_mosaic.version = 14 : i64} {
  func.func @_sc_body(%arg0: i32, %arg1: i32, %arg2: memref<2560x128xi32, #tpu.memory_space<hbm>>, %arg3: memref<2560x128xi32, #tpu.memory_space<hbm>>, %arg4: memref<10240xf32, #tpu.memory_space<hbm>>, %arg5: memref<10240xf32, #tpu.memory_space<hbm>>, %arg6: memref<10240xf32, #tpu.memory_space<vmem_shared>>, %arg7: memref<10240xf32, #tpu.memory_space<vmem_shared>>, %arg8: memref<160x128xi32, #tpu.memory_space<vmem>>, %arg9: memref<160x128xi32, #tpu.memory_space<vmem>>, %arg10: memref<160x128xf32, #tpu.memory_space<vmem>>, %arg11: memref<640xf32, #tpu.memory_space<vmem>>, %arg12: memref<640xf32, #tpu.memory_space<vmem>>, %arg13: memref<640xf32, #tpu.memory_space<vmem>>, %arg14: memref<640xf32, #tpu.memory_space<vmem>>, %arg15: memref<640xf32, #tpu.memory_space<vmem>>, %arg16: memref<640xf32, #tpu.memory_space<vmem>>, %arg17: memref<128xf32, #tpu.memory_space<vmem>>, %arg18: memref<!tpu.dma_semaphore, #tpu.memory_space<semaphore_mem>>, %arg19: memref<!tpu.dma_semaphore, #tpu.memory_space<semaphore_mem>>, %arg20: memref<!tpu.dma_semaphore, #tpu.memory_space<semaphore_mem>>) attributes {dimension_semantics = [#tpu.dimension_semantics<core_parallel>, #tpu.dimension_semantics<subcore_parallel>], iteration_bounds = array<i64: 2, 16>, scalar_prefetch = 0 : i64, scratch_operands = 15 : i64, tpu.core_type = #tpu.core_type<sc_vector_subcore>, window_params = [{transform_indices = #map}, {transform_indices = #map}, {transform_indices = #map1}, {transform_indices = #map1}]} {
    %mul3A = arith.constant 160 : i32
    %mul3A_0 = arith.muli %arg1, %mul3A : i32
    %mul3A_1 = arith.constant 640 : i32
    %mul3A_2 = arith.muli %arg1, %mul3A_1 : i32
    %dma_start3A = arith.constant 0 : i32
    %dma_start3A_3 = tpu.memref_slice %arg2[%mul3A_0, %dma_start3A] : memref<2560x128xi32, #tpu.memory_space<hbm>> -> memref<160x128xi32, #tpu.memory_space<hbm>>
    %dma_start3A_4 = arith.constant 0 : i32
    %dma_start3A_5 = tpu.memref_slice %arg2[%mul3A_0, %dma_start3A_4] : memref<2560x128xi32, #tpu.memory_space<hbm>> -> memref<160x128xi32, #tpu.memory_space<hbm>>
    tpu.enqueue_dma source(%dma_start3A_5 : memref<160x128xi32, #tpu.memory_space<hbm>>) target(%arg8 : memref<160x128xi32, #tpu.memory_space<vmem>>) target_semaphore(%arg18 : memref<!tpu.dma_semaphore, #tpu.memory_space<semaphore_mem>>)
    %dma_start3A_6 = arith.constant 0 : i32
    %dma_start3A_7 = tpu.memref_slice %arg3[%mul3A_0, %dma_start3A_6] : memref<2560x128xi32, #tpu.memory_space<hbm>> -> memref<160x128xi32, #tpu.memory_space<hbm>>
    %dma_start3A_8 = arith.constant 0 : i32
    %dma_start3A_9 = tpu.memref_slice %arg3[%mul3A_0, %dma_start3A_8] : memref<2560x128xi32, #tpu.memory_space<hbm>> -> memref<160x128xi32, #tpu.memory_space<hbm>>
    tpu.enqueue_dma source(%dma_start3A_9 : memref<160x128xi32, #tpu.memory_space<hbm>>) target(%arg9 : memref<160x128xi32, #tpu.memory_space<vmem>>) target_semaphore(%arg18 : memref<!tpu.dma_semaphore, #tpu.memory_space<semaphore_mem>>)
    %dma_start3A_10 = tpu.memref_slice %arg4[%mul3A_2] : memref<10240xf32, #tpu.memory_space<hbm>> -> memref<640xf32, #tpu.memory_space<hbm>>
    %dma_start3A_11 = tpu.memref_slice %arg4[%mul3A_2] : memref<10240xf32, #tpu.memory_space<hbm>> -> memref<640xf32, #tpu.memory_space<hbm>>
    tpu.enqueue_dma source(%dma_start3A_11 : memref<640xf32, #tpu.memory_space<hbm>>) target(%arg11 : memref<640xf32, #tpu.memory_space<vmem>>) target_semaphore(%arg18 : memref<!tpu.dma_semaphore, #tpu.memory_space<semaphore_mem>>)
    %dma_wait3A = arith.constant 0 : i32
    %dma_wait3A_12 = tpu.memref_slice %arg2[%mul3A_0, %dma_wait3A] : memref<2560x128xi32, #tpu.memory_space<hbm>> -> memref<160x128xi32, #tpu.memory_space<hbm>>
    %dma_wait3A_13 = arith.constant 0 : i32
    %dma_wait3A_14 = tpu.memref_slice %arg2[%mul3A_0, %dma_wait3A_13] : memref<2560x128xi32, #tpu.memory_space<hbm>> -> memref<160x128xi32, #tpu.memory_space<hbm>>
    tpu.wait_dma2 semaphore(%arg18 : memref<!tpu.dma_semaphore, #tpu.memory_space<semaphore_mem>>) src(%dma_wait3A_14 : memref<160x128xi32, #tpu.memory_space<hbm>>) dst(%arg8 : memref<160x128xi32, #tpu.memory_space<vmem>>)
    %dma_wait3A_15 = arith.constant 0 : i32
    %dma_wait3A_16 = tpu.memref_slice %arg3[%mul3A_0, %dma_wait3A_15] : memref<2560x128xi32, #tpu.memory_space<hbm>> -> memref<160x128xi32, #tpu.memory_space<hbm>>
    %dma_wait3A_17 = arith.constant 0 : i32
    %dma_wait3A_18 = tpu.memref_slice %arg3[%mul3A_0, %dma_wait3A_17] : memref<2560x128xi32, #tpu.memory_space<hbm>> -> memref<160x128xi32, #tpu.memory_space<hbm>>
    tpu.wait_dma2 semaphore(%arg18 : memref<!tpu.dma_semaphore, #tpu.memory_space<semaphore_mem>>) src(%dma_wait3A_18 : memref<160x128xi32, #tpu.memory_space<hbm>>) dst(%arg9 : memref<160x128xi32, #tpu.memory_space<vmem>>)
    %dma_wait3A_19 = tpu.memref_slice %arg4[%mul3A_2] : memref<10240xf32, #tpu.memory_space<hbm>> -> memref<640xf32, #tpu.memory_space<hbm>>
    %dma_wait3A_20 = tpu.memref_slice %arg4[%mul3A_2] : memref<10240xf32, #tpu.memory_space<hbm>> -> memref<640xf32, #tpu.memory_space<hbm>>
    tpu.wait_dma2 semaphore(%arg18 : memref<!tpu.dma_semaphore, #tpu.memory_space<semaphore_mem>>) src(%dma_wait3A_20 : memref<640xf32, #tpu.memory_space<hbm>>) dst(%arg11 : memref<640xf32, #tpu.memory_space<vmem>>)
    %broadcast_in_dim3A = arith.constant 1.000000e+00 : f32
    %broadcast_in_dim3A_21 = vector.broadcast %broadcast_in_dim3A : f32 to vector<16xf32>
    %swap3A = arith.constant 0 : index
    %swap3A_22 = tpu.vector_load %arg17[%swap3A] {strides = array<i32>} : memref<128xf32, #tpu.memory_space<vmem>>, vector<16xf32>,
    tpu.vector_store %arg17[%swap3A], %broadcast_in_dim3A_21 {strides = array<i32>} : memref<128xf32, #tpu.memory_space<vmem>>, vector<16xf32>,
    %broadcast_in_dim3A_23 = arith.constant 1.000000e+00 : f32
    %broadcast_in_dim3A_24 = vector.broadcast %broadcast_in_dim3A_23 : f32 to vector<16xf32>
    %swap3A_25 = arith.constant 16 : index
    %swap3A_26 = tpu.vector_load %arg17[%swap3A_25] {strides = array<i32>} : memref<128xf32, #tpu.memory_space<vmem>>, vector<16xf32>,
    tpu.vector_store %arg17[%swap3A_25], %broadcast_in_dim3A_24 {strides = array<i32>} : memref<128xf32, #tpu.memory_space<vmem>>, vector<16xf32>,
    %broadcast_in_dim3A_27 = arith.constant 1.000000e+00 : f32
    %broadcast_in_dim3A_28 = vector.broadcast %broadcast_in_dim3A_27 : f32 to vector<16xf32>
    %swap3A_29 = arith.constant 32 : index
    %swap3A_30 = tpu.vector_load %arg17[%swap3A_29] {strides = array<i32>} : memref<128xf32, #tpu.memory_space<vmem>>, vector<16xf32>,
    tpu.vector_store %arg17[%swap3A_29], %broadcast_in_dim3A_28 {strides = array<i32>} : memref<128xf32, #tpu.memory_space<vmem>>, vector<16xf32>,
    %broadcast_in_dim3A_31 = arith.constant 1.000000e+00 : f32
    %broadcast_in_dim3A_32 = vector.broadcast %broadcast_in_dim3A_31 : f32 to vector<16xf32>
    %swap3A_33 = arith.constant 48 : index
    %swap3A_34 = tpu.vector_load %arg17[%swap3A_33] {strides = array<i32>} : memref<128xf32, #tpu.memory_space<vmem>>, vector<16xf32>,
    tpu.vector_store %arg17[%swap3A_33], %broadcast_in_dim3A_32 {strides = array<i32>} : memref<128xf32, #tpu.memory_space<vmem>>, vector<16xf32>,
    %broadcast_in_dim3A_35 = arith.constant 1.000000e+00 : f32
    %broadcast_in_dim3A_36 = vector.broadcast %broadcast_in_dim3A_35 : f32 to vector<16xf32>
    %swap3A_37 = arith.constant 64 : index
    %swap3A_38 = tpu.vector_load %arg17[%swap3A_37] {strides = array<i32>} : memref<128xf32, #tpu.memory_space<vmem>>, vector<16xf32>,
    tpu.vector_store %arg17[%swap3A_37], %broadcast_in_dim3A_36 {strides = array<i32>} : memref<128xf32, #tpu.memory_space<vmem>>, vector<16xf32>,
    %broadcast_in_dim3A_39 = arith.constant 1.000000e+00 : f32
    %broadcast_in_dim3A_40 = vector.broadcast %broadcast_in_dim3A_39 : f32 to vector<16xf32>
    %swap3A_41 = arith.constant 80 : index
    %swap3A_42 = tpu.vector_load %arg17[%swap3A_41] {strides = array<i32>} : memref<128xf32, #tpu.memory_space<vmem>>, vector<16xf32>,
    tpu.vector_store %arg17[%swap3A_41], %broadcast_in_dim3A_40 {strides = array<i32>} : memref<128xf32, #tpu.memory_space<vmem>>, vector<16xf32>,
    %broadcast_in_dim3A_43 = arith.constant 1.000000e+00 : f32
    %broadcast_in_dim3A_44 = vector.broadcast %broadcast_in_dim3A_43 : f32 to vector<16xf32>
    %swap3A_45 = arith.constant 96 : index
    %swap3A_46 = tpu.vector_load %arg17[%swap3A_45] {strides = array<i32>} : memref<128xf32, #tpu.memory_space<vmem>>, vector<16xf32>,
    tpu.vector_store %arg17[%swap3A_45], %broadcast_in_dim3A_44 {strides = array<i32>} : memref<128xf32, #tpu.memory_space<vmem>>, vector<16xf32>,
    %broadcast_in_dim3A_47 = arith.constant 1.000000e+00 : f32
    %broadcast_in_dim3A_48 = vector.broadcast %broadcast_in_dim3A_47 : f32 to vector<16xf32>
    %swap3A_49 = arith.constant 112 : index
    %swap3A_50 = tpu.vector_load %arg17[%swap3A_49] {strides = array<i32>} : memref<128xf32, #tpu.memory_space<vmem>>, vector<16xf32>,
    tpu.vector_store %arg17[%swap3A_49], %broadcast_in_dim3A_48 {strides = array<i32>} : memref<128xf32, #tpu.memory_space<vmem>>, vector<16xf32>,
    %broadcast_in_dim3A_51 = arith.constant 0.000000e+00 : f32
    %broadcast_in_dim3A_52 = vector.broadcast %broadcast_in_dim3A_51 : f32 to vector<16xf32>
    %swap3A_53 = arith.constant 0 : index
    %swap3A_54 = tpu.vector_load %arg16[%swap3A_53] {strides = array<i32>} : memref<640xf32, #tpu.memory_space<vmem>>, vector<16xf32>,
    tpu.vector_store %arg16[%swap3A_53], %broadcast_in_dim3A_52 {strides = array<i32>} : memref<640xf32, #tpu.memory_space<vmem>>, vector<16xf32>,
    %broadcast_in_dim3A_55 = arith.constant 0.000000e+00 : f32
    %broadcast_in_dim3A_56 = vector.broadcast %broadcast_in_dim3A_55 : f32 to vector<16xf32>
    %swap3A_57 = arith.constant 16 : index
    %swap3A_58 = tpu.vector_load %arg16[%swap3A_57] {strides = array<i32>} : memref<640xf32, #tpu.memory_space<vmem>>, vector<16xf32>,
    tpu.vector_store %arg16[%swap3A_57], %broadcast_in_dim3A_56 {strides = array<i32>} : memref<640xf32, #tpu.memory_space<vmem>>, vector<16xf32>,
    %broadcast_in_dim3A_59 = arith.constant 0.000000e+00 : f32
    %broadcast_in_dim3A_60 = vector.broadcast %broadcast_in_dim3A_59 : f32 to vector<16xf32>
    %swap3A_61 = arith.constant 32 : index
    %swap3A_62 = tpu.vector_load %arg16[%swap3A_61] {strides = array<i32>} : memref<640xf32, #tpu.memory_space<vmem>>, vector<16xf32>,
    tpu.vector_store %arg16[%swap3A_61], %broadcast_in_dim3A_60 {strides = array<i32>} : memref<640xf32, #tpu.memory_space<vmem>>, vector<16xf32>,
    %broadcast_in_dim3A_63 = arith.constant 0.000000e+00 : f32
    %broadcast_in_dim3A_64 = vector.broadcast %broadcast_in_dim3A_63 : f32 to vector<16xf32>
    %swap3A_65 = arith.constant 48 : index
    %swap3A_66 = tpu.vector_load %arg16[%swap3A_65] {strides = array<i32>} : memref<640xf32, #tpu.memory_space<vmem>>, vector<16xf32>,
    tpu.vector_store %arg16[%swap3A_65], %broadcast_in_dim3A_64 {strides = array<i32>} : memref<640xf32, #tpu.memory_space<vmem>>, vector<16xf32>,
    %broadcast_in_dim3A_67 = arith.constant 0.000000e+00 : f32
    %broadcast_in_dim3A_68 = vector.broadcast %broadcast_in_dim3A_67 : f32 to vector<16xf32>
    %swap3A_69 = arith.constant 64 : index
    %swap3A_70 = tpu.vector_load %arg16[%swap3A_69] {strides = array<i32>} : memref<640xf32, #tpu.memory_space<vmem>>, vector<16xf32>,
    tpu.vector_store %arg16[%swap3A_69], %broadcast_in_dim3A_68 {strides = array<i32>} : memref<640xf32, #tpu.memory_space<vmem>>, vector<16xf32>,
    %broadcast_in_dim3A_71 = arith.constant 0.000000e+00 : f32
    %broadcast_in_dim3A_72 = vector.broadcast %broadcast_in_dim3A_71 : f32 to vector<16xf32>
    %swap3A_73 = arith.constant 80 : index
    %swap3A_74 = tpu.vector_load %arg16[%swap3A_73] {strides = array<i32>} : memref<640xf32, #tpu.memory_space<vmem>>, vector<16xf32>,
    tpu.vector_store %arg16[%swap3A_73], %broadcast_in_dim3A_72 {strides = array<i32>} : memref<640xf32, #tpu.memory_space<vmem>>, vector<16xf32>,
    %broadcast_in_dim3A_75 = arith.constant 0.000000e+00 : f32
    %broadcast_in_dim3A_76 = vector.broadcast %broadcast_in_dim3A_75 : f32 to vector<16xf32>
    %swap3A_77 = arith.constant 96 : index
    %swap3A_78 = tpu.vector_load %arg16[%swap3A_77] {strides = array<i32>} : memref<640xf32, #tpu.memory_space<vmem>>, vector<16xf32>,
    tpu.vector_store %arg16[%swap3A_77], %broadcast_in_dim3A_76 {strides = array<i32>} : memref<640xf32, #tpu.memory_space<vmem>>, vector<16xf32>,
    %broadcast_in_dim3A_79 = arith.constant 0.000000e+00 : f32
    %broadcast_in_dim3A_80 = vector.broadcast %broadcast_in_dim3A_79 : f32 to vector<16xf32>
    %swap3A_81 = arith.constant 112 : index
    %swap3A_82 = tpu.vector_load %arg16[%swap3A_81] {strides = array<i32>} : memref<640xf32, #tpu.memory_space<vmem>>, vector<16xf32>,
    tpu.vector_store %arg16[%swap3A_81], %broadcast_in_dim3A_80 {strides = array<i32>} : memref<640xf32, #tpu.memory_space<vmem>>, vector<16xf32>,
    %broadcast_in_dim3A_83 = arith.constant 0.000000e+00 : f32
    %broadcast_in_dim3A_84 = vector.broadcast %broadcast_in_dim3A_83 : f32 to vector<16xf32>
    %swap3A_85 = arith.constant 128 : index
    %swap3A_86 = tpu.vector_load %arg16[%swap3A_85] {strides = array<i32>} : memref<640xf32, #tpu.memory_space<vmem>>, vector<16xf32>,
    tpu.vector_store %arg16[%swap3A_85], %broadcast_in_dim3A_84 {strides = array<i32>} : memref<640xf32, #tpu.memory_space<vmem>>, vector<16xf32>,
    %broadcast_in_dim3A_87 = arith.constant 0.000000e+00 : f32
    %broadcast_in_dim3A_88 = vector.broadcast %broadcast_in_dim3A_87 : f32 to vector<16xf32>
    %swap3A_89 = arith.constant 144 : index
    %swap3A_90 = tpu.vector_load %arg16[%swap3A_89] {strides = array<i32>} : memref<640xf32, #tpu.memory_space<vmem>>, vector<16xf32>,
    tpu.vector_store %arg16[%swap3A_89], %broadcast_in_dim3A_88 {strides = array<i32>} : memref<640xf32, #tpu.memory_space<vmem>>, vector<16xf32>,
    %broadcast_in_dim3A_91 = arith.constant 0.000000e+00 : f32
    %broadcast_in_dim3A_92 = vector.broadcast %broadcast_in_dim3A_91 : f32 to vector<16xf32>
    %swap3A_93 = arith.constant 160 : index
    %swap3A_94 = tpu.vector_load %arg16[%swap3A_93] {strides = array<i32>} : memref<640xf32, #tpu.memory_space<vmem>>, vector<16xf32>,
    tpu.vector_store %arg16[%swap3A_93], %broadcast_in_dim3A_92 {strides = array<i32>} : memref<640xf32, #tpu.memory_space<vmem>>, vector<16xf32>,
    %broadcast_in_dim3A_95 = arith.constant 0.000000e+00 : f32
    %broadcast_in_dim3A_96 = vector.broadcast %broadcast_in_dim3A_95 : f32 to vector<16xf32>
    %swap3A_97 = arith.constant 176 : index
    %swap3A_98 = tpu.vector_load %arg16[%swap3A_97] {strides = array<i32>} : memref<640xf32, #tpu.memory_space<vmem>>, vector<16xf32>,
    tpu.vector_store %arg16[%swap3A_97], %broadcast_in_dim3A_96 {strides = array<i32>} : memref<640xf32, #tpu.memory_space<vmem>>, vector<16xf32>,
    %broadcast_in_dim3A_99 = arith.constant 0.000000e+00 : f32
    %broadcast_in_dim3A_100 = vector.broadcast %broadcast_in_dim3A_99 : f32 to vector<16xf32>
    %swap3A_101 = arith.constant 192 : index
    %swap3A_102 = tpu.vector_load %arg16[%swap3A_101] {strides = array<i32>} : memref<640xf32, #tpu.memory_space<vmem>>, vector<16xf32>,
    tpu.vector_store %arg16[%swap3A_101], %broadcast_in_dim3A_100 {strides = array<i32>} : memref<640xf32, #tpu.memory_space<vmem>>, vector<16xf32>,
    %broadcast_in_dim3A_103 = arith.constant 0.000000e+00 : f32
    %broadcast_in_dim3A_104 = vector.broadcast %broadcast_in_dim3A_103 : f32 to vector<16xf32>
    %swap3A_105 = arith.constant 208 : index
    %swap3A_106 = tpu.vector_load %arg16[%swap3A_105] {strides = array<i32>} : memref<640xf32, #tpu.memory_space<vmem>>, vector<16xf32>,
    tpu.vector_store %arg16[%swap3A_105], %broadcast_in_dim3A_104 {strides = array<i32>} : memref<640xf32, #tpu.memory_space<vmem>>, vector<16xf32>,
    %broadcast_in_dim3A_107 = arith.constant 0.000000e+00 : f32
    %broadcast_in_dim3A_108 = vector.broadcast %broadcast_in_dim3A_107 : f32 to vector<16xf32>
    %swap3A_109 = arith.constant 224 : index
    %swap3A_110 = tpu.vector_load %arg16[%swap3A_109] {strides = array<i32>} : memref<640xf32, #tpu.memory_space<vmem>>, vector<16xf32>,
    tpu.vector_store %arg16[%swap3A_109], %broadcast_in_dim3A_108 {strides = array<i32>} : memref<640xf32, #tpu.memory_space<vmem>>, vector<16xf32>,
    %broadcast_in_dim3A_111 = arith.constant 0.000000e+00 : f32
    %broadcast_in_dim3A_112 = vector.broadcast %broadcast_in_dim3A_111 : f32 to vector<16xf32>
    %swap3A_113 = arith.constant 240 : index
    %swap3A_114 = tpu.vector_load %arg16[%swap3A_113] {strides = array<i32>} : memref<640xf32, #tpu.memory_space<vmem>>, vector<16xf32>,
    tpu.vector_store %arg16[%swap3A_113], %broadcast_in_dim3A_112 {strides = array<i32>} : memref<640xf32, #tpu.memory_space<vmem>>, vector<16xf32>,
    %broadcast_in_dim3A_115 = arith.constant 0.000000e+00 : f32
    %broadcast_in_dim3A_116 = vector.broadcast %broadcast_in_dim3A_115 : f32 to vector<16xf32>
    %swap3A_117 = arith.constant 256 : index
    %swap3A_118 = tpu.vector_load %arg16[%swap3A_117] {strides = array<i32>} : memref<640xf32, #tpu.memory_space<vmem>>, vector<16xf32>,
    tpu.vector_store %arg16[%swap3A_117], %broadcast_in_dim3A_116 {strides = array<i32>} : memref<640xf32, #tpu.memory_space<vmem>>, vector<16xf32>,
    %broadcast_in_dim3A_119 = arith.constant 0.000000e+00 : f32
    %broadcast_in_dim3A_120 = vector.broadcast %broadcast_in_dim3A_119 : f32 to vector<16xf32>
    %swap3A_121 = arith.constant 272 : index
    %swap3A_122 = tpu.vector_load %arg16[%swap3A_121] {strides = array<i32>} : memref<640xf32, #tpu.memory_space<vmem>>, vector<16xf32>,
    tpu.vector_store %arg16[%swap3A_121], %broadcast_in_dim3A_120 {strides = array<i32>} : memref<640xf32, #tpu.memory_space<vmem>>, vector<16xf32>,
    %broadcast_in_dim3A_123 = arith.constant 0.000000e+00 : f32
    %broadcast_in_dim3A_124 = vector.broadcast %broadcast_in_dim3A_123 : f32 to vector<16xf32>
    %swap3A_125 = arith.constant 288 : index
    %swap3A_126 = tpu.vector_load %arg16[%swap3A_125] {strides = array<i32>} : memref<640xf32, #tpu.memory_space<vmem>>, vector<16xf32>,
    tpu.vector_store %arg16[%swap3A_125], %broadcast_in_dim3A_124 {strides = array<i32>} : memref<640xf32, #tpu.memory_space<vmem>>, vector<16xf32>,
    %broadcast_in_dim3A_127 = arith.constant 0.000000e+00 : f32
    %broadcast_in_dim3A_128 = vector.broadcast %broadcast_in_dim3A_127 : f32 to vector<16xf32>
    %swap3A_129 = arith.constant 304 : index
    %swap3A_130 = tpu.vector_load %arg16[%swap3A_129] {strides = array<i32>} : memref<640xf32, #tpu.memory_space<vmem>>, vector<16xf32>,
    tpu.vector_store %arg16[%swap3A_129], %broadcast_in_dim3A_128 {strides = array<i32>} : memref<640xf32, #tpu.memory_space<vmem>>, vector<16xf32>,
    %broadcast_in_dim3A_131 = arith.constant 0.000000e+00 : f32
    %broadcast_in_dim3A_132 = vector.broadcast %broadcast_in_dim3A_131 : f32 to vector<16xf32>
    %swap3A_133 = arith.constant 320 : index
    %swap3A_134 = tpu.vector_load %arg16[%swap3A_133] {strides = array<i32>} : memref<640xf32, #tpu.memory_space<vmem>>, vector<16xf32>,
    tpu.vector_store %arg16[%swap3A_133], %broadcast_in_dim3A_132 {strides = array<i32>} : memref<640xf32, #tpu.memory_space<vmem>>, vector<16xf32>,
    %broadcast_in_dim3A_135 = arith.constant 0.000000e+00 : f32
    %broadcast_in_dim3A_136 = vector.broadcast %broadcast_in_dim3A_135 : f32 to vector<16xf32>
    %swap3A_137 = arith.constant 336 : index
    %swap3A_138 = tpu.vector_load %arg16[%swap3A_137] {strides = array<i32>} : memref<640xf32, #tpu.memory_space<vmem>>, vector<16xf32>,
    tpu.vector_store %arg16[%swap3A_137], %broadcast_in_dim3A_136 {strides = array<i32>} : memref<640xf32, #tpu.memory_space<vmem>>, vector<16xf32>,
    %broadcast_in_dim3A_139 = arith.constant 0.000000e+00 : f32
    %broadcast_in_dim3A_140 = vector.broadcast %broadcast_in_dim3A_139 : f32 to vector<16xf32>
    %swap3A_141 = arith.constant 352 : index
    %swap3A_142 = tpu.vector_load %arg16[%swap3A_141] {strides = array<i32>} : memref<640xf32, #tpu.memory_space<vmem>>, vector<16xf32>,
    tpu.vector_store %arg16[%swap3A_141], %broadcast_in_dim3A_140 {strides = array<i32>} : memref<640xf32, #tpu.memory_space<vmem>>, vector<16xf32>,
    %broadcast_in_dim3A_143 = arith.constant 0.000000e+00 : f32
    %broadcast_in_dim3A_144 = vector.broadcast %broadcast_in_dim3A_143 : f32 to vector<16xf32>
    %swap3A_145 = arith.constant 368 : index
    %swap3A_146 = tpu.vector_load %arg16[%swap3A_145] {strides = array<i32>} : memref<640xf32, #tpu.memory_space<vmem>>, vector<16xf32>,
    tpu.vector_store %arg16[%swap3A_145], %broadcast_in_dim3A_144 {strides = array<i32>} : memref<640xf32, #tpu.memory_space<vmem>>, vector<16xf32>,
    %broadcast_in_dim3A_147 = arith.constant 0.000000e+00 : f32
    %broadcast_in_dim3A_148 = vector.broadcast %broadcast_in_dim3A_147 : f32 to vector<16xf32>
    %swap3A_149 = arith.constant 384 : index
    %swap3A_150 = tpu.vector_load %arg16[%swap3A_149] {strides = array<i32>} : memref<640xf32, #tpu.memory_space<vmem>>, vector<16xf32>,
    tpu.vector_store %arg16[%swap3A_149], %broadcast_in_dim3A_148 {strides = array<i32>} : memref<640xf32, #tpu.memory_space<vmem>>, vector<16xf32>,
    %broadcast_in_dim3A_151 = arith.constant 0.000000e+00 : f32
    %broadcast_in_dim3A_152 = vector.broadcast %broadcast_in_dim3A_151 : f32 to vector<16xf32>
    %swap3A_153 = arith.constant 400 : index
    %swap3A_154 = tpu.vector_load %arg16[%swap3A_153] {strides = array<i32>} : memref<640xf32, #tpu.memory_space<vmem>>, vector<16xf32>,
    tpu.vector_store %arg16[%swap3A_153], %broadcast_in_dim3A_152 {strides = array<i32>} : memref<640xf32, #tpu.memory_space<vmem>>, vector<16xf32>,
    %broadcast_in_dim3A_155 = arith.constant 0.000000e+00 : f32
    %broadcast_in_dim3A_156 = vector.broadcast %broadcast_in_dim3A_155 : f32 to vector<16xf32>
    %swap3A_157 = arith.constant 416 : index
    %swap3A_158 = tpu.vector_load %arg16[%swap3A_157] {strides = array<i32>} : memref<640xf32, #tpu.memory_space<vmem>>, vector<16xf32>,
    tpu.vector_store %arg16[%swap3A_157], %broadcast_in_dim3A_156 {strides = array<i32>} : memref<640xf32, #tpu.memory_space<vmem>>, vector<16xf32>,
    %broadcast_in_dim3A_159 = arith.constant 0.000000e+00 : f32
    %broadcast_in_dim3A_160 = vector.broadcast %broadcast_in_dim3A_159 : f32 to vector<16xf32>
    %swap3A_161 = arith.constant 432 : index
    %swap3A_162 = tpu.vector_load %arg16[%swap3A_161] {strides = array<i32>} : memref<640xf32, #tpu.memory_space<vmem>>, vector<16xf32>,
    tpu.vector_store %arg16[%swap3A_161], %broadcast_in_dim3A_160 {strides = array<i32>} : memref<640xf32, #tpu.memory_space<vmem>>, vector<16xf32>,
    %broadcast_in_dim3A_163 = arith.constant 0.000000e+00 : f32
    %broadcast_in_dim3A_164 = vector.broadcast %broadcast_in_dim3A_163 : f32 to vector<16xf32>
    %swap3A_165 = arith.constant 448 : index
    %swap3A_166 = tpu.vector_load %arg16[%swap3A_165] {strides = array<i32>} : memref<640xf32, #tpu.memory_space<vmem>>, vector<16xf32>,
    tpu.vector_store %arg16[%swap3A_165], %broadcast_in_dim3A_164 {strides = array<i32>} : memref<640xf32, #tpu.memory_space<vmem>>, vector<16xf32>,
    %broadcast_in_dim3A_167 = arith.constant 0.000000e+00 : f32
    %broadcast_in_dim3A_168 = vector.broadcast %broadcast_in_dim3A_167 : f32 to vector<16xf32>
    %swap3A_169 = arith.constant 464 : index
    %swap3A_170 = tpu.vector_load %arg16[%swap3A_169] {strides = array<i32>} : memref<640xf32, #tpu.memory_space<vmem>>, vector<16xf32>,
    tpu.vector_store %arg16[%swap3A_169], %broadcast_in_dim3A_168 {strides = array<i32>} : memref<640xf32, #tpu.memory_space<vmem>>, vector<16xf32>,
    %broadcast_in_dim3A_171 = arith.constant 0.000000e+00 : f32
    %broadcast_in_dim3A_172 = vector.broadcast %broadcast_in_dim3A_171 : f32 to vector<16xf32>
    %swap3A_173 = arith.constant 480 : index
    %swap3A_174 = tpu.vector_load %arg16[%swap3A_173] {strides = array<i32>} : memref<640xf32, #tpu.memory_space<vmem>>, vector<16xf32>,
    tpu.vector_store %arg16[%swap3A_173], %broadcast_in_dim3A_172 {strides = array<i32>} : memref<640xf32, #tpu.memory_space<vmem>>, vector<16xf32>,
    %broadcast_in_dim3A_175 = arith.constant 0.000000e+00 : f32
    %broadcast_in_dim3A_176 = vector.broadcast %broadcast_in_dim3A_175 : f32 to vector<16xf32>
    %swap3A_177 = arith.constant 496 : index
    %swap3A_178 = tpu.vector_load %arg16[%swap3A_177] {strides = array<i32>} : memref<640xf32, #tpu.memory_space<vmem>>, vector<16xf32>,
    tpu.vector_store %arg16[%swap3A_177], %broadcast_in_dim3A_176 {strides = array<i32>} : memref<640xf32, #tpu.memory_space<vmem>>, vector<16xf32>,
    %broadcast_in_dim3A_179 = arith.constant 0.000000e+00 : f32
    %broadcast_in_dim3A_180 = vector.broadcast %broadcast_in_dim3A_179 : f32 to vector<16xf32>
    %swap3A_181 = arith.constant 512 : index
    %swap3A_182 = tpu.vector_load %arg16[%swap3A_181] {strides = array<i32>} : memref<640xf32, #tpu.memory_space<vmem>>, vector<16xf32>,
    tpu.vector_store %arg16[%swap3A_181], %broadcast_in_dim3A_180 {strides = array<i32>} : memref<640xf32, #tpu.memory_space<vmem>>, vector<16xf32>,
    %broadcast_in_dim3A_183 = arith.constant 0.000000e+00 : f32
    %broadcast_in_dim3A_184 = vector.broadcast %broadcast_in_dim3A_183 : f32 to vector<16xf32>
    %swap3A_185 = arith.constant 528 : index
    %swap3A_186 = tpu.vector_load %arg16[%swap3A_185] {strides = array<i32>} : memref<640xf32, #tpu.memory_space<vmem>>, vector<16xf32>,
    tpu.vector_store %arg16[%swap3A_185], %broadcast_in_dim3A_184 {strides = array<i32>} : memref<640xf32, #tpu.memory_space<vmem>>, vector<16xf32>,
    %broadcast_in_dim3A_187 = arith.constant 0.000000e+00 : f32
    %broadcast_in_dim3A_188 = vector.broadcast %broadcast_in_dim3A_187 : f32 to vector<16xf32>
    %swap3A_189 = arith.constant 544 : index
    %swap3A_190 = tpu.vector_load %arg16[%swap3A_189] {strides = array<i32>} : memref<640xf32, #tpu.memory_space<vmem>>, vector<16xf32>,
    tpu.vector_store %arg16[%swap3A_189], %broadcast_in_dim3A_188 {strides = array<i32>} : memref<640xf32, #tpu.memory_space<vmem>>, vector<16xf32>,
    %broadcast_in_dim3A_191 = arith.constant 0.000000e+00 : f32
    %broadcast_in_dim3A_192 = vector.broadcast %broadcast_in_dim3A_191 : f32 to vector<16xf32>
    %swap3A_193 = arith.constant 560 : index
    %swap3A_194 = tpu.vector_load %arg16[%swap3A_193] {strides = array<i32>} : memref<640xf32, #tpu.memory_space<vmem>>, vector<16xf32>,
    tpu.vector_store %arg16[%swap3A_193], %broadcast_in_dim3A_192 {strides = array<i32>} : memref<640xf32, #tpu.memory_space<vmem>>, vector<16xf32>,
    %broadcast_in_dim3A_195 = arith.constant 0.000000e+00 : f32
    %broadcast_in_dim3A_196 = vector.broadcast %broadcast_in_dim3A_195 : f32 to vector<16xf32>
    %swap3A_197 = arith.constant 576 : index
    %swap3A_198 = tpu.vector_load %arg16[%swap3A_197] {strides = array<i32>} : memref<640xf32, #tpu.memory_space<vmem>>, vector<16xf32>,
    tpu.vector_store %arg16[%swap3A_197], %broadcast_in_dim3A_196 {strides = array<i32>} : memref<640xf32, #tpu.memory_space<vmem>>, vector<16xf32>,
    %broadcast_in_dim3A_199 = arith.constant 0.000000e+00 : f32
    %broadcast_in_dim3A_200 = vector.broadcast %broadcast_in_dim3A_199 : f32 to vector<16xf32>
    %swap3A_201 = arith.constant 592 : index
    %swap3A_202 = tpu.vector_load %arg16[%swap3A_201] {strides = array<i32>} : memref<640xf32, #tpu.memory_space<vmem>>, vector<16xf32>,
    tpu.vector_store %arg16[%swap3A_201], %broadcast_in_dim3A_200 {strides = array<i32>} : memref<640xf32, #tpu.memory_space<vmem>>, vector<16xf32>,
    %broadcast_in_dim3A_203 = arith.constant 0.000000e+00 : f32
    %broadcast_in_dim3A_204 = vector.broadcast %broadcast_in_dim3A_203 : f32 to vector<16xf32>
    %swap3A_205 = arith.constant 608 : index
    %swap3A_206 = tpu.vector_load %arg16[%swap3A_205] {strides = array<i32>} : memref<640xf32, #tpu.memory_space<vmem>>, vector<16xf32>,
    tpu.vector_store %arg16[%swap3A_205], %broadcast_in_dim3A_204 {strides = array<i32>} : memref<640xf32, #tpu.memory_space<vmem>>, vector<16xf32>,
    %broadcast_in_dim3A_207 = arith.constant 0.000000e+00 : f32
    %broadcast_in_dim3A_208 = vector.broadcast %broadcast_in_dim3A_207 : f32 to vector<16xf32>
    %swap3A_209 = arith.constant 624 : index
    %swap3A_210 = tpu.vector_load %arg16[%swap3A_209] {strides = array<i32>} : memref<640xf32, #tpu.memory_space<vmem>>, vector<16xf32>,
    tpu.vector_store %arg16[%swap3A_209], %broadcast_in_dim3A_208 {strides = array<i32>} : memref<640xf32, #tpu.memory_space<vmem>>, vector<16xf32>,
    "tpu.region"() ({
      %run_scoped3A = tpu.sem_alloc : memref<!tpu.dma_semaphore, #tpu.memory_space<semaphore_mem>>
      %dma_start3A_2382 = tpu.memref_slice %arg7[%mul3A_2] : memref<10240xf32, #tpu.memory_space<vmem_shared>> -> memref<640xf32, #tpu.memory_space<vmem_shared>>
      %dma_start3A_2383 = tpu.memref_slice %arg7[%mul3A_2] : memref<10240xf32, #tpu.memory_space<vmem_shared>> -> memref<640xf32, #tpu.memory_space<vmem_shared>>
      tpu.enqueue_dma source(%arg16 : memref<640xf32, #tpu.memory_space<vmem>>) target(%dma_start3A_2383 : memref<640xf32, #tpu.memory_space<vmem_shared>>) target_semaphore(%run_scoped3A : memref<!tpu.dma_semaphore, #tpu.memory_space<semaphore_mem>>)
      %dma_wait3A_2384 = tpu.memref_slice %arg7[%mul3A_2] : memref<10240xf32, #tpu.memory_space<vmem_shared>> -> memref<640xf32, #tpu.memory_space<vmem_shared>>
      %dma_wait3A_2385 = tpu.memref_slice %arg7[%mul3A_2] : memref<10240xf32, #tpu.memory_space<vmem_shared>> -> memref<640xf32, #tpu.memory_space<vmem_shared>>
      tpu.wait_dma2 semaphore(%run_scoped3A : memref<!tpu.dma_semaphore, #tpu.memory_space<semaphore_mem>>) src(%arg16 : memref<640xf32, #tpu.memory_space<vmem>>) dst(%dma_wait3A_2385 : memref<640xf32, #tpu.memory_space<vmem_shared>>)
      tpu.yield
    }) : () -> ()
    %barrier3A = arith.constant 0 : index
    tpu.barrier barrier_id(%barrier3A)
    %scan3A = arith.constant 0 : i32
    %scan3A_211 = arith.constant 0 : i32
    %scan3A_212 = arith.constant 160 : i32
    %scan3A_213 = arith.addi %scan3A_211, %scan3A_212 : i32
    %scan3A_214 = arith.constant 1 : i32
    scf.for %scan3A_2382 = %scan3A_211 to %scan3A_213 step %scan3A_214  : i32 {
      %dma_start3A_2383 = arith.constant 0 : i32
      %dma_start3A_2384 = tpu.memref_slice %arg9[%scan3A_2382, %dma_start3A_2383] : memref<160x128xi32, #tpu.memory_space<vmem>> -> memref<1x128xi32, #tpu.memory_space<vmem>>
      %dma_start3A_2385 = tpu.memref_squeeze %dma_start3A_2384 : memref<1x128xi32, #tpu.memory_space<vmem>> -> memref<128xi32, #tpu.memory_space<vmem>>
      %dma_start3A_2386 = arith.constant 0 : i32
      %dma_start3A_2387 = tpu.memref_slice %arg7[%dma_start3A_2386] : memref<10240xf32, #tpu.memory_space<vmem_shared>> -> memref<10240xf32, #tpu.memory_space<vmem_shared>>
      tpu.enqueue_indirect_dma source(%arg17 : memref<128xf32, #tpu.memory_space<vmem>>) target(%dma_start3A_2387 : memref<10240xf32, #tpu.memory_space<vmem_shared>>) offsets(%dma_start3A_2385 : memref<128xi32, #tpu.memory_space<vmem>>) semaphore(%arg20 : memref<!tpu.dma_semaphore, #tpu.memory_space<semaphore_mem>>) {add = true}
    }
    %scan3A_215 = arith.constant 160 : i32
    %scan3A_216 = arith.constant 0 : i32
    %scan3A_217 = arith.constant 0 : i32
    %scan3A_218 = arith.constant 160 : i32
    %scan3A_219 = arith.addi %scan3A_217, %scan3A_218 : i32
    %scan3A_220 = arith.constant 1 : i32
    scf.for %scan3A_2382 = %scan3A_217 to %scan3A_219 step %scan3A_220  : i32 {
      %dma_wait3A_2383 = arith.constant 0 : i32
      %dma_wait3A_2384 = arith.constant 0 : i32
      %dma_wait3A_2385 = tpu.memref_slice %arg9[%dma_wait3A_2383, %dma_wait3A_2384] : memref<160x128xi32, #tpu.memory_space<vmem>> -> memref<1x128xi32, #tpu.memory_space<vmem>>
      %dma_wait3A_2386 = tpu.memref_squeeze %dma_wait3A_2385 : memref<1x128xi32, #tpu.memory_space<vmem>> -> memref<128xi32, #tpu.memory_space<vmem>>
      %dma_wait3A_2387 = arith.constant 0 : i32
      %dma_wait3A_2388 = tpu.memref_slice %arg7[%dma_wait3A_2387] : memref<10240xf32, #tpu.memory_space<vmem_shared>> -> memref<10240xf32, #tpu.memory_space<vmem_shared>>
      tpu.wait_indirect_dma semaphore(%arg20 : memref<!tpu.dma_semaphore, #tpu.memory_space<semaphore_mem>>) src(%arg17 : memref<128xf32, #tpu.memory_space<vmem>>) dst(%dma_wait3A_2388 : memref<10240xf32, #tpu.memory_space<vmem_shared>>)
    }
    %scan3A_221 = arith.constant 160 : i32
    %barrier3A_222 = arith.constant 0 : index
    tpu.barrier barrier_id(%barrier3A_222)
    "tpu.region"() ({
      %run_scoped3A = tpu.sem_alloc : memref<!tpu.dma_semaphore, #tpu.memory_space<semaphore_mem>>
      %dma_start3A_2382 = tpu.memref_slice %arg7[%mul3A_2] : memref<10240xf32, #tpu.memory_space<vmem_shared>> -> memref<640xf32, #tpu.memory_space<vmem_shared>>
      %dma_start3A_2383 = tpu.memref_slice %arg7[%mul3A_2] : memref<10240xf32, #tpu.memory_space<vmem_shared>> -> memref<640xf32, #tpu.memory_space<vmem_shared>>
      tpu.enqueue_dma source(%dma_start3A_2383 : memref<640xf32, #tpu.memory_space<vmem_shared>>) target(%arg15 : memref<640xf32, #tpu.memory_space<vmem>>) target_semaphore(%run_scoped3A : memref<!tpu.dma_semaphore, #tpu.memory_space<semaphore_mem>>)
      %dma_wait3A_2384 = tpu.memref_slice %arg7[%mul3A_2] : memref<10240xf32, #tpu.memory_space<vmem_shared>> -> memref<640xf32, #tpu.memory_space<vmem_shared>>
      %dma_wait3A_2385 = tpu.memref_slice %arg7[%mul3A_2] : memref<10240xf32, #tpu.memory_space<vmem_shared>> -> memref<640xf32, #tpu.memory_space<vmem_shared>>
      tpu.wait_dma2 semaphore(%run_scoped3A : memref<!tpu.dma_semaphore, #tpu.memory_space<semaphore_mem>>) src(%dma_wait3A_2385 : memref<640xf32, #tpu.memory_space<vmem_shared>>) dst(%arg15 : memref<640xf32, #tpu.memory_space<vmem>>)
      tpu.yield
    }) : () -> ()
    %get3A = arith.constant 0 : index
    %get3A_223 = tpu.vector_load %arg15[%get3A] {strides = array<i32>} : memref<640xf32, #tpu.memory_space<vmem>>, vector<16xf32>,
    %add3A = arith.constant 1.000000e+00 : f32
    %add3A_224 = vector.broadcast %add3A : f32 to vector<16xf32>
    %add3A_225 = arith.addf %get3A_223, %add3A_224 : vector<16xf32>
    %bitcast3A = vector.bitcast %add3A_225 : vector<16xf32> to vector<16xi32>
    %shift_right_arithmetic3A = arith.constant 1 : i32
    %shift_right_arithmetic3A_226 = vector.broadcast %shift_right_arithmetic3A : i32 to vector<16xi32>
    %shift_right_arithmetic3A_227 = arith.shrsi %bitcast3A, %shift_right_arithmetic3A_226 : vector<16xi32>
    %sub3A = arith.constant 1597463007 : i32
    %sub3A_228 = vector.broadcast %sub3A : i32 to vector<16xi32>
    %sub3A_229 = arith.subi %sub3A_228, %shift_right_arithmetic3A_227 : vector<16xi32>
    %bitcast3A_230 = vector.bitcast %sub3A_229 : vector<16xi32> to vector<16xf32>
    %mul3A_231 = arith.constant 5.000000e-01 : f32
    %mul3A_232 = vector.broadcast %mul3A_231 : f32 to vector<16xf32>
    %mul3A_233 = arith.mulf %mul3A_232, %add3A_225 : vector<16xf32>
    %mul3A_234 = arith.mulf %mul3A_233, %bitcast3A_230 : vector<16xf32>
    %mul3A_235 = arith.mulf %mul3A_234, %bitcast3A_230 : vector<16xf32>
    %sub3A_236 = arith.constant 1.500000e+00 : f32
    %sub3A_237 = vector.broadcast %sub3A_236 : f32 to vector<16xf32>
    %sub3A_238 = arith.subf %sub3A_237, %mul3A_235 : vector<16xf32>
    %mul3A_239 = arith.mulf %bitcast3A_230, %sub3A_238 : vector<16xf32>
    %mul3A_240 = arith.mulf %mul3A_233, %mul3A_239 : vector<16xf32>
    %mul3A_241 = arith.mulf %mul3A_240, %mul3A_239 : vector<16xf32>
    %sub3A_242 = arith.constant 1.500000e+00 : f32
    %sub3A_243 = vector.broadcast %sub3A_242 : f32 to vector<16xf32>
    %sub3A_244 = arith.subf %sub3A_243, %mul3A_241 : vector<16xf32>
    %mul3A_245 = arith.mulf %mul3A_239, %sub3A_244 : vector<16xf32>
    %mul3A_246 = arith.mulf %mul3A_233, %mul3A_245 : vector<16xf32>
    %mul3A_247 = arith.mulf %mul3A_246, %mul3A_245 : vector<16xf32>
    %sub3A_248 = arith.constant 1.500000e+00 : f32
    %sub3A_249 = vector.broadcast %sub3A_248 : f32 to vector<16xf32>
    %sub3A_250 = arith.subf %sub3A_249, %mul3A_247 : vector<16xf32>
    %mul3A_251 = arith.mulf %mul3A_245, %sub3A_250 : vector<16xf32>
    %iota3A = tpu.iota {dimensions = array<i32: 0>} : vector<16xi32>
    %add3A_252 = arith.constant 0 : i32
    %add3A_253 = arith.addi %mul3A_2, %add3A_252 : i32
    %add3A_254 = vector.broadcast %add3A_253 : i32 to vector<16xi32>
    %add3A_255 = arith.addi %iota3A, %add3A_254 : vector<16xi32>
    %lt3A = arith.constant 10000 : i32
    %lt3A_256 = vector.broadcast %lt3A : i32 to vector<16xi32>
    %lt3A_257 = arith.cmpi slt, %add3A_255, %lt3A_256 : vector<16xi32>
    %jit3A = arith.constant 0.000000e+00 : f32
    %broadcast_in_dim3A_258 = vector.broadcast %jit3A : f32 to vector<16xf32>
    %select_n3A = arith.select %lt3A_257, %mul3A_251, %broadcast_in_dim3A_258 : vector<16xi1>, vector<16xf32>
    %swap3A_259 = arith.constant 0 : index
    %swap3A_260 = tpu.vector_load %arg12[%swap3A_259] {strides = array<i32>} : memref<640xf32, #tpu.memory_space<vmem>>, vector<16xf32>,
    tpu.vector_store %arg12[%swap3A_259], %select_n3A {strides = array<i32>} : memref<640xf32, #tpu.memory_space<vmem>>, vector<16xf32>,
    %get3A_261 = arith.constant 0 : index
    %get3A_262 = tpu.vector_load %arg11[%get3A_261] {strides = array<i32>} : memref<640xf32, #tpu.memory_space<vmem>>, vector<16xf32>,
    %swap3A_263 = arith.constant 0 : index
    %swap3A_264 = tpu.vector_load %arg13[%swap3A_263] {strides = array<i32>} : memref<640xf32, #tpu.memory_space<vmem>>, vector<16xf32>,
    tpu.vector_store %arg13[%swap3A_263], %get3A_262 {strides = array<i32>} : memref<640xf32, #tpu.memory_space<vmem>>, vector<16xf32>,
    %mul3A_265 = arith.mulf %select_n3A, %get3A_262 : vector<16xf32>
    %swap3A_266 = arith.constant 0 : index
    %swap3A_267 = tpu.vector_load %arg14[%swap3A_266] {strides = array<i32>} : memref<640xf32, #tpu.memory_space<vmem>>, vector<16xf32>,
    tpu.vector_store %arg14[%swap3A_266], %mul3A_265 {strides = array<i32>} : memref<640xf32, #tpu.memory_space<vmem>>, vector<16xf32>,
    %get3A_268 = arith.constant 16 : index
    %get3A_269 = tpu.vector_load %arg15[%get3A_268] {strides = array<i32>} : memref<640xf32, #tpu.memory_space<vmem>>, vector<16xf32>,
    %add3A_270 = arith.constant 1.000000e+00 : f32
    %add3A_271 = vector.broadcast %add3A_270 : f32 to vector<16xf32>
    %add3A_272 = arith.addf %get3A_269, %add3A_271 : vector<16xf32>
    %bitcast3A_273 = vector.bitcast %add3A_272 : vector<16xf32> to vector<16xi32>
    %shift_right_arithmetic3A_274 = arith.constant 1 : i32
    %shift_right_arithmetic3A_275 = vector.broadcast %shift_right_arithmetic3A_274 : i32 to vector<16xi32>
    %shift_right_arithmetic3A_276 = arith.shrsi %bitcast3A_273, %shift_right_arithmetic3A_275 : vector<16xi32>
    %sub3A_277 = arith.constant 1597463007 : i32
    %sub3A_278 = vector.broadcast %sub3A_277 : i32 to vector<16xi32>
    %sub3A_279 = arith.subi %sub3A_278, %shift_right_arithmetic3A_276 : vector<16xi32>
    %bitcast3A_280 = vector.bitcast %sub3A_279 : vector<16xi32> to vector<16xf32>
    %mul3A_281 = arith.constant 5.000000e-01 : f32
    %mul3A_282 = vector.broadcast %mul3A_281 : f32 to vector<16xf32>
    %mul3A_283 = arith.mulf %mul3A_282, %add3A_272 : vector<16xf32>
    %mul3A_284 = arith.mulf %mul3A_283, %bitcast3A_280 : vector<16xf32>
    %mul3A_285 = arith.mulf %mul3A_284, %bitcast3A_280 : vector<16xf32>
    %sub3A_286 = arith.constant 1.500000e+00 : f32
    %sub3A_287 = vector.broadcast %sub3A_286 : f32 to vector<16xf32>
    %sub3A_288 = arith.subf %sub3A_287, %mul3A_285 : vector<16xf32>
    %mul3A_289 = arith.mulf %bitcast3A_280, %sub3A_288 : vector<16xf32>
    %mul3A_290 = arith.mulf %mul3A_283, %mul3A_289 : vector<16xf32>
    %mul3A_291 = arith.mulf %mul3A_290, %mul3A_289 : vector<16xf32>
    %sub3A_292 = arith.constant 1.500000e+00 : f32
    %sub3A_293 = vector.broadcast %sub3A_292 : f32 to vector<16xf32>
    %sub3A_294 = arith.subf %sub3A_293, %mul3A_291 : vector<16xf32>
    %mul3A_295 = arith.mulf %mul3A_289, %sub3A_294 : vector<16xf32>
    %mul3A_296 = arith.mulf %mul3A_283, %mul3A_295 : vector<16xf32>
    %mul3A_297 = arith.mulf %mul3A_296, %mul3A_295 : vector<16xf32>
    %sub3A_298 = arith.constant 1.500000e+00 : f32
    %sub3A_299 = vector.broadcast %sub3A_298 : f32 to vector<16xf32>
    %sub3A_300 = arith.subf %sub3A_299, %mul3A_297 : vector<16xf32>
    %mul3A_301 = arith.mulf %mul3A_295, %sub3A_300 : vector<16xf32>
    %iota3A_302 = tpu.iota {dimensions = array<i32: 0>} : vector<16xi32>
    %add3A_303 = arith.constant 16 : i32
    %add3A_304 = arith.addi %mul3A_2, %add3A_303 : i32
    %add3A_305 = vector.broadcast %add3A_304 : i32 to vector<16xi32>
    %add3A_306 = arith.addi %iota3A_302, %add3A_305 : vector<16xi32>
    %lt3A_307 = arith.constant 10000 : i32
    %lt3A_308 = vector.broadcast %lt3A_307 : i32 to vector<16xi32>
    %lt3A_309 = arith.cmpi slt, %add3A_306, %lt3A_308 : vector<16xi32>
    %jit3A_310 = arith.constant 0.000000e+00 : f32
    %broadcast_in_dim3A_311 = vector.broadcast %jit3A_310 : f32 to vector<16xf32>
    %select_n3A_312 = arith.select %lt3A_309, %mul3A_301, %broadcast_in_dim3A_311 : vector<16xi1>, vector<16xf32>
    %swap3A_313 = arith.constant 16 : index
    %swap3A_314 = tpu.vector_load %arg12[%swap3A_313] {strides = array<i32>} : memref<640xf32, #tpu.memory_space<vmem>>, vector<16xf32>,
    tpu.vector_store %arg12[%swap3A_313], %select_n3A_312 {strides = array<i32>} : memref<640xf32, #tpu.memory_space<vmem>>, vector<16xf32>,
    %get3A_315 = arith.constant 16 : index
    %get3A_316 = tpu.vector_load %arg11[%get3A_315] {strides = array<i32>} : memref<640xf32, #tpu.memory_space<vmem>>, vector<16xf32>,
    %swap3A_317 = arith.constant 16 : index
    %swap3A_318 = tpu.vector_load %arg13[%swap3A_317] {strides = array<i32>} : memref<640xf32, #tpu.memory_space<vmem>>, vector<16xf32>,
    tpu.vector_store %arg13[%swap3A_317], %get3A_316 {strides = array<i32>} : memref<640xf32, #tpu.memory_space<vmem>>, vector<16xf32>,
    %mul3A_319 = arith.mulf %select_n3A_312, %get3A_316 : vector<16xf32>
    %swap3A_320 = arith.constant 16 : index
    %swap3A_321 = tpu.vector_load %arg14[%swap3A_320] {strides = array<i32>} : memref<640xf32, #tpu.memory_space<vmem>>, vector<16xf32>,
    tpu.vector_store %arg14[%swap3A_320], %mul3A_319 {strides = array<i32>} : memref<640xf32, #tpu.memory_space<vmem>>, vector<16xf32>,
    %get3A_322 = arith.constant 32 : index
    %get3A_323 = tpu.vector_load %arg15[%get3A_322] {strides = array<i32>} : memref<640xf32, #tpu.memory_space<vmem>>, vector<16xf32>,
    %add3A_324 = arith.constant 1.000000e+00 : f32
    %add3A_325 = vector.broadcast %add3A_324 : f32 to vector<16xf32>
    %add3A_326 = arith.addf %get3A_323, %add3A_325 : vector<16xf32>
    %bitcast3A_327 = vector.bitcast %add3A_326 : vector<16xf32> to vector<16xi32>
    %shift_right_arithmetic3A_328 = arith.constant 1 : i32
    %shift_right_arithmetic3A_329 = vector.broadcast %shift_right_arithmetic3A_328 : i32 to vector<16xi32>
    %shift_right_arithmetic3A_330 = arith.shrsi %bitcast3A_327, %shift_right_arithmetic3A_329 : vector<16xi32>
    %sub3A_331 = arith.constant 1597463007 : i32
    %sub3A_332 = vector.broadcast %sub3A_331 : i32 to vector<16xi32>
    %sub3A_333 = arith.subi %sub3A_332, %shift_right_arithmetic3A_330 : vector<16xi32>
    %bitcast3A_334 = vector.bitcast %sub3A_333 : vector<16xi32> to vector<16xf32>
    %mul3A_335 = arith.constant 5.000000e-01 : f32
    %mul3A_336 = vector.broadcast %mul3A_335 : f32 to vector<16xf32>
    %mul3A_337 = arith.mulf %mul3A_336, %add3A_326 : vector<16xf32>
    %mul3A_338 = arith.mulf %mul3A_337, %bitcast3A_334 : vector<16xf32>
    %mul3A_339 = arith.mulf %mul3A_338, %bitcast3A_334 : vector<16xf32>
    %sub3A_340 = arith.constant 1.500000e+00 : f32
    %sub3A_341 = vector.broadcast %sub3A_340 : f32 to vector<16xf32>
    %sub3A_342 = arith.subf %sub3A_341, %mul3A_339 : vector<16xf32>
    %mul3A_343 = arith.mulf %bitcast3A_334, %sub3A_342 : vector<16xf32>
    %mul3A_344 = arith.mulf %mul3A_337, %mul3A_343 : vector<16xf32>
    %mul3A_345 = arith.mulf %mul3A_344, %mul3A_343 : vector<16xf32>
    %sub3A_346 = arith.constant 1.500000e+00 : f32
    %sub3A_347 = vector.broadcast %sub3A_346 : f32 to vector<16xf32>
    %sub3A_348 = arith.subf %sub3A_347, %mul3A_345 : vector<16xf32>
    %mul3A_349 = arith.mulf %mul3A_343, %sub3A_348 : vector<16xf32>
    %mul3A_350 = arith.mulf %mul3A_337, %mul3A_349 : vector<16xf32>
    %mul3A_351 = arith.mulf %mul3A_350, %mul3A_349 : vector<16xf32>
    %sub3A_352 = arith.constant 1.500000e+00 : f32
    %sub3A_353 = vector.broadcast %sub3A_352 : f32 to vector<16xf32>
    %sub3A_354 = arith.subf %sub3A_353, %mul3A_351 : vector<16xf32>
    %mul3A_355 = arith.mulf %mul3A_349, %sub3A_354 : vector<16xf32>
    %iota3A_356 = tpu.iota {dimensions = array<i32: 0>} : vector<16xi32>
    %add3A_357 = arith.constant 32 : i32
    %add3A_358 = arith.addi %mul3A_2, %add3A_357 : i32
    %add3A_359 = vector.broadcast %add3A_358 : i32 to vector<16xi32>
    %add3A_360 = arith.addi %iota3A_356, %add3A_359 : vector<16xi32>
    %lt3A_361 = arith.constant 10000 : i32
    %lt3A_362 = vector.broadcast %lt3A_361 : i32 to vector<16xi32>
    %lt3A_363 = arith.cmpi slt, %add3A_360, %lt3A_362 : vector<16xi32>
    %jit3A_364 = arith.constant 0.000000e+00 : f32
    %broadcast_in_dim3A_365 = vector.broadcast %jit3A_364 : f32 to vector<16xf32>
    %select_n3A_366 = arith.select %lt3A_363, %mul3A_355, %broadcast_in_dim3A_365 : vector<16xi1>, vector<16xf32>
    %swap3A_367 = arith.constant 32 : index
    %swap3A_368 = tpu.vector_load %arg12[%swap3A_367] {strides = array<i32>} : memref<640xf32, #tpu.memory_space<vmem>>, vector<16xf32>,
    tpu.vector_store %arg12[%swap3A_367], %select_n3A_366 {strides = array<i32>} : memref<640xf32, #tpu.memory_space<vmem>>, vector<16xf32>,
    %get3A_369 = arith.constant 32 : index
    %get3A_370 = tpu.vector_load %arg11[%get3A_369] {strides = array<i32>} : memref<640xf32, #tpu.memory_space<vmem>>, vector<16xf32>,
    %swap3A_371 = arith.constant 32 : index
    %swap3A_372 = tpu.vector_load %arg13[%swap3A_371] {strides = array<i32>} : memref<640xf32, #tpu.memory_space<vmem>>, vector<16xf32>,
    tpu.vector_store %arg13[%swap3A_371], %get3A_370 {strides = array<i32>} : memref<640xf32, #tpu.memory_space<vmem>>, vector<16xf32>,
    %mul3A_373 = arith.mulf %select_n3A_366, %get3A_370 : vector<16xf32>
    %swap3A_374 = arith.constant 32 : index
    %swap3A_375 = tpu.vector_load %arg14[%swap3A_374] {strides = array<i32>} : memref<640xf32, #tpu.memory_space<vmem>>, vector<16xf32>,
    tpu.vector_store %arg14[%swap3A_374], %mul3A_373 {strides = array<i32>} : memref<640xf32, #tpu.memory_space<vmem>>, vector<16xf32>,
    %get3A_376 = arith.constant 48 : index
    %get3A_377 = tpu.vector_load %arg15[%get3A_376] {strides = array<i32>} : memref<640xf32, #tpu.memory_space<vmem>>, vector<16xf32>,
    %add3A_378 = arith.constant 1.000000e+00 : f32
    %add3A_379 = vector.broadcast %add3A_378 : f32 to vector<16xf32>
    %add3A_380 = arith.addf %get3A_377, %add3A_379 : vector<16xf32>
    %bitcast3A_381 = vector.bitcast %add3A_380 : vector<16xf32> to vector<16xi32>
    %shift_right_arithmetic3A_382 = arith.constant 1 : i32
    %shift_right_arithmetic3A_383 = vector.broadcast %shift_right_arithmetic3A_382 : i32 to vector<16xi32>
    %shift_right_arithmetic3A_384 = arith.shrsi %bitcast3A_381, %shift_right_arithmetic3A_383 : vector<16xi32>
    %sub3A_385 = arith.constant 1597463007 : i32
    %sub3A_386 = vector.broadcast %sub3A_385 : i32 to vector<16xi32>
    %sub3A_387 = arith.subi %sub3A_386, %shift_right_arithmetic3A_384 : vector<16xi32>
    %bitcast3A_388 = vector.bitcast %sub3A_387 : vector<16xi32> to vector<16xf32>
    %mul3A_389 = arith.constant 5.000000e-01 : f32
    %mul3A_390 = vector.broadcast %mul3A_389 : f32 to vector<16xf32>
    %mul3A_391 = arith.mulf %mul3A_390, %add3A_380 : vector<16xf32>
    %mul3A_392 = arith.mulf %mul3A_391, %bitcast3A_388 : vector<16xf32>
    %mul3A_393 = arith.mulf %mul3A_392, %bitcast3A_388 : vector<16xf32>
    %sub3A_394 = arith.constant 1.500000e+00 : f32
    %sub3A_395 = vector.broadcast %sub3A_394 : f32 to vector<16xf32>
    %sub3A_396 = arith.subf %sub3A_395, %mul3A_393 : vector<16xf32>
    %mul3A_397 = arith.mulf %bitcast3A_388, %sub3A_396 : vector<16xf32>
    %mul3A_398 = arith.mulf %mul3A_391, %mul3A_397 : vector<16xf32>
    %mul3A_399 = arith.mulf %mul3A_398, %mul3A_397 : vector<16xf32>
    %sub3A_400 = arith.constant 1.500000e+00 : f32
    %sub3A_401 = vector.broadcast %sub3A_400 : f32 to vector<16xf32>
    %sub3A_402 = arith.subf %sub3A_401, %mul3A_399 : vector<16xf32>
    %mul3A_403 = arith.mulf %mul3A_397, %sub3A_402 : vector<16xf32>
    %mul3A_404 = arith.mulf %mul3A_391, %mul3A_403 : vector<16xf32>
    %mul3A_405 = arith.mulf %mul3A_404, %mul3A_403 : vector<16xf32>
    %sub3A_406 = arith.constant 1.500000e+00 : f32
    %sub3A_407 = vector.broadcast %sub3A_406 : f32 to vector<16xf32>
    %sub3A_408 = arith.subf %sub3A_407, %mul3A_405 : vector<16xf32>
    %mul3A_409 = arith.mulf %mul3A_403, %sub3A_408 : vector<16xf32>
    %iota3A_410 = tpu.iota {dimensions = array<i32: 0>} : vector<16xi32>
    %add3A_411 = arith.constant 48 : i32
    %add3A_412 = arith.addi %mul3A_2, %add3A_411 : i32
    %add3A_413 = vector.broadcast %add3A_412 : i32 to vector<16xi32>
    %add3A_414 = arith.addi %iota3A_410, %add3A_413 : vector<16xi32>
    %lt3A_415 = arith.constant 10000 : i32
    %lt3A_416 = vector.broadcast %lt3A_415 : i32 to vector<16xi32>
    %lt3A_417 = arith.cmpi slt, %add3A_414, %lt3A_416 : vector<16xi32>
    %jit3A_418 = arith.constant 0.000000e+00 : f32
    %broadcast_in_dim3A_419 = vector.broadcast %jit3A_418 : f32 to vector<16xf32>
    %select_n3A_420 = arith.select %lt3A_417, %mul3A_409, %broadcast_in_dim3A_419 : vector<16xi1>, vector<16xf32>
    %swap3A_421 = arith.constant 48 : index
    %swap3A_422 = tpu.vector_load %arg12[%swap3A_421] {strides = array<i32>} : memref<640xf32, #tpu.memory_space<vmem>>, vector<16xf32>,
    tpu.vector_store %arg12[%swap3A_421], %select_n3A_420 {strides = array<i32>} : memref<640xf32, #tpu.memory_space<vmem>>, vector<16xf32>,
    %get3A_423 = arith.constant 48 : index
    %get3A_424 = tpu.vector_load %arg11[%get3A_423] {strides = array<i32>} : memref<640xf32, #tpu.memory_space<vmem>>, vector<16xf32>,
    %swap3A_425 = arith.constant 48 : index
    %swap3A_426 = tpu.vector_load %arg13[%swap3A_425] {strides = array<i32>} : memref<640xf32, #tpu.memory_space<vmem>>, vector<16xf32>,
    tpu.vector_store %arg13[%swap3A_425], %get3A_424 {strides = array<i32>} : memref<640xf32, #tpu.memory_space<vmem>>, vector<16xf32>,
    %mul3A_427 = arith.mulf %select_n3A_420, %get3A_424 : vector<16xf32>
    %swap3A_428 = arith.constant 48 : index
    %swap3A_429 = tpu.vector_load %arg14[%swap3A_428] {strides = array<i32>} : memref<640xf32, #tpu.memory_space<vmem>>, vector<16xf32>,
    tpu.vector_store %arg14[%swap3A_428], %mul3A_427 {strides = array<i32>} : memref<640xf32, #tpu.memory_space<vmem>>, vector<16xf32>,
    %get3A_430 = arith.constant 64 : index
    %get3A_431 = tpu.vector_load %arg15[%get3A_430] {strides = array<i32>} : memref<640xf32, #tpu.memory_space<vmem>>, vector<16xf32>,
    %add3A_432 = arith.constant 1.000000e+00 : f32
    %add3A_433 = vector.broadcast %add3A_432 : f32 to vector<16xf32>
    %add3A_434 = arith.addf %get3A_431, %add3A_433 : vector<16xf32>
    %bitcast3A_435 = vector.bitcast %add3A_434 : vector<16xf32> to vector<16xi32>
    %shift_right_arithmetic3A_436 = arith.constant 1 : i32
    %shift_right_arithmetic3A_437 = vector.broadcast %shift_right_arithmetic3A_436 : i32 to vector<16xi32>
    %shift_right_arithmetic3A_438 = arith.shrsi %bitcast3A_435, %shift_right_arithmetic3A_437 : vector<16xi32>
    %sub3A_439 = arith.constant 1597463007 : i32
    %sub3A_440 = vector.broadcast %sub3A_439 : i32 to vector<16xi32>
    %sub3A_441 = arith.subi %sub3A_440, %shift_right_arithmetic3A_438 : vector<16xi32>
    %bitcast3A_442 = vector.bitcast %sub3A_441 : vector<16xi32> to vector<16xf32>
    %mul3A_443 = arith.constant 5.000000e-01 : f32
    %mul3A_444 = vector.broadcast %mul3A_443 : f32 to vector<16xf32>
    %mul3A_445 = arith.mulf %mul3A_444, %add3A_434 : vector<16xf32>
    %mul3A_446 = arith.mulf %mul3A_445, %bitcast3A_442 : vector<16xf32>
    %mul3A_447 = arith.mulf %mul3A_446, %bitcast3A_442 : vector<16xf32>
    %sub3A_448 = arith.constant 1.500000e+00 : f32
    %sub3A_449 = vector.broadcast %sub3A_448 : f32 to vector<16xf32>
    %sub3A_450 = arith.subf %sub3A_449, %mul3A_447 : vector<16xf32>
    %mul3A_451 = arith.mulf %bitcast3A_442, %sub3A_450 : vector<16xf32>
    %mul3A_452 = arith.mulf %mul3A_445, %mul3A_451 : vector<16xf32>
    %mul3A_453 = arith.mulf %mul3A_452, %mul3A_451 : vector<16xf32>
    %sub3A_454 = arith.constant 1.500000e+00 : f32
    %sub3A_455 = vector.broadcast %sub3A_454 : f32 to vector<16xf32>
    %sub3A_456 = arith.subf %sub3A_455, %mul3A_453 : vector<16xf32>
    %mul3A_457 = arith.mulf %mul3A_451, %sub3A_456 : vector<16xf32>
    %mul3A_458 = arith.mulf %mul3A_445, %mul3A_457 : vector<16xf32>
    %mul3A_459 = arith.mulf %mul3A_458, %mul3A_457 : vector<16xf32>
    %sub3A_460 = arith.constant 1.500000e+00 : f32
    %sub3A_461 = vector.broadcast %sub3A_460 : f32 to vector<16xf32>
    %sub3A_462 = arith.subf %sub3A_461, %mul3A_459 : vector<16xf32>
    %mul3A_463 = arith.mulf %mul3A_457, %sub3A_462 : vector<16xf32>
    %iota3A_464 = tpu.iota {dimensions = array<i32: 0>} : vector<16xi32>
    %add3A_465 = arith.constant 64 : i32
    %add3A_466 = arith.addi %mul3A_2, %add3A_465 : i32
    %add3A_467 = vector.broadcast %add3A_466 : i32 to vector<16xi32>
    %add3A_468 = arith.addi %iota3A_464, %add3A_467 : vector<16xi32>
    %lt3A_469 = arith.constant 10000 : i32
    %lt3A_470 = vector.broadcast %lt3A_469 : i32 to vector<16xi32>
    %lt3A_471 = arith.cmpi slt, %add3A_468, %lt3A_470 : vector<16xi32>
    %jit3A_472 = arith.constant 0.000000e+00 : f32
    %broadcast_in_dim3A_473 = vector.broadcast %jit3A_472 : f32 to vector<16xf32>
    %select_n3A_474 = arith.select %lt3A_471, %mul3A_463, %broadcast_in_dim3A_473 : vector<16xi1>, vector<16xf32>
    %swap3A_475 = arith.constant 64 : index
    %swap3A_476 = tpu.vector_load %arg12[%swap3A_475] {strides = array<i32>} : memref<640xf32, #tpu.memory_space<vmem>>, vector<16xf32>,
    tpu.vector_store %arg12[%swap3A_475], %select_n3A_474 {strides = array<i32>} : memref<640xf32, #tpu.memory_space<vmem>>, vector<16xf32>,
    %get3A_477 = arith.constant 64 : index
    %get3A_478 = tpu.vector_load %arg11[%get3A_477] {strides = array<i32>} : memref<640xf32, #tpu.memory_space<vmem>>, vector<16xf32>,
    %swap3A_479 = arith.constant 64 : index
    %swap3A_480 = tpu.vector_load %arg13[%swap3A_479] {strides = array<i32>} : memref<640xf32, #tpu.memory_space<vmem>>, vector<16xf32>,
    tpu.vector_store %arg13[%swap3A_479], %get3A_478 {strides = array<i32>} : memref<640xf32, #tpu.memory_space<vmem>>, vector<16xf32>,
    %mul3A_481 = arith.mulf %select_n3A_474, %get3A_478 : vector<16xf32>
    %swap3A_482 = arith.constant 64 : index
    %swap3A_483 = tpu.vector_load %arg14[%swap3A_482] {strides = array<i32>} : memref<640xf32, #tpu.memory_space<vmem>>, vector<16xf32>,
    tpu.vector_store %arg14[%swap3A_482], %mul3A_481 {strides = array<i32>} : memref<640xf32, #tpu.memory_space<vmem>>, vector<16xf32>,
    %get3A_484 = arith.constant 80 : index
    %get3A_485 = tpu.vector_load %arg15[%get3A_484] {strides = array<i32>} : memref<640xf32, #tpu.memory_space<vmem>>, vector<16xf32>,
    %add3A_486 = arith.constant 1.000000e+00 : f32
    %add3A_487 = vector.broadcast %add3A_486 : f32 to vector<16xf32>
    %add3A_488 = arith.addf %get3A_485, %add3A_487 : vector<16xf32>
    %bitcast3A_489 = vector.bitcast %add3A_488 : vector<16xf32> to vector<16xi32>
    %shift_right_arithmetic3A_490 = arith.constant 1 : i32
    %shift_right_arithmetic3A_491 = vector.broadcast %shift_right_arithmetic3A_490 : i32 to vector<16xi32>
    %shift_right_arithmetic3A_492 = arith.shrsi %bitcast3A_489, %shift_right_arithmetic3A_491 : vector<16xi32>
    %sub3A_493 = arith.constant 1597463007 : i32
    %sub3A_494 = vector.broadcast %sub3A_493 : i32 to vector<16xi32>
    %sub3A_495 = arith.subi %sub3A_494, %shift_right_arithmetic3A_492 : vector<16xi32>
    %bitcast3A_496 = vector.bitcast %sub3A_495 : vector<16xi32> to vector<16xf32>
    %mul3A_497 = arith.constant 5.000000e-01 : f32
    %mul3A_498 = vector.broadcast %mul3A_497 : f32 to vector<16xf32>
    %mul3A_499 = arith.mulf %mul3A_498, %add3A_488 : vector<16xf32>
    %mul3A_500 = arith.mulf %mul3A_499, %bitcast3A_496 : vector<16xf32>
    %mul3A_501 = arith.mulf %mul3A_500, %bitcast3A_496 : vector<16xf32>
    %sub3A_502 = arith.constant 1.500000e+00 : f32
    %sub3A_503 = vector.broadcast %sub3A_502 : f32 to vector<16xf32>
    %sub3A_504 = arith.subf %sub3A_503, %mul3A_501 : vector<16xf32>
    %mul3A_505 = arith.mulf %bitcast3A_496, %sub3A_504 : vector<16xf32>
    %mul3A_506 = arith.mulf %mul3A_499, %mul3A_505 : vector<16xf32>
    %mul3A_507 = arith.mulf %mul3A_506, %mul3A_505 : vector<16xf32>
    %sub3A_508 = arith.constant 1.500000e+00 : f32
    %sub3A_509 = vector.broadcast %sub3A_508 : f32 to vector<16xf32>
    %sub3A_510 = arith.subf %sub3A_509, %mul3A_507 : vector<16xf32>
    %mul3A_511 = arith.mulf %mul3A_505, %sub3A_510 : vector<16xf32>
    %mul3A_512 = arith.mulf %mul3A_499, %mul3A_511 : vector<16xf32>
    %mul3A_513 = arith.mulf %mul3A_512, %mul3A_511 : vector<16xf32>
    %sub3A_514 = arith.constant 1.500000e+00 : f32
    %sub3A_515 = vector.broadcast %sub3A_514 : f32 to vector<16xf32>
    %sub3A_516 = arith.subf %sub3A_515, %mul3A_513 : vector<16xf32>
    %mul3A_517 = arith.mulf %mul3A_511, %sub3A_516 : vector<16xf32>
    %iota3A_518 = tpu.iota {dimensions = array<i32: 0>} : vector<16xi32>
    %add3A_519 = arith.constant 80 : i32
    %add3A_520 = arith.addi %mul3A_2, %add3A_519 : i32
    %add3A_521 = vector.broadcast %add3A_520 : i32 to vector<16xi32>
    %add3A_522 = arith.addi %iota3A_518, %add3A_521 : vector<16xi32>
    %lt3A_523 = arith.constant 10000 : i32
    %lt3A_524 = vector.broadcast %lt3A_523 : i32 to vector<16xi32>
    %lt3A_525 = arith.cmpi slt, %add3A_522, %lt3A_524 : vector<16xi32>
    %jit3A_526 = arith.constant 0.000000e+00 : f32
    %broadcast_in_dim3A_527 = vector.broadcast %jit3A_526 : f32 to vector<16xf32>
    %select_n3A_528 = arith.select %lt3A_525, %mul3A_517, %broadcast_in_dim3A_527 : vector<16xi1>, vector<16xf32>
    %swap3A_529 = arith.constant 80 : index
    %swap3A_530 = tpu.vector_load %arg12[%swap3A_529] {strides = array<i32>} : memref<640xf32, #tpu.memory_space<vmem>>, vector<16xf32>,
    tpu.vector_store %arg12[%swap3A_529], %select_n3A_528 {strides = array<i32>} : memref<640xf32, #tpu.memory_space<vmem>>, vector<16xf32>,
    %get3A_531 = arith.constant 80 : index
    %get3A_532 = tpu.vector_load %arg11[%get3A_531] {strides = array<i32>} : memref<640xf32, #tpu.memory_space<vmem>>, vector<16xf32>,
    %swap3A_533 = arith.constant 80 : index
    %swap3A_534 = tpu.vector_load %arg13[%swap3A_533] {strides = array<i32>} : memref<640xf32, #tpu.memory_space<vmem>>, vector<16xf32>,
    tpu.vector_store %arg13[%swap3A_533], %get3A_532 {strides = array<i32>} : memref<640xf32, #tpu.memory_space<vmem>>, vector<16xf32>,
    %mul3A_535 = arith.mulf %select_n3A_528, %get3A_532 : vector<16xf32>
    %swap3A_536 = arith.constant 80 : index
    %swap3A_537 = tpu.vector_load %arg14[%swap3A_536] {strides = array<i32>} : memref<640xf32, #tpu.memory_space<vmem>>, vector<16xf32>,
    tpu.vector_store %arg14[%swap3A_536], %mul3A_535 {strides = array<i32>} : memref<640xf32, #tpu.memory_space<vmem>>, vector<16xf32>,
    %get3A_538 = arith.constant 96 : index
    %get3A_539 = tpu.vector_load %arg15[%get3A_538] {strides = array<i32>} : memref<640xf32, #tpu.memory_space<vmem>>, vector<16xf32>,
    %add3A_540 = arith.constant 1.000000e+00 : f32
    %add3A_541 = vector.broadcast %add3A_540 : f32 to vector<16xf32>
    %add3A_542 = arith.addf %get3A_539, %add3A_541 : vector<16xf32>
    %bitcast3A_543 = vector.bitcast %add3A_542 : vector<16xf32> to vector<16xi32>
    %shift_right_arithmetic3A_544 = arith.constant 1 : i32
    %shift_right_arithmetic3A_545 = vector.broadcast %shift_right_arithmetic3A_544 : i32 to vector<16xi32>
    %shift_right_arithmetic3A_546 = arith.shrsi %bitcast3A_543, %shift_right_arithmetic3A_545 : vector<16xi32>
    %sub3A_547 = arith.constant 1597463007 : i32
    %sub3A_548 = vector.broadcast %sub3A_547 : i32 to vector<16xi32>
    %sub3A_549 = arith.subi %sub3A_548, %shift_right_arithmetic3A_546 : vector<16xi32>
    %bitcast3A_550 = vector.bitcast %sub3A_549 : vector<16xi32> to vector<16xf32>
    %mul3A_551 = arith.constant 5.000000e-01 : f32
    %mul3A_552 = vector.broadcast %mul3A_551 : f32 to vector<16xf32>
    %mul3A_553 = arith.mulf %mul3A_552, %add3A_542 : vector<16xf32>
    %mul3A_554 = arith.mulf %mul3A_553, %bitcast3A_550 : vector<16xf32>
    %mul3A_555 = arith.mulf %mul3A_554, %bitcast3A_550 : vector<16xf32>
    %sub3A_556 = arith.constant 1.500000e+00 : f32
    %sub3A_557 = vector.broadcast %sub3A_556 : f32 to vector<16xf32>
    %sub3A_558 = arith.subf %sub3A_557, %mul3A_555 : vector<16xf32>
    %mul3A_559 = arith.mulf %bitcast3A_550, %sub3A_558 : vector<16xf32>
    %mul3A_560 = arith.mulf %mul3A_553, %mul3A_559 : vector<16xf32>
    %mul3A_561 = arith.mulf %mul3A_560, %mul3A_559 : vector<16xf32>
    %sub3A_562 = arith.constant 1.500000e+00 : f32
    %sub3A_563 = vector.broadcast %sub3A_562 : f32 to vector<16xf32>
    %sub3A_564 = arith.subf %sub3A_563, %mul3A_561 : vector<16xf32>
    %mul3A_565 = arith.mulf %mul3A_559, %sub3A_564 : vector<16xf32>
    %mul3A_566 = arith.mulf %mul3A_553, %mul3A_565 : vector<16xf32>
    %mul3A_567 = arith.mulf %mul3A_566, %mul3A_565 : vector<16xf32>
    %sub3A_568 = arith.constant 1.500000e+00 : f32
    %sub3A_569 = vector.broadcast %sub3A_568 : f32 to vector<16xf32>
    %sub3A_570 = arith.subf %sub3A_569, %mul3A_567 : vector<16xf32>
    %mul3A_571 = arith.mulf %mul3A_565, %sub3A_570 : vector<16xf32>
    %iota3A_572 = tpu.iota {dimensions = array<i32: 0>} : vector<16xi32>
    %add3A_573 = arith.constant 96 : i32
    %add3A_574 = arith.addi %mul3A_2, %add3A_573 : i32
    %add3A_575 = vector.broadcast %add3A_574 : i32 to vector<16xi32>
    %add3A_576 = arith.addi %iota3A_572, %add3A_575 : vector<16xi32>
    %lt3A_577 = arith.constant 10000 : i32
    %lt3A_578 = vector.broadcast %lt3A_577 : i32 to vector<16xi32>
    %lt3A_579 = arith.cmpi slt, %add3A_576, %lt3A_578 : vector<16xi32>
    %jit3A_580 = arith.constant 0.000000e+00 : f32
    %broadcast_in_dim3A_581 = vector.broadcast %jit3A_580 : f32 to vector<16xf32>
    %select_n3A_582 = arith.select %lt3A_579, %mul3A_571, %broadcast_in_dim3A_581 : vector<16xi1>, vector<16xf32>
    %swap3A_583 = arith.constant 96 : index
    %swap3A_584 = tpu.vector_load %arg12[%swap3A_583] {strides = array<i32>} : memref<640xf32, #tpu.memory_space<vmem>>, vector<16xf32>,
    tpu.vector_store %arg12[%swap3A_583], %select_n3A_582 {strides = array<i32>} : memref<640xf32, #tpu.memory_space<vmem>>, vector<16xf32>,
    %get3A_585 = arith.constant 96 : index
    %get3A_586 = tpu.vector_load %arg11[%get3A_585] {strides = array<i32>} : memref<640xf32, #tpu.memory_space<vmem>>, vector<16xf32>,
    %swap3A_587 = arith.constant 96 : index
    %swap3A_588 = tpu.vector_load %arg13[%swap3A_587] {strides = array<i32>} : memref<640xf32, #tpu.memory_space<vmem>>, vector<16xf32>,
    tpu.vector_store %arg13[%swap3A_587], %get3A_586 {strides = array<i32>} : memref<640xf32, #tpu.memory_space<vmem>>, vector<16xf32>,
    %mul3A_589 = arith.mulf %select_n3A_582, %get3A_586 : vector<16xf32>
    %swap3A_590 = arith.constant 96 : index
    %swap3A_591 = tpu.vector_load %arg14[%swap3A_590] {strides = array<i32>} : memref<640xf32, #tpu.memory_space<vmem>>, vector<16xf32>,
    tpu.vector_store %arg14[%swap3A_590], %mul3A_589 {strides = array<i32>} : memref<640xf32, #tpu.memory_space<vmem>>, vector<16xf32>,
    %get3A_592 = arith.constant 112 : index
    %get3A_593 = tpu.vector_load %arg15[%get3A_592] {strides = array<i32>} : memref<640xf32, #tpu.memory_space<vmem>>, vector<16xf32>,
    %add3A_594 = arith.constant 1.000000e+00 : f32
    %add3A_595 = vector.broadcast %add3A_594 : f32 to vector<16xf32>
    %add3A_596 = arith.addf %get3A_593, %add3A_595 : vector<16xf32>
    %bitcast3A_597 = vector.bitcast %add3A_596 : vector<16xf32> to vector<16xi32>
    %shift_right_arithmetic3A_598 = arith.constant 1 : i32
    %shift_right_arithmetic3A_599 = vector.broadcast %shift_right_arithmetic3A_598 : i32 to vector<16xi32>
    %shift_right_arithmetic3A_600 = arith.shrsi %bitcast3A_597, %shift_right_arithmetic3A_599 : vector<16xi32>
    %sub3A_601 = arith.constant 1597463007 : i32
    %sub3A_602 = vector.broadcast %sub3A_601 : i32 to vector<16xi32>
    %sub3A_603 = arith.subi %sub3A_602, %shift_right_arithmetic3A_600 : vector<16xi32>
    %bitcast3A_604 = vector.bitcast %sub3A_603 : vector<16xi32> to vector<16xf32>
    %mul3A_605 = arith.constant 5.000000e-01 : f32
    %mul3A_606 = vector.broadcast %mul3A_605 : f32 to vector<16xf32>
    %mul3A_607 = arith.mulf %mul3A_606, %add3A_596 : vector<16xf32>
    %mul3A_608 = arith.mulf %mul3A_607, %bitcast3A_604 : vector<16xf32>
    %mul3A_609 = arith.mulf %mul3A_608, %bitcast3A_604 : vector<16xf32>
    %sub3A_610 = arith.constant 1.500000e+00 : f32
    %sub3A_611 = vector.broadcast %sub3A_610 : f32 to vector<16xf32>
    %sub3A_612 = arith.subf %sub3A_611, %mul3A_609 : vector<16xf32>
    %mul3A_613 = arith.mulf %bitcast3A_604, %sub3A_612 : vector<16xf32>
    %mul3A_614 = arith.mulf %mul3A_607, %mul3A_613 : vector<16xf32>
    %mul3A_615 = arith.mulf %mul3A_614, %mul3A_613 : vector<16xf32>
    %sub3A_616 = arith.constant 1.500000e+00 : f32
    %sub3A_617 = vector.broadcast %sub3A_616 : f32 to vector<16xf32>
    %sub3A_618 = arith.subf %sub3A_617, %mul3A_615 : vector<16xf32>
    %mul3A_619 = arith.mulf %mul3A_613, %sub3A_618 : vector<16xf32>
    %mul3A_620 = arith.mulf %mul3A_607, %mul3A_619 : vector<16xf32>
    %mul3A_621 = arith.mulf %mul3A_620, %mul3A_619 : vector<16xf32>
    %sub3A_622 = arith.constant 1.500000e+00 : f32
    %sub3A_623 = vector.broadcast %sub3A_622 : f32 to vector<16xf32>
    %sub3A_624 = arith.subf %sub3A_623, %mul3A_621 : vector<16xf32>
    %mul3A_625 = arith.mulf %mul3A_619, %sub3A_624 : vector<16xf32>
    %iota3A_626 = tpu.iota {dimensions = array<i32: 0>} : vector<16xi32>
    %add3A_627 = arith.constant 112 : i32
    %add3A_628 = arith.addi %mul3A_2, %add3A_627 : i32
    %add3A_629 = vector.broadcast %add3A_628 : i32 to vector<16xi32>
    %add3A_630 = arith.addi %iota3A_626, %add3A_629 : vector<16xi32>
    %lt3A_631 = arith.constant 10000 : i32
    %lt3A_632 = vector.broadcast %lt3A_631 : i32 to vector<16xi32>
    %lt3A_633 = arith.cmpi slt, %add3A_630, %lt3A_632 : vector<16xi32>
    %jit3A_634 = arith.constant 0.000000e+00 : f32
    %broadcast_in_dim3A_635 = vector.broadcast %jit3A_634 : f32 to vector<16xf32>
    %select_n3A_636 = arith.select %lt3A_633, %mul3A_625, %broadcast_in_dim3A_635 : vector<16xi1>, vector<16xf32>
    %swap3A_637 = arith.constant 112 : index
    %swap3A_638 = tpu.vector_load %arg12[%swap3A_637] {strides = array<i32>} : memref<640xf32, #tpu.memory_space<vmem>>, vector<16xf32>,
    tpu.vector_store %arg12[%swap3A_637], %select_n3A_636 {strides = array<i32>} : memref<640xf32, #tpu.memory_space<vmem>>, vector<16xf32>,
    %get3A_639 = arith.constant 112 : index
    %get3A_640 = tpu.vector_load %arg11[%get3A_639] {strides = array<i32>} : memref<640xf32, #tpu.memory_space<vmem>>, vector<16xf32>,
    %swap3A_641 = arith.constant 112 : index
    %swap3A_642 = tpu.vector_load %arg13[%swap3A_641] {strides = array<i32>} : memref<640xf32, #tpu.memory_space<vmem>>, vector<16xf32>,
    tpu.vector_store %arg13[%swap3A_641], %get3A_640 {strides = array<i32>} : memref<640xf32, #tpu.memory_space<vmem>>, vector<16xf32>,
    %mul3A_643 = arith.mulf %select_n3A_636, %get3A_640 : vector<16xf32>
    %swap3A_644 = arith.constant 112 : index
    %swap3A_645 = tpu.vector_load %arg14[%swap3A_644] {strides = array<i32>} : memref<640xf32, #tpu.memory_space<vmem>>, vector<16xf32>,
    tpu.vector_store %arg14[%swap3A_644], %mul3A_643 {strides = array<i32>} : memref<640xf32, #tpu.memory_space<vmem>>, vector<16xf32>,
    %get3A_646 = arith.constant 128 : index
    %get3A_647 = tpu.vector_load %arg15[%get3A_646] {strides = array<i32>} : memref<640xf32, #tpu.memory_space<vmem>>, vector<16xf32>,
    %add3A_648 = arith.constant 1.000000e+00 : f32
    %add3A_649 = vector.broadcast %add3A_648 : f32 to vector<16xf32>
    %add3A_650 = arith.addf %get3A_647, %add3A_649 : vector<16xf32>
    %bitcast3A_651 = vector.bitcast %add3A_650 : vector<16xf32> to vector<16xi32>
    %shift_right_arithmetic3A_652 = arith.constant 1 : i32
    %shift_right_arithmetic3A_653 = vector.broadcast %shift_right_arithmetic3A_652 : i32 to vector<16xi32>
    %shift_right_arithmetic3A_654 = arith.shrsi %bitcast3A_651, %shift_right_arithmetic3A_653 : vector<16xi32>
    %sub3A_655 = arith.constant 1597463007 : i32
    %sub3A_656 = vector.broadcast %sub3A_655 : i32 to vector<16xi32>
    %sub3A_657 = arith.subi %sub3A_656, %shift_right_arithmetic3A_654 : vector<16xi32>
    %bitcast3A_658 = vector.bitcast %sub3A_657 : vector<16xi32> to vector<16xf32>
    %mul3A_659 = arith.constant 5.000000e-01 : f32
    %mul3A_660 = vector.broadcast %mul3A_659 : f32 to vector<16xf32>
    %mul3A_661 = arith.mulf %mul3A_660, %add3A_650 : vector<16xf32>
    %mul3A_662 = arith.mulf %mul3A_661, %bitcast3A_658 : vector<16xf32>
    %mul3A_663 = arith.mulf %mul3A_662, %bitcast3A_658 : vector<16xf32>
    %sub3A_664 = arith.constant 1.500000e+00 : f32
    %sub3A_665 = vector.broadcast %sub3A_664 : f32 to vector<16xf32>
    %sub3A_666 = arith.subf %sub3A_665, %mul3A_663 : vector<16xf32>
    %mul3A_667 = arith.mulf %bitcast3A_658, %sub3A_666 : vector<16xf32>
    %mul3A_668 = arith.mulf %mul3A_661, %mul3A_667 : vector<16xf32>
    %mul3A_669 = arith.mulf %mul3A_668, %mul3A_667 : vector<16xf32>
    %sub3A_670 = arith.constant 1.500000e+00 : f32
    %sub3A_671 = vector.broadcast %sub3A_670 : f32 to vector<16xf32>
    %sub3A_672 = arith.subf %sub3A_671, %mul3A_669 : vector<16xf32>
    %mul3A_673 = arith.mulf %mul3A_667, %sub3A_672 : vector<16xf32>
    %mul3A_674 = arith.mulf %mul3A_661, %mul3A_673 : vector<16xf32>
    %mul3A_675 = arith.mulf %mul3A_674, %mul3A_673 : vector<16xf32>
    %sub3A_676 = arith.constant 1.500000e+00 : f32
    %sub3A_677 = vector.broadcast %sub3A_676 : f32 to vector<16xf32>
    %sub3A_678 = arith.subf %sub3A_677, %mul3A_675 : vector<16xf32>
    %mul3A_679 = arith.mulf %mul3A_673, %sub3A_678 : vector<16xf32>
    %iota3A_680 = tpu.iota {dimensions = array<i32: 0>} : vector<16xi32>
    %add3A_681 = arith.constant 128 : i32
    %add3A_682 = arith.addi %mul3A_2, %add3A_681 : i32
    %add3A_683 = vector.broadcast %add3A_682 : i32 to vector<16xi32>
    %add3A_684 = arith.addi %iota3A_680, %add3A_683 : vector<16xi32>
    %lt3A_685 = arith.constant 10000 : i32
    %lt3A_686 = vector.broadcast %lt3A_685 : i32 to vector<16xi32>
    %lt3A_687 = arith.cmpi slt, %add3A_684, %lt3A_686 : vector<16xi32>
    %jit3A_688 = arith.constant 0.000000e+00 : f32
    %broadcast_in_dim3A_689 = vector.broadcast %jit3A_688 : f32 to vector<16xf32>
    %select_n3A_690 = arith.select %lt3A_687, %mul3A_679, %broadcast_in_dim3A_689 : vector<16xi1>, vector<16xf32>
    %swap3A_691 = arith.constant 128 : index
    %swap3A_692 = tpu.vector_load %arg12[%swap3A_691] {strides = array<i32>} : memref<640xf32, #tpu.memory_space<vmem>>, vector<16xf32>,
    tpu.vector_store %arg12[%swap3A_691], %select_n3A_690 {strides = array<i32>} : memref<640xf32, #tpu.memory_space<vmem>>, vector<16xf32>,
    %get3A_693 = arith.constant 128 : index
    %get3A_694 = tpu.vector_load %arg11[%get3A_693] {strides = array<i32>} : memref<640xf32, #tpu.memory_space<vmem>>, vector<16xf32>,
    %swap3A_695 = arith.constant 128 : index
    %swap3A_696 = tpu.vector_load %arg13[%swap3A_695] {strides = array<i32>} : memref<640xf32, #tpu.memory_space<vmem>>, vector<16xf32>,
    tpu.vector_store %arg13[%swap3A_695], %get3A_694 {strides = array<i32>} : memref<640xf32, #tpu.memory_space<vmem>>, vector<16xf32>,
    %mul3A_697 = arith.mulf %select_n3A_690, %get3A_694 : vector<16xf32>
    %swap3A_698 = arith.constant 128 : index
    %swap3A_699 = tpu.vector_load %arg14[%swap3A_698] {strides = array<i32>} : memref<640xf32, #tpu.memory_space<vmem>>, vector<16xf32>,
    tpu.vector_store %arg14[%swap3A_698], %mul3A_697 {strides = array<i32>} : memref<640xf32, #tpu.memory_space<vmem>>, vector<16xf32>,
    %get3A_700 = arith.constant 144 : index
    %get3A_701 = tpu.vector_load %arg15[%get3A_700] {strides = array<i32>} : memref<640xf32, #tpu.memory_space<vmem>>, vector<16xf32>,
    %add3A_702 = arith.constant 1.000000e+00 : f32
    %add3A_703 = vector.broadcast %add3A_702 : f32 to vector<16xf32>
    %add3A_704 = arith.addf %get3A_701, %add3A_703 : vector<16xf32>
    %bitcast3A_705 = vector.bitcast %add3A_704 : vector<16xf32> to vector<16xi32>
    %shift_right_arithmetic3A_706 = arith.constant 1 : i32
    %shift_right_arithmetic3A_707 = vector.broadcast %shift_right_arithmetic3A_706 : i32 to vector<16xi32>
    %shift_right_arithmetic3A_708 = arith.shrsi %bitcast3A_705, %shift_right_arithmetic3A_707 : vector<16xi32>
    %sub3A_709 = arith.constant 1597463007 : i32
    %sub3A_710 = vector.broadcast %sub3A_709 : i32 to vector<16xi32>
    %sub3A_711 = arith.subi %sub3A_710, %shift_right_arithmetic3A_708 : vector<16xi32>
    %bitcast3A_712 = vector.bitcast %sub3A_711 : vector<16xi32> to vector<16xf32>
    %mul3A_713 = arith.constant 5.000000e-01 : f32
    %mul3A_714 = vector.broadcast %mul3A_713 : f32 to vector<16xf32>
    %mul3A_715 = arith.mulf %mul3A_714, %add3A_704 : vector<16xf32>
    %mul3A_716 = arith.mulf %mul3A_715, %bitcast3A_712 : vector<16xf32>
    %mul3A_717 = arith.mulf %mul3A_716, %bitcast3A_712 : vector<16xf32>
    %sub3A_718 = arith.constant 1.500000e+00 : f32
    %sub3A_719 = vector.broadcast %sub3A_718 : f32 to vector<16xf32>
    %sub3A_720 = arith.subf %sub3A_719, %mul3A_717 : vector<16xf32>
    %mul3A_721 = arith.mulf %bitcast3A_712, %sub3A_720 : vector<16xf32>
    %mul3A_722 = arith.mulf %mul3A_715, %mul3A_721 : vector<16xf32>
    %mul3A_723 = arith.mulf %mul3A_722, %mul3A_721 : vector<16xf32>
    %sub3A_724 = arith.constant 1.500000e+00 : f32
    %sub3A_725 = vector.broadcast %sub3A_724 : f32 to vector<16xf32>
    %sub3A_726 = arith.subf %sub3A_725, %mul3A_723 : vector<16xf32>
    %mul3A_727 = arith.mulf %mul3A_721, %sub3A_726 : vector<16xf32>
    %mul3A_728 = arith.mulf %mul3A_715, %mul3A_727 : vector<16xf32>
    %mul3A_729 = arith.mulf %mul3A_728, %mul3A_727 : vector<16xf32>
    %sub3A_730 = arith.constant 1.500000e+00 : f32
    %sub3A_731 = vector.broadcast %sub3A_730 : f32 to vector<16xf32>
    %sub3A_732 = arith.subf %sub3A_731, %mul3A_729 : vector<16xf32>
    %mul3A_733 = arith.mulf %mul3A_727, %sub3A_732 : vector<16xf32>
    %iota3A_734 = tpu.iota {dimensions = array<i32: 0>} : vector<16xi32>
    %add3A_735 = arith.constant 144 : i32
    %add3A_736 = arith.addi %mul3A_2, %add3A_735 : i32
    %add3A_737 = vector.broadcast %add3A_736 : i32 to vector<16xi32>
    %add3A_738 = arith.addi %iota3A_734, %add3A_737 : vector<16xi32>
    %lt3A_739 = arith.constant 10000 : i32
    %lt3A_740 = vector.broadcast %lt3A_739 : i32 to vector<16xi32>
    %lt3A_741 = arith.cmpi slt, %add3A_738, %lt3A_740 : vector<16xi32>
    %jit3A_742 = arith.constant 0.000000e+00 : f32
    %broadcast_in_dim3A_743 = vector.broadcast %jit3A_742 : f32 to vector<16xf32>
    %select_n3A_744 = arith.select %lt3A_741, %mul3A_733, %broadcast_in_dim3A_743 : vector<16xi1>, vector<16xf32>
    %swap3A_745 = arith.constant 144 : index
    %swap3A_746 = tpu.vector_load %arg12[%swap3A_745] {strides = array<i32>} : memref<640xf32, #tpu.memory_space<vmem>>, vector<16xf32>,
    tpu.vector_store %arg12[%swap3A_745], %select_n3A_744 {strides = array<i32>} : memref<640xf32, #tpu.memory_space<vmem>>, vector<16xf32>,
    %get3A_747 = arith.constant 144 : index
    %get3A_748 = tpu.vector_load %arg11[%get3A_747] {strides = array<i32>} : memref<640xf32, #tpu.memory_space<vmem>>, vector<16xf32>,
    %swap3A_749 = arith.constant 144 : index
    %swap3A_750 = tpu.vector_load %arg13[%swap3A_749] {strides = array<i32>} : memref<640xf32, #tpu.memory_space<vmem>>, vector<16xf32>,
    tpu.vector_store %arg13[%swap3A_749], %get3A_748 {strides = array<i32>} : memref<640xf32, #tpu.memory_space<vmem>>, vector<16xf32>,
    %mul3A_751 = arith.mulf %select_n3A_744, %get3A_748 : vector<16xf32>
    %swap3A_752 = arith.constant 144 : index
    %swap3A_753 = tpu.vector_load %arg14[%swap3A_752] {strides = array<i32>} : memref<640xf32, #tpu.memory_space<vmem>>, vector<16xf32>,
    tpu.vector_store %arg14[%swap3A_752], %mul3A_751 {strides = array<i32>} : memref<640xf32, #tpu.memory_space<vmem>>, vector<16xf32>,
    %get3A_754 = arith.constant 160 : index
    %get3A_755 = tpu.vector_load %arg15[%get3A_754] {strides = array<i32>} : memref<640xf32, #tpu.memory_space<vmem>>, vector<16xf32>,
    %add3A_756 = arith.constant 1.000000e+00 : f32
    %add3A_757 = vector.broadcast %add3A_756 : f32 to vector<16xf32>
    %add3A_758 = arith.addf %get3A_755, %add3A_757 : vector<16xf32>
    %bitcast3A_759 = vector.bitcast %add3A_758 : vector<16xf32> to vector<16xi32>
    %shift_right_arithmetic3A_760 = arith.constant 1 : i32
    %shift_right_arithmetic3A_761 = vector.broadcast %shift_right_arithmetic3A_760 : i32 to vector<16xi32>
    %shift_right_arithmetic3A_762 = arith.shrsi %bitcast3A_759, %shift_right_arithmetic3A_761 : vector<16xi32>
    %sub3A_763 = arith.constant 1597463007 : i32
    %sub3A_764 = vector.broadcast %sub3A_763 : i32 to vector<16xi32>
    %sub3A_765 = arith.subi %sub3A_764, %shift_right_arithmetic3A_762 : vector<16xi32>
    %bitcast3A_766 = vector.bitcast %sub3A_765 : vector<16xi32> to vector<16xf32>
    %mul3A_767 = arith.constant 5.000000e-01 : f32
    %mul3A_768 = vector.broadcast %mul3A_767 : f32 to vector<16xf32>
    %mul3A_769 = arith.mulf %mul3A_768, %add3A_758 : vector<16xf32>
    %mul3A_770 = arith.mulf %mul3A_769, %bitcast3A_766 : vector<16xf32>
    %mul3A_771 = arith.mulf %mul3A_770, %bitcast3A_766 : vector<16xf32>
    %sub3A_772 = arith.constant 1.500000e+00 : f32
    %sub3A_773 = vector.broadcast %sub3A_772 : f32 to vector<16xf32>
    %sub3A_774 = arith.subf %sub3A_773, %mul3A_771 : vector<16xf32>
    %mul3A_775 = arith.mulf %bitcast3A_766, %sub3A_774 : vector<16xf32>
    %mul3A_776 = arith.mulf %mul3A_769, %mul3A_775 : vector<16xf32>
    %mul3A_777 = arith.mulf %mul3A_776, %mul3A_775 : vector<16xf32>
    %sub3A_778 = arith.constant 1.500000e+00 : f32
    %sub3A_779 = vector.broadcast %sub3A_778 : f32 to vector<16xf32>
    %sub3A_780 = arith.subf %sub3A_779, %mul3A_777 : vector<16xf32>
    %mul3A_781 = arith.mulf %mul3A_775, %sub3A_780 : vector<16xf32>
    %mul3A_782 = arith.mulf %mul3A_769, %mul3A_781 : vector<16xf32>
    %mul3A_783 = arith.mulf %mul3A_782, %mul3A_781 : vector<16xf32>
    %sub3A_784 = arith.constant 1.500000e+00 : f32
    %sub3A_785 = vector.broadcast %sub3A_784 : f32 to vector<16xf32>
    %sub3A_786 = arith.subf %sub3A_785, %mul3A_783 : vector<16xf32>
    %mul3A_787 = arith.mulf %mul3A_781, %sub3A_786 : vector<16xf32>
    %iota3A_788 = tpu.iota {dimensions = array<i32: 0>} : vector<16xi32>
    %add3A_789 = arith.constant 160 : i32
    %add3A_790 = arith.addi %mul3A_2, %add3A_789 : i32
    %add3A_791 = vector.broadcast %add3A_790 : i32 to vector<16xi32>
    %add3A_792 = arith.addi %iota3A_788, %add3A_791 : vector<16xi32>
    %lt3A_793 = arith.constant 10000 : i32
    %lt3A_794 = vector.broadcast %lt3A_793 : i32 to vector<16xi32>
    %lt3A_795 = arith.cmpi slt, %add3A_792, %lt3A_794 : vector<16xi32>
    %jit3A_796 = arith.constant 0.000000e+00 : f32
    %broadcast_in_dim3A_797 = vector.broadcast %jit3A_796 : f32 to vector<16xf32>
    %select_n3A_798 = arith.select %lt3A_795, %mul3A_787, %broadcast_in_dim3A_797 : vector<16xi1>, vector<16xf32>
    %swap3A_799 = arith.constant 160 : index
    %swap3A_800 = tpu.vector_load %arg12[%swap3A_799] {strides = array<i32>} : memref<640xf32, #tpu.memory_space<vmem>>, vector<16xf32>,
    tpu.vector_store %arg12[%swap3A_799], %select_n3A_798 {strides = array<i32>} : memref<640xf32, #tpu.memory_space<vmem>>, vector<16xf32>,
    %get3A_801 = arith.constant 160 : index
    %get3A_802 = tpu.vector_load %arg11[%get3A_801] {strides = array<i32>} : memref<640xf32, #tpu.memory_space<vmem>>, vector<16xf32>,
    %swap3A_803 = arith.constant 160 : index
    %swap3A_804 = tpu.vector_load %arg13[%swap3A_803] {strides = array<i32>} : memref<640xf32, #tpu.memory_space<vmem>>, vector<16xf32>,
    tpu.vector_store %arg13[%swap3A_803], %get3A_802 {strides = array<i32>} : memref<640xf32, #tpu.memory_space<vmem>>, vector<16xf32>,
    %mul3A_805 = arith.mulf %select_n3A_798, %get3A_802 : vector<16xf32>
    %swap3A_806 = arith.constant 160 : index
    %swap3A_807 = tpu.vector_load %arg14[%swap3A_806] {strides = array<i32>} : memref<640xf32, #tpu.memory_space<vmem>>, vector<16xf32>,
    tpu.vector_store %arg14[%swap3A_806], %mul3A_805 {strides = array<i32>} : memref<640xf32, #tpu.memory_space<vmem>>, vector<16xf32>,
    %get3A_808 = arith.constant 176 : index
    %get3A_809 = tpu.vector_load %arg15[%get3A_808] {strides = array<i32>} : memref<640xf32, #tpu.memory_space<vmem>>, vector<16xf32>,
    %add3A_810 = arith.constant 1.000000e+00 : f32
    %add3A_811 = vector.broadcast %add3A_810 : f32 to vector<16xf32>
    %add3A_812 = arith.addf %get3A_809, %add3A_811 : vector<16xf32>
    %bitcast3A_813 = vector.bitcast %add3A_812 : vector<16xf32> to vector<16xi32>
    %shift_right_arithmetic3A_814 = arith.constant 1 : i32
    %shift_right_arithmetic3A_815 = vector.broadcast %shift_right_arithmetic3A_814 : i32 to vector<16xi32>
    %shift_right_arithmetic3A_816 = arith.shrsi %bitcast3A_813, %shift_right_arithmetic3A_815 : vector<16xi32>
    %sub3A_817 = arith.constant 1597463007 : i32
    %sub3A_818 = vector.broadcast %sub3A_817 : i32 to vector<16xi32>
    %sub3A_819 = arith.subi %sub3A_818, %shift_right_arithmetic3A_816 : vector<16xi32>
    %bitcast3A_820 = vector.bitcast %sub3A_819 : vector<16xi32> to vector<16xf32>
    %mul3A_821 = arith.constant 5.000000e-01 : f32
    %mul3A_822 = vector.broadcast %mul3A_821 : f32 to vector<16xf32>
    %mul3A_823 = arith.mulf %mul3A_822, %add3A_812 : vector<16xf32>
    %mul3A_824 = arith.mulf %mul3A_823, %bitcast3A_820 : vector<16xf32>
    %mul3A_825 = arith.mulf %mul3A_824, %bitcast3A_820 : vector<16xf32>
    %sub3A_826 = arith.constant 1.500000e+00 : f32
    %sub3A_827 = vector.broadcast %sub3A_826 : f32 to vector<16xf32>
    %sub3A_828 = arith.subf %sub3A_827, %mul3A_825 : vector<16xf32>
    %mul3A_829 = arith.mulf %bitcast3A_820, %sub3A_828 : vector<16xf32>
    %mul3A_830 = arith.mulf %mul3A_823, %mul3A_829 : vector<16xf32>
    %mul3A_831 = arith.mulf %mul3A_830, %mul3A_829 : vector<16xf32>
    %sub3A_832 = arith.constant 1.500000e+00 : f32
    %sub3A_833 = vector.broadcast %sub3A_832 : f32 to vector<16xf32>
    %sub3A_834 = arith.subf %sub3A_833, %mul3A_831 : vector<16xf32>
    %mul3A_835 = arith.mulf %mul3A_829, %sub3A_834 : vector<16xf32>
    %mul3A_836 = arith.mulf %mul3A_823, %mul3A_835 : vector<16xf32>
    %mul3A_837 = arith.mulf %mul3A_836, %mul3A_835 : vector<16xf32>
    %sub3A_838 = arith.constant 1.500000e+00 : f32
    %sub3A_839 = vector.broadcast %sub3A_838 : f32 to vector<16xf32>
    %sub3A_840 = arith.subf %sub3A_839, %mul3A_837 : vector<16xf32>
    %mul3A_841 = arith.mulf %mul3A_835, %sub3A_840 : vector<16xf32>
    %iota3A_842 = tpu.iota {dimensions = array<i32: 0>} : vector<16xi32>
    %add3A_843 = arith.constant 176 : i32
    %add3A_844 = arith.addi %mul3A_2, %add3A_843 : i32
    %add3A_845 = vector.broadcast %add3A_844 : i32 to vector<16xi32>
    %add3A_846 = arith.addi %iota3A_842, %add3A_845 : vector<16xi32>
    %lt3A_847 = arith.constant 10000 : i32
    %lt3A_848 = vector.broadcast %lt3A_847 : i32 to vector<16xi32>
    %lt3A_849 = arith.cmpi slt, %add3A_846, %lt3A_848 : vector<16xi32>
    %jit3A_850 = arith.constant 0.000000e+00 : f32
    %broadcast_in_dim3A_851 = vector.broadcast %jit3A_850 : f32 to vector<16xf32>
    %select_n3A_852 = arith.select %lt3A_849, %mul3A_841, %broadcast_in_dim3A_851 : vector<16xi1>, vector<16xf32>
    %swap3A_853 = arith.constant 176 : index
    %swap3A_854 = tpu.vector_load %arg12[%swap3A_853] {strides = array<i32>} : memref<640xf32, #tpu.memory_space<vmem>>, vector<16xf32>,
    tpu.vector_store %arg12[%swap3A_853], %select_n3A_852 {strides = array<i32>} : memref<640xf32, #tpu.memory_space<vmem>>, vector<16xf32>,
    %get3A_855 = arith.constant 176 : index
    %get3A_856 = tpu.vector_load %arg11[%get3A_855] {strides = array<i32>} : memref<640xf32, #tpu.memory_space<vmem>>, vector<16xf32>,
    %swap3A_857 = arith.constant 176 : index
    %swap3A_858 = tpu.vector_load %arg13[%swap3A_857] {strides = array<i32>} : memref<640xf32, #tpu.memory_space<vmem>>, vector<16xf32>,
    tpu.vector_store %arg13[%swap3A_857], %get3A_856 {strides = array<i32>} : memref<640xf32, #tpu.memory_space<vmem>>, vector<16xf32>,
    %mul3A_859 = arith.mulf %select_n3A_852, %get3A_856 : vector<16xf32>
    %swap3A_860 = arith.constant 176 : index
    %swap3A_861 = tpu.vector_load %arg14[%swap3A_860] {strides = array<i32>} : memref<640xf32, #tpu.memory_space<vmem>>, vector<16xf32>,
    tpu.vector_store %arg14[%swap3A_860], %mul3A_859 {strides = array<i32>} : memref<640xf32, #tpu.memory_space<vmem>>, vector<16xf32>,
    %get3A_862 = arith.constant 192 : index
    %get3A_863 = tpu.vector_load %arg15[%get3A_862] {strides = array<i32>} : memref<640xf32, #tpu.memory_space<vmem>>, vector<16xf32>,
    %add3A_864 = arith.constant 1.000000e+00 : f32
    %add3A_865 = vector.broadcast %add3A_864 : f32 to vector<16xf32>
    %add3A_866 = arith.addf %get3A_863, %add3A_865 : vector<16xf32>
    %bitcast3A_867 = vector.bitcast %add3A_866 : vector<16xf32> to vector<16xi32>
    %shift_right_arithmetic3A_868 = arith.constant 1 : i32
    %shift_right_arithmetic3A_869 = vector.broadcast %shift_right_arithmetic3A_868 : i32 to vector<16xi32>
    %shift_right_arithmetic3A_870 = arith.shrsi %bitcast3A_867, %shift_right_arithmetic3A_869 : vector<16xi32>
    %sub3A_871 = arith.constant 1597463007 : i32
    %sub3A_872 = vector.broadcast %sub3A_871 : i32 to vector<16xi32>
    %sub3A_873 = arith.subi %sub3A_872, %shift_right_arithmetic3A_870 : vector<16xi32>
    %bitcast3A_874 = vector.bitcast %sub3A_873 : vector<16xi32> to vector<16xf32>
    %mul3A_875 = arith.constant 5.000000e-01 : f32
    %mul3A_876 = vector.broadcast %mul3A_875 : f32 to vector<16xf32>
    %mul3A_877 = arith.mulf %mul3A_876, %add3A_866 : vector<16xf32>
    %mul3A_878 = arith.mulf %mul3A_877, %bitcast3A_874 : vector<16xf32>
    %mul3A_879 = arith.mulf %mul3A_878, %bitcast3A_874 : vector<16xf32>
    %sub3A_880 = arith.constant 1.500000e+00 : f32
    %sub3A_881 = vector.broadcast %sub3A_880 : f32 to vector<16xf32>
    %sub3A_882 = arith.subf %sub3A_881, %mul3A_879 : vector<16xf32>
    %mul3A_883 = arith.mulf %bitcast3A_874, %sub3A_882 : vector<16xf32>
    %mul3A_884 = arith.mulf %mul3A_877, %mul3A_883 : vector<16xf32>
    %mul3A_885 = arith.mulf %mul3A_884, %mul3A_883 : vector<16xf32>
    %sub3A_886 = arith.constant 1.500000e+00 : f32
    %sub3A_887 = vector.broadcast %sub3A_886 : f32 to vector<16xf32>
    %sub3A_888 = arith.subf %sub3A_887, %mul3A_885 : vector<16xf32>
    %mul3A_889 = arith.mulf %mul3A_883, %sub3A_888 : vector<16xf32>
    %mul3A_890 = arith.mulf %mul3A_877, %mul3A_889 : vector<16xf32>
    %mul3A_891 = arith.mulf %mul3A_890, %mul3A_889 : vector<16xf32>
    %sub3A_892 = arith.constant 1.500000e+00 : f32
    %sub3A_893 = vector.broadcast %sub3A_892 : f32 to vector<16xf32>
    %sub3A_894 = arith.subf %sub3A_893, %mul3A_891 : vector<16xf32>
    %mul3A_895 = arith.mulf %mul3A_889, %sub3A_894 : vector<16xf32>
    %iota3A_896 = tpu.iota {dimensions = array<i32: 0>} : vector<16xi32>
    %add3A_897 = arith.constant 192 : i32
    %add3A_898 = arith.addi %mul3A_2, %add3A_897 : i32
    %add3A_899 = vector.broadcast %add3A_898 : i32 to vector<16xi32>
    %add3A_900 = arith.addi %iota3A_896, %add3A_899 : vector<16xi32>
    %lt3A_901 = arith.constant 10000 : i32
    %lt3A_902 = vector.broadcast %lt3A_901 : i32 to vector<16xi32>
    %lt3A_903 = arith.cmpi slt, %add3A_900, %lt3A_902 : vector<16xi32>
    %jit3A_904 = arith.constant 0.000000e+00 : f32
    %broadcast_in_dim3A_905 = vector.broadcast %jit3A_904 : f32 to vector<16xf32>
    %select_n3A_906 = arith.select %lt3A_903, %mul3A_895, %broadcast_in_dim3A_905 : vector<16xi1>, vector<16xf32>
    %swap3A_907 = arith.constant 192 : index
    %swap3A_908 = tpu.vector_load %arg12[%swap3A_907] {strides = array<i32>} : memref<640xf32, #tpu.memory_space<vmem>>, vector<16xf32>,
    tpu.vector_store %arg12[%swap3A_907], %select_n3A_906 {strides = array<i32>} : memref<640xf32, #tpu.memory_space<vmem>>, vector<16xf32>,
    %get3A_909 = arith.constant 192 : index
    %get3A_910 = tpu.vector_load %arg11[%get3A_909] {strides = array<i32>} : memref<640xf32, #tpu.memory_space<vmem>>, vector<16xf32>,
    %swap3A_911 = arith.constant 192 : index
    %swap3A_912 = tpu.vector_load %arg13[%swap3A_911] {strides = array<i32>} : memref<640xf32, #tpu.memory_space<vmem>>, vector<16xf32>,
    tpu.vector_store %arg13[%swap3A_911], %get3A_910 {strides = array<i32>} : memref<640xf32, #tpu.memory_space<vmem>>, vector<16xf32>,
    %mul3A_913 = arith.mulf %select_n3A_906, %get3A_910 : vector<16xf32>
    %swap3A_914 = arith.constant 192 : index
    %swap3A_915 = tpu.vector_load %arg14[%swap3A_914] {strides = array<i32>} : memref<640xf32, #tpu.memory_space<vmem>>, vector<16xf32>,
    tpu.vector_store %arg14[%swap3A_914], %mul3A_913 {strides = array<i32>} : memref<640xf32, #tpu.memory_space<vmem>>, vector<16xf32>,
    %get3A_916 = arith.constant 208 : index
    %get3A_917 = tpu.vector_load %arg15[%get3A_916] {strides = array<i32>} : memref<640xf32, #tpu.memory_space<vmem>>, vector<16xf32>,
    %add3A_918 = arith.constant 1.000000e+00 : f32
    %add3A_919 = vector.broadcast %add3A_918 : f32 to vector<16xf32>
    %add3A_920 = arith.addf %get3A_917, %add3A_919 : vector<16xf32>
    %bitcast3A_921 = vector.bitcast %add3A_920 : vector<16xf32> to vector<16xi32>
    %shift_right_arithmetic3A_922 = arith.constant 1 : i32
    %shift_right_arithmetic3A_923 = vector.broadcast %shift_right_arithmetic3A_922 : i32 to vector<16xi32>
    %shift_right_arithmetic3A_924 = arith.shrsi %bitcast3A_921, %shift_right_arithmetic3A_923 : vector<16xi32>
    %sub3A_925 = arith.constant 1597463007 : i32
    %sub3A_926 = vector.broadcast %sub3A_925 : i32 to vector<16xi32>
    %sub3A_927 = arith.subi %sub3A_926, %shift_right_arithmetic3A_924 : vector<16xi32>
    %bitcast3A_928 = vector.bitcast %sub3A_927 : vector<16xi32> to vector<16xf32>
    %mul3A_929 = arith.constant 5.000000e-01 : f32
    %mul3A_930 = vector.broadcast %mul3A_929 : f32 to vector<16xf32>
    %mul3A_931 = arith.mulf %mul3A_930, %add3A_920 : vector<16xf32>
    %mul3A_932 = arith.mulf %mul3A_931, %bitcast3A_928 : vector<16xf32>
    %mul3A_933 = arith.mulf %mul3A_932, %bitcast3A_928 : vector<16xf32>
    %sub3A_934 = arith.constant 1.500000e+00 : f32
    %sub3A_935 = vector.broadcast %sub3A_934 : f32 to vector<16xf32>
    %sub3A_936 = arith.subf %sub3A_935, %mul3A_933 : vector<16xf32>
    %mul3A_937 = arith.mulf %bitcast3A_928, %sub3A_936 : vector<16xf32>
    %mul3A_938 = arith.mulf %mul3A_931, %mul3A_937 : vector<16xf32>
    %mul3A_939 = arith.mulf %mul3A_938, %mul3A_937 : vector<16xf32>
    %sub3A_940 = arith.constant 1.500000e+00 : f32
    %sub3A_941 = vector.broadcast %sub3A_940 : f32 to vector<16xf32>
    %sub3A_942 = arith.subf %sub3A_941, %mul3A_939 : vector<16xf32>
    %mul3A_943 = arith.mulf %mul3A_937, %sub3A_942 : vector<16xf32>
    %mul3A_944 = arith.mulf %mul3A_931, %mul3A_943 : vector<16xf32>
    %mul3A_945 = arith.mulf %mul3A_944, %mul3A_943 : vector<16xf32>
    %sub3A_946 = arith.constant 1.500000e+00 : f32
    %sub3A_947 = vector.broadcast %sub3A_946 : f32 to vector<16xf32>
    %sub3A_948 = arith.subf %sub3A_947, %mul3A_945 : vector<16xf32>
    %mul3A_949 = arith.mulf %mul3A_943, %sub3A_948 : vector<16xf32>
    %iota3A_950 = tpu.iota {dimensions = array<i32: 0>} : vector<16xi32>
    %add3A_951 = arith.constant 208 : i32
    %add3A_952 = arith.addi %mul3A_2, %add3A_951 : i32
    %add3A_953 = vector.broadcast %add3A_952 : i32 to vector<16xi32>
    %add3A_954 = arith.addi %iota3A_950, %add3A_953 : vector<16xi32>
    %lt3A_955 = arith.constant 10000 : i32
    %lt3A_956 = vector.broadcast %lt3A_955 : i32 to vector<16xi32>
    %lt3A_957 = arith.cmpi slt, %add3A_954, %lt3A_956 : vector<16xi32>
    %jit3A_958 = arith.constant 0.000000e+00 : f32
    %broadcast_in_dim3A_959 = vector.broadcast %jit3A_958 : f32 to vector<16xf32>
    %select_n3A_960 = arith.select %lt3A_957, %mul3A_949, %broadcast_in_dim3A_959 : vector<16xi1>, vector<16xf32>
    %swap3A_961 = arith.constant 208 : index
    %swap3A_962 = tpu.vector_load %arg12[%swap3A_961] {strides = array<i32>} : memref<640xf32, #tpu.memory_space<vmem>>, vector<16xf32>,
    tpu.vector_store %arg12[%swap3A_961], %select_n3A_960 {strides = array<i32>} : memref<640xf32, #tpu.memory_space<vmem>>, vector<16xf32>,
    %get3A_963 = arith.constant 208 : index
    %get3A_964 = tpu.vector_load %arg11[%get3A_963] {strides = array<i32>} : memref<640xf32, #tpu.memory_space<vmem>>, vector<16xf32>,
    %swap3A_965 = arith.constant 208 : index
    %swap3A_966 = tpu.vector_load %arg13[%swap3A_965] {strides = array<i32>} : memref<640xf32, #tpu.memory_space<vmem>>, vector<16xf32>,
    tpu.vector_store %arg13[%swap3A_965], %get3A_964 {strides = array<i32>} : memref<640xf32, #tpu.memory_space<vmem>>, vector<16xf32>,
    %mul3A_967 = arith.mulf %select_n3A_960, %get3A_964 : vector<16xf32>
    %swap3A_968 = arith.constant 208 : index
    %swap3A_969 = tpu.vector_load %arg14[%swap3A_968] {strides = array<i32>} : memref<640xf32, #tpu.memory_space<vmem>>, vector<16xf32>,
    tpu.vector_store %arg14[%swap3A_968], %mul3A_967 {strides = array<i32>} : memref<640xf32, #tpu.memory_space<vmem>>, vector<16xf32>,
    %get3A_970 = arith.constant 224 : index
    %get3A_971 = tpu.vector_load %arg15[%get3A_970] {strides = array<i32>} : memref<640xf32, #tpu.memory_space<vmem>>, vector<16xf32>,
    %add3A_972 = arith.constant 1.000000e+00 : f32
    %add3A_973 = vector.broadcast %add3A_972 : f32 to vector<16xf32>
    %add3A_974 = arith.addf %get3A_971, %add3A_973 : vector<16xf32>
    %bitcast3A_975 = vector.bitcast %add3A_974 : vector<16xf32> to vector<16xi32>
    %shift_right_arithmetic3A_976 = arith.constant 1 : i32
    %shift_right_arithmetic3A_977 = vector.broadcast %shift_right_arithmetic3A_976 : i32 to vector<16xi32>
    %shift_right_arithmetic3A_978 = arith.shrsi %bitcast3A_975, %shift_right_arithmetic3A_977 : vector<16xi32>
    %sub3A_979 = arith.constant 1597463007 : i32
    %sub3A_980 = vector.broadcast %sub3A_979 : i32 to vector<16xi32>
    %sub3A_981 = arith.subi %sub3A_980, %shift_right_arithmetic3A_978 : vector<16xi32>
    %bitcast3A_982 = vector.bitcast %sub3A_981 : vector<16xi32> to vector<16xf32>
    %mul3A_983 = arith.constant 5.000000e-01 : f32
    %mul3A_984 = vector.broadcast %mul3A_983 : f32 to vector<16xf32>
    %mul3A_985 = arith.mulf %mul3A_984, %add3A_974 : vector<16xf32>
    %mul3A_986 = arith.mulf %mul3A_985, %bitcast3A_982 : vector<16xf32>
    %mul3A_987 = arith.mulf %mul3A_986, %bitcast3A_982 : vector<16xf32>
    %sub3A_988 = arith.constant 1.500000e+00 : f32
    %sub3A_989 = vector.broadcast %sub3A_988 : f32 to vector<16xf32>
    %sub3A_990 = arith.subf %sub3A_989, %mul3A_987 : vector<16xf32>
    %mul3A_991 = arith.mulf %bitcast3A_982, %sub3A_990 : vector<16xf32>
    %mul3A_992 = arith.mulf %mul3A_985, %mul3A_991 : vector<16xf32>
    %mul3A_993 = arith.mulf %mul3A_992, %mul3A_991 : vector<16xf32>
    %sub3A_994 = arith.constant 1.500000e+00 : f32
    %sub3A_995 = vector.broadcast %sub3A_994 : f32 to vector<16xf32>
    %sub3A_996 = arith.subf %sub3A_995, %mul3A_993 : vector<16xf32>
    %mul3A_997 = arith.mulf %mul3A_991, %sub3A_996 : vector<16xf32>
    %mul3A_998 = arith.mulf %mul3A_985, %mul3A_997 : vector<16xf32>
    %mul3A_999 = arith.mulf %mul3A_998, %mul3A_997 : vector<16xf32>
    %sub3A_1000 = arith.constant 1.500000e+00 : f32
    %sub3A_1001 = vector.broadcast %sub3A_1000 : f32 to vector<16xf32>
    %sub3A_1002 = arith.subf %sub3A_1001, %mul3A_999 : vector<16xf32>
    %mul3A_1003 = arith.mulf %mul3A_997, %sub3A_1002 : vector<16xf32>
    %iota3A_1004 = tpu.iota {dimensions = array<i32: 0>} : vector<16xi32>
    %add3A_1005 = arith.constant 224 : i32
    %add3A_1006 = arith.addi %mul3A_2, %add3A_1005 : i32
    %add3A_1007 = vector.broadcast %add3A_1006 : i32 to vector<16xi32>
    %add3A_1008 = arith.addi %iota3A_1004, %add3A_1007 : vector<16xi32>
    %lt3A_1009 = arith.constant 10000 : i32
    %lt3A_1010 = vector.broadcast %lt3A_1009 : i32 to vector<16xi32>
    %lt3A_1011 = arith.cmpi slt, %add3A_1008, %lt3A_1010 : vector<16xi32>
    %jit3A_1012 = arith.constant 0.000000e+00 : f32
    %broadcast_in_dim3A_1013 = vector.broadcast %jit3A_1012 : f32 to vector<16xf32>
    %select_n3A_1014 = arith.select %lt3A_1011, %mul3A_1003, %broadcast_in_dim3A_1013 : vector<16xi1>, vector<16xf32>
    %swap3A_1015 = arith.constant 224 : index
    %swap3A_1016 = tpu.vector_load %arg12[%swap3A_1015] {strides = array<i32>} : memref<640xf32, #tpu.memory_space<vmem>>, vector<16xf32>,
    tpu.vector_store %arg12[%swap3A_1015], %select_n3A_1014 {strides = array<i32>} : memref<640xf32, #tpu.memory_space<vmem>>, vector<16xf32>,
    %get3A_1017 = arith.constant 224 : index
    %get3A_1018 = tpu.vector_load %arg11[%get3A_1017] {strides = array<i32>} : memref<640xf32, #tpu.memory_space<vmem>>, vector<16xf32>,
    %swap3A_1019 = arith.constant 224 : index
    %swap3A_1020 = tpu.vector_load %arg13[%swap3A_1019] {strides = array<i32>} : memref<640xf32, #tpu.memory_space<vmem>>, vector<16xf32>,
    tpu.vector_store %arg13[%swap3A_1019], %get3A_1018 {strides = array<i32>} : memref<640xf32, #tpu.memory_space<vmem>>, vector<16xf32>,
    %mul3A_1021 = arith.mulf %select_n3A_1014, %get3A_1018 : vector<16xf32>
    %swap3A_1022 = arith.constant 224 : index
    %swap3A_1023 = tpu.vector_load %arg14[%swap3A_1022] {strides = array<i32>} : memref<640xf32, #tpu.memory_space<vmem>>, vector<16xf32>,
    tpu.vector_store %arg14[%swap3A_1022], %mul3A_1021 {strides = array<i32>} : memref<640xf32, #tpu.memory_space<vmem>>, vector<16xf32>,
    %get3A_1024 = arith.constant 240 : index
    %get3A_1025 = tpu.vector_load %arg15[%get3A_1024] {strides = array<i32>} : memref<640xf32, #tpu.memory_space<vmem>>, vector<16xf32>,
    %add3A_1026 = arith.constant 1.000000e+00 : f32
    %add3A_1027 = vector.broadcast %add3A_1026 : f32 to vector<16xf32>
    %add3A_1028 = arith.addf %get3A_1025, %add3A_1027 : vector<16xf32>
    %bitcast3A_1029 = vector.bitcast %add3A_1028 : vector<16xf32> to vector<16xi32>
    %shift_right_arithmetic3A_1030 = arith.constant 1 : i32
    %shift_right_arithmetic3A_1031 = vector.broadcast %shift_right_arithmetic3A_1030 : i32 to vector<16xi32>
    %shift_right_arithmetic3A_1032 = arith.shrsi %bitcast3A_1029, %shift_right_arithmetic3A_1031 : vector<16xi32>
    %sub3A_1033 = arith.constant 1597463007 : i32
    %sub3A_1034 = vector.broadcast %sub3A_1033 : i32 to vector<16xi32>
    %sub3A_1035 = arith.subi %sub3A_1034, %shift_right_arithmetic3A_1032 : vector<16xi32>
    %bitcast3A_1036 = vector.bitcast %sub3A_1035 : vector<16xi32> to vector<16xf32>
    %mul3A_1037 = arith.constant 5.000000e-01 : f32
    %mul3A_1038 = vector.broadcast %mul3A_1037 : f32 to vector<16xf32>
    %mul3A_1039 = arith.mulf %mul3A_1038, %add3A_1028 : vector<16xf32>
    %mul3A_1040 = arith.mulf %mul3A_1039, %bitcast3A_1036 : vector<16xf32>
    %mul3A_1041 = arith.mulf %mul3A_1040, %bitcast3A_1036 : vector<16xf32>
    %sub3A_1042 = arith.constant 1.500000e+00 : f32
    %sub3A_1043 = vector.broadcast %sub3A_1042 : f32 to vector<16xf32>
    %sub3A_1044 = arith.subf %sub3A_1043, %mul3A_1041 : vector<16xf32>
    %mul3A_1045 = arith.mulf %bitcast3A_1036, %sub3A_1044 : vector<16xf32>
    %mul3A_1046 = arith.mulf %mul3A_1039, %mul3A_1045 : vector<16xf32>
    %mul3A_1047 = arith.mulf %mul3A_1046, %mul3A_1045 : vector<16xf32>
    %sub3A_1048 = arith.constant 1.500000e+00 : f32
    %sub3A_1049 = vector.broadcast %sub3A_1048 : f32 to vector<16xf32>
    %sub3A_1050 = arith.subf %sub3A_1049, %mul3A_1047 : vector<16xf32>
    %mul3A_1051 = arith.mulf %mul3A_1045, %sub3A_1050 : vector<16xf32>
    %mul3A_1052 = arith.mulf %mul3A_1039, %mul3A_1051 : vector<16xf32>
    %mul3A_1053 = arith.mulf %mul3A_1052, %mul3A_1051 : vector<16xf32>
    %sub3A_1054 = arith.constant 1.500000e+00 : f32
    %sub3A_1055 = vector.broadcast %sub3A_1054 : f32 to vector<16xf32>
    %sub3A_1056 = arith.subf %sub3A_1055, %mul3A_1053 : vector<16xf32>
    %mul3A_1057 = arith.mulf %mul3A_1051, %sub3A_1056 : vector<16xf32>
    %iota3A_1058 = tpu.iota {dimensions = array<i32: 0>} : vector<16xi32>
    %add3A_1059 = arith.constant 240 : i32
    %add3A_1060 = arith.addi %mul3A_2, %add3A_1059 : i32
    %add3A_1061 = vector.broadcast %add3A_1060 : i32 to vector<16xi32>
    %add3A_1062 = arith.addi %iota3A_1058, %add3A_1061 : vector<16xi32>
    %lt3A_1063 = arith.constant 10000 : i32
    %lt3A_1064 = vector.broadcast %lt3A_1063 : i32 to vector<16xi32>
    %lt3A_1065 = arith.cmpi slt, %add3A_1062, %lt3A_1064 : vector<16xi32>
    %jit3A_1066 = arith.constant 0.000000e+00 : f32
    %broadcast_in_dim3A_1067 = vector.broadcast %jit3A_1066 : f32 to vector<16xf32>
    %select_n3A_1068 = arith.select %lt3A_1065, %mul3A_1057, %broadcast_in_dim3A_1067 : vector<16xi1>, vector<16xf32>
    %swap3A_1069 = arith.constant 240 : index
    %swap3A_1070 = tpu.vector_load %arg12[%swap3A_1069] {strides = array<i32>} : memref<640xf32, #tpu.memory_space<vmem>>, vector<16xf32>,
    tpu.vector_store %arg12[%swap3A_1069], %select_n3A_1068 {strides = array<i32>} : memref<640xf32, #tpu.memory_space<vmem>>, vector<16xf32>,
    %get3A_1071 = arith.constant 240 : index
    %get3A_1072 = tpu.vector_load %arg11[%get3A_1071] {strides = array<i32>} : memref<640xf32, #tpu.memory_space<vmem>>, vector<16xf32>,
    %swap3A_1073 = arith.constant 240 : index
    %swap3A_1074 = tpu.vector_load %arg13[%swap3A_1073] {strides = array<i32>} : memref<640xf32, #tpu.memory_space<vmem>>, vector<16xf32>,
    tpu.vector_store %arg13[%swap3A_1073], %get3A_1072 {strides = array<i32>} : memref<640xf32, #tpu.memory_space<vmem>>, vector<16xf32>,
    %mul3A_1075 = arith.mulf %select_n3A_1068, %get3A_1072 : vector<16xf32>
    %swap3A_1076 = arith.constant 240 : index
    %swap3A_1077 = tpu.vector_load %arg14[%swap3A_1076] {strides = array<i32>} : memref<640xf32, #tpu.memory_space<vmem>>, vector<16xf32>,
    tpu.vector_store %arg14[%swap3A_1076], %mul3A_1075 {strides = array<i32>} : memref<640xf32, #tpu.memory_space<vmem>>, vector<16xf32>,
    %get3A_1078 = arith.constant 256 : index
    %get3A_1079 = tpu.vector_load %arg15[%get3A_1078] {strides = array<i32>} : memref<640xf32, #tpu.memory_space<vmem>>, vector<16xf32>,
    %add3A_1080 = arith.constant 1.000000e+00 : f32
    %add3A_1081 = vector.broadcast %add3A_1080 : f32 to vector<16xf32>
    %add3A_1082 = arith.addf %get3A_1079, %add3A_1081 : vector<16xf32>
    %bitcast3A_1083 = vector.bitcast %add3A_1082 : vector<16xf32> to vector<16xi32>
    %shift_right_arithmetic3A_1084 = arith.constant 1 : i32
    %shift_right_arithmetic3A_1085 = vector.broadcast %shift_right_arithmetic3A_1084 : i32 to vector<16xi32>
    %shift_right_arithmetic3A_1086 = arith.shrsi %bitcast3A_1083, %shift_right_arithmetic3A_1085 : vector<16xi32>
    %sub3A_1087 = arith.constant 1597463007 : i32
    %sub3A_1088 = vector.broadcast %sub3A_1087 : i32 to vector<16xi32>
    %sub3A_1089 = arith.subi %sub3A_1088, %shift_right_arithmetic3A_1086 : vector<16xi32>
    %bitcast3A_1090 = vector.bitcast %sub3A_1089 : vector<16xi32> to vector<16xf32>
    %mul3A_1091 = arith.constant 5.000000e-01 : f32
    %mul3A_1092 = vector.broadcast %mul3A_1091 : f32 to vector<16xf32>
    %mul3A_1093 = arith.mulf %mul3A_1092, %add3A_1082 : vector<16xf32>
    %mul3A_1094 = arith.mulf %mul3A_1093, %bitcast3A_1090 : vector<16xf32>
    %mul3A_1095 = arith.mulf %mul3A_1094, %bitcast3A_1090 : vector<16xf32>
    %sub3A_1096 = arith.constant 1.500000e+00 : f32
    %sub3A_1097 = vector.broadcast %sub3A_1096 : f32 to vector<16xf32>
    %sub3A_1098 = arith.subf %sub3A_1097, %mul3A_1095 : vector<16xf32>
    %mul3A_1099 = arith.mulf %bitcast3A_1090, %sub3A_1098 : vector<16xf32>
    %mul3A_1100 = arith.mulf %mul3A_1093, %mul3A_1099 : vector<16xf32>
    %mul3A_1101 = arith.mulf %mul3A_1100, %mul3A_1099 : vector<16xf32>
    %sub3A_1102 = arith.constant 1.500000e+00 : f32
    %sub3A_1103 = vector.broadcast %sub3A_1102 : f32 to vector<16xf32>
    %sub3A_1104 = arith.subf %sub3A_1103, %mul3A_1101 : vector<16xf32>
    %mul3A_1105 = arith.mulf %mul3A_1099, %sub3A_1104 : vector<16xf32>
    %mul3A_1106 = arith.mulf %mul3A_1093, %mul3A_1105 : vector<16xf32>
    %mul3A_1107 = arith.mulf %mul3A_1106, %mul3A_1105 : vector<16xf32>
    %sub3A_1108 = arith.constant 1.500000e+00 : f32
    %sub3A_1109 = vector.broadcast %sub3A_1108 : f32 to vector<16xf32>
    %sub3A_1110 = arith.subf %sub3A_1109, %mul3A_1107 : vector<16xf32>
    %mul3A_1111 = arith.mulf %mul3A_1105, %sub3A_1110 : vector<16xf32>
    %iota3A_1112 = tpu.iota {dimensions = array<i32: 0>} : vector<16xi32>
    %add3A_1113 = arith.constant 256 : i32
    %add3A_1114 = arith.addi %mul3A_2, %add3A_1113 : i32
    %add3A_1115 = vector.broadcast %add3A_1114 : i32 to vector<16xi32>
    %add3A_1116 = arith.addi %iota3A_1112, %add3A_1115 : vector<16xi32>
    %lt3A_1117 = arith.constant 10000 : i32
    %lt3A_1118 = vector.broadcast %lt3A_1117 : i32 to vector<16xi32>
    %lt3A_1119 = arith.cmpi slt, %add3A_1116, %lt3A_1118 : vector<16xi32>
    %jit3A_1120 = arith.constant 0.000000e+00 : f32
    %broadcast_in_dim3A_1121 = vector.broadcast %jit3A_1120 : f32 to vector<16xf32>
    %select_n3A_1122 = arith.select %lt3A_1119, %mul3A_1111, %broadcast_in_dim3A_1121 : vector<16xi1>, vector<16xf32>
    %swap3A_1123 = arith.constant 256 : index
    %swap3A_1124 = tpu.vector_load %arg12[%swap3A_1123] {strides = array<i32>} : memref<640xf32, #tpu.memory_space<vmem>>, vector<16xf32>,
    tpu.vector_store %arg12[%swap3A_1123], %select_n3A_1122 {strides = array<i32>} : memref<640xf32, #tpu.memory_space<vmem>>, vector<16xf32>,
    %get3A_1125 = arith.constant 256 : index
    %get3A_1126 = tpu.vector_load %arg11[%get3A_1125] {strides = array<i32>} : memref<640xf32, #tpu.memory_space<vmem>>, vector<16xf32>,
    %swap3A_1127 = arith.constant 256 : index
    %swap3A_1128 = tpu.vector_load %arg13[%swap3A_1127] {strides = array<i32>} : memref<640xf32, #tpu.memory_space<vmem>>, vector<16xf32>,
    tpu.vector_store %arg13[%swap3A_1127], %get3A_1126 {strides = array<i32>} : memref<640xf32, #tpu.memory_space<vmem>>, vector<16xf32>,
    %mul3A_1129 = arith.mulf %select_n3A_1122, %get3A_1126 : vector<16xf32>
    %swap3A_1130 = arith.constant 256 : index
    %swap3A_1131 = tpu.vector_load %arg14[%swap3A_1130] {strides = array<i32>} : memref<640xf32, #tpu.memory_space<vmem>>, vector<16xf32>,
    tpu.vector_store %arg14[%swap3A_1130], %mul3A_1129 {strides = array<i32>} : memref<640xf32, #tpu.memory_space<vmem>>, vector<16xf32>,
    %get3A_1132 = arith.constant 272 : index
    %get3A_1133 = tpu.vector_load %arg15[%get3A_1132] {strides = array<i32>} : memref<640xf32, #tpu.memory_space<vmem>>, vector<16xf32>,
    %add3A_1134 = arith.constant 1.000000e+00 : f32
    %add3A_1135 = vector.broadcast %add3A_1134 : f32 to vector<16xf32>
    %add3A_1136 = arith.addf %get3A_1133, %add3A_1135 : vector<16xf32>
    %bitcast3A_1137 = vector.bitcast %add3A_1136 : vector<16xf32> to vector<16xi32>
    %shift_right_arithmetic3A_1138 = arith.constant 1 : i32
    %shift_right_arithmetic3A_1139 = vector.broadcast %shift_right_arithmetic3A_1138 : i32 to vector<16xi32>
    %shift_right_arithmetic3A_1140 = arith.shrsi %bitcast3A_1137, %shift_right_arithmetic3A_1139 : vector<16xi32>
    %sub3A_1141 = arith.constant 1597463007 : i32
    %sub3A_1142 = vector.broadcast %sub3A_1141 : i32 to vector<16xi32>
    %sub3A_1143 = arith.subi %sub3A_1142, %shift_right_arithmetic3A_1140 : vector<16xi32>
    %bitcast3A_1144 = vector.bitcast %sub3A_1143 : vector<16xi32> to vector<16xf32>
    %mul3A_1145 = arith.constant 5.000000e-01 : f32
    %mul3A_1146 = vector.broadcast %mul3A_1145 : f32 to vector<16xf32>
    %mul3A_1147 = arith.mulf %mul3A_1146, %add3A_1136 : vector<16xf32>
    %mul3A_1148 = arith.mulf %mul3A_1147, %bitcast3A_1144 : vector<16xf32>
    %mul3A_1149 = arith.mulf %mul3A_1148, %bitcast3A_1144 : vector<16xf32>
    %sub3A_1150 = arith.constant 1.500000e+00 : f32
    %sub3A_1151 = vector.broadcast %sub3A_1150 : f32 to vector<16xf32>
    %sub3A_1152 = arith.subf %sub3A_1151, %mul3A_1149 : vector<16xf32>
    %mul3A_1153 = arith.mulf %bitcast3A_1144, %sub3A_1152 : vector<16xf32>
    %mul3A_1154 = arith.mulf %mul3A_1147, %mul3A_1153 : vector<16xf32>
    %mul3A_1155 = arith.mulf %mul3A_1154, %mul3A_1153 : vector<16xf32>
    %sub3A_1156 = arith.constant 1.500000e+00 : f32
    %sub3A_1157 = vector.broadcast %sub3A_1156 : f32 to vector<16xf32>
    %sub3A_1158 = arith.subf %sub3A_1157, %mul3A_1155 : vector<16xf32>
    %mul3A_1159 = arith.mulf %mul3A_1153, %sub3A_1158 : vector<16xf32>
    %mul3A_1160 = arith.mulf %mul3A_1147, %mul3A_1159 : vector<16xf32>
    %mul3A_1161 = arith.mulf %mul3A_1160, %mul3A_1159 : vector<16xf32>
    %sub3A_1162 = arith.constant 1.500000e+00 : f32
    %sub3A_1163 = vector.broadcast %sub3A_1162 : f32 to vector<16xf32>
    %sub3A_1164 = arith.subf %sub3A_1163, %mul3A_1161 : vector<16xf32>
    %mul3A_1165 = arith.mulf %mul3A_1159, %sub3A_1164 : vector<16xf32>
    %iota3A_1166 = tpu.iota {dimensions = array<i32: 0>} : vector<16xi32>
    %add3A_1167 = arith.constant 272 : i32
    %add3A_1168 = arith.addi %mul3A_2, %add3A_1167 : i32
    %add3A_1169 = vector.broadcast %add3A_1168 : i32 to vector<16xi32>
    %add3A_1170 = arith.addi %iota3A_1166, %add3A_1169 : vector<16xi32>
    %lt3A_1171 = arith.constant 10000 : i32
    %lt3A_1172 = vector.broadcast %lt3A_1171 : i32 to vector<16xi32>
    %lt3A_1173 = arith.cmpi slt, %add3A_1170, %lt3A_1172 : vector<16xi32>
    %jit3A_1174 = arith.constant 0.000000e+00 : f32
    %broadcast_in_dim3A_1175 = vector.broadcast %jit3A_1174 : f32 to vector<16xf32>
    %select_n3A_1176 = arith.select %lt3A_1173, %mul3A_1165, %broadcast_in_dim3A_1175 : vector<16xi1>, vector<16xf32>
    %swap3A_1177 = arith.constant 272 : index
    %swap3A_1178 = tpu.vector_load %arg12[%swap3A_1177] {strides = array<i32>} : memref<640xf32, #tpu.memory_space<vmem>>, vector<16xf32>,
    tpu.vector_store %arg12[%swap3A_1177], %select_n3A_1176 {strides = array<i32>} : memref<640xf32, #tpu.memory_space<vmem>>, vector<16xf32>,
    %get3A_1179 = arith.constant 272 : index
    %get3A_1180 = tpu.vector_load %arg11[%get3A_1179] {strides = array<i32>} : memref<640xf32, #tpu.memory_space<vmem>>, vector<16xf32>,
    %swap3A_1181 = arith.constant 272 : index
    %swap3A_1182 = tpu.vector_load %arg13[%swap3A_1181] {strides = array<i32>} : memref<640xf32, #tpu.memory_space<vmem>>, vector<16xf32>,
    tpu.vector_store %arg13[%swap3A_1181], %get3A_1180 {strides = array<i32>} : memref<640xf32, #tpu.memory_space<vmem>>, vector<16xf32>,
    %mul3A_1183 = arith.mulf %select_n3A_1176, %get3A_1180 : vector<16xf32>
    %swap3A_1184 = arith.constant 272 : index
    %swap3A_1185 = tpu.vector_load %arg14[%swap3A_1184] {strides = array<i32>} : memref<640xf32, #tpu.memory_space<vmem>>, vector<16xf32>,
    tpu.vector_store %arg14[%swap3A_1184], %mul3A_1183 {strides = array<i32>} : memref<640xf32, #tpu.memory_space<vmem>>, vector<16xf32>,
    %get3A_1186 = arith.constant 288 : index
    %get3A_1187 = tpu.vector_load %arg15[%get3A_1186] {strides = array<i32>} : memref<640xf32, #tpu.memory_space<vmem>>, vector<16xf32>,
    %add3A_1188 = arith.constant 1.000000e+00 : f32
    %add3A_1189 = vector.broadcast %add3A_1188 : f32 to vector<16xf32>
    %add3A_1190 = arith.addf %get3A_1187, %add3A_1189 : vector<16xf32>
    %bitcast3A_1191 = vector.bitcast %add3A_1190 : vector<16xf32> to vector<16xi32>
    %shift_right_arithmetic3A_1192 = arith.constant 1 : i32
    %shift_right_arithmetic3A_1193 = vector.broadcast %shift_right_arithmetic3A_1192 : i32 to vector<16xi32>
    %shift_right_arithmetic3A_1194 = arith.shrsi %bitcast3A_1191, %shift_right_arithmetic3A_1193 : vector<16xi32>
    %sub3A_1195 = arith.constant 1597463007 : i32
    %sub3A_1196 = vector.broadcast %sub3A_1195 : i32 to vector<16xi32>
    %sub3A_1197 = arith.subi %sub3A_1196, %shift_right_arithmetic3A_1194 : vector<16xi32>
    %bitcast3A_1198 = vector.bitcast %sub3A_1197 : vector<16xi32> to vector<16xf32>
    %mul3A_1199 = arith.constant 5.000000e-01 : f32
    %mul3A_1200 = vector.broadcast %mul3A_1199 : f32 to vector<16xf32>
    %mul3A_1201 = arith.mulf %mul3A_1200, %add3A_1190 : vector<16xf32>
    %mul3A_1202 = arith.mulf %mul3A_1201, %bitcast3A_1198 : vector<16xf32>
    %mul3A_1203 = arith.mulf %mul3A_1202, %bitcast3A_1198 : vector<16xf32>
    %sub3A_1204 = arith.constant 1.500000e+00 : f32
    %sub3A_1205 = vector.broadcast %sub3A_1204 : f32 to vector<16xf32>
    %sub3A_1206 = arith.subf %sub3A_1205, %mul3A_1203 : vector<16xf32>
    %mul3A_1207 = arith.mulf %bitcast3A_1198, %sub3A_1206 : vector<16xf32>
    %mul3A_1208 = arith.mulf %mul3A_1201, %mul3A_1207 : vector<16xf32>
    %mul3A_1209 = arith.mulf %mul3A_1208, %mul3A_1207 : vector<16xf32>
    %sub3A_1210 = arith.constant 1.500000e+00 : f32
    %sub3A_1211 = vector.broadcast %sub3A_1210 : f32 to vector<16xf32>
    %sub3A_1212 = arith.subf %sub3A_1211, %mul3A_1209 : vector<16xf32>
    %mul3A_1213 = arith.mulf %mul3A_1207, %sub3A_1212 : vector<16xf32>
    %mul3A_1214 = arith.mulf %mul3A_1201, %mul3A_1213 : vector<16xf32>
    %mul3A_1215 = arith.mulf %mul3A_1214, %mul3A_1213 : vector<16xf32>
    %sub3A_1216 = arith.constant 1.500000e+00 : f32
    %sub3A_1217 = vector.broadcast %sub3A_1216 : f32 to vector<16xf32>
    %sub3A_1218 = arith.subf %sub3A_1217, %mul3A_1215 : vector<16xf32>
    %mul3A_1219 = arith.mulf %mul3A_1213, %sub3A_1218 : vector<16xf32>
    %iota3A_1220 = tpu.iota {dimensions = array<i32: 0>} : vector<16xi32>
    %add3A_1221 = arith.constant 288 : i32
    %add3A_1222 = arith.addi %mul3A_2, %add3A_1221 : i32
    %add3A_1223 = vector.broadcast %add3A_1222 : i32 to vector<16xi32>
    %add3A_1224 = arith.addi %iota3A_1220, %add3A_1223 : vector<16xi32>
    %lt3A_1225 = arith.constant 10000 : i32
    %lt3A_1226 = vector.broadcast %lt3A_1225 : i32 to vector<16xi32>
    %lt3A_1227 = arith.cmpi slt, %add3A_1224, %lt3A_1226 : vector<16xi32>
    %jit3A_1228 = arith.constant 0.000000e+00 : f32
    %broadcast_in_dim3A_1229 = vector.broadcast %jit3A_1228 : f32 to vector<16xf32>
    %select_n3A_1230 = arith.select %lt3A_1227, %mul3A_1219, %broadcast_in_dim3A_1229 : vector<16xi1>, vector<16xf32>
    %swap3A_1231 = arith.constant 288 : index
    %swap3A_1232 = tpu.vector_load %arg12[%swap3A_1231] {strides = array<i32>} : memref<640xf32, #tpu.memory_space<vmem>>, vector<16xf32>,
    tpu.vector_store %arg12[%swap3A_1231], %select_n3A_1230 {strides = array<i32>} : memref<640xf32, #tpu.memory_space<vmem>>, vector<16xf32>,
    %get3A_1233 = arith.constant 288 : index
    %get3A_1234 = tpu.vector_load %arg11[%get3A_1233] {strides = array<i32>} : memref<640xf32, #tpu.memory_space<vmem>>, vector<16xf32>,
    %swap3A_1235 = arith.constant 288 : index
    %swap3A_1236 = tpu.vector_load %arg13[%swap3A_1235] {strides = array<i32>} : memref<640xf32, #tpu.memory_space<vmem>>, vector<16xf32>,
    tpu.vector_store %arg13[%swap3A_1235], %get3A_1234 {strides = array<i32>} : memref<640xf32, #tpu.memory_space<vmem>>, vector<16xf32>,
    %mul3A_1237 = arith.mulf %select_n3A_1230, %get3A_1234 : vector<16xf32>
    %swap3A_1238 = arith.constant 288 : index
    %swap3A_1239 = tpu.vector_load %arg14[%swap3A_1238] {strides = array<i32>} : memref<640xf32, #tpu.memory_space<vmem>>, vector<16xf32>,
    tpu.vector_store %arg14[%swap3A_1238], %mul3A_1237 {strides = array<i32>} : memref<640xf32, #tpu.memory_space<vmem>>, vector<16xf32>,
    %get3A_1240 = arith.constant 304 : index
    %get3A_1241 = tpu.vector_load %arg15[%get3A_1240] {strides = array<i32>} : memref<640xf32, #tpu.memory_space<vmem>>, vector<16xf32>,
    %add3A_1242 = arith.constant 1.000000e+00 : f32
    %add3A_1243 = vector.broadcast %add3A_1242 : f32 to vector<16xf32>
    %add3A_1244 = arith.addf %get3A_1241, %add3A_1243 : vector<16xf32>
    %bitcast3A_1245 = vector.bitcast %add3A_1244 : vector<16xf32> to vector<16xi32>
    %shift_right_arithmetic3A_1246 = arith.constant 1 : i32
    %shift_right_arithmetic3A_1247 = vector.broadcast %shift_right_arithmetic3A_1246 : i32 to vector<16xi32>
    %shift_right_arithmetic3A_1248 = arith.shrsi %bitcast3A_1245, %shift_right_arithmetic3A_1247 : vector<16xi32>
    %sub3A_1249 = arith.constant 1597463007 : i32
    %sub3A_1250 = vector.broadcast %sub3A_1249 : i32 to vector<16xi32>
    %sub3A_1251 = arith.subi %sub3A_1250, %shift_right_arithmetic3A_1248 : vector<16xi32>
    %bitcast3A_1252 = vector.bitcast %sub3A_1251 : vector<16xi32> to vector<16xf32>
    %mul3A_1253 = arith.constant 5.000000e-01 : f32
    %mul3A_1254 = vector.broadcast %mul3A_1253 : f32 to vector<16xf32>
    %mul3A_1255 = arith.mulf %mul3A_1254, %add3A_1244 : vector<16xf32>
    %mul3A_1256 = arith.mulf %mul3A_1255, %bitcast3A_1252 : vector<16xf32>
    %mul3A_1257 = arith.mulf %mul3A_1256, %bitcast3A_1252 : vector<16xf32>
    %sub3A_1258 = arith.constant 1.500000e+00 : f32
    %sub3A_1259 = vector.broadcast %sub3A_1258 : f32 to vector<16xf32>
    %sub3A_1260 = arith.subf %sub3A_1259, %mul3A_1257 : vector<16xf32>
    %mul3A_1261 = arith.mulf %bitcast3A_1252, %sub3A_1260 : vector<16xf32>
    %mul3A_1262 = arith.mulf %mul3A_1255, %mul3A_1261 : vector<16xf32>
    %mul3A_1263 = arith.mulf %mul3A_1262, %mul3A_1261 : vector<16xf32>
    %sub3A_1264 = arith.constant 1.500000e+00 : f32
    %sub3A_1265 = vector.broadcast %sub3A_1264 : f32 to vector<16xf32>
    %sub3A_1266 = arith.subf %sub3A_1265, %mul3A_1263 : vector<16xf32>
    %mul3A_1267 = arith.mulf %mul3A_1261, %sub3A_1266 : vector<16xf32>
    %mul3A_1268 = arith.mulf %mul3A_1255, %mul3A_1267 : vector<16xf32>
    %mul3A_1269 = arith.mulf %mul3A_1268, %mul3A_1267 : vector<16xf32>
    %sub3A_1270 = arith.constant 1.500000e+00 : f32
    %sub3A_1271 = vector.broadcast %sub3A_1270 : f32 to vector<16xf32>
    %sub3A_1272 = arith.subf %sub3A_1271, %mul3A_1269 : vector<16xf32>
    %mul3A_1273 = arith.mulf %mul3A_1267, %sub3A_1272 : vector<16xf32>
    %iota3A_1274 = tpu.iota {dimensions = array<i32: 0>} : vector<16xi32>
    %add3A_1275 = arith.constant 304 : i32
    %add3A_1276 = arith.addi %mul3A_2, %add3A_1275 : i32
    %add3A_1277 = vector.broadcast %add3A_1276 : i32 to vector<16xi32>
    %add3A_1278 = arith.addi %iota3A_1274, %add3A_1277 : vector<16xi32>
    %lt3A_1279 = arith.constant 10000 : i32
    %lt3A_1280 = vector.broadcast %lt3A_1279 : i32 to vector<16xi32>
    %lt3A_1281 = arith.cmpi slt, %add3A_1278, %lt3A_1280 : vector<16xi32>
    %jit3A_1282 = arith.constant 0.000000e+00 : f32
    %broadcast_in_dim3A_1283 = vector.broadcast %jit3A_1282 : f32 to vector<16xf32>
    %select_n3A_1284 = arith.select %lt3A_1281, %mul3A_1273, %broadcast_in_dim3A_1283 : vector<16xi1>, vector<16xf32>
    %swap3A_1285 = arith.constant 304 : index
    %swap3A_1286 = tpu.vector_load %arg12[%swap3A_1285] {strides = array<i32>} : memref<640xf32, #tpu.memory_space<vmem>>, vector<16xf32>,
    tpu.vector_store %arg12[%swap3A_1285], %select_n3A_1284 {strides = array<i32>} : memref<640xf32, #tpu.memory_space<vmem>>, vector<16xf32>,
    %get3A_1287 = arith.constant 304 : index
    %get3A_1288 = tpu.vector_load %arg11[%get3A_1287] {strides = array<i32>} : memref<640xf32, #tpu.memory_space<vmem>>, vector<16xf32>,
    %swap3A_1289 = arith.constant 304 : index
    %swap3A_1290 = tpu.vector_load %arg13[%swap3A_1289] {strides = array<i32>} : memref<640xf32, #tpu.memory_space<vmem>>, vector<16xf32>,
    tpu.vector_store %arg13[%swap3A_1289], %get3A_1288 {strides = array<i32>} : memref<640xf32, #tpu.memory_space<vmem>>, vector<16xf32>,
    %mul3A_1291 = arith.mulf %select_n3A_1284, %get3A_1288 : vector<16xf32>
    %swap3A_1292 = arith.constant 304 : index
    %swap3A_1293 = tpu.vector_load %arg14[%swap3A_1292] {strides = array<i32>} : memref<640xf32, #tpu.memory_space<vmem>>, vector<16xf32>,
    tpu.vector_store %arg14[%swap3A_1292], %mul3A_1291 {strides = array<i32>} : memref<640xf32, #tpu.memory_space<vmem>>, vector<16xf32>,
    %get3A_1294 = arith.constant 320 : index
    %get3A_1295 = tpu.vector_load %arg15[%get3A_1294] {strides = array<i32>} : memref<640xf32, #tpu.memory_space<vmem>>, vector<16xf32>,
    %add3A_1296 = arith.constant 1.000000e+00 : f32
    %add3A_1297 = vector.broadcast %add3A_1296 : f32 to vector<16xf32>
    %add3A_1298 = arith.addf %get3A_1295, %add3A_1297 : vector<16xf32>
    %bitcast3A_1299 = vector.bitcast %add3A_1298 : vector<16xf32> to vector<16xi32>
    %shift_right_arithmetic3A_1300 = arith.constant 1 : i32
    %shift_right_arithmetic3A_1301 = vector.broadcast %shift_right_arithmetic3A_1300 : i32 to vector<16xi32>
    %shift_right_arithmetic3A_1302 = arith.shrsi %bitcast3A_1299, %shift_right_arithmetic3A_1301 : vector<16xi32>
    %sub3A_1303 = arith.constant 1597463007 : i32
    %sub3A_1304 = vector.broadcast %sub3A_1303 : i32 to vector<16xi32>
    %sub3A_1305 = arith.subi %sub3A_1304, %shift_right_arithmetic3A_1302 : vector<16xi32>
    %bitcast3A_1306 = vector.bitcast %sub3A_1305 : vector<16xi32> to vector<16xf32>
    %mul3A_1307 = arith.constant 5.000000e-01 : f32
    %mul3A_1308 = vector.broadcast %mul3A_1307 : f32 to vector<16xf32>
    %mul3A_1309 = arith.mulf %mul3A_1308, %add3A_1298 : vector<16xf32>
    %mul3A_1310 = arith.mulf %mul3A_1309, %bitcast3A_1306 : vector<16xf32>
    %mul3A_1311 = arith.mulf %mul3A_1310, %bitcast3A_1306 : vector<16xf32>
    %sub3A_1312 = arith.constant 1.500000e+00 : f32
    %sub3A_1313 = vector.broadcast %sub3A_1312 : f32 to vector<16xf32>
    %sub3A_1314 = arith.subf %sub3A_1313, %mul3A_1311 : vector<16xf32>
    %mul3A_1315 = arith.mulf %bitcast3A_1306, %sub3A_1314 : vector<16xf32>
    %mul3A_1316 = arith.mulf %mul3A_1309, %mul3A_1315 : vector<16xf32>
    %mul3A_1317 = arith.mulf %mul3A_1316, %mul3A_1315 : vector<16xf32>
    %sub3A_1318 = arith.constant 1.500000e+00 : f32
    %sub3A_1319 = vector.broadcast %sub3A_1318 : f32 to vector<16xf32>
    %sub3A_1320 = arith.subf %sub3A_1319, %mul3A_1317 : vector<16xf32>
    %mul3A_1321 = arith.mulf %mul3A_1315, %sub3A_1320 : vector<16xf32>
    %mul3A_1322 = arith.mulf %mul3A_1309, %mul3A_1321 : vector<16xf32>
    %mul3A_1323 = arith.mulf %mul3A_1322, %mul3A_1321 : vector<16xf32>
    %sub3A_1324 = arith.constant 1.500000e+00 : f32
    %sub3A_1325 = vector.broadcast %sub3A_1324 : f32 to vector<16xf32>
    %sub3A_1326 = arith.subf %sub3A_1325, %mul3A_1323 : vector<16xf32>
    %mul3A_1327 = arith.mulf %mul3A_1321, %sub3A_1326 : vector<16xf32>
    %iota3A_1328 = tpu.iota {dimensions = array<i32: 0>} : vector<16xi32>
    %add3A_1329 = arith.constant 320 : i32
    %add3A_1330 = arith.addi %mul3A_2, %add3A_1329 : i32
    %add3A_1331 = vector.broadcast %add3A_1330 : i32 to vector<16xi32>
    %add3A_1332 = arith.addi %iota3A_1328, %add3A_1331 : vector<16xi32>
    %lt3A_1333 = arith.constant 10000 : i32
    %lt3A_1334 = vector.broadcast %lt3A_1333 : i32 to vector<16xi32>
    %lt3A_1335 = arith.cmpi slt, %add3A_1332, %lt3A_1334 : vector<16xi32>
    %jit3A_1336 = arith.constant 0.000000e+00 : f32
    %broadcast_in_dim3A_1337 = vector.broadcast %jit3A_1336 : f32 to vector<16xf32>
    %select_n3A_1338 = arith.select %lt3A_1335, %mul3A_1327, %broadcast_in_dim3A_1337 : vector<16xi1>, vector<16xf32>
    %swap3A_1339 = arith.constant 320 : index
    %swap3A_1340 = tpu.vector_load %arg12[%swap3A_1339] {strides = array<i32>} : memref<640xf32, #tpu.memory_space<vmem>>, vector<16xf32>,
    tpu.vector_store %arg12[%swap3A_1339], %select_n3A_1338 {strides = array<i32>} : memref<640xf32, #tpu.memory_space<vmem>>, vector<16xf32>,
    %get3A_1341 = arith.constant 320 : index
    %get3A_1342 = tpu.vector_load %arg11[%get3A_1341] {strides = array<i32>} : memref<640xf32, #tpu.memory_space<vmem>>, vector<16xf32>,
    %swap3A_1343 = arith.constant 320 : index
    %swap3A_1344 = tpu.vector_load %arg13[%swap3A_1343] {strides = array<i32>} : memref<640xf32, #tpu.memory_space<vmem>>, vector<16xf32>,
    tpu.vector_store %arg13[%swap3A_1343], %get3A_1342 {strides = array<i32>} : memref<640xf32, #tpu.memory_space<vmem>>, vector<16xf32>,
    %mul3A_1345 = arith.mulf %select_n3A_1338, %get3A_1342 : vector<16xf32>
    %swap3A_1346 = arith.constant 320 : index
    %swap3A_1347 = tpu.vector_load %arg14[%swap3A_1346] {strides = array<i32>} : memref<640xf32, #tpu.memory_space<vmem>>, vector<16xf32>,
    tpu.vector_store %arg14[%swap3A_1346], %mul3A_1345 {strides = array<i32>} : memref<640xf32, #tpu.memory_space<vmem>>, vector<16xf32>,
    %get3A_1348 = arith.constant 336 : index
    %get3A_1349 = tpu.vector_load %arg15[%get3A_1348] {strides = array<i32>} : memref<640xf32, #tpu.memory_space<vmem>>, vector<16xf32>,
    %add3A_1350 = arith.constant 1.000000e+00 : f32
    %add3A_1351 = vector.broadcast %add3A_1350 : f32 to vector<16xf32>
    %add3A_1352 = arith.addf %get3A_1349, %add3A_1351 : vector<16xf32>
    %bitcast3A_1353 = vector.bitcast %add3A_1352 : vector<16xf32> to vector<16xi32>
    %shift_right_arithmetic3A_1354 = arith.constant 1 : i32
    %shift_right_arithmetic3A_1355 = vector.broadcast %shift_right_arithmetic3A_1354 : i32 to vector<16xi32>
    %shift_right_arithmetic3A_1356 = arith.shrsi %bitcast3A_1353, %shift_right_arithmetic3A_1355 : vector<16xi32>
    %sub3A_1357 = arith.constant 1597463007 : i32
    %sub3A_1358 = vector.broadcast %sub3A_1357 : i32 to vector<16xi32>
    %sub3A_1359 = arith.subi %sub3A_1358, %shift_right_arithmetic3A_1356 : vector<16xi32>
    %bitcast3A_1360 = vector.bitcast %sub3A_1359 : vector<16xi32> to vector<16xf32>
    %mul3A_1361 = arith.constant 5.000000e-01 : f32
    %mul3A_1362 = vector.broadcast %mul3A_1361 : f32 to vector<16xf32>
    %mul3A_1363 = arith.mulf %mul3A_1362, %add3A_1352 : vector<16xf32>
    %mul3A_1364 = arith.mulf %mul3A_1363, %bitcast3A_1360 : vector<16xf32>
    %mul3A_1365 = arith.mulf %mul3A_1364, %bitcast3A_1360 : vector<16xf32>
    %sub3A_1366 = arith.constant 1.500000e+00 : f32
    %sub3A_1367 = vector.broadcast %sub3A_1366 : f32 to vector<16xf32>
    %sub3A_1368 = arith.subf %sub3A_1367, %mul3A_1365 : vector<16xf32>
    %mul3A_1369 = arith.mulf %bitcast3A_1360, %sub3A_1368 : vector<16xf32>
    %mul3A_1370 = arith.mulf %mul3A_1363, %mul3A_1369 : vector<16xf32>
    %mul3A_1371 = arith.mulf %mul3A_1370, %mul3A_1369 : vector<16xf32>
    %sub3A_1372 = arith.constant 1.500000e+00 : f32
    %sub3A_1373 = vector.broadcast %sub3A_1372 : f32 to vector<16xf32>
    %sub3A_1374 = arith.subf %sub3A_1373, %mul3A_1371 : vector<16xf32>
    %mul3A_1375 = arith.mulf %mul3A_1369, %sub3A_1374 : vector<16xf32>
    %mul3A_1376 = arith.mulf %mul3A_1363, %mul3A_1375 : vector<16xf32>
    %mul3A_1377 = arith.mulf %mul3A_1376, %mul3A_1375 : vector<16xf32>
    %sub3A_1378 = arith.constant 1.500000e+00 : f32
    %sub3A_1379 = vector.broadcast %sub3A_1378 : f32 to vector<16xf32>
    %sub3A_1380 = arith.subf %sub3A_1379, %mul3A_1377 : vector<16xf32>
    %mul3A_1381 = arith.mulf %mul3A_1375, %sub3A_1380 : vector<16xf32>
    %iota3A_1382 = tpu.iota {dimensions = array<i32: 0>} : vector<16xi32>
    %add3A_1383 = arith.constant 336 : i32
    %add3A_1384 = arith.addi %mul3A_2, %add3A_1383 : i32
    %add3A_1385 = vector.broadcast %add3A_1384 : i32 to vector<16xi32>
    %add3A_1386 = arith.addi %iota3A_1382, %add3A_1385 : vector<16xi32>
    %lt3A_1387 = arith.constant 10000 : i32
    %lt3A_1388 = vector.broadcast %lt3A_1387 : i32 to vector<16xi32>
    %lt3A_1389 = arith.cmpi slt, %add3A_1386, %lt3A_1388 : vector<16xi32>
    %jit3A_1390 = arith.constant 0.000000e+00 : f32
    %broadcast_in_dim3A_1391 = vector.broadcast %jit3A_1390 : f32 to vector<16xf32>
    %select_n3A_1392 = arith.select %lt3A_1389, %mul3A_1381, %broadcast_in_dim3A_1391 : vector<16xi1>, vector<16xf32>
    %swap3A_1393 = arith.constant 336 : index
    %swap3A_1394 = tpu.vector_load %arg12[%swap3A_1393] {strides = array<i32>} : memref<640xf32, #tpu.memory_space<vmem>>, vector<16xf32>,
    tpu.vector_store %arg12[%swap3A_1393], %select_n3A_1392 {strides = array<i32>} : memref<640xf32, #tpu.memory_space<vmem>>, vector<16xf32>,
    %get3A_1395 = arith.constant 336 : index
    %get3A_1396 = tpu.vector_load %arg11[%get3A_1395] {strides = array<i32>} : memref<640xf32, #tpu.memory_space<vmem>>, vector<16xf32>,
    %swap3A_1397 = arith.constant 336 : index
    %swap3A_1398 = tpu.vector_load %arg13[%swap3A_1397] {strides = array<i32>} : memref<640xf32, #tpu.memory_space<vmem>>, vector<16xf32>,
    tpu.vector_store %arg13[%swap3A_1397], %get3A_1396 {strides = array<i32>} : memref<640xf32, #tpu.memory_space<vmem>>, vector<16xf32>,
    %mul3A_1399 = arith.mulf %select_n3A_1392, %get3A_1396 : vector<16xf32>
    %swap3A_1400 = arith.constant 336 : index
    %swap3A_1401 = tpu.vector_load %arg14[%swap3A_1400] {strides = array<i32>} : memref<640xf32, #tpu.memory_space<vmem>>, vector<16xf32>,
    tpu.vector_store %arg14[%swap3A_1400], %mul3A_1399 {strides = array<i32>} : memref<640xf32, #tpu.memory_space<vmem>>, vector<16xf32>,
    %get3A_1402 = arith.constant 352 : index
    %get3A_1403 = tpu.vector_load %arg15[%get3A_1402] {strides = array<i32>} : memref<640xf32, #tpu.memory_space<vmem>>, vector<16xf32>,
    %add3A_1404 = arith.constant 1.000000e+00 : f32
    %add3A_1405 = vector.broadcast %add3A_1404 : f32 to vector<16xf32>
    %add3A_1406 = arith.addf %get3A_1403, %add3A_1405 : vector<16xf32>
    %bitcast3A_1407 = vector.bitcast %add3A_1406 : vector<16xf32> to vector<16xi32>
    %shift_right_arithmetic3A_1408 = arith.constant 1 : i32
    %shift_right_arithmetic3A_1409 = vector.broadcast %shift_right_arithmetic3A_1408 : i32 to vector<16xi32>
    %shift_right_arithmetic3A_1410 = arith.shrsi %bitcast3A_1407, %shift_right_arithmetic3A_1409 : vector<16xi32>
    %sub3A_1411 = arith.constant 1597463007 : i32
    %sub3A_1412 = vector.broadcast %sub3A_1411 : i32 to vector<16xi32>
    %sub3A_1413 = arith.subi %sub3A_1412, %shift_right_arithmetic3A_1410 : vector<16xi32>
    %bitcast3A_1414 = vector.bitcast %sub3A_1413 : vector<16xi32> to vector<16xf32>
    %mul3A_1415 = arith.constant 5.000000e-01 : f32
    %mul3A_1416 = vector.broadcast %mul3A_1415 : f32 to vector<16xf32>
    %mul3A_1417 = arith.mulf %mul3A_1416, %add3A_1406 : vector<16xf32>
    %mul3A_1418 = arith.mulf %mul3A_1417, %bitcast3A_1414 : vector<16xf32>
    %mul3A_1419 = arith.mulf %mul3A_1418, %bitcast3A_1414 : vector<16xf32>
    %sub3A_1420 = arith.constant 1.500000e+00 : f32
    %sub3A_1421 = vector.broadcast %sub3A_1420 : f32 to vector<16xf32>
    %sub3A_1422 = arith.subf %sub3A_1421, %mul3A_1419 : vector<16xf32>
    %mul3A_1423 = arith.mulf %bitcast3A_1414, %sub3A_1422 : vector<16xf32>
    %mul3A_1424 = arith.mulf %mul3A_1417, %mul3A_1423 : vector<16xf32>
    %mul3A_1425 = arith.mulf %mul3A_1424, %mul3A_1423 : vector<16xf32>
    %sub3A_1426 = arith.constant 1.500000e+00 : f32
    %sub3A_1427 = vector.broadcast %sub3A_1426 : f32 to vector<16xf32>
    %sub3A_1428 = arith.subf %sub3A_1427, %mul3A_1425 : vector<16xf32>
    %mul3A_1429 = arith.mulf %mul3A_1423, %sub3A_1428 : vector<16xf32>
    %mul3A_1430 = arith.mulf %mul3A_1417, %mul3A_1429 : vector<16xf32>
    %mul3A_1431 = arith.mulf %mul3A_1430, %mul3A_1429 : vector<16xf32>
    %sub3A_1432 = arith.constant 1.500000e+00 : f32
    %sub3A_1433 = vector.broadcast %sub3A_1432 : f32 to vector<16xf32>
    %sub3A_1434 = arith.subf %sub3A_1433, %mul3A_1431 : vector<16xf32>
    %mul3A_1435 = arith.mulf %mul3A_1429, %sub3A_1434 : vector<16xf32>
    %iota3A_1436 = tpu.iota {dimensions = array<i32: 0>} : vector<16xi32>
    %add3A_1437 = arith.constant 352 : i32
    %add3A_1438 = arith.addi %mul3A_2, %add3A_1437 : i32
    %add3A_1439 = vector.broadcast %add3A_1438 : i32 to vector<16xi32>
    %add3A_1440 = arith.addi %iota3A_1436, %add3A_1439 : vector<16xi32>
    %lt3A_1441 = arith.constant 10000 : i32
    %lt3A_1442 = vector.broadcast %lt3A_1441 : i32 to vector<16xi32>
    %lt3A_1443 = arith.cmpi slt, %add3A_1440, %lt3A_1442 : vector<16xi32>
    %jit3A_1444 = arith.constant 0.000000e+00 : f32
    %broadcast_in_dim3A_1445 = vector.broadcast %jit3A_1444 : f32 to vector<16xf32>
    %select_n3A_1446 = arith.select %lt3A_1443, %mul3A_1435, %broadcast_in_dim3A_1445 : vector<16xi1>, vector<16xf32>
    %swap3A_1447 = arith.constant 352 : index
    %swap3A_1448 = tpu.vector_load %arg12[%swap3A_1447] {strides = array<i32>} : memref<640xf32, #tpu.memory_space<vmem>>, vector<16xf32>,
    tpu.vector_store %arg12[%swap3A_1447], %select_n3A_1446 {strides = array<i32>} : memref<640xf32, #tpu.memory_space<vmem>>, vector<16xf32>,
    %get3A_1449 = arith.constant 352 : index
    %get3A_1450 = tpu.vector_load %arg11[%get3A_1449] {strides = array<i32>} : memref<640xf32, #tpu.memory_space<vmem>>, vector<16xf32>,
    %swap3A_1451 = arith.constant 352 : index
    %swap3A_1452 = tpu.vector_load %arg13[%swap3A_1451] {strides = array<i32>} : memref<640xf32, #tpu.memory_space<vmem>>, vector<16xf32>,
    tpu.vector_store %arg13[%swap3A_1451], %get3A_1450 {strides = array<i32>} : memref<640xf32, #tpu.memory_space<vmem>>, vector<16xf32>,
    %mul3A_1453 = arith.mulf %select_n3A_1446, %get3A_1450 : vector<16xf32>
    %swap3A_1454 = arith.constant 352 : index
    %swap3A_1455 = tpu.vector_load %arg14[%swap3A_1454] {strides = array<i32>} : memref<640xf32, #tpu.memory_space<vmem>>, vector<16xf32>,
    tpu.vector_store %arg14[%swap3A_1454], %mul3A_1453 {strides = array<i32>} : memref<640xf32, #tpu.memory_space<vmem>>, vector<16xf32>,
    %get3A_1456 = arith.constant 368 : index
    %get3A_1457 = tpu.vector_load %arg15[%get3A_1456] {strides = array<i32>} : memref<640xf32, #tpu.memory_space<vmem>>, vector<16xf32>,
    %add3A_1458 = arith.constant 1.000000e+00 : f32
    %add3A_1459 = vector.broadcast %add3A_1458 : f32 to vector<16xf32>
    %add3A_1460 = arith.addf %get3A_1457, %add3A_1459 : vector<16xf32>
    %bitcast3A_1461 = vector.bitcast %add3A_1460 : vector<16xf32> to vector<16xi32>
    %shift_right_arithmetic3A_1462 = arith.constant 1 : i32
    %shift_right_arithmetic3A_1463 = vector.broadcast %shift_right_arithmetic3A_1462 : i32 to vector<16xi32>
    %shift_right_arithmetic3A_1464 = arith.shrsi %bitcast3A_1461, %shift_right_arithmetic3A_1463 : vector<16xi32>
    %sub3A_1465 = arith.constant 1597463007 : i32
    %sub3A_1466 = vector.broadcast %sub3A_1465 : i32 to vector<16xi32>
    %sub3A_1467 = arith.subi %sub3A_1466, %shift_right_arithmetic3A_1464 : vector<16xi32>
    %bitcast3A_1468 = vector.bitcast %sub3A_1467 : vector<16xi32> to vector<16xf32>
    %mul3A_1469 = arith.constant 5.000000e-01 : f32
    %mul3A_1470 = vector.broadcast %mul3A_1469 : f32 to vector<16xf32>
    %mul3A_1471 = arith.mulf %mul3A_1470, %add3A_1460 : vector<16xf32>
    %mul3A_1472 = arith.mulf %mul3A_1471, %bitcast3A_1468 : vector<16xf32>
    %mul3A_1473 = arith.mulf %mul3A_1472, %bitcast3A_1468 : vector<16xf32>
    %sub3A_1474 = arith.constant 1.500000e+00 : f32
    %sub3A_1475 = vector.broadcast %sub3A_1474 : f32 to vector<16xf32>
    %sub3A_1476 = arith.subf %sub3A_1475, %mul3A_1473 : vector<16xf32>
    %mul3A_1477 = arith.mulf %bitcast3A_1468, %sub3A_1476 : vector<16xf32>
    %mul3A_1478 = arith.mulf %mul3A_1471, %mul3A_1477 : vector<16xf32>
    %mul3A_1479 = arith.mulf %mul3A_1478, %mul3A_1477 : vector<16xf32>
    %sub3A_1480 = arith.constant 1.500000e+00 : f32
    %sub3A_1481 = vector.broadcast %sub3A_1480 : f32 to vector<16xf32>
    %sub3A_1482 = arith.subf %sub3A_1481, %mul3A_1479 : vector<16xf32>
    %mul3A_1483 = arith.mulf %mul3A_1477, %sub3A_1482 : vector<16xf32>
    %mul3A_1484 = arith.mulf %mul3A_1471, %mul3A_1483 : vector<16xf32>
    %mul3A_1485 = arith.mulf %mul3A_1484, %mul3A_1483 : vector<16xf32>
    %sub3A_1486 = arith.constant 1.500000e+00 : f32
    %sub3A_1487 = vector.broadcast %sub3A_1486 : f32 to vector<16xf32>
    %sub3A_1488 = arith.subf %sub3A_1487, %mul3A_1485 : vector<16xf32>
    %mul3A_1489 = arith.mulf %mul3A_1483, %sub3A_1488 : vector<16xf32>
    %iota3A_1490 = tpu.iota {dimensions = array<i32: 0>} : vector<16xi32>
    %add3A_1491 = arith.constant 368 : i32
    %add3A_1492 = arith.addi %mul3A_2, %add3A_1491 : i32
    %add3A_1493 = vector.broadcast %add3A_1492 : i32 to vector<16xi32>
    %add3A_1494 = arith.addi %iota3A_1490, %add3A_1493 : vector<16xi32>
    %lt3A_1495 = arith.constant 10000 : i32
    %lt3A_1496 = vector.broadcast %lt3A_1495 : i32 to vector<16xi32>
    %lt3A_1497 = arith.cmpi slt, %add3A_1494, %lt3A_1496 : vector<16xi32>
    %jit3A_1498 = arith.constant 0.000000e+00 : f32
    %broadcast_in_dim3A_1499 = vector.broadcast %jit3A_1498 : f32 to vector<16xf32>
    %select_n3A_1500 = arith.select %lt3A_1497, %mul3A_1489, %broadcast_in_dim3A_1499 : vector<16xi1>, vector<16xf32>
    %swap3A_1501 = arith.constant 368 : index
    %swap3A_1502 = tpu.vector_load %arg12[%swap3A_1501] {strides = array<i32>} : memref<640xf32, #tpu.memory_space<vmem>>, vector<16xf32>,
    tpu.vector_store %arg12[%swap3A_1501], %select_n3A_1500 {strides = array<i32>} : memref<640xf32, #tpu.memory_space<vmem>>, vector<16xf32>,
    %get3A_1503 = arith.constant 368 : index
    %get3A_1504 = tpu.vector_load %arg11[%get3A_1503] {strides = array<i32>} : memref<640xf32, #tpu.memory_space<vmem>>, vector<16xf32>,
    %swap3A_1505 = arith.constant 368 : index
    %swap3A_1506 = tpu.vector_load %arg13[%swap3A_1505] {strides = array<i32>} : memref<640xf32, #tpu.memory_space<vmem>>, vector<16xf32>,
    tpu.vector_store %arg13[%swap3A_1505], %get3A_1504 {strides = array<i32>} : memref<640xf32, #tpu.memory_space<vmem>>, vector<16xf32>,
    %mul3A_1507 = arith.mulf %select_n3A_1500, %get3A_1504 : vector<16xf32>
    %swap3A_1508 = arith.constant 368 : index
    %swap3A_1509 = tpu.vector_load %arg14[%swap3A_1508] {strides = array<i32>} : memref<640xf32, #tpu.memory_space<vmem>>, vector<16xf32>,
    tpu.vector_store %arg14[%swap3A_1508], %mul3A_1507 {strides = array<i32>} : memref<640xf32, #tpu.memory_space<vmem>>, vector<16xf32>,
    %get3A_1510 = arith.constant 384 : index
    %get3A_1511 = tpu.vector_load %arg15[%get3A_1510] {strides = array<i32>} : memref<640xf32, #tpu.memory_space<vmem>>, vector<16xf32>,
    %add3A_1512 = arith.constant 1.000000e+00 : f32
    %add3A_1513 = vector.broadcast %add3A_1512 : f32 to vector<16xf32>
    %add3A_1514 = arith.addf %get3A_1511, %add3A_1513 : vector<16xf32>
    %bitcast3A_1515 = vector.bitcast %add3A_1514 : vector<16xf32> to vector<16xi32>
    %shift_right_arithmetic3A_1516 = arith.constant 1 : i32
    %shift_right_arithmetic3A_1517 = vector.broadcast %shift_right_arithmetic3A_1516 : i32 to vector<16xi32>
    %shift_right_arithmetic3A_1518 = arith.shrsi %bitcast3A_1515, %shift_right_arithmetic3A_1517 : vector<16xi32>
    %sub3A_1519 = arith.constant 1597463007 : i32
    %sub3A_1520 = vector.broadcast %sub3A_1519 : i32 to vector<16xi32>
    %sub3A_1521 = arith.subi %sub3A_1520, %shift_right_arithmetic3A_1518 : vector<16xi32>
    %bitcast3A_1522 = vector.bitcast %sub3A_1521 : vector<16xi32> to vector<16xf32>
    %mul3A_1523 = arith.constant 5.000000e-01 : f32
    %mul3A_1524 = vector.broadcast %mul3A_1523 : f32 to vector<16xf32>
    %mul3A_1525 = arith.mulf %mul3A_1524, %add3A_1514 : vector<16xf32>
    %mul3A_1526 = arith.mulf %mul3A_1525, %bitcast3A_1522 : vector<16xf32>
    %mul3A_1527 = arith.mulf %mul3A_1526, %bitcast3A_1522 : vector<16xf32>
    %sub3A_1528 = arith.constant 1.500000e+00 : f32
    %sub3A_1529 = vector.broadcast %sub3A_1528 : f32 to vector<16xf32>
    %sub3A_1530 = arith.subf %sub3A_1529, %mul3A_1527 : vector<16xf32>
    %mul3A_1531 = arith.mulf %bitcast3A_1522, %sub3A_1530 : vector<16xf32>
    %mul3A_1532 = arith.mulf %mul3A_1525, %mul3A_1531 : vector<16xf32>
    %mul3A_1533 = arith.mulf %mul3A_1532, %mul3A_1531 : vector<16xf32>
    %sub3A_1534 = arith.constant 1.500000e+00 : f32
    %sub3A_1535 = vector.broadcast %sub3A_1534 : f32 to vector<16xf32>
    %sub3A_1536 = arith.subf %sub3A_1535, %mul3A_1533 : vector<16xf32>
    %mul3A_1537 = arith.mulf %mul3A_1531, %sub3A_1536 : vector<16xf32>
    %mul3A_1538 = arith.mulf %mul3A_1525, %mul3A_1537 : vector<16xf32>
    %mul3A_1539 = arith.mulf %mul3A_1538, %mul3A_1537 : vector<16xf32>
    %sub3A_1540 = arith.constant 1.500000e+00 : f32
    %sub3A_1541 = vector.broadcast %sub3A_1540 : f32 to vector<16xf32>
    %sub3A_1542 = arith.subf %sub3A_1541, %mul3A_1539 : vector<16xf32>
    %mul3A_1543 = arith.mulf %mul3A_1537, %sub3A_1542 : vector<16xf32>
    %iota3A_1544 = tpu.iota {dimensions = array<i32: 0>} : vector<16xi32>
    %add3A_1545 = arith.constant 384 : i32
    %add3A_1546 = arith.addi %mul3A_2, %add3A_1545 : i32
    %add3A_1547 = vector.broadcast %add3A_1546 : i32 to vector<16xi32>
    %add3A_1548 = arith.addi %iota3A_1544, %add3A_1547 : vector<16xi32>
    %lt3A_1549 = arith.constant 10000 : i32
    %lt3A_1550 = vector.broadcast %lt3A_1549 : i32 to vector<16xi32>
    %lt3A_1551 = arith.cmpi slt, %add3A_1548, %lt3A_1550 : vector<16xi32>
    %jit3A_1552 = arith.constant 0.000000e+00 : f32
    %broadcast_in_dim3A_1553 = vector.broadcast %jit3A_1552 : f32 to vector<16xf32>
    %select_n3A_1554 = arith.select %lt3A_1551, %mul3A_1543, %broadcast_in_dim3A_1553 : vector<16xi1>, vector<16xf32>
    %swap3A_1555 = arith.constant 384 : index
    %swap3A_1556 = tpu.vector_load %arg12[%swap3A_1555] {strides = array<i32>} : memref<640xf32, #tpu.memory_space<vmem>>, vector<16xf32>,
    tpu.vector_store %arg12[%swap3A_1555], %select_n3A_1554 {strides = array<i32>} : memref<640xf32, #tpu.memory_space<vmem>>, vector<16xf32>,
    %get3A_1557 = arith.constant 384 : index
    %get3A_1558 = tpu.vector_load %arg11[%get3A_1557] {strides = array<i32>} : memref<640xf32, #tpu.memory_space<vmem>>, vector<16xf32>,
    %swap3A_1559 = arith.constant 384 : index
    %swap3A_1560 = tpu.vector_load %arg13[%swap3A_1559] {strides = array<i32>} : memref<640xf32, #tpu.memory_space<vmem>>, vector<16xf32>,
    tpu.vector_store %arg13[%swap3A_1559], %get3A_1558 {strides = array<i32>} : memref<640xf32, #tpu.memory_space<vmem>>, vector<16xf32>,
    %mul3A_1561 = arith.mulf %select_n3A_1554, %get3A_1558 : vector<16xf32>
    %swap3A_1562 = arith.constant 384 : index
    %swap3A_1563 = tpu.vector_load %arg14[%swap3A_1562] {strides = array<i32>} : memref<640xf32, #tpu.memory_space<vmem>>, vector<16xf32>,
    tpu.vector_store %arg14[%swap3A_1562], %mul3A_1561 {strides = array<i32>} : memref<640xf32, #tpu.memory_space<vmem>>, vector<16xf32>,
    %get3A_1564 = arith.constant 400 : index
    %get3A_1565 = tpu.vector_load %arg15[%get3A_1564] {strides = array<i32>} : memref<640xf32, #tpu.memory_space<vmem>>, vector<16xf32>,
    %add3A_1566 = arith.constant 1.000000e+00 : f32
    %add3A_1567 = vector.broadcast %add3A_1566 : f32 to vector<16xf32>
    %add3A_1568 = arith.addf %get3A_1565, %add3A_1567 : vector<16xf32>
    %bitcast3A_1569 = vector.bitcast %add3A_1568 : vector<16xf32> to vector<16xi32>
    %shift_right_arithmetic3A_1570 = arith.constant 1 : i32
    %shift_right_arithmetic3A_1571 = vector.broadcast %shift_right_arithmetic3A_1570 : i32 to vector<16xi32>
    %shift_right_arithmetic3A_1572 = arith.shrsi %bitcast3A_1569, %shift_right_arithmetic3A_1571 : vector<16xi32>
    %sub3A_1573 = arith.constant 1597463007 : i32
    %sub3A_1574 = vector.broadcast %sub3A_1573 : i32 to vector<16xi32>
    %sub3A_1575 = arith.subi %sub3A_1574, %shift_right_arithmetic3A_1572 : vector<16xi32>
    %bitcast3A_1576 = vector.bitcast %sub3A_1575 : vector<16xi32> to vector<16xf32>
    %mul3A_1577 = arith.constant 5.000000e-01 : f32
    %mul3A_1578 = vector.broadcast %mul3A_1577 : f32 to vector<16xf32>
    %mul3A_1579 = arith.mulf %mul3A_1578, %add3A_1568 : vector<16xf32>
    %mul3A_1580 = arith.mulf %mul3A_1579, %bitcast3A_1576 : vector<16xf32>
    %mul3A_1581 = arith.mulf %mul3A_1580, %bitcast3A_1576 : vector<16xf32>
    %sub3A_1582 = arith.constant 1.500000e+00 : f32
    %sub3A_1583 = vector.broadcast %sub3A_1582 : f32 to vector<16xf32>
    %sub3A_1584 = arith.subf %sub3A_1583, %mul3A_1581 : vector<16xf32>
    %mul3A_1585 = arith.mulf %bitcast3A_1576, %sub3A_1584 : vector<16xf32>
    %mul3A_1586 = arith.mulf %mul3A_1579, %mul3A_1585 : vector<16xf32>
    %mul3A_1587 = arith.mulf %mul3A_1586, %mul3A_1585 : vector<16xf32>
    %sub3A_1588 = arith.constant 1.500000e+00 : f32
    %sub3A_1589 = vector.broadcast %sub3A_1588 : f32 to vector<16xf32>
    %sub3A_1590 = arith.subf %sub3A_1589, %mul3A_1587 : vector<16xf32>
    %mul3A_1591 = arith.mulf %mul3A_1585, %sub3A_1590 : vector<16xf32>
    %mul3A_1592 = arith.mulf %mul3A_1579, %mul3A_1591 : vector<16xf32>
    %mul3A_1593 = arith.mulf %mul3A_1592, %mul3A_1591 : vector<16xf32>
    %sub3A_1594 = arith.constant 1.500000e+00 : f32
    %sub3A_1595 = vector.broadcast %sub3A_1594 : f32 to vector<16xf32>
    %sub3A_1596 = arith.subf %sub3A_1595, %mul3A_1593 : vector<16xf32>
    %mul3A_1597 = arith.mulf %mul3A_1591, %sub3A_1596 : vector<16xf32>
    %iota3A_1598 = tpu.iota {dimensions = array<i32: 0>} : vector<16xi32>
    %add3A_1599 = arith.constant 400 : i32
    %add3A_1600 = arith.addi %mul3A_2, %add3A_1599 : i32
    %add3A_1601 = vector.broadcast %add3A_1600 : i32 to vector<16xi32>
    %add3A_1602 = arith.addi %iota3A_1598, %add3A_1601 : vector<16xi32>
    %lt3A_1603 = arith.constant 10000 : i32
    %lt3A_1604 = vector.broadcast %lt3A_1603 : i32 to vector<16xi32>
    %lt3A_1605 = arith.cmpi slt, %add3A_1602, %lt3A_1604 : vector<16xi32>
    %jit3A_1606 = arith.constant 0.000000e+00 : f32
    %broadcast_in_dim3A_1607 = vector.broadcast %jit3A_1606 : f32 to vector<16xf32>
    %select_n3A_1608 = arith.select %lt3A_1605, %mul3A_1597, %broadcast_in_dim3A_1607 : vector<16xi1>, vector<16xf32>
    %swap3A_1609 = arith.constant 400 : index
    %swap3A_1610 = tpu.vector_load %arg12[%swap3A_1609] {strides = array<i32>} : memref<640xf32, #tpu.memory_space<vmem>>, vector<16xf32>,
    tpu.vector_store %arg12[%swap3A_1609], %select_n3A_1608 {strides = array<i32>} : memref<640xf32, #tpu.memory_space<vmem>>, vector<16xf32>,
    %get3A_1611 = arith.constant 400 : index
    %get3A_1612 = tpu.vector_load %arg11[%get3A_1611] {strides = array<i32>} : memref<640xf32, #tpu.memory_space<vmem>>, vector<16xf32>,
    %swap3A_1613 = arith.constant 400 : index
    %swap3A_1614 = tpu.vector_load %arg13[%swap3A_1613] {strides = array<i32>} : memref<640xf32, #tpu.memory_space<vmem>>, vector<16xf32>,
    tpu.vector_store %arg13[%swap3A_1613], %get3A_1612 {strides = array<i32>} : memref<640xf32, #tpu.memory_space<vmem>>, vector<16xf32>,
    %mul3A_1615 = arith.mulf %select_n3A_1608, %get3A_1612 : vector<16xf32>
    %swap3A_1616 = arith.constant 400 : index
    %swap3A_1617 = tpu.vector_load %arg14[%swap3A_1616] {strides = array<i32>} : memref<640xf32, #tpu.memory_space<vmem>>, vector<16xf32>,
    tpu.vector_store %arg14[%swap3A_1616], %mul3A_1615 {strides = array<i32>} : memref<640xf32, #tpu.memory_space<vmem>>, vector<16xf32>,
    %get3A_1618 = arith.constant 416 : index
    %get3A_1619 = tpu.vector_load %arg15[%get3A_1618] {strides = array<i32>} : memref<640xf32, #tpu.memory_space<vmem>>, vector<16xf32>,
    %add3A_1620 = arith.constant 1.000000e+00 : f32
    %add3A_1621 = vector.broadcast %add3A_1620 : f32 to vector<16xf32>
    %add3A_1622 = arith.addf %get3A_1619, %add3A_1621 : vector<16xf32>
    %bitcast3A_1623 = vector.bitcast %add3A_1622 : vector<16xf32> to vector<16xi32>
    %shift_right_arithmetic3A_1624 = arith.constant 1 : i32
    %shift_right_arithmetic3A_1625 = vector.broadcast %shift_right_arithmetic3A_1624 : i32 to vector<16xi32>
    %shift_right_arithmetic3A_1626 = arith.shrsi %bitcast3A_1623, %shift_right_arithmetic3A_1625 : vector<16xi32>
    %sub3A_1627 = arith.constant 1597463007 : i32
    %sub3A_1628 = vector.broadcast %sub3A_1627 : i32 to vector<16xi32>
    %sub3A_1629 = arith.subi %sub3A_1628, %shift_right_arithmetic3A_1626 : vector<16xi32>
    %bitcast3A_1630 = vector.bitcast %sub3A_1629 : vector<16xi32> to vector<16xf32>
    %mul3A_1631 = arith.constant 5.000000e-01 : f32
    %mul3A_1632 = vector.broadcast %mul3A_1631 : f32 to vector<16xf32>
    %mul3A_1633 = arith.mulf %mul3A_1632, %add3A_1622 : vector<16xf32>
    %mul3A_1634 = arith.mulf %mul3A_1633, %bitcast3A_1630 : vector<16xf32>
    %mul3A_1635 = arith.mulf %mul3A_1634, %bitcast3A_1630 : vector<16xf32>
    %sub3A_1636 = arith.constant 1.500000e+00 : f32
    %sub3A_1637 = vector.broadcast %sub3A_1636 : f32 to vector<16xf32>
    %sub3A_1638 = arith.subf %sub3A_1637, %mul3A_1635 : vector<16xf32>
    %mul3A_1639 = arith.mulf %bitcast3A_1630, %sub3A_1638 : vector<16xf32>
    %mul3A_1640 = arith.mulf %mul3A_1633, %mul3A_1639 : vector<16xf32>
    %mul3A_1641 = arith.mulf %mul3A_1640, %mul3A_1639 : vector<16xf32>
    %sub3A_1642 = arith.constant 1.500000e+00 : f32
    %sub3A_1643 = vector.broadcast %sub3A_1642 : f32 to vector<16xf32>
    %sub3A_1644 = arith.subf %sub3A_1643, %mul3A_1641 : vector<16xf32>
    %mul3A_1645 = arith.mulf %mul3A_1639, %sub3A_1644 : vector<16xf32>
    %mul3A_1646 = arith.mulf %mul3A_1633, %mul3A_1645 : vector<16xf32>
    %mul3A_1647 = arith.mulf %mul3A_1646, %mul3A_1645 : vector<16xf32>
    %sub3A_1648 = arith.constant 1.500000e+00 : f32
    %sub3A_1649 = vector.broadcast %sub3A_1648 : f32 to vector<16xf32>
    %sub3A_1650 = arith.subf %sub3A_1649, %mul3A_1647 : vector<16xf32>
    %mul3A_1651 = arith.mulf %mul3A_1645, %sub3A_1650 : vector<16xf32>
    %iota3A_1652 = tpu.iota {dimensions = array<i32: 0>} : vector<16xi32>
    %add3A_1653 = arith.constant 416 : i32
    %add3A_1654 = arith.addi %mul3A_2, %add3A_1653 : i32
    %add3A_1655 = vector.broadcast %add3A_1654 : i32 to vector<16xi32>
    %add3A_1656 = arith.addi %iota3A_1652, %add3A_1655 : vector<16xi32>
    %lt3A_1657 = arith.constant 10000 : i32
    %lt3A_1658 = vector.broadcast %lt3A_1657 : i32 to vector<16xi32>
    %lt3A_1659 = arith.cmpi slt, %add3A_1656, %lt3A_1658 : vector<16xi32>
    %jit3A_1660 = arith.constant 0.000000e+00 : f32
    %broadcast_in_dim3A_1661 = vector.broadcast %jit3A_1660 : f32 to vector<16xf32>
    %select_n3A_1662 = arith.select %lt3A_1659, %mul3A_1651, %broadcast_in_dim3A_1661 : vector<16xi1>, vector<16xf32>
    %swap3A_1663 = arith.constant 416 : index
    %swap3A_1664 = tpu.vector_load %arg12[%swap3A_1663] {strides = array<i32>} : memref<640xf32, #tpu.memory_space<vmem>>, vector<16xf32>,
    tpu.vector_store %arg12[%swap3A_1663], %select_n3A_1662 {strides = array<i32>} : memref<640xf32, #tpu.memory_space<vmem>>, vector<16xf32>,
    %get3A_1665 = arith.constant 416 : index
    %get3A_1666 = tpu.vector_load %arg11[%get3A_1665] {strides = array<i32>} : memref<640xf32, #tpu.memory_space<vmem>>, vector<16xf32>,
    %swap3A_1667 = arith.constant 416 : index
    %swap3A_1668 = tpu.vector_load %arg13[%swap3A_1667] {strides = array<i32>} : memref<640xf32, #tpu.memory_space<vmem>>, vector<16xf32>,
    tpu.vector_store %arg13[%swap3A_1667], %get3A_1666 {strides = array<i32>} : memref<640xf32, #tpu.memory_space<vmem>>, vector<16xf32>,
    %mul3A_1669 = arith.mulf %select_n3A_1662, %get3A_1666 : vector<16xf32>
    %swap3A_1670 = arith.constant 416 : index
    %swap3A_1671 = tpu.vector_load %arg14[%swap3A_1670] {strides = array<i32>} : memref<640xf32, #tpu.memory_space<vmem>>, vector<16xf32>,
    tpu.vector_store %arg14[%swap3A_1670], %mul3A_1669 {strides = array<i32>} : memref<640xf32, #tpu.memory_space<vmem>>, vector<16xf32>,
    %get3A_1672 = arith.constant 432 : index
    %get3A_1673 = tpu.vector_load %arg15[%get3A_1672] {strides = array<i32>} : memref<640xf32, #tpu.memory_space<vmem>>, vector<16xf32>,
    %add3A_1674 = arith.constant 1.000000e+00 : f32
    %add3A_1675 = vector.broadcast %add3A_1674 : f32 to vector<16xf32>
    %add3A_1676 = arith.addf %get3A_1673, %add3A_1675 : vector<16xf32>
    %bitcast3A_1677 = vector.bitcast %add3A_1676 : vector<16xf32> to vector<16xi32>
    %shift_right_arithmetic3A_1678 = arith.constant 1 : i32
    %shift_right_arithmetic3A_1679 = vector.broadcast %shift_right_arithmetic3A_1678 : i32 to vector<16xi32>
    %shift_right_arithmetic3A_1680 = arith.shrsi %bitcast3A_1677, %shift_right_arithmetic3A_1679 : vector<16xi32>
    %sub3A_1681 = arith.constant 1597463007 : i32
    %sub3A_1682 = vector.broadcast %sub3A_1681 : i32 to vector<16xi32>
    %sub3A_1683 = arith.subi %sub3A_1682, %shift_right_arithmetic3A_1680 : vector<16xi32>
    %bitcast3A_1684 = vector.bitcast %sub3A_1683 : vector<16xi32> to vector<16xf32>
    %mul3A_1685 = arith.constant 5.000000e-01 : f32
    %mul3A_1686 = vector.broadcast %mul3A_1685 : f32 to vector<16xf32>
    %mul3A_1687 = arith.mulf %mul3A_1686, %add3A_1676 : vector<16xf32>
    %mul3A_1688 = arith.mulf %mul3A_1687, %bitcast3A_1684 : vector<16xf32>
    %mul3A_1689 = arith.mulf %mul3A_1688, %bitcast3A_1684 : vector<16xf32>
    %sub3A_1690 = arith.constant 1.500000e+00 : f32
    %sub3A_1691 = vector.broadcast %sub3A_1690 : f32 to vector<16xf32>
    %sub3A_1692 = arith.subf %sub3A_1691, %mul3A_1689 : vector<16xf32>
    %mul3A_1693 = arith.mulf %bitcast3A_1684, %sub3A_1692 : vector<16xf32>
    %mul3A_1694 = arith.mulf %mul3A_1687, %mul3A_1693 : vector<16xf32>
    %mul3A_1695 = arith.mulf %mul3A_1694, %mul3A_1693 : vector<16xf32>
    %sub3A_1696 = arith.constant 1.500000e+00 : f32
    %sub3A_1697 = vector.broadcast %sub3A_1696 : f32 to vector<16xf32>
    %sub3A_1698 = arith.subf %sub3A_1697, %mul3A_1695 : vector<16xf32>
    %mul3A_1699 = arith.mulf %mul3A_1693, %sub3A_1698 : vector<16xf32>
    %mul3A_1700 = arith.mulf %mul3A_1687, %mul3A_1699 : vector<16xf32>
    %mul3A_1701 = arith.mulf %mul3A_1700, %mul3A_1699 : vector<16xf32>
    %sub3A_1702 = arith.constant 1.500000e+00 : f32
    %sub3A_1703 = vector.broadcast %sub3A_1702 : f32 to vector<16xf32>
    %sub3A_1704 = arith.subf %sub3A_1703, %mul3A_1701 : vector<16xf32>
    %mul3A_1705 = arith.mulf %mul3A_1699, %sub3A_1704 : vector<16xf32>
    %iota3A_1706 = tpu.iota {dimensions = array<i32: 0>} : vector<16xi32>
    %add3A_1707 = arith.constant 432 : i32
    %add3A_1708 = arith.addi %mul3A_2, %add3A_1707 : i32
    %add3A_1709 = vector.broadcast %add3A_1708 : i32 to vector<16xi32>
    %add3A_1710 = arith.addi %iota3A_1706, %add3A_1709 : vector<16xi32>
    %lt3A_1711 = arith.constant 10000 : i32
    %lt3A_1712 = vector.broadcast %lt3A_1711 : i32 to vector<16xi32>
    %lt3A_1713 = arith.cmpi slt, %add3A_1710, %lt3A_1712 : vector<16xi32>
    %jit3A_1714 = arith.constant 0.000000e+00 : f32
    %broadcast_in_dim3A_1715 = vector.broadcast %jit3A_1714 : f32 to vector<16xf32>
    %select_n3A_1716 = arith.select %lt3A_1713, %mul3A_1705, %broadcast_in_dim3A_1715 : vector<16xi1>, vector<16xf32>
    %swap3A_1717 = arith.constant 432 : index
    %swap3A_1718 = tpu.vector_load %arg12[%swap3A_1717] {strides = array<i32>} : memref<640xf32, #tpu.memory_space<vmem>>, vector<16xf32>,
    tpu.vector_store %arg12[%swap3A_1717], %select_n3A_1716 {strides = array<i32>} : memref<640xf32, #tpu.memory_space<vmem>>, vector<16xf32>,
    %get3A_1719 = arith.constant 432 : index
    %get3A_1720 = tpu.vector_load %arg11[%get3A_1719] {strides = array<i32>} : memref<640xf32, #tpu.memory_space<vmem>>, vector<16xf32>,
    %swap3A_1721 = arith.constant 432 : index
    %swap3A_1722 = tpu.vector_load %arg13[%swap3A_1721] {strides = array<i32>} : memref<640xf32, #tpu.memory_space<vmem>>, vector<16xf32>,
    tpu.vector_store %arg13[%swap3A_1721], %get3A_1720 {strides = array<i32>} : memref<640xf32, #tpu.memory_space<vmem>>, vector<16xf32>,
    %mul3A_1723 = arith.mulf %select_n3A_1716, %get3A_1720 : vector<16xf32>
    %swap3A_1724 = arith.constant 432 : index
    %swap3A_1725 = tpu.vector_load %arg14[%swap3A_1724] {strides = array<i32>} : memref<640xf32, #tpu.memory_space<vmem>>, vector<16xf32>,
    tpu.vector_store %arg14[%swap3A_1724], %mul3A_1723 {strides = array<i32>} : memref<640xf32, #tpu.memory_space<vmem>>, vector<16xf32>,
    %get3A_1726 = arith.constant 448 : index
    %get3A_1727 = tpu.vector_load %arg15[%get3A_1726] {strides = array<i32>} : memref<640xf32, #tpu.memory_space<vmem>>, vector<16xf32>,
    %add3A_1728 = arith.constant 1.000000e+00 : f32
    %add3A_1729 = vector.broadcast %add3A_1728 : f32 to vector<16xf32>
    %add3A_1730 = arith.addf %get3A_1727, %add3A_1729 : vector<16xf32>
    %bitcast3A_1731 = vector.bitcast %add3A_1730 : vector<16xf32> to vector<16xi32>
    %shift_right_arithmetic3A_1732 = arith.constant 1 : i32
    %shift_right_arithmetic3A_1733 = vector.broadcast %shift_right_arithmetic3A_1732 : i32 to vector<16xi32>
    %shift_right_arithmetic3A_1734 = arith.shrsi %bitcast3A_1731, %shift_right_arithmetic3A_1733 : vector<16xi32>
    %sub3A_1735 = arith.constant 1597463007 : i32
    %sub3A_1736 = vector.broadcast %sub3A_1735 : i32 to vector<16xi32>
    %sub3A_1737 = arith.subi %sub3A_1736, %shift_right_arithmetic3A_1734 : vector<16xi32>
    %bitcast3A_1738 = vector.bitcast %sub3A_1737 : vector<16xi32> to vector<16xf32>
    %mul3A_1739 = arith.constant 5.000000e-01 : f32
    %mul3A_1740 = vector.broadcast %mul3A_1739 : f32 to vector<16xf32>
    %mul3A_1741 = arith.mulf %mul3A_1740, %add3A_1730 : vector<16xf32>
    %mul3A_1742 = arith.mulf %mul3A_1741, %bitcast3A_1738 : vector<16xf32>
    %mul3A_1743 = arith.mulf %mul3A_1742, %bitcast3A_1738 : vector<16xf32>
    %sub3A_1744 = arith.constant 1.500000e+00 : f32
    %sub3A_1745 = vector.broadcast %sub3A_1744 : f32 to vector<16xf32>
    %sub3A_1746 = arith.subf %sub3A_1745, %mul3A_1743 : vector<16xf32>
    %mul3A_1747 = arith.mulf %bitcast3A_1738, %sub3A_1746 : vector<16xf32>
    %mul3A_1748 = arith.mulf %mul3A_1741, %mul3A_1747 : vector<16xf32>
    %mul3A_1749 = arith.mulf %mul3A_1748, %mul3A_1747 : vector<16xf32>
    %sub3A_1750 = arith.constant 1.500000e+00 : f32
    %sub3A_1751 = vector.broadcast %sub3A_1750 : f32 to vector<16xf32>
    %sub3A_1752 = arith.subf %sub3A_1751, %mul3A_1749 : vector<16xf32>
    %mul3A_1753 = arith.mulf %mul3A_1747, %sub3A_1752 : vector<16xf32>
    %mul3A_1754 = arith.mulf %mul3A_1741, %mul3A_1753 : vector<16xf32>
    %mul3A_1755 = arith.mulf %mul3A_1754, %mul3A_1753 : vector<16xf32>
    %sub3A_1756 = arith.constant 1.500000e+00 : f32
    %sub3A_1757 = vector.broadcast %sub3A_1756 : f32 to vector<16xf32>
    %sub3A_1758 = arith.subf %sub3A_1757, %mul3A_1755 : vector<16xf32>
    %mul3A_1759 = arith.mulf %mul3A_1753, %sub3A_1758 : vector<16xf32>
    %iota3A_1760 = tpu.iota {dimensions = array<i32: 0>} : vector<16xi32>
    %add3A_1761 = arith.constant 448 : i32
    %add3A_1762 = arith.addi %mul3A_2, %add3A_1761 : i32
    %add3A_1763 = vector.broadcast %add3A_1762 : i32 to vector<16xi32>
    %add3A_1764 = arith.addi %iota3A_1760, %add3A_1763 : vector<16xi32>
    %lt3A_1765 = arith.constant 10000 : i32
    %lt3A_1766 = vector.broadcast %lt3A_1765 : i32 to vector<16xi32>
    %lt3A_1767 = arith.cmpi slt, %add3A_1764, %lt3A_1766 : vector<16xi32>
    %jit3A_1768 = arith.constant 0.000000e+00 : f32
    %broadcast_in_dim3A_1769 = vector.broadcast %jit3A_1768 : f32 to vector<16xf32>
    %select_n3A_1770 = arith.select %lt3A_1767, %mul3A_1759, %broadcast_in_dim3A_1769 : vector<16xi1>, vector<16xf32>
    %swap3A_1771 = arith.constant 448 : index
    %swap3A_1772 = tpu.vector_load %arg12[%swap3A_1771] {strides = array<i32>} : memref<640xf32, #tpu.memory_space<vmem>>, vector<16xf32>,
    tpu.vector_store %arg12[%swap3A_1771], %select_n3A_1770 {strides = array<i32>} : memref<640xf32, #tpu.memory_space<vmem>>, vector<16xf32>,
    %get3A_1773 = arith.constant 448 : index
    %get3A_1774 = tpu.vector_load %arg11[%get3A_1773] {strides = array<i32>} : memref<640xf32, #tpu.memory_space<vmem>>, vector<16xf32>,
    %swap3A_1775 = arith.constant 448 : index
    %swap3A_1776 = tpu.vector_load %arg13[%swap3A_1775] {strides = array<i32>} : memref<640xf32, #tpu.memory_space<vmem>>, vector<16xf32>,
    tpu.vector_store %arg13[%swap3A_1775], %get3A_1774 {strides = array<i32>} : memref<640xf32, #tpu.memory_space<vmem>>, vector<16xf32>,
    %mul3A_1777 = arith.mulf %select_n3A_1770, %get3A_1774 : vector<16xf32>
    %swap3A_1778 = arith.constant 448 : index
    %swap3A_1779 = tpu.vector_load %arg14[%swap3A_1778] {strides = array<i32>} : memref<640xf32, #tpu.memory_space<vmem>>, vector<16xf32>,
    tpu.vector_store %arg14[%swap3A_1778], %mul3A_1777 {strides = array<i32>} : memref<640xf32, #tpu.memory_space<vmem>>, vector<16xf32>,
    %get3A_1780 = arith.constant 464 : index
    %get3A_1781 = tpu.vector_load %arg15[%get3A_1780] {strides = array<i32>} : memref<640xf32, #tpu.memory_space<vmem>>, vector<16xf32>,
    %add3A_1782 = arith.constant 1.000000e+00 : f32
    %add3A_1783 = vector.broadcast %add3A_1782 : f32 to vector<16xf32>
    %add3A_1784 = arith.addf %get3A_1781, %add3A_1783 : vector<16xf32>
    %bitcast3A_1785 = vector.bitcast %add3A_1784 : vector<16xf32> to vector<16xi32>
    %shift_right_arithmetic3A_1786 = arith.constant 1 : i32
    %shift_right_arithmetic3A_1787 = vector.broadcast %shift_right_arithmetic3A_1786 : i32 to vector<16xi32>
    %shift_right_arithmetic3A_1788 = arith.shrsi %bitcast3A_1785, %shift_right_arithmetic3A_1787 : vector<16xi32>
    %sub3A_1789 = arith.constant 1597463007 : i32
    %sub3A_1790 = vector.broadcast %sub3A_1789 : i32 to vector<16xi32>
    %sub3A_1791 = arith.subi %sub3A_1790, %shift_right_arithmetic3A_1788 : vector<16xi32>
    %bitcast3A_1792 = vector.bitcast %sub3A_1791 : vector<16xi32> to vector<16xf32>
    %mul3A_1793 = arith.constant 5.000000e-01 : f32
    %mul3A_1794 = vector.broadcast %mul3A_1793 : f32 to vector<16xf32>
    %mul3A_1795 = arith.mulf %mul3A_1794, %add3A_1784 : vector<16xf32>
    %mul3A_1796 = arith.mulf %mul3A_1795, %bitcast3A_1792 : vector<16xf32>
    %mul3A_1797 = arith.mulf %mul3A_1796, %bitcast3A_1792 : vector<16xf32>
    %sub3A_1798 = arith.constant 1.500000e+00 : f32
    %sub3A_1799 = vector.broadcast %sub3A_1798 : f32 to vector<16xf32>
    %sub3A_1800 = arith.subf %sub3A_1799, %mul3A_1797 : vector<16xf32>
    %mul3A_1801 = arith.mulf %bitcast3A_1792, %sub3A_1800 : vector<16xf32>
    %mul3A_1802 = arith.mulf %mul3A_1795, %mul3A_1801 : vector<16xf32>
    %mul3A_1803 = arith.mulf %mul3A_1802, %mul3A_1801 : vector<16xf32>
    %sub3A_1804 = arith.constant 1.500000e+00 : f32
    %sub3A_1805 = vector.broadcast %sub3A_1804 : f32 to vector<16xf32>
    %sub3A_1806 = arith.subf %sub3A_1805, %mul3A_1803 : vector<16xf32>
    %mul3A_1807 = arith.mulf %mul3A_1801, %sub3A_1806 : vector<16xf32>
    %mul3A_1808 = arith.mulf %mul3A_1795, %mul3A_1807 : vector<16xf32>
    %mul3A_1809 = arith.mulf %mul3A_1808, %mul3A_1807 : vector<16xf32>
    %sub3A_1810 = arith.constant 1.500000e+00 : f32
    %sub3A_1811 = vector.broadcast %sub3A_1810 : f32 to vector<16xf32>
    %sub3A_1812 = arith.subf %sub3A_1811, %mul3A_1809 : vector<16xf32>
    %mul3A_1813 = arith.mulf %mul3A_1807, %sub3A_1812 : vector<16xf32>
    %iota3A_1814 = tpu.iota {dimensions = array<i32: 0>} : vector<16xi32>
    %add3A_1815 = arith.constant 464 : i32
    %add3A_1816 = arith.addi %mul3A_2, %add3A_1815 : i32
    %add3A_1817 = vector.broadcast %add3A_1816 : i32 to vector<16xi32>
    %add3A_1818 = arith.addi %iota3A_1814, %add3A_1817 : vector<16xi32>
    %lt3A_1819 = arith.constant 10000 : i32
    %lt3A_1820 = vector.broadcast %lt3A_1819 : i32 to vector<16xi32>
    %lt3A_1821 = arith.cmpi slt, %add3A_1818, %lt3A_1820 : vector<16xi32>
    %jit3A_1822 = arith.constant 0.000000e+00 : f32
    %broadcast_in_dim3A_1823 = vector.broadcast %jit3A_1822 : f32 to vector<16xf32>
    %select_n3A_1824 = arith.select %lt3A_1821, %mul3A_1813, %broadcast_in_dim3A_1823 : vector<16xi1>, vector<16xf32>
    %swap3A_1825 = arith.constant 464 : index
    %swap3A_1826 = tpu.vector_load %arg12[%swap3A_1825] {strides = array<i32>} : memref<640xf32, #tpu.memory_space<vmem>>, vector<16xf32>,
    tpu.vector_store %arg12[%swap3A_1825], %select_n3A_1824 {strides = array<i32>} : memref<640xf32, #tpu.memory_space<vmem>>, vector<16xf32>,
    %get3A_1827 = arith.constant 464 : index
    %get3A_1828 = tpu.vector_load %arg11[%get3A_1827] {strides = array<i32>} : memref<640xf32, #tpu.memory_space<vmem>>, vector<16xf32>,
    %swap3A_1829 = arith.constant 464 : index
    %swap3A_1830 = tpu.vector_load %arg13[%swap3A_1829] {strides = array<i32>} : memref<640xf32, #tpu.memory_space<vmem>>, vector<16xf32>,
    tpu.vector_store %arg13[%swap3A_1829], %get3A_1828 {strides = array<i32>} : memref<640xf32, #tpu.memory_space<vmem>>, vector<16xf32>,
    %mul3A_1831 = arith.mulf %select_n3A_1824, %get3A_1828 : vector<16xf32>
    %swap3A_1832 = arith.constant 464 : index
    %swap3A_1833 = tpu.vector_load %arg14[%swap3A_1832] {strides = array<i32>} : memref<640xf32, #tpu.memory_space<vmem>>, vector<16xf32>,
    tpu.vector_store %arg14[%swap3A_1832], %mul3A_1831 {strides = array<i32>} : memref<640xf32, #tpu.memory_space<vmem>>, vector<16xf32>,
    %get3A_1834 = arith.constant 480 : index
    %get3A_1835 = tpu.vector_load %arg15[%get3A_1834] {strides = array<i32>} : memref<640xf32, #tpu.memory_space<vmem>>, vector<16xf32>,
    %add3A_1836 = arith.constant 1.000000e+00 : f32
    %add3A_1837 = vector.broadcast %add3A_1836 : f32 to vector<16xf32>
    %add3A_1838 = arith.addf %get3A_1835, %add3A_1837 : vector<16xf32>
    %bitcast3A_1839 = vector.bitcast %add3A_1838 : vector<16xf32> to vector<16xi32>
    %shift_right_arithmetic3A_1840 = arith.constant 1 : i32
    %shift_right_arithmetic3A_1841 = vector.broadcast %shift_right_arithmetic3A_1840 : i32 to vector<16xi32>
    %shift_right_arithmetic3A_1842 = arith.shrsi %bitcast3A_1839, %shift_right_arithmetic3A_1841 : vector<16xi32>
    %sub3A_1843 = arith.constant 1597463007 : i32
    %sub3A_1844 = vector.broadcast %sub3A_1843 : i32 to vector<16xi32>
    %sub3A_1845 = arith.subi %sub3A_1844, %shift_right_arithmetic3A_1842 : vector<16xi32>
    %bitcast3A_1846 = vector.bitcast %sub3A_1845 : vector<16xi32> to vector<16xf32>
    %mul3A_1847 = arith.constant 5.000000e-01 : f32
    %mul3A_1848 = vector.broadcast %mul3A_1847 : f32 to vector<16xf32>
    %mul3A_1849 = arith.mulf %mul3A_1848, %add3A_1838 : vector<16xf32>
    %mul3A_1850 = arith.mulf %mul3A_1849, %bitcast3A_1846 : vector<16xf32>
    %mul3A_1851 = arith.mulf %mul3A_1850, %bitcast3A_1846 : vector<16xf32>
    %sub3A_1852 = arith.constant 1.500000e+00 : f32
    %sub3A_1853 = vector.broadcast %sub3A_1852 : f32 to vector<16xf32>
    %sub3A_1854 = arith.subf %sub3A_1853, %mul3A_1851 : vector<16xf32>
    %mul3A_1855 = arith.mulf %bitcast3A_1846, %sub3A_1854 : vector<16xf32>
    %mul3A_1856 = arith.mulf %mul3A_1849, %mul3A_1855 : vector<16xf32>
    %mul3A_1857 = arith.mulf %mul3A_1856, %mul3A_1855 : vector<16xf32>
    %sub3A_1858 = arith.constant 1.500000e+00 : f32
    %sub3A_1859 = vector.broadcast %sub3A_1858 : f32 to vector<16xf32>
    %sub3A_1860 = arith.subf %sub3A_1859, %mul3A_1857 : vector<16xf32>
    %mul3A_1861 = arith.mulf %mul3A_1855, %sub3A_1860 : vector<16xf32>
    %mul3A_1862 = arith.mulf %mul3A_1849, %mul3A_1861 : vector<16xf32>
    %mul3A_1863 = arith.mulf %mul3A_1862, %mul3A_1861 : vector<16xf32>
    %sub3A_1864 = arith.constant 1.500000e+00 : f32
    %sub3A_1865 = vector.broadcast %sub3A_1864 : f32 to vector<16xf32>
    %sub3A_1866 = arith.subf %sub3A_1865, %mul3A_1863 : vector<16xf32>
    %mul3A_1867 = arith.mulf %mul3A_1861, %sub3A_1866 : vector<16xf32>
    %iota3A_1868 = tpu.iota {dimensions = array<i32: 0>} : vector<16xi32>
    %add3A_1869 = arith.constant 480 : i32
    %add3A_1870 = arith.addi %mul3A_2, %add3A_1869 : i32
    %add3A_1871 = vector.broadcast %add3A_1870 : i32 to vector<16xi32>
    %add3A_1872 = arith.addi %iota3A_1868, %add3A_1871 : vector<16xi32>
    %lt3A_1873 = arith.constant 10000 : i32
    %lt3A_1874 = vector.broadcast %lt3A_1873 : i32 to vector<16xi32>
    %lt3A_1875 = arith.cmpi slt, %add3A_1872, %lt3A_1874 : vector<16xi32>
    %jit3A_1876 = arith.constant 0.000000e+00 : f32
    %broadcast_in_dim3A_1877 = vector.broadcast %jit3A_1876 : f32 to vector<16xf32>
    %select_n3A_1878 = arith.select %lt3A_1875, %mul3A_1867, %broadcast_in_dim3A_1877 : vector<16xi1>, vector<16xf32>
    %swap3A_1879 = arith.constant 480 : index
    %swap3A_1880 = tpu.vector_load %arg12[%swap3A_1879] {strides = array<i32>} : memref<640xf32, #tpu.memory_space<vmem>>, vector<16xf32>,
    tpu.vector_store %arg12[%swap3A_1879], %select_n3A_1878 {strides = array<i32>} : memref<640xf32, #tpu.memory_space<vmem>>, vector<16xf32>,
    %get3A_1881 = arith.constant 480 : index
    %get3A_1882 = tpu.vector_load %arg11[%get3A_1881] {strides = array<i32>} : memref<640xf32, #tpu.memory_space<vmem>>, vector<16xf32>,
    %swap3A_1883 = arith.constant 480 : index
    %swap3A_1884 = tpu.vector_load %arg13[%swap3A_1883] {strides = array<i32>} : memref<640xf32, #tpu.memory_space<vmem>>, vector<16xf32>,
    tpu.vector_store %arg13[%swap3A_1883], %get3A_1882 {strides = array<i32>} : memref<640xf32, #tpu.memory_space<vmem>>, vector<16xf32>,
    %mul3A_1885 = arith.mulf %select_n3A_1878, %get3A_1882 : vector<16xf32>
    %swap3A_1886 = arith.constant 480 : index
    %swap3A_1887 = tpu.vector_load %arg14[%swap3A_1886] {strides = array<i32>} : memref<640xf32, #tpu.memory_space<vmem>>, vector<16xf32>,
    tpu.vector_store %arg14[%swap3A_1886], %mul3A_1885 {strides = array<i32>} : memref<640xf32, #tpu.memory_space<vmem>>, vector<16xf32>,
    %get3A_1888 = arith.constant 496 : index
    %get3A_1889 = tpu.vector_load %arg15[%get3A_1888] {strides = array<i32>} : memref<640xf32, #tpu.memory_space<vmem>>, vector<16xf32>,
    %add3A_1890 = arith.constant 1.000000e+00 : f32
    %add3A_1891 = vector.broadcast %add3A_1890 : f32 to vector<16xf32>
    %add3A_1892 = arith.addf %get3A_1889, %add3A_1891 : vector<16xf32>
    %bitcast3A_1893 = vector.bitcast %add3A_1892 : vector<16xf32> to vector<16xi32>
    %shift_right_arithmetic3A_1894 = arith.constant 1 : i32
    %shift_right_arithmetic3A_1895 = vector.broadcast %shift_right_arithmetic3A_1894 : i32 to vector<16xi32>
    %shift_right_arithmetic3A_1896 = arith.shrsi %bitcast3A_1893, %shift_right_arithmetic3A_1895 : vector<16xi32>
    %sub3A_1897 = arith.constant 1597463007 : i32
    %sub3A_1898 = vector.broadcast %sub3A_1897 : i32 to vector<16xi32>
    %sub3A_1899 = arith.subi %sub3A_1898, %shift_right_arithmetic3A_1896 : vector<16xi32>
    %bitcast3A_1900 = vector.bitcast %sub3A_1899 : vector<16xi32> to vector<16xf32>
    %mul3A_1901 = arith.constant 5.000000e-01 : f32
    %mul3A_1902 = vector.broadcast %mul3A_1901 : f32 to vector<16xf32>
    %mul3A_1903 = arith.mulf %mul3A_1902, %add3A_1892 : vector<16xf32>
    %mul3A_1904 = arith.mulf %mul3A_1903, %bitcast3A_1900 : vector<16xf32>
    %mul3A_1905 = arith.mulf %mul3A_1904, %bitcast3A_1900 : vector<16xf32>
    %sub3A_1906 = arith.constant 1.500000e+00 : f32
    %sub3A_1907 = vector.broadcast %sub3A_1906 : f32 to vector<16xf32>
    %sub3A_1908 = arith.subf %sub3A_1907, %mul3A_1905 : vector<16xf32>
    %mul3A_1909 = arith.mulf %bitcast3A_1900, %sub3A_1908 : vector<16xf32>
    %mul3A_1910 = arith.mulf %mul3A_1903, %mul3A_1909 : vector<16xf32>
    %mul3A_1911 = arith.mulf %mul3A_1910, %mul3A_1909 : vector<16xf32>
    %sub3A_1912 = arith.constant 1.500000e+00 : f32
    %sub3A_1913 = vector.broadcast %sub3A_1912 : f32 to vector<16xf32>
    %sub3A_1914 = arith.subf %sub3A_1913, %mul3A_1911 : vector<16xf32>
    %mul3A_1915 = arith.mulf %mul3A_1909, %sub3A_1914 : vector<16xf32>
    %mul3A_1916 = arith.mulf %mul3A_1903, %mul3A_1915 : vector<16xf32>
    %mul3A_1917 = arith.mulf %mul3A_1916, %mul3A_1915 : vector<16xf32>
    %sub3A_1918 = arith.constant 1.500000e+00 : f32
    %sub3A_1919 = vector.broadcast %sub3A_1918 : f32 to vector<16xf32>
    %sub3A_1920 = arith.subf %sub3A_1919, %mul3A_1917 : vector<16xf32>
    %mul3A_1921 = arith.mulf %mul3A_1915, %sub3A_1920 : vector<16xf32>
    %iota3A_1922 = tpu.iota {dimensions = array<i32: 0>} : vector<16xi32>
    %add3A_1923 = arith.constant 496 : i32
    %add3A_1924 = arith.addi %mul3A_2, %add3A_1923 : i32
    %add3A_1925 = vector.broadcast %add3A_1924 : i32 to vector<16xi32>
    %add3A_1926 = arith.addi %iota3A_1922, %add3A_1925 : vector<16xi32>
    %lt3A_1927 = arith.constant 10000 : i32
    %lt3A_1928 = vector.broadcast %lt3A_1927 : i32 to vector<16xi32>
    %lt3A_1929 = arith.cmpi slt, %add3A_1926, %lt3A_1928 : vector<16xi32>
    %jit3A_1930 = arith.constant 0.000000e+00 : f32
    %broadcast_in_dim3A_1931 = vector.broadcast %jit3A_1930 : f32 to vector<16xf32>
    %select_n3A_1932 = arith.select %lt3A_1929, %mul3A_1921, %broadcast_in_dim3A_1931 : vector<16xi1>, vector<16xf32>
    %swap3A_1933 = arith.constant 496 : index
    %swap3A_1934 = tpu.vector_load %arg12[%swap3A_1933] {strides = array<i32>} : memref<640xf32, #tpu.memory_space<vmem>>, vector<16xf32>,
    tpu.vector_store %arg12[%swap3A_1933], %select_n3A_1932 {strides = array<i32>} : memref<640xf32, #tpu.memory_space<vmem>>, vector<16xf32>,
    %get3A_1935 = arith.constant 496 : index
    %get3A_1936 = tpu.vector_load %arg11[%get3A_1935] {strides = array<i32>} : memref<640xf32, #tpu.memory_space<vmem>>, vector<16xf32>,
    %swap3A_1937 = arith.constant 496 : index
    %swap3A_1938 = tpu.vector_load %arg13[%swap3A_1937] {strides = array<i32>} : memref<640xf32, #tpu.memory_space<vmem>>, vector<16xf32>,
    tpu.vector_store %arg13[%swap3A_1937], %get3A_1936 {strides = array<i32>} : memref<640xf32, #tpu.memory_space<vmem>>, vector<16xf32>,
    %mul3A_1939 = arith.mulf %select_n3A_1932, %get3A_1936 : vector<16xf32>
    %swap3A_1940 = arith.constant 496 : index
    %swap3A_1941 = tpu.vector_load %arg14[%swap3A_1940] {strides = array<i32>} : memref<640xf32, #tpu.memory_space<vmem>>, vector<16xf32>,
    tpu.vector_store %arg14[%swap3A_1940], %mul3A_1939 {strides = array<i32>} : memref<640xf32, #tpu.memory_space<vmem>>, vector<16xf32>,
    %get3A_1942 = arith.constant 512 : index
    %get3A_1943 = tpu.vector_load %arg15[%get3A_1942] {strides = array<i32>} : memref<640xf32, #tpu.memory_space<vmem>>, vector<16xf32>,
    %add3A_1944 = arith.constant 1.000000e+00 : f32
    %add3A_1945 = vector.broadcast %add3A_1944 : f32 to vector<16xf32>
    %add3A_1946 = arith.addf %get3A_1943, %add3A_1945 : vector<16xf32>
    %bitcast3A_1947 = vector.bitcast %add3A_1946 : vector<16xf32> to vector<16xi32>
    %shift_right_arithmetic3A_1948 = arith.constant 1 : i32
    %shift_right_arithmetic3A_1949 = vector.broadcast %shift_right_arithmetic3A_1948 : i32 to vector<16xi32>
    %shift_right_arithmetic3A_1950 = arith.shrsi %bitcast3A_1947, %shift_right_arithmetic3A_1949 : vector<16xi32>
    %sub3A_1951 = arith.constant 1597463007 : i32
    %sub3A_1952 = vector.broadcast %sub3A_1951 : i32 to vector<16xi32>
    %sub3A_1953 = arith.subi %sub3A_1952, %shift_right_arithmetic3A_1950 : vector<16xi32>
    %bitcast3A_1954 = vector.bitcast %sub3A_1953 : vector<16xi32> to vector<16xf32>
    %mul3A_1955 = arith.constant 5.000000e-01 : f32
    %mul3A_1956 = vector.broadcast %mul3A_1955 : f32 to vector<16xf32>
    %mul3A_1957 = arith.mulf %mul3A_1956, %add3A_1946 : vector<16xf32>
    %mul3A_1958 = arith.mulf %mul3A_1957, %bitcast3A_1954 : vector<16xf32>
    %mul3A_1959 = arith.mulf %mul3A_1958, %bitcast3A_1954 : vector<16xf32>
    %sub3A_1960 = arith.constant 1.500000e+00 : f32
    %sub3A_1961 = vector.broadcast %sub3A_1960 : f32 to vector<16xf32>
    %sub3A_1962 = arith.subf %sub3A_1961, %mul3A_1959 : vector<16xf32>
    %mul3A_1963 = arith.mulf %bitcast3A_1954, %sub3A_1962 : vector<16xf32>
    %mul3A_1964 = arith.mulf %mul3A_1957, %mul3A_1963 : vector<16xf32>
    %mul3A_1965 = arith.mulf %mul3A_1964, %mul3A_1963 : vector<16xf32>
    %sub3A_1966 = arith.constant 1.500000e+00 : f32
    %sub3A_1967 = vector.broadcast %sub3A_1966 : f32 to vector<16xf32>
    %sub3A_1968 = arith.subf %sub3A_1967, %mul3A_1965 : vector<16xf32>
    %mul3A_1969 = arith.mulf %mul3A_1963, %sub3A_1968 : vector<16xf32>
    %mul3A_1970 = arith.mulf %mul3A_1957, %mul3A_1969 : vector<16xf32>
    %mul3A_1971 = arith.mulf %mul3A_1970, %mul3A_1969 : vector<16xf32>
    %sub3A_1972 = arith.constant 1.500000e+00 : f32
    %sub3A_1973 = vector.broadcast %sub3A_1972 : f32 to vector<16xf32>
    %sub3A_1974 = arith.subf %sub3A_1973, %mul3A_1971 : vector<16xf32>
    %mul3A_1975 = arith.mulf %mul3A_1969, %sub3A_1974 : vector<16xf32>
    %iota3A_1976 = tpu.iota {dimensions = array<i32: 0>} : vector<16xi32>
    %add3A_1977 = arith.constant 512 : i32
    %add3A_1978 = arith.addi %mul3A_2, %add3A_1977 : i32
    %add3A_1979 = vector.broadcast %add3A_1978 : i32 to vector<16xi32>
    %add3A_1980 = arith.addi %iota3A_1976, %add3A_1979 : vector<16xi32>
    %lt3A_1981 = arith.constant 10000 : i32
    %lt3A_1982 = vector.broadcast %lt3A_1981 : i32 to vector<16xi32>
    %lt3A_1983 = arith.cmpi slt, %add3A_1980, %lt3A_1982 : vector<16xi32>
    %jit3A_1984 = arith.constant 0.000000e+00 : f32
    %broadcast_in_dim3A_1985 = vector.broadcast %jit3A_1984 : f32 to vector<16xf32>
    %select_n3A_1986 = arith.select %lt3A_1983, %mul3A_1975, %broadcast_in_dim3A_1985 : vector<16xi1>, vector<16xf32>
    %swap3A_1987 = arith.constant 512 : index
    %swap3A_1988 = tpu.vector_load %arg12[%swap3A_1987] {strides = array<i32>} : memref<640xf32, #tpu.memory_space<vmem>>, vector<16xf32>,
    tpu.vector_store %arg12[%swap3A_1987], %select_n3A_1986 {strides = array<i32>} : memref<640xf32, #tpu.memory_space<vmem>>, vector<16xf32>,
    %get3A_1989 = arith.constant 512 : index
    %get3A_1990 = tpu.vector_load %arg11[%get3A_1989] {strides = array<i32>} : memref<640xf32, #tpu.memory_space<vmem>>, vector<16xf32>,
    %swap3A_1991 = arith.constant 512 : index
    %swap3A_1992 = tpu.vector_load %arg13[%swap3A_1991] {strides = array<i32>} : memref<640xf32, #tpu.memory_space<vmem>>, vector<16xf32>,
    tpu.vector_store %arg13[%swap3A_1991], %get3A_1990 {strides = array<i32>} : memref<640xf32, #tpu.memory_space<vmem>>, vector<16xf32>,
    %mul3A_1993 = arith.mulf %select_n3A_1986, %get3A_1990 : vector<16xf32>
    %swap3A_1994 = arith.constant 512 : index
    %swap3A_1995 = tpu.vector_load %arg14[%swap3A_1994] {strides = array<i32>} : memref<640xf32, #tpu.memory_space<vmem>>, vector<16xf32>,
    tpu.vector_store %arg14[%swap3A_1994], %mul3A_1993 {strides = array<i32>} : memref<640xf32, #tpu.memory_space<vmem>>, vector<16xf32>,
    %get3A_1996 = arith.constant 528 : index
    %get3A_1997 = tpu.vector_load %arg15[%get3A_1996] {strides = array<i32>} : memref<640xf32, #tpu.memory_space<vmem>>, vector<16xf32>,
    %add3A_1998 = arith.constant 1.000000e+00 : f32
    %add3A_1999 = vector.broadcast %add3A_1998 : f32 to vector<16xf32>
    %add3A_2000 = arith.addf %get3A_1997, %add3A_1999 : vector<16xf32>
    %bitcast3A_2001 = vector.bitcast %add3A_2000 : vector<16xf32> to vector<16xi32>
    %shift_right_arithmetic3A_2002 = arith.constant 1 : i32
    %shift_right_arithmetic3A_2003 = vector.broadcast %shift_right_arithmetic3A_2002 : i32 to vector<16xi32>
    %shift_right_arithmetic3A_2004 = arith.shrsi %bitcast3A_2001, %shift_right_arithmetic3A_2003 : vector<16xi32>
    %sub3A_2005 = arith.constant 1597463007 : i32
    %sub3A_2006 = vector.broadcast %sub3A_2005 : i32 to vector<16xi32>
    %sub3A_2007 = arith.subi %sub3A_2006, %shift_right_arithmetic3A_2004 : vector<16xi32>
    %bitcast3A_2008 = vector.bitcast %sub3A_2007 : vector<16xi32> to vector<16xf32>
    %mul3A_2009 = arith.constant 5.000000e-01 : f32
    %mul3A_2010 = vector.broadcast %mul3A_2009 : f32 to vector<16xf32>
    %mul3A_2011 = arith.mulf %mul3A_2010, %add3A_2000 : vector<16xf32>
    %mul3A_2012 = arith.mulf %mul3A_2011, %bitcast3A_2008 : vector<16xf32>
    %mul3A_2013 = arith.mulf %mul3A_2012, %bitcast3A_2008 : vector<16xf32>
    %sub3A_2014 = arith.constant 1.500000e+00 : f32
    %sub3A_2015 = vector.broadcast %sub3A_2014 : f32 to vector<16xf32>
    %sub3A_2016 = arith.subf %sub3A_2015, %mul3A_2013 : vector<16xf32>
    %mul3A_2017 = arith.mulf %bitcast3A_2008, %sub3A_2016 : vector<16xf32>
    %mul3A_2018 = arith.mulf %mul3A_2011, %mul3A_2017 : vector<16xf32>
    %mul3A_2019 = arith.mulf %mul3A_2018, %mul3A_2017 : vector<16xf32>
    %sub3A_2020 = arith.constant 1.500000e+00 : f32
    %sub3A_2021 = vector.broadcast %sub3A_2020 : f32 to vector<16xf32>
    %sub3A_2022 = arith.subf %sub3A_2021, %mul3A_2019 : vector<16xf32>
    %mul3A_2023 = arith.mulf %mul3A_2017, %sub3A_2022 : vector<16xf32>
    %mul3A_2024 = arith.mulf %mul3A_2011, %mul3A_2023 : vector<16xf32>
    %mul3A_2025 = arith.mulf %mul3A_2024, %mul3A_2023 : vector<16xf32>
    %sub3A_2026 = arith.constant 1.500000e+00 : f32
    %sub3A_2027 = vector.broadcast %sub3A_2026 : f32 to vector<16xf32>
    %sub3A_2028 = arith.subf %sub3A_2027, %mul3A_2025 : vector<16xf32>
    %mul3A_2029 = arith.mulf %mul3A_2023, %sub3A_2028 : vector<16xf32>
    %iota3A_2030 = tpu.iota {dimensions = array<i32: 0>} : vector<16xi32>
    %add3A_2031 = arith.constant 528 : i32
    %add3A_2032 = arith.addi %mul3A_2, %add3A_2031 : i32
    %add3A_2033 = vector.broadcast %add3A_2032 : i32 to vector<16xi32>
    %add3A_2034 = arith.addi %iota3A_2030, %add3A_2033 : vector<16xi32>
    %lt3A_2035 = arith.constant 10000 : i32
    %lt3A_2036 = vector.broadcast %lt3A_2035 : i32 to vector<16xi32>
    %lt3A_2037 = arith.cmpi slt, %add3A_2034, %lt3A_2036 : vector<16xi32>
    %jit3A_2038 = arith.constant 0.000000e+00 : f32
    %broadcast_in_dim3A_2039 = vector.broadcast %jit3A_2038 : f32 to vector<16xf32>
    %select_n3A_2040 = arith.select %lt3A_2037, %mul3A_2029, %broadcast_in_dim3A_2039 : vector<16xi1>, vector<16xf32>
    %swap3A_2041 = arith.constant 528 : index
    %swap3A_2042 = tpu.vector_load %arg12[%swap3A_2041] {strides = array<i32>} : memref<640xf32, #tpu.memory_space<vmem>>, vector<16xf32>,
    tpu.vector_store %arg12[%swap3A_2041], %select_n3A_2040 {strides = array<i32>} : memref<640xf32, #tpu.memory_space<vmem>>, vector<16xf32>,
    %get3A_2043 = arith.constant 528 : index
    %get3A_2044 = tpu.vector_load %arg11[%get3A_2043] {strides = array<i32>} : memref<640xf32, #tpu.memory_space<vmem>>, vector<16xf32>,
    %swap3A_2045 = arith.constant 528 : index
    %swap3A_2046 = tpu.vector_load %arg13[%swap3A_2045] {strides = array<i32>} : memref<640xf32, #tpu.memory_space<vmem>>, vector<16xf32>,
    tpu.vector_store %arg13[%swap3A_2045], %get3A_2044 {strides = array<i32>} : memref<640xf32, #tpu.memory_space<vmem>>, vector<16xf32>,
    %mul3A_2047 = arith.mulf %select_n3A_2040, %get3A_2044 : vector<16xf32>
    %swap3A_2048 = arith.constant 528 : index
    %swap3A_2049 = tpu.vector_load %arg14[%swap3A_2048] {strides = array<i32>} : memref<640xf32, #tpu.memory_space<vmem>>, vector<16xf32>,
    tpu.vector_store %arg14[%swap3A_2048], %mul3A_2047 {strides = array<i32>} : memref<640xf32, #tpu.memory_space<vmem>>, vector<16xf32>,
    %get3A_2050 = arith.constant 544 : index
    %get3A_2051 = tpu.vector_load %arg15[%get3A_2050] {strides = array<i32>} : memref<640xf32, #tpu.memory_space<vmem>>, vector<16xf32>,
    %add3A_2052 = arith.constant 1.000000e+00 : f32
    %add3A_2053 = vector.broadcast %add3A_2052 : f32 to vector<16xf32>
    %add3A_2054 = arith.addf %get3A_2051, %add3A_2053 : vector<16xf32>
    %bitcast3A_2055 = vector.bitcast %add3A_2054 : vector<16xf32> to vector<16xi32>
    %shift_right_arithmetic3A_2056 = arith.constant 1 : i32
    %shift_right_arithmetic3A_2057 = vector.broadcast %shift_right_arithmetic3A_2056 : i32 to vector<16xi32>
    %shift_right_arithmetic3A_2058 = arith.shrsi %bitcast3A_2055, %shift_right_arithmetic3A_2057 : vector<16xi32>
    %sub3A_2059 = arith.constant 1597463007 : i32
    %sub3A_2060 = vector.broadcast %sub3A_2059 : i32 to vector<16xi32>
    %sub3A_2061 = arith.subi %sub3A_2060, %shift_right_arithmetic3A_2058 : vector<16xi32>
    %bitcast3A_2062 = vector.bitcast %sub3A_2061 : vector<16xi32> to vector<16xf32>
    %mul3A_2063 = arith.constant 5.000000e-01 : f32
    %mul3A_2064 = vector.broadcast %mul3A_2063 : f32 to vector<16xf32>
    %mul3A_2065 = arith.mulf %mul3A_2064, %add3A_2054 : vector<16xf32>
    %mul3A_2066 = arith.mulf %mul3A_2065, %bitcast3A_2062 : vector<16xf32>
    %mul3A_2067 = arith.mulf %mul3A_2066, %bitcast3A_2062 : vector<16xf32>
    %sub3A_2068 = arith.constant 1.500000e+00 : f32
    %sub3A_2069 = vector.broadcast %sub3A_2068 : f32 to vector<16xf32>
    %sub3A_2070 = arith.subf %sub3A_2069, %mul3A_2067 : vector<16xf32>
    %mul3A_2071 = arith.mulf %bitcast3A_2062, %sub3A_2070 : vector<16xf32>
    %mul3A_2072 = arith.mulf %mul3A_2065, %mul3A_2071 : vector<16xf32>
    %mul3A_2073 = arith.mulf %mul3A_2072, %mul3A_2071 : vector<16xf32>
    %sub3A_2074 = arith.constant 1.500000e+00 : f32
    %sub3A_2075 = vector.broadcast %sub3A_2074 : f32 to vector<16xf32>
    %sub3A_2076 = arith.subf %sub3A_2075, %mul3A_2073 : vector<16xf32>
    %mul3A_2077 = arith.mulf %mul3A_2071, %sub3A_2076 : vector<16xf32>
    %mul3A_2078 = arith.mulf %mul3A_2065, %mul3A_2077 : vector<16xf32>
    %mul3A_2079 = arith.mulf %mul3A_2078, %mul3A_2077 : vector<16xf32>
    %sub3A_2080 = arith.constant 1.500000e+00 : f32
    %sub3A_2081 = vector.broadcast %sub3A_2080 : f32 to vector<16xf32>
    %sub3A_2082 = arith.subf %sub3A_2081, %mul3A_2079 : vector<16xf32>
    %mul3A_2083 = arith.mulf %mul3A_2077, %sub3A_2082 : vector<16xf32>
    %iota3A_2084 = tpu.iota {dimensions = array<i32: 0>} : vector<16xi32>
    %add3A_2085 = arith.constant 544 : i32
    %add3A_2086 = arith.addi %mul3A_2, %add3A_2085 : i32
    %add3A_2087 = vector.broadcast %add3A_2086 : i32 to vector<16xi32>
    %add3A_2088 = arith.addi %iota3A_2084, %add3A_2087 : vector<16xi32>
    %lt3A_2089 = arith.constant 10000 : i32
    %lt3A_2090 = vector.broadcast %lt3A_2089 : i32 to vector<16xi32>
    %lt3A_2091 = arith.cmpi slt, %add3A_2088, %lt3A_2090 : vector<16xi32>
    %jit3A_2092 = arith.constant 0.000000e+00 : f32
    %broadcast_in_dim3A_2093 = vector.broadcast %jit3A_2092 : f32 to vector<16xf32>
    %select_n3A_2094 = arith.select %lt3A_2091, %mul3A_2083, %broadcast_in_dim3A_2093 : vector<16xi1>, vector<16xf32>
    %swap3A_2095 = arith.constant 544 : index
    %swap3A_2096 = tpu.vector_load %arg12[%swap3A_2095] {strides = array<i32>} : memref<640xf32, #tpu.memory_space<vmem>>, vector<16xf32>,
    tpu.vector_store %arg12[%swap3A_2095], %select_n3A_2094 {strides = array<i32>} : memref<640xf32, #tpu.memory_space<vmem>>, vector<16xf32>,
    %get3A_2097 = arith.constant 544 : index
    %get3A_2098 = tpu.vector_load %arg11[%get3A_2097] {strides = array<i32>} : memref<640xf32, #tpu.memory_space<vmem>>, vector<16xf32>,
    %swap3A_2099 = arith.constant 544 : index
    %swap3A_2100 = tpu.vector_load %arg13[%swap3A_2099] {strides = array<i32>} : memref<640xf32, #tpu.memory_space<vmem>>, vector<16xf32>,
    tpu.vector_store %arg13[%swap3A_2099], %get3A_2098 {strides = array<i32>} : memref<640xf32, #tpu.memory_space<vmem>>, vector<16xf32>,
    %mul3A_2101 = arith.mulf %select_n3A_2094, %get3A_2098 : vector<16xf32>
    %swap3A_2102 = arith.constant 544 : index
    %swap3A_2103 = tpu.vector_load %arg14[%swap3A_2102] {strides = array<i32>} : memref<640xf32, #tpu.memory_space<vmem>>, vector<16xf32>,
    tpu.vector_store %arg14[%swap3A_2102], %mul3A_2101 {strides = array<i32>} : memref<640xf32, #tpu.memory_space<vmem>>, vector<16xf32>,
    %get3A_2104 = arith.constant 560 : index
    %get3A_2105 = tpu.vector_load %arg15[%get3A_2104] {strides = array<i32>} : memref<640xf32, #tpu.memory_space<vmem>>, vector<16xf32>,
    %add3A_2106 = arith.constant 1.000000e+00 : f32
    %add3A_2107 = vector.broadcast %add3A_2106 : f32 to vector<16xf32>
    %add3A_2108 = arith.addf %get3A_2105, %add3A_2107 : vector<16xf32>
    %bitcast3A_2109 = vector.bitcast %add3A_2108 : vector<16xf32> to vector<16xi32>
    %shift_right_arithmetic3A_2110 = arith.constant 1 : i32
    %shift_right_arithmetic3A_2111 = vector.broadcast %shift_right_arithmetic3A_2110 : i32 to vector<16xi32>
    %shift_right_arithmetic3A_2112 = arith.shrsi %bitcast3A_2109, %shift_right_arithmetic3A_2111 : vector<16xi32>
    %sub3A_2113 = arith.constant 1597463007 : i32
    %sub3A_2114 = vector.broadcast %sub3A_2113 : i32 to vector<16xi32>
    %sub3A_2115 = arith.subi %sub3A_2114, %shift_right_arithmetic3A_2112 : vector<16xi32>
    %bitcast3A_2116 = vector.bitcast %sub3A_2115 : vector<16xi32> to vector<16xf32>
    %mul3A_2117 = arith.constant 5.000000e-01 : f32
    %mul3A_2118 = vector.broadcast %mul3A_2117 : f32 to vector<16xf32>
    %mul3A_2119 = arith.mulf %mul3A_2118, %add3A_2108 : vector<16xf32>
    %mul3A_2120 = arith.mulf %mul3A_2119, %bitcast3A_2116 : vector<16xf32>
    %mul3A_2121 = arith.mulf %mul3A_2120, %bitcast3A_2116 : vector<16xf32>
    %sub3A_2122 = arith.constant 1.500000e+00 : f32
    %sub3A_2123 = vector.broadcast %sub3A_2122 : f32 to vector<16xf32>
    %sub3A_2124 = arith.subf %sub3A_2123, %mul3A_2121 : vector<16xf32>
    %mul3A_2125 = arith.mulf %bitcast3A_2116, %sub3A_2124 : vector<16xf32>
    %mul3A_2126 = arith.mulf %mul3A_2119, %mul3A_2125 : vector<16xf32>
    %mul3A_2127 = arith.mulf %mul3A_2126, %mul3A_2125 : vector<16xf32>
    %sub3A_2128 = arith.constant 1.500000e+00 : f32
    %sub3A_2129 = vector.broadcast %sub3A_2128 : f32 to vector<16xf32>
    %sub3A_2130 = arith.subf %sub3A_2129, %mul3A_2127 : vector<16xf32>
    %mul3A_2131 = arith.mulf %mul3A_2125, %sub3A_2130 : vector<16xf32>
    %mul3A_2132 = arith.mulf %mul3A_2119, %mul3A_2131 : vector<16xf32>
    %mul3A_2133 = arith.mulf %mul3A_2132, %mul3A_2131 : vector<16xf32>
    %sub3A_2134 = arith.constant 1.500000e+00 : f32
    %sub3A_2135 = vector.broadcast %sub3A_2134 : f32 to vector<16xf32>
    %sub3A_2136 = arith.subf %sub3A_2135, %mul3A_2133 : vector<16xf32>
    %mul3A_2137 = arith.mulf %mul3A_2131, %sub3A_2136 : vector<16xf32>
    %iota3A_2138 = tpu.iota {dimensions = array<i32: 0>} : vector<16xi32>
    %add3A_2139 = arith.constant 560 : i32
    %add3A_2140 = arith.addi %mul3A_2, %add3A_2139 : i32
    %add3A_2141 = vector.broadcast %add3A_2140 : i32 to vector<16xi32>
    %add3A_2142 = arith.addi %iota3A_2138, %add3A_2141 : vector<16xi32>
    %lt3A_2143 = arith.constant 10000 : i32
    %lt3A_2144 = vector.broadcast %lt3A_2143 : i32 to vector<16xi32>
    %lt3A_2145 = arith.cmpi slt, %add3A_2142, %lt3A_2144 : vector<16xi32>
    %jit3A_2146 = arith.constant 0.000000e+00 : f32
    %broadcast_in_dim3A_2147 = vector.broadcast %jit3A_2146 : f32 to vector<16xf32>
    %select_n3A_2148 = arith.select %lt3A_2145, %mul3A_2137, %broadcast_in_dim3A_2147 : vector<16xi1>, vector<16xf32>
    %swap3A_2149 = arith.constant 560 : index
    %swap3A_2150 = tpu.vector_load %arg12[%swap3A_2149] {strides = array<i32>} : memref<640xf32, #tpu.memory_space<vmem>>, vector<16xf32>,
    tpu.vector_store %arg12[%swap3A_2149], %select_n3A_2148 {strides = array<i32>} : memref<640xf32, #tpu.memory_space<vmem>>, vector<16xf32>,
    %get3A_2151 = arith.constant 560 : index
    %get3A_2152 = tpu.vector_load %arg11[%get3A_2151] {strides = array<i32>} : memref<640xf32, #tpu.memory_space<vmem>>, vector<16xf32>,
    %swap3A_2153 = arith.constant 560 : index
    %swap3A_2154 = tpu.vector_load %arg13[%swap3A_2153] {strides = array<i32>} : memref<640xf32, #tpu.memory_space<vmem>>, vector<16xf32>,
    tpu.vector_store %arg13[%swap3A_2153], %get3A_2152 {strides = array<i32>} : memref<640xf32, #tpu.memory_space<vmem>>, vector<16xf32>,
    %mul3A_2155 = arith.mulf %select_n3A_2148, %get3A_2152 : vector<16xf32>
    %swap3A_2156 = arith.constant 560 : index
    %swap3A_2157 = tpu.vector_load %arg14[%swap3A_2156] {strides = array<i32>} : memref<640xf32, #tpu.memory_space<vmem>>, vector<16xf32>,
    tpu.vector_store %arg14[%swap3A_2156], %mul3A_2155 {strides = array<i32>} : memref<640xf32, #tpu.memory_space<vmem>>, vector<16xf32>,
    %get3A_2158 = arith.constant 576 : index
    %get3A_2159 = tpu.vector_load %arg15[%get3A_2158] {strides = array<i32>} : memref<640xf32, #tpu.memory_space<vmem>>, vector<16xf32>,
    %add3A_2160 = arith.constant 1.000000e+00 : f32
    %add3A_2161 = vector.broadcast %add3A_2160 : f32 to vector<16xf32>
    %add3A_2162 = arith.addf %get3A_2159, %add3A_2161 : vector<16xf32>
    %bitcast3A_2163 = vector.bitcast %add3A_2162 : vector<16xf32> to vector<16xi32>
    %shift_right_arithmetic3A_2164 = arith.constant 1 : i32
    %shift_right_arithmetic3A_2165 = vector.broadcast %shift_right_arithmetic3A_2164 : i32 to vector<16xi32>
    %shift_right_arithmetic3A_2166 = arith.shrsi %bitcast3A_2163, %shift_right_arithmetic3A_2165 : vector<16xi32>
    %sub3A_2167 = arith.constant 1597463007 : i32
    %sub3A_2168 = vector.broadcast %sub3A_2167 : i32 to vector<16xi32>
    %sub3A_2169 = arith.subi %sub3A_2168, %shift_right_arithmetic3A_2166 : vector<16xi32>
    %bitcast3A_2170 = vector.bitcast %sub3A_2169 : vector<16xi32> to vector<16xf32>
    %mul3A_2171 = arith.constant 5.000000e-01 : f32
    %mul3A_2172 = vector.broadcast %mul3A_2171 : f32 to vector<16xf32>
    %mul3A_2173 = arith.mulf %mul3A_2172, %add3A_2162 : vector<16xf32>
    %mul3A_2174 = arith.mulf %mul3A_2173, %bitcast3A_2170 : vector<16xf32>
    %mul3A_2175 = arith.mulf %mul3A_2174, %bitcast3A_2170 : vector<16xf32>
    %sub3A_2176 = arith.constant 1.500000e+00 : f32
    %sub3A_2177 = vector.broadcast %sub3A_2176 : f32 to vector<16xf32>
    %sub3A_2178 = arith.subf %sub3A_2177, %mul3A_2175 : vector<16xf32>
    %mul3A_2179 = arith.mulf %bitcast3A_2170, %sub3A_2178 : vector<16xf32>
    %mul3A_2180 = arith.mulf %mul3A_2173, %mul3A_2179 : vector<16xf32>
    %mul3A_2181 = arith.mulf %mul3A_2180, %mul3A_2179 : vector<16xf32>
    %sub3A_2182 = arith.constant 1.500000e+00 : f32
    %sub3A_2183 = vector.broadcast %sub3A_2182 : f32 to vector<16xf32>
    %sub3A_2184 = arith.subf %sub3A_2183, %mul3A_2181 : vector<16xf32>
    %mul3A_2185 = arith.mulf %mul3A_2179, %sub3A_2184 : vector<16xf32>
    %mul3A_2186 = arith.mulf %mul3A_2173, %mul3A_2185 : vector<16xf32>
    %mul3A_2187 = arith.mulf %mul3A_2186, %mul3A_2185 : vector<16xf32>
    %sub3A_2188 = arith.constant 1.500000e+00 : f32
    %sub3A_2189 = vector.broadcast %sub3A_2188 : f32 to vector<16xf32>
    %sub3A_2190 = arith.subf %sub3A_2189, %mul3A_2187 : vector<16xf32>
    %mul3A_2191 = arith.mulf %mul3A_2185, %sub3A_2190 : vector<16xf32>
    %iota3A_2192 = tpu.iota {dimensions = array<i32: 0>} : vector<16xi32>
    %add3A_2193 = arith.constant 576 : i32
    %add3A_2194 = arith.addi %mul3A_2, %add3A_2193 : i32
    %add3A_2195 = vector.broadcast %add3A_2194 : i32 to vector<16xi32>
    %add3A_2196 = arith.addi %iota3A_2192, %add3A_2195 : vector<16xi32>
    %lt3A_2197 = arith.constant 10000 : i32
    %lt3A_2198 = vector.broadcast %lt3A_2197 : i32 to vector<16xi32>
    %lt3A_2199 = arith.cmpi slt, %add3A_2196, %lt3A_2198 : vector<16xi32>
    %jit3A_2200 = arith.constant 0.000000e+00 : f32
    %broadcast_in_dim3A_2201 = vector.broadcast %jit3A_2200 : f32 to vector<16xf32>
    %select_n3A_2202 = arith.select %lt3A_2199, %mul3A_2191, %broadcast_in_dim3A_2201 : vector<16xi1>, vector<16xf32>
    %swap3A_2203 = arith.constant 576 : index
    %swap3A_2204 = tpu.vector_load %arg12[%swap3A_2203] {strides = array<i32>} : memref<640xf32, #tpu.memory_space<vmem>>, vector<16xf32>,
    tpu.vector_store %arg12[%swap3A_2203], %select_n3A_2202 {strides = array<i32>} : memref<640xf32, #tpu.memory_space<vmem>>, vector<16xf32>,
    %get3A_2205 = arith.constant 576 : index
    %get3A_2206 = tpu.vector_load %arg11[%get3A_2205] {strides = array<i32>} : memref<640xf32, #tpu.memory_space<vmem>>, vector<16xf32>,
    %swap3A_2207 = arith.constant 576 : index
    %swap3A_2208 = tpu.vector_load %arg13[%swap3A_2207] {strides = array<i32>} : memref<640xf32, #tpu.memory_space<vmem>>, vector<16xf32>,
    tpu.vector_store %arg13[%swap3A_2207], %get3A_2206 {strides = array<i32>} : memref<640xf32, #tpu.memory_space<vmem>>, vector<16xf32>,
    %mul3A_2209 = arith.mulf %select_n3A_2202, %get3A_2206 : vector<16xf32>
    %swap3A_2210 = arith.constant 576 : index
    %swap3A_2211 = tpu.vector_load %arg14[%swap3A_2210] {strides = array<i32>} : memref<640xf32, #tpu.memory_space<vmem>>, vector<16xf32>,
    tpu.vector_store %arg14[%swap3A_2210], %mul3A_2209 {strides = array<i32>} : memref<640xf32, #tpu.memory_space<vmem>>, vector<16xf32>,
    %get3A_2212 = arith.constant 592 : index
    %get3A_2213 = tpu.vector_load %arg15[%get3A_2212] {strides = array<i32>} : memref<640xf32, #tpu.memory_space<vmem>>, vector<16xf32>,
    %add3A_2214 = arith.constant 1.000000e+00 : f32
    %add3A_2215 = vector.broadcast %add3A_2214 : f32 to vector<16xf32>
    %add3A_2216 = arith.addf %get3A_2213, %add3A_2215 : vector<16xf32>
    %bitcast3A_2217 = vector.bitcast %add3A_2216 : vector<16xf32> to vector<16xi32>
    %shift_right_arithmetic3A_2218 = arith.constant 1 : i32
    %shift_right_arithmetic3A_2219 = vector.broadcast %shift_right_arithmetic3A_2218 : i32 to vector<16xi32>
    %shift_right_arithmetic3A_2220 = arith.shrsi %bitcast3A_2217, %shift_right_arithmetic3A_2219 : vector<16xi32>
    %sub3A_2221 = arith.constant 1597463007 : i32
    %sub3A_2222 = vector.broadcast %sub3A_2221 : i32 to vector<16xi32>
    %sub3A_2223 = arith.subi %sub3A_2222, %shift_right_arithmetic3A_2220 : vector<16xi32>
    %bitcast3A_2224 = vector.bitcast %sub3A_2223 : vector<16xi32> to vector<16xf32>
    %mul3A_2225 = arith.constant 5.000000e-01 : f32
    %mul3A_2226 = vector.broadcast %mul3A_2225 : f32 to vector<16xf32>
    %mul3A_2227 = arith.mulf %mul3A_2226, %add3A_2216 : vector<16xf32>
    %mul3A_2228 = arith.mulf %mul3A_2227, %bitcast3A_2224 : vector<16xf32>
    %mul3A_2229 = arith.mulf %mul3A_2228, %bitcast3A_2224 : vector<16xf32>
    %sub3A_2230 = arith.constant 1.500000e+00 : f32
    %sub3A_2231 = vector.broadcast %sub3A_2230 : f32 to vector<16xf32>
    %sub3A_2232 = arith.subf %sub3A_2231, %mul3A_2229 : vector<16xf32>
    %mul3A_2233 = arith.mulf %bitcast3A_2224, %sub3A_2232 : vector<16xf32>
    %mul3A_2234 = arith.mulf %mul3A_2227, %mul3A_2233 : vector<16xf32>
    %mul3A_2235 = arith.mulf %mul3A_2234, %mul3A_2233 : vector<16xf32>
    %sub3A_2236 = arith.constant 1.500000e+00 : f32
    %sub3A_2237 = vector.broadcast %sub3A_2236 : f32 to vector<16xf32>
    %sub3A_2238 = arith.subf %sub3A_2237, %mul3A_2235 : vector<16xf32>
    %mul3A_2239 = arith.mulf %mul3A_2233, %sub3A_2238 : vector<16xf32>
    %mul3A_2240 = arith.mulf %mul3A_2227, %mul3A_2239 : vector<16xf32>
    %mul3A_2241 = arith.mulf %mul3A_2240, %mul3A_2239 : vector<16xf32>
    %sub3A_2242 = arith.constant 1.500000e+00 : f32
    %sub3A_2243 = vector.broadcast %sub3A_2242 : f32 to vector<16xf32>
    %sub3A_2244 = arith.subf %sub3A_2243, %mul3A_2241 : vector<16xf32>
    %mul3A_2245 = arith.mulf %mul3A_2239, %sub3A_2244 : vector<16xf32>
    %iota3A_2246 = tpu.iota {dimensions = array<i32: 0>} : vector<16xi32>
    %add3A_2247 = arith.constant 592 : i32
    %add3A_2248 = arith.addi %mul3A_2, %add3A_2247 : i32
    %add3A_2249 = vector.broadcast %add3A_2248 : i32 to vector<16xi32>
    %add3A_2250 = arith.addi %iota3A_2246, %add3A_2249 : vector<16xi32>
    %lt3A_2251 = arith.constant 10000 : i32
    %lt3A_2252 = vector.broadcast %lt3A_2251 : i32 to vector<16xi32>
    %lt3A_2253 = arith.cmpi slt, %add3A_2250, %lt3A_2252 : vector<16xi32>
    %jit3A_2254 = arith.constant 0.000000e+00 : f32
    %broadcast_in_dim3A_2255 = vector.broadcast %jit3A_2254 : f32 to vector<16xf32>
    %select_n3A_2256 = arith.select %lt3A_2253, %mul3A_2245, %broadcast_in_dim3A_2255 : vector<16xi1>, vector<16xf32>
    %swap3A_2257 = arith.constant 592 : index
    %swap3A_2258 = tpu.vector_load %arg12[%swap3A_2257] {strides = array<i32>} : memref<640xf32, #tpu.memory_space<vmem>>, vector<16xf32>,
    tpu.vector_store %arg12[%swap3A_2257], %select_n3A_2256 {strides = array<i32>} : memref<640xf32, #tpu.memory_space<vmem>>, vector<16xf32>,
    %get3A_2259 = arith.constant 592 : index
    %get3A_2260 = tpu.vector_load %arg11[%get3A_2259] {strides = array<i32>} : memref<640xf32, #tpu.memory_space<vmem>>, vector<16xf32>,
    %swap3A_2261 = arith.constant 592 : index
    %swap3A_2262 = tpu.vector_load %arg13[%swap3A_2261] {strides = array<i32>} : memref<640xf32, #tpu.memory_space<vmem>>, vector<16xf32>,
    tpu.vector_store %arg13[%swap3A_2261], %get3A_2260 {strides = array<i32>} : memref<640xf32, #tpu.memory_space<vmem>>, vector<16xf32>,
    %mul3A_2263 = arith.mulf %select_n3A_2256, %get3A_2260 : vector<16xf32>
    %swap3A_2264 = arith.constant 592 : index
    %swap3A_2265 = tpu.vector_load %arg14[%swap3A_2264] {strides = array<i32>} : memref<640xf32, #tpu.memory_space<vmem>>, vector<16xf32>,
    tpu.vector_store %arg14[%swap3A_2264], %mul3A_2263 {strides = array<i32>} : memref<640xf32, #tpu.memory_space<vmem>>, vector<16xf32>,
    %get3A_2266 = arith.constant 608 : index
    %get3A_2267 = tpu.vector_load %arg15[%get3A_2266] {strides = array<i32>} : memref<640xf32, #tpu.memory_space<vmem>>, vector<16xf32>,
    %add3A_2268 = arith.constant 1.000000e+00 : f32
    %add3A_2269 = vector.broadcast %add3A_2268 : f32 to vector<16xf32>
    %add3A_2270 = arith.addf %get3A_2267, %add3A_2269 : vector<16xf32>
    %bitcast3A_2271 = vector.bitcast %add3A_2270 : vector<16xf32> to vector<16xi32>
    %shift_right_arithmetic3A_2272 = arith.constant 1 : i32
    %shift_right_arithmetic3A_2273 = vector.broadcast %shift_right_arithmetic3A_2272 : i32 to vector<16xi32>
    %shift_right_arithmetic3A_2274 = arith.shrsi %bitcast3A_2271, %shift_right_arithmetic3A_2273 : vector<16xi32>
    %sub3A_2275 = arith.constant 1597463007 : i32
    %sub3A_2276 = vector.broadcast %sub3A_2275 : i32 to vector<16xi32>
    %sub3A_2277 = arith.subi %sub3A_2276, %shift_right_arithmetic3A_2274 : vector<16xi32>
    %bitcast3A_2278 = vector.bitcast %sub3A_2277 : vector<16xi32> to vector<16xf32>
    %mul3A_2279 = arith.constant 5.000000e-01 : f32
    %mul3A_2280 = vector.broadcast %mul3A_2279 : f32 to vector<16xf32>
    %mul3A_2281 = arith.mulf %mul3A_2280, %add3A_2270 : vector<16xf32>
    %mul3A_2282 = arith.mulf %mul3A_2281, %bitcast3A_2278 : vector<16xf32>
    %mul3A_2283 = arith.mulf %mul3A_2282, %bitcast3A_2278 : vector<16xf32>
    %sub3A_2284 = arith.constant 1.500000e+00 : f32
    %sub3A_2285 = vector.broadcast %sub3A_2284 : f32 to vector<16xf32>
    %sub3A_2286 = arith.subf %sub3A_2285, %mul3A_2283 : vector<16xf32>
    %mul3A_2287 = arith.mulf %bitcast3A_2278, %sub3A_2286 : vector<16xf32>
    %mul3A_2288 = arith.mulf %mul3A_2281, %mul3A_2287 : vector<16xf32>
    %mul3A_2289 = arith.mulf %mul3A_2288, %mul3A_2287 : vector<16xf32>
    %sub3A_2290 = arith.constant 1.500000e+00 : f32
    %sub3A_2291 = vector.broadcast %sub3A_2290 : f32 to vector<16xf32>
    %sub3A_2292 = arith.subf %sub3A_2291, %mul3A_2289 : vector<16xf32>
    %mul3A_2293 = arith.mulf %mul3A_2287, %sub3A_2292 : vector<16xf32>
    %mul3A_2294 = arith.mulf %mul3A_2281, %mul3A_2293 : vector<16xf32>
    %mul3A_2295 = arith.mulf %mul3A_2294, %mul3A_2293 : vector<16xf32>
    %sub3A_2296 = arith.constant 1.500000e+00 : f32
    %sub3A_2297 = vector.broadcast %sub3A_2296 : f32 to vector<16xf32>
    %sub3A_2298 = arith.subf %sub3A_2297, %mul3A_2295 : vector<16xf32>
    %mul3A_2299 = arith.mulf %mul3A_2293, %sub3A_2298 : vector<16xf32>
    %iota3A_2300 = tpu.iota {dimensions = array<i32: 0>} : vector<16xi32>
    %add3A_2301 = arith.constant 608 : i32
    %add3A_2302 = arith.addi %mul3A_2, %add3A_2301 : i32
    %add3A_2303 = vector.broadcast %add3A_2302 : i32 to vector<16xi32>
    %add3A_2304 = arith.addi %iota3A_2300, %add3A_2303 : vector<16xi32>
    %lt3A_2305 = arith.constant 10000 : i32
    %lt3A_2306 = vector.broadcast %lt3A_2305 : i32 to vector<16xi32>
    %lt3A_2307 = arith.cmpi slt, %add3A_2304, %lt3A_2306 : vector<16xi32>
    %jit3A_2308 = arith.constant 0.000000e+00 : f32
    %broadcast_in_dim3A_2309 = vector.broadcast %jit3A_2308 : f32 to vector<16xf32>
    %select_n3A_2310 = arith.select %lt3A_2307, %mul3A_2299, %broadcast_in_dim3A_2309 : vector<16xi1>, vector<16xf32>
    %swap3A_2311 = arith.constant 608 : index
    %swap3A_2312 = tpu.vector_load %arg12[%swap3A_2311] {strides = array<i32>} : memref<640xf32, #tpu.memory_space<vmem>>, vector<16xf32>,
    tpu.vector_store %arg12[%swap3A_2311], %select_n3A_2310 {strides = array<i32>} : memref<640xf32, #tpu.memory_space<vmem>>, vector<16xf32>,
    %get3A_2313 = arith.constant 608 : index
    %get3A_2314 = tpu.vector_load %arg11[%get3A_2313] {strides = array<i32>} : memref<640xf32, #tpu.memory_space<vmem>>, vector<16xf32>,
    %swap3A_2315 = arith.constant 608 : index
    %swap3A_2316 = tpu.vector_load %arg13[%swap3A_2315] {strides = array<i32>} : memref<640xf32, #tpu.memory_space<vmem>>, vector<16xf32>,
    tpu.vector_store %arg13[%swap3A_2315], %get3A_2314 {strides = array<i32>} : memref<640xf32, #tpu.memory_space<vmem>>, vector<16xf32>,
    %mul3A_2317 = arith.mulf %select_n3A_2310, %get3A_2314 : vector<16xf32>
    %swap3A_2318 = arith.constant 608 : index
    %swap3A_2319 = tpu.vector_load %arg14[%swap3A_2318] {strides = array<i32>} : memref<640xf32, #tpu.memory_space<vmem>>, vector<16xf32>,
    tpu.vector_store %arg14[%swap3A_2318], %mul3A_2317 {strides = array<i32>} : memref<640xf32, #tpu.memory_space<vmem>>, vector<16xf32>,
    %get3A_2320 = arith.constant 624 : index
    %get3A_2321 = tpu.vector_load %arg15[%get3A_2320] {strides = array<i32>} : memref<640xf32, #tpu.memory_space<vmem>>, vector<16xf32>,
    %add3A_2322 = arith.constant 1.000000e+00 : f32
    %add3A_2323 = vector.broadcast %add3A_2322 : f32 to vector<16xf32>
    %add3A_2324 = arith.addf %get3A_2321, %add3A_2323 : vector<16xf32>
    %bitcast3A_2325 = vector.bitcast %add3A_2324 : vector<16xf32> to vector<16xi32>
    %shift_right_arithmetic3A_2326 = arith.constant 1 : i32
    %shift_right_arithmetic3A_2327 = vector.broadcast %shift_right_arithmetic3A_2326 : i32 to vector<16xi32>
    %shift_right_arithmetic3A_2328 = arith.shrsi %bitcast3A_2325, %shift_right_arithmetic3A_2327 : vector<16xi32>
    %sub3A_2329 = arith.constant 1597463007 : i32
    %sub3A_2330 = vector.broadcast %sub3A_2329 : i32 to vector<16xi32>
    %sub3A_2331 = arith.subi %sub3A_2330, %shift_right_arithmetic3A_2328 : vector<16xi32>
    %bitcast3A_2332 = vector.bitcast %sub3A_2331 : vector<16xi32> to vector<16xf32>
    %mul3A_2333 = arith.constant 5.000000e-01 : f32
    %mul3A_2334 = vector.broadcast %mul3A_2333 : f32 to vector<16xf32>
    %mul3A_2335 = arith.mulf %mul3A_2334, %add3A_2324 : vector<16xf32>
    %mul3A_2336 = arith.mulf %mul3A_2335, %bitcast3A_2332 : vector<16xf32>
    %mul3A_2337 = arith.mulf %mul3A_2336, %bitcast3A_2332 : vector<16xf32>
    %sub3A_2338 = arith.constant 1.500000e+00 : f32
    %sub3A_2339 = vector.broadcast %sub3A_2338 : f32 to vector<16xf32>
    %sub3A_2340 = arith.subf %sub3A_2339, %mul3A_2337 : vector<16xf32>
    %mul3A_2341 = arith.mulf %bitcast3A_2332, %sub3A_2340 : vector<16xf32>
    %mul3A_2342 = arith.mulf %mul3A_2335, %mul3A_2341 : vector<16xf32>
    %mul3A_2343 = arith.mulf %mul3A_2342, %mul3A_2341 : vector<16xf32>
    %sub3A_2344 = arith.constant 1.500000e+00 : f32
    %sub3A_2345 = vector.broadcast %sub3A_2344 : f32 to vector<16xf32>
    %sub3A_2346 = arith.subf %sub3A_2345, %mul3A_2343 : vector<16xf32>
    %mul3A_2347 = arith.mulf %mul3A_2341, %sub3A_2346 : vector<16xf32>
    %mul3A_2348 = arith.mulf %mul3A_2335, %mul3A_2347 : vector<16xf32>
    %mul3A_2349 = arith.mulf %mul3A_2348, %mul3A_2347 : vector<16xf32>
    %sub3A_2350 = arith.constant 1.500000e+00 : f32
    %sub3A_2351 = vector.broadcast %sub3A_2350 : f32 to vector<16xf32>
    %sub3A_2352 = arith.subf %sub3A_2351, %mul3A_2349 : vector<16xf32>
    %mul3A_2353 = arith.mulf %mul3A_2347, %sub3A_2352 : vector<16xf32>
    %iota3A_2354 = tpu.iota {dimensions = array<i32: 0>} : vector<16xi32>
    %add3A_2355 = arith.constant 624 : i32
    %add3A_2356 = arith.addi %mul3A_2, %add3A_2355 : i32
    %add3A_2357 = vector.broadcast %add3A_2356 : i32 to vector<16xi32>
    %add3A_2358 = arith.addi %iota3A_2354, %add3A_2357 : vector<16xi32>
    %lt3A_2359 = arith.constant 10000 : i32
    %lt3A_2360 = vector.broadcast %lt3A_2359 : i32 to vector<16xi32>
    %lt3A_2361 = arith.cmpi slt, %add3A_2358, %lt3A_2360 : vector<16xi32>
    %jit3A_2362 = arith.constant 0.000000e+00 : f32
    %broadcast_in_dim3A_2363 = vector.broadcast %jit3A_2362 : f32 to vector<16xf32>
    %select_n3A_2364 = arith.select %lt3A_2361, %mul3A_2353, %broadcast_in_dim3A_2363 : vector<16xi1>, vector<16xf32>
    %swap3A_2365 = arith.constant 624 : index
    %swap3A_2366 = tpu.vector_load %arg12[%swap3A_2365] {strides = array<i32>} : memref<640xf32, #tpu.memory_space<vmem>>, vector<16xf32>,
    tpu.vector_store %arg12[%swap3A_2365], %select_n3A_2364 {strides = array<i32>} : memref<640xf32, #tpu.memory_space<vmem>>, vector<16xf32>,
    %get3A_2367 = arith.constant 624 : index
    %get3A_2368 = tpu.vector_load %arg11[%get3A_2367] {strides = array<i32>} : memref<640xf32, #tpu.memory_space<vmem>>, vector<16xf32>,
    %swap3A_2369 = arith.constant 624 : index
    %swap3A_2370 = tpu.vector_load %arg13[%swap3A_2369] {strides = array<i32>} : memref<640xf32, #tpu.memory_space<vmem>>, vector<16xf32>,
    tpu.vector_store %arg13[%swap3A_2369], %get3A_2368 {strides = array<i32>} : memref<640xf32, #tpu.memory_space<vmem>>, vector<16xf32>,
    %mul3A_2371 = arith.mulf %select_n3A_2364, %get3A_2368 : vector<16xf32>
    %swap3A_2372 = arith.constant 624 : index
    %swap3A_2373 = tpu.vector_load %arg14[%swap3A_2372] {strides = array<i32>} : memref<640xf32, #tpu.memory_space<vmem>>, vector<16xf32>,
    tpu.vector_store %arg14[%swap3A_2372], %mul3A_2371 {strides = array<i32>} : memref<640xf32, #tpu.memory_space<vmem>>, vector<16xf32>,
    %scan3A_2374 = arith.constant 0 : i32
    %scan3A_2375 = arith.constant 0 : i32
    %scan3A_2376 = arith.constant 10 : i32
    %scan3A_2377 = arith.addi %scan3A_2375, %scan3A_2376 : i32
    %scan3A_2378 = arith.constant 1 : i32
    scf.for %scan3A_2382 = %scan3A_2375 to %scan3A_2377 step %scan3A_2378  : i32 {
      "tpu.region"() ({
        %run_scoped3A = tpu.sem_alloc : memref<!tpu.dma_semaphore, #tpu.memory_space<semaphore_mem>>
        %dma_start3A_3329 = tpu.memref_slice %arg7[%mul3A_2] : memref<10240xf32, #tpu.memory_space<vmem_shared>> -> memref<640xf32, #tpu.memory_space<vmem_shared>>
        %dma_start3A_3330 = tpu.memref_slice %arg7[%mul3A_2] : memref<10240xf32, #tpu.memory_space<vmem_shared>> -> memref<640xf32, #tpu.memory_space<vmem_shared>>
        tpu.enqueue_dma source(%arg16 : memref<640xf32, #tpu.memory_space<vmem>>) target(%dma_start3A_3330 : memref<640xf32, #tpu.memory_space<vmem_shared>>) target_semaphore(%run_scoped3A : memref<!tpu.dma_semaphore, #tpu.memory_space<semaphore_mem>>)
        %dma_wait3A_3331 = tpu.memref_slice %arg7[%mul3A_2] : memref<10240xf32, #tpu.memory_space<vmem_shared>> -> memref<640xf32, #tpu.memory_space<vmem_shared>>
        %dma_wait3A_3332 = tpu.memref_slice %arg7[%mul3A_2] : memref<10240xf32, #tpu.memory_space<vmem_shared>> -> memref<640xf32, #tpu.memory_space<vmem_shared>>
        tpu.wait_dma2 semaphore(%run_scoped3A : memref<!tpu.dma_semaphore, #tpu.memory_space<semaphore_mem>>) src(%arg16 : memref<640xf32, #tpu.memory_space<vmem>>) dst(%dma_wait3A_3332 : memref<640xf32, #tpu.memory_space<vmem_shared>>)
        tpu.yield
      }) : () -> ()
      "tpu.region"() ({
        %run_scoped3A = tpu.sem_alloc : memref<!tpu.dma_semaphore, #tpu.memory_space<semaphore_mem>>
        %dma_start3A_3329 = tpu.memref_slice %arg6[%mul3A_2] : memref<10240xf32, #tpu.memory_space<vmem_shared>> -> memref<640xf32, #tpu.memory_space<vmem_shared>>
        %dma_start3A_3330 = tpu.memref_slice %arg6[%mul3A_2] : memref<10240xf32, #tpu.memory_space<vmem_shared>> -> memref<640xf32, #tpu.memory_space<vmem_shared>>
        tpu.enqueue_dma source(%arg14 : memref<640xf32, #tpu.memory_space<vmem>>) target(%dma_start3A_3330 : memref<640xf32, #tpu.memory_space<vmem_shared>>) target_semaphore(%run_scoped3A : memref<!tpu.dma_semaphore, #tpu.memory_space<semaphore_mem>>)
        %dma_wait3A_3331 = tpu.memref_slice %arg6[%mul3A_2] : memref<10240xf32, #tpu.memory_space<vmem_shared>> -> memref<640xf32, #tpu.memory_space<vmem_shared>>
        %dma_wait3A_3332 = tpu.memref_slice %arg6[%mul3A_2] : memref<10240xf32, #tpu.memory_space<vmem_shared>> -> memref<640xf32, #tpu.memory_space<vmem_shared>>
        tpu.wait_dma2 semaphore(%run_scoped3A : memref<!tpu.dma_semaphore, #tpu.memory_space<semaphore_mem>>) src(%arg14 : memref<640xf32, #tpu.memory_space<vmem>>) dst(%dma_wait3A_3332 : memref<640xf32, #tpu.memory_space<vmem_shared>>)
        tpu.yield
      }) : () -> ()
      %barrier3A_2383 = arith.constant 0 : index
      tpu.barrier barrier_id(%barrier3A_2383)
      %scan3A_2384 = arith.constant 0 : i32
      %scan3A_2385 = arith.constant 0 : i32
      %scan3A_2386 = arith.constant 160 : i32
      %scan3A_2387 = arith.addi %scan3A_2385, %scan3A_2386 : i32
      %scan3A_2388 = arith.constant 1 : i32
      scf.for %scan3A_3329 = %scan3A_2385 to %scan3A_2387 step %scan3A_2388  : i32 {
        %dma_start3A_3330 = arith.constant 0 : i32
        %dma_start3A_3331 = tpu.memref_slice %arg10[%scan3A_3329, %dma_start3A_3330] : memref<160x128xf32, #tpu.memory_space<vmem>> -> memref<1x128xf32, #tpu.memory_space<vmem>>
        %dma_start3A_3332 = tpu.memref_squeeze %dma_start3A_3331 : memref<1x128xf32, #tpu.memory_space<vmem>> -> memref<128xf32, #tpu.memory_space<vmem>>
        %dma_start3A_3333 = arith.constant 0 : i32
        %dma_start3A_3334 = tpu.memref_slice %arg8[%scan3A_3329, %dma_start3A_3333] : memref<160x128xi32, #tpu.memory_space<vmem>> -> memref<1x128xi32, #tpu.memory_space<vmem>>
        %dma_start3A_3335 = tpu.memref_squeeze %dma_start3A_3334 : memref<1x128xi32, #tpu.memory_space<vmem>> -> memref<128xi32, #tpu.memory_space<vmem>>
        %dma_start3A_3336 = arith.constant 0 : i32
        %dma_start3A_3337 = tpu.memref_slice %arg6[%dma_start3A_3336] : memref<10240xf32, #tpu.memory_space<vmem_shared>> -> memref<10240xf32, #tpu.memory_space<vmem_shared>>
        tpu.enqueue_indirect_dma source(%dma_start3A_3337 : memref<10240xf32, #tpu.memory_space<vmem_shared>>) target(%dma_start3A_3332 : memref<128xf32, #tpu.memory_space<vmem>>) offsets(%dma_start3A_3335 : memref<128xi32, #tpu.memory_space<vmem>>) semaphore(%arg19 : memref<!tpu.dma_semaphore, #tpu.memory_space<semaphore_mem>>)
      }
      %scan3A_2389 = arith.constant 160 : i32
      %scan3A_2390 = arith.constant 0 : i32
      %scan3A_2391 = arith.constant 0 : i32
      %scan3A_2392 = arith.constant 160 : i32
      %scan3A_2393 = arith.addi %scan3A_2391, %scan3A_2392 : i32
      %scan3A_2394 = arith.constant 1 : i32
      scf.for %scan3A_3329 = %scan3A_2391 to %scan3A_2393 step %scan3A_2394  : i32 {
        %dma_wait3A_3330 = arith.constant 0 : i32
        %dma_wait3A_3331 = arith.constant 0 : i32
        %dma_wait3A_3332 = arith.constant 0 : i32
        %dma_wait3A_3333 = tpu.memref_slice %arg10[%dma_wait3A_3331, %dma_wait3A_3332] : memref<160x128xf32, #tpu.memory_space<vmem>> -> memref<1x128xf32, #tpu.memory_space<vmem>>
        %dma_wait3A_3334 = tpu.memref_squeeze %dma_wait3A_3333 : memref<1x128xf32, #tpu.memory_space<vmem>> -> memref<128xf32, #tpu.memory_space<vmem>>
        %dma_wait3A_3335 = arith.constant 0 : i32
        %dma_wait3A_3336 = tpu.memref_slice %arg8[%dma_wait3A_3330, %dma_wait3A_3335] : memref<160x128xi32, #tpu.memory_space<vmem>> -> memref<1x128xi32, #tpu.memory_space<vmem>>
        %dma_wait3A_3337 = tpu.memref_squeeze %dma_wait3A_3336 : memref<1x128xi32, #tpu.memory_space<vmem>> -> memref<128xi32, #tpu.memory_space<vmem>>
        %dma_wait3A_3338 = arith.constant 0 : i32
        %dma_wait3A_3339 = tpu.memref_slice %arg6[%dma_wait3A_3338] : memref<10240xf32, #tpu.memory_space<vmem_shared>> -> memref<10240xf32, #tpu.memory_space<vmem_shared>>
        tpu.wait_indirect_dma semaphore(%arg19 : memref<!tpu.dma_semaphore, #tpu.memory_space<semaphore_mem>>) src(%dma_wait3A_3339 : memref<10240xf32, #tpu.memory_space<vmem_shared>>) dst(%dma_wait3A_3334 : memref<128xf32, #tpu.memory_space<vmem>>)
      }
      %scan3A_2395 = arith.constant 160 : i32
      %scan3A_2396 = arith.constant 0 : i32
      %scan3A_2397 = arith.constant 0 : i32
      %scan3A_2398 = arith.constant 160 : i32
      %scan3A_2399 = arith.addi %scan3A_2397, %scan3A_2398 : i32
      %scan3A_2400 = arith.constant 1 : i32
      scf.for %scan3A_3329 = %scan3A_2397 to %scan3A_2399 step %scan3A_2400  : i32 {
        %dma_start3A_3330 = arith.constant 0 : i32
        %dma_start3A_3331 = tpu.memref_slice %arg10[%scan3A_3329, %dma_start3A_3330] : memref<160x128xf32, #tpu.memory_space<vmem>> -> memref<1x128xf32, #tpu.memory_space<vmem>>
        %dma_start3A_3332 = tpu.memref_squeeze %dma_start3A_3331 : memref<1x128xf32, #tpu.memory_space<vmem>> -> memref<128xf32, #tpu.memory_space<vmem>>
        %dma_start3A_3333 = arith.constant 0 : i32
        %dma_start3A_3334 = tpu.memref_slice %arg9[%scan3A_3329, %dma_start3A_3333] : memref<160x128xi32, #tpu.memory_space<vmem>> -> memref<1x128xi32, #tpu.memory_space<vmem>>
        %dma_start3A_3335 = tpu.memref_squeeze %dma_start3A_3334 : memref<1x128xi32, #tpu.memory_space<vmem>> -> memref<128xi32, #tpu.memory_space<vmem>>
        %dma_start3A_3336 = arith.constant 0 : i32
        %dma_start3A_3337 = tpu.memref_slice %arg7[%dma_start3A_3336] : memref<10240xf32, #tpu.memory_space<vmem_shared>> -> memref<10240xf32, #tpu.memory_space<vmem_shared>>
        tpu.enqueue_indirect_dma source(%dma_start3A_3332 : memref<128xf32, #tpu.memory_space<vmem>>) target(%dma_start3A_3337 : memref<10240xf32, #tpu.memory_space<vmem_shared>>) offsets(%dma_start3A_3335 : memref<128xi32, #tpu.memory_space<vmem>>) semaphore(%arg20 : memref<!tpu.dma_semaphore, #tpu.memory_space<semaphore_mem>>) {add = true}
      }
      %scan3A_2401 = arith.constant 160 : i32
      %scan3A_2402 = arith.constant 0 : i32
      %scan3A_2403 = arith.constant 0 : i32
      %scan3A_2404 = arith.constant 160 : i32
      %scan3A_2405 = arith.addi %scan3A_2403, %scan3A_2404 : i32
      %scan3A_2406 = arith.constant 1 : i32
      scf.for %scan3A_3329 = %scan3A_2403 to %scan3A_2405 step %scan3A_2406  : i32 {
        %dma_wait3A_3330 = arith.constant 0 : i32
        %dma_wait3A_3331 = arith.constant 0 : i32
        %dma_wait3A_3332 = tpu.memref_slice %arg9[%dma_wait3A_3330, %dma_wait3A_3331] : memref<160x128xi32, #tpu.memory_space<vmem>> -> memref<1x128xi32, #tpu.memory_space<vmem>>
        %dma_wait3A_3333 = tpu.memref_squeeze %dma_wait3A_3332 : memref<1x128xi32, #tpu.memory_space<vmem>> -> memref<128xi32, #tpu.memory_space<vmem>>
        %dma_wait3A_3334 = arith.constant 0 : i32
        %dma_wait3A_3335 = tpu.memref_slice %arg7[%dma_wait3A_3334] : memref<10240xf32, #tpu.memory_space<vmem_shared>> -> memref<10240xf32, #tpu.memory_space<vmem_shared>>
        tpu.wait_indirect_dma semaphore(%arg20 : memref<!tpu.dma_semaphore, #tpu.memory_space<semaphore_mem>>) src(%arg17 : memref<128xf32, #tpu.memory_space<vmem>>) dst(%dma_wait3A_3335 : memref<10240xf32, #tpu.memory_space<vmem_shared>>)
      }
      %scan3A_2407 = arith.constant 160 : i32
      %barrier3A_2408 = arith.constant 0 : index
      tpu.barrier barrier_id(%barrier3A_2408)
      "tpu.region"() ({
        %run_scoped3A = tpu.sem_alloc : memref<!tpu.dma_semaphore, #tpu.memory_space<semaphore_mem>>
        %dma_start3A_3329 = tpu.memref_slice %arg7[%mul3A_2] : memref<10240xf32, #tpu.memory_space<vmem_shared>> -> memref<640xf32, #tpu.memory_space<vmem_shared>>
        %dma_start3A_3330 = tpu.memref_slice %arg7[%mul3A_2] : memref<10240xf32, #tpu.memory_space<vmem_shared>> -> memref<640xf32, #tpu.memory_space<vmem_shared>>
        tpu.enqueue_dma source(%dma_start3A_3330 : memref<640xf32, #tpu.memory_space<vmem_shared>>) target(%arg15 : memref<640xf32, #tpu.memory_space<vmem>>) target_semaphore(%run_scoped3A : memref<!tpu.dma_semaphore, #tpu.memory_space<semaphore_mem>>)
        %dma_wait3A_3331 = tpu.memref_slice %arg7[%mul3A_2] : memref<10240xf32, #tpu.memory_space<vmem_shared>> -> memref<640xf32, #tpu.memory_space<vmem_shared>>
        %dma_wait3A_3332 = tpu.memref_slice %arg7[%mul3A_2] : memref<10240xf32, #tpu.memory_space<vmem_shared>> -> memref<640xf32, #tpu.memory_space<vmem_shared>>
        tpu.wait_dma2 semaphore(%run_scoped3A : memref<!tpu.dma_semaphore, #tpu.memory_space<semaphore_mem>>) src(%dma_wait3A_3332 : memref<640xf32, #tpu.memory_space<vmem_shared>>) dst(%arg15 : memref<640xf32, #tpu.memory_space<vmem>>)
        tpu.yield
      }) : () -> ()
      %get3A_2409 = arith.constant 0 : index
      %get3A_2410 = tpu.vector_load %arg12[%get3A_2409] {strides = array<i32>} : memref<640xf32, #tpu.memory_space<vmem>>, vector<16xf32>,
      %mul3A_2411 = arith.constant 0.899999976 : f32
      %mul3A_2412 = vector.broadcast %mul3A_2411 : f32 to vector<16xf32>
      %mul3A_2413 = arith.mulf %mul3A_2412, %get3A_2410 : vector<16xf32>
      %get3A_2414 = arith.constant 0 : index
      %get3A_2415 = tpu.vector_load %arg15[%get3A_2414] {strides = array<i32>} : memref<640xf32, #tpu.memory_space<vmem>>, vector<16xf32>,
      %get3A_2416 = arith.constant 0 : index
      %get3A_2417 = tpu.vector_load %arg13[%get3A_2416] {strides = array<i32>} : memref<640xf32, #tpu.memory_space<vmem>>, vector<16xf32>,
      %mul3A_2418 = arith.mulf %get3A_2410, %get3A_2417 : vector<16xf32>
      %add3A_2419 = arith.addf %get3A_2415, %mul3A_2418 : vector<16xf32>
      %mul3A_2420 = arith.mulf %mul3A_2413, %add3A_2419 : vector<16xf32>
      %get3A_2421 = arith.constant 0 : index
      %get3A_2422 = tpu.vector_load %arg11[%get3A_2421] {strides = array<i32>} : memref<640xf32, #tpu.memory_space<vmem>>, vector<16xf32>,
      %mul3A_2423 = arith.constant 1.000000e-01 : f32
      %mul3A_2424 = vector.broadcast %mul3A_2423 : f32 to vector<16xf32>
      %mul3A_2425 = arith.mulf %mul3A_2424, %get3A_2422 : vector<16xf32>
      %add3A_2426 = arith.addf %mul3A_2420, %mul3A_2425 : vector<16xf32>
      %swap3A_2427 = arith.constant 0 : index
      %swap3A_2428 = tpu.vector_load %arg13[%swap3A_2427] {strides = array<i32>} : memref<640xf32, #tpu.memory_space<vmem>>, vector<16xf32>,
      tpu.vector_store %arg13[%swap3A_2427], %add3A_2426 {strides = array<i32>} : memref<640xf32, #tpu.memory_space<vmem>>, vector<16xf32>,
      %mul3A_2429 = arith.mulf %get3A_2410, %add3A_2426 : vector<16xf32>
      %swap3A_2430 = arith.constant 0 : index
      %swap3A_2431 = tpu.vector_load %arg14[%swap3A_2430] {strides = array<i32>} : memref<640xf32, #tpu.memory_space<vmem>>, vector<16xf32>,
      tpu.vector_store %arg14[%swap3A_2430], %mul3A_2429 {strides = array<i32>} : memref<640xf32, #tpu.memory_space<vmem>>, vector<16xf32>,
      %get3A_2432 = arith.constant 16 : index
      %get3A_2433 = tpu.vector_load %arg12[%get3A_2432] {strides = array<i32>} : memref<640xf32, #tpu.memory_space<vmem>>, vector<16xf32>,
      %mul3A_2434 = arith.constant 0.899999976 : f32
      %mul3A_2435 = vector.broadcast %mul3A_2434 : f32 to vector<16xf32>
      %mul3A_2436 = arith.mulf %mul3A_2435, %get3A_2433 : vector<16xf32>
      %get3A_2437 = arith.constant 16 : index
      %get3A_2438 = tpu.vector_load %arg15[%get3A_2437] {strides = array<i32>} : memref<640xf32, #tpu.memory_space<vmem>>, vector<16xf32>,
      %get3A_2439 = arith.constant 16 : index
      %get3A_2440 = tpu.vector_load %arg13[%get3A_2439] {strides = array<i32>} : memref<640xf32, #tpu.memory_space<vmem>>, vector<16xf32>,
      %mul3A_2441 = arith.mulf %get3A_2433, %get3A_2440 : vector<16xf32>
      %add3A_2442 = arith.addf %get3A_2438, %mul3A_2441 : vector<16xf32>
      %mul3A_2443 = arith.mulf %mul3A_2436, %add3A_2442 : vector<16xf32>
      %get3A_2444 = arith.constant 16 : index
      %get3A_2445 = tpu.vector_load %arg11[%get3A_2444] {strides = array<i32>} : memref<640xf32, #tpu.memory_space<vmem>>, vector<16xf32>,
      %mul3A_2446 = arith.constant 1.000000e-01 : f32
      %mul3A_2447 = vector.broadcast %mul3A_2446 : f32 to vector<16xf32>
      %mul3A_2448 = arith.mulf %mul3A_2447, %get3A_2445 : vector<16xf32>
      %add3A_2449 = arith.addf %mul3A_2443, %mul3A_2448 : vector<16xf32>
      %swap3A_2450 = arith.constant 16 : index
      %swap3A_2451 = tpu.vector_load %arg13[%swap3A_2450] {strides = array<i32>} : memref<640xf32, #tpu.memory_space<vmem>>, vector<16xf32>,
      tpu.vector_store %arg13[%swap3A_2450], %add3A_2449 {strides = array<i32>} : memref<640xf32, #tpu.memory_space<vmem>>, vector<16xf32>,
      %mul3A_2452 = arith.mulf %get3A_2433, %add3A_2449 : vector<16xf32>
      %swap3A_2453 = arith.constant 16 : index
      %swap3A_2454 = tpu.vector_load %arg14[%swap3A_2453] {strides = array<i32>} : memref<640xf32, #tpu.memory_space<vmem>>, vector<16xf32>,
      tpu.vector_store %arg14[%swap3A_2453], %mul3A_2452 {strides = array<i32>} : memref<640xf32, #tpu.memory_space<vmem>>, vector<16xf32>,
      %get3A_2455 = arith.constant 32 : index
      %get3A_2456 = tpu.vector_load %arg12[%get3A_2455] {strides = array<i32>} : memref<640xf32, #tpu.memory_space<vmem>>, vector<16xf32>,
      %mul3A_2457 = arith.constant 0.899999976 : f32
      %mul3A_2458 = vector.broadcast %mul3A_2457 : f32 to vector<16xf32>
      %mul3A_2459 = arith.mulf %mul3A_2458, %get3A_2456 : vector<16xf32>
      %get3A_2460 = arith.constant 32 : index
      %get3A_2461 = tpu.vector_load %arg15[%get3A_2460] {strides = array<i32>} : memref<640xf32, #tpu.memory_space<vmem>>, vector<16xf32>,
      %get3A_2462 = arith.constant 32 : index
      %get3A_2463 = tpu.vector_load %arg13[%get3A_2462] {strides = array<i32>} : memref<640xf32, #tpu.memory_space<vmem>>, vector<16xf32>,
      %mul3A_2464 = arith.mulf %get3A_2456, %get3A_2463 : vector<16xf32>
      %add3A_2465 = arith.addf %get3A_2461, %mul3A_2464 : vector<16xf32>
      %mul3A_2466 = arith.mulf %mul3A_2459, %add3A_2465 : vector<16xf32>
      %get3A_2467 = arith.constant 32 : index
      %get3A_2468 = tpu.vector_load %arg11[%get3A_2467] {strides = array<i32>} : memref<640xf32, #tpu.memory_space<vmem>>, vector<16xf32>,
      %mul3A_2469 = arith.constant 1.000000e-01 : f32
      %mul3A_2470 = vector.broadcast %mul3A_2469 : f32 to vector<16xf32>
      %mul3A_2471 = arith.mulf %mul3A_2470, %get3A_2468 : vector<16xf32>
      %add3A_2472 = arith.addf %mul3A_2466, %mul3A_2471 : vector<16xf32>
      %swap3A_2473 = arith.constant 32 : index
      %swap3A_2474 = tpu.vector_load %arg13[%swap3A_2473] {strides = array<i32>} : memref<640xf32, #tpu.memory_space<vmem>>, vector<16xf32>,
      tpu.vector_store %arg13[%swap3A_2473], %add3A_2472 {strides = array<i32>} : memref<640xf32, #tpu.memory_space<vmem>>, vector<16xf32>,
      %mul3A_2475 = arith.mulf %get3A_2456, %add3A_2472 : vector<16xf32>
      %swap3A_2476 = arith.constant 32 : index
      %swap3A_2477 = tpu.vector_load %arg14[%swap3A_2476] {strides = array<i32>} : memref<640xf32, #tpu.memory_space<vmem>>, vector<16xf32>,
      tpu.vector_store %arg14[%swap3A_2476], %mul3A_2475 {strides = array<i32>} : memref<640xf32, #tpu.memory_space<vmem>>, vector<16xf32>,
      %get3A_2478 = arith.constant 48 : index
      %get3A_2479 = tpu.vector_load %arg12[%get3A_2478] {strides = array<i32>} : memref<640xf32, #tpu.memory_space<vmem>>, vector<16xf32>,
      %mul3A_2480 = arith.constant 0.899999976 : f32
      %mul3A_2481 = vector.broadcast %mul3A_2480 : f32 to vector<16xf32>
      %mul3A_2482 = arith.mulf %mul3A_2481, %get3A_2479 : vector<16xf32>
      %get3A_2483 = arith.constant 48 : index
      %get3A_2484 = tpu.vector_load %arg15[%get3A_2483] {strides = array<i32>} : memref<640xf32, #tpu.memory_space<vmem>>, vector<16xf32>,
      %get3A_2485 = arith.constant 48 : index
      %get3A_2486 = tpu.vector_load %arg13[%get3A_2485] {strides = array<i32>} : memref<640xf32, #tpu.memory_space<vmem>>, vector<16xf32>,
      %mul3A_2487 = arith.mulf %get3A_2479, %get3A_2486 : vector<16xf32>
      %add3A_2488 = arith.addf %get3A_2484, %mul3A_2487 : vector<16xf32>
      %mul3A_2489 = arith.mulf %mul3A_2482, %add3A_2488 : vector<16xf32>
      %get3A_2490 = arith.constant 48 : index
      %get3A_2491 = tpu.vector_load %arg11[%get3A_2490] {strides = array<i32>} : memref<640xf32, #tpu.memory_space<vmem>>, vector<16xf32>,
      %mul3A_2492 = arith.constant 1.000000e-01 : f32
      %mul3A_2493 = vector.broadcast %mul3A_2492 : f32 to vector<16xf32>
      %mul3A_2494 = arith.mulf %mul3A_2493, %get3A_2491 : vector<16xf32>
      %add3A_2495 = arith.addf %mul3A_2489, %mul3A_2494 : vector<16xf32>
      %swap3A_2496 = arith.constant 48 : index
      %swap3A_2497 = tpu.vector_load %arg13[%swap3A_2496] {strides = array<i32>} : memref<640xf32, #tpu.memory_space<vmem>>, vector<16xf32>,
      tpu.vector_store %arg13[%swap3A_2496], %add3A_2495 {strides = array<i32>} : memref<640xf32, #tpu.memory_space<vmem>>, vector<16xf32>,
      %mul3A_2498 = arith.mulf %get3A_2479, %add3A_2495 : vector<16xf32>
      %swap3A_2499 = arith.constant 48 : index
      %swap3A_2500 = tpu.vector_load %arg14[%swap3A_2499] {strides = array<i32>} : memref<640xf32, #tpu.memory_space<vmem>>, vector<16xf32>,
      tpu.vector_store %arg14[%swap3A_2499], %mul3A_2498 {strides = array<i32>} : memref<640xf32, #tpu.memory_space<vmem>>, vector<16xf32>,
      %get3A_2501 = arith.constant 64 : index
      %get3A_2502 = tpu.vector_load %arg12[%get3A_2501] {strides = array<i32>} : memref<640xf32, #tpu.memory_space<vmem>>, vector<16xf32>,
      %mul3A_2503 = arith.constant 0.899999976 : f32
      %mul3A_2504 = vector.broadcast %mul3A_2503 : f32 to vector<16xf32>
      %mul3A_2505 = arith.mulf %mul3A_2504, %get3A_2502 : vector<16xf32>
      %get3A_2506 = arith.constant 64 : index
      %get3A_2507 = tpu.vector_load %arg15[%get3A_2506] {strides = array<i32>} : memref<640xf32, #tpu.memory_space<vmem>>, vector<16xf32>,
      %get3A_2508 = arith.constant 64 : index
      %get3A_2509 = tpu.vector_load %arg13[%get3A_2508] {strides = array<i32>} : memref<640xf32, #tpu.memory_space<vmem>>, vector<16xf32>,
      %mul3A_2510 = arith.mulf %get3A_2502, %get3A_2509 : vector<16xf32>
      %add3A_2511 = arith.addf %get3A_2507, %mul3A_2510 : vector<16xf32>
      %mul3A_2512 = arith.mulf %mul3A_2505, %add3A_2511 : vector<16xf32>
      %get3A_2513 = arith.constant 64 : index
      %get3A_2514 = tpu.vector_load %arg11[%get3A_2513] {strides = array<i32>} : memref<640xf32, #tpu.memory_space<vmem>>, vector<16xf32>,
      %mul3A_2515 = arith.constant 1.000000e-01 : f32
      %mul3A_2516 = vector.broadcast %mul3A_2515 : f32 to vector<16xf32>
      %mul3A_2517 = arith.mulf %mul3A_2516, %get3A_2514 : vector<16xf32>
      %add3A_2518 = arith.addf %mul3A_2512, %mul3A_2517 : vector<16xf32>
      %swap3A_2519 = arith.constant 64 : index
      %swap3A_2520 = tpu.vector_load %arg13[%swap3A_2519] {strides = array<i32>} : memref<640xf32, #tpu.memory_space<vmem>>, vector<16xf32>,
      tpu.vector_store %arg13[%swap3A_2519], %add3A_2518 {strides = array<i32>} : memref<640xf32, #tpu.memory_space<vmem>>, vector<16xf32>,
      %mul3A_2521 = arith.mulf %get3A_2502, %add3A_2518 : vector<16xf32>
      %swap3A_2522 = arith.constant 64 : index
      %swap3A_2523 = tpu.vector_load %arg14[%swap3A_2522] {strides = array<i32>} : memref<640xf32, #tpu.memory_space<vmem>>, vector<16xf32>,
      tpu.vector_store %arg14[%swap3A_2522], %mul3A_2521 {strides = array<i32>} : memref<640xf32, #tpu.memory_space<vmem>>, vector<16xf32>,
      %get3A_2524 = arith.constant 80 : index
      %get3A_2525 = tpu.vector_load %arg12[%get3A_2524] {strides = array<i32>} : memref<640xf32, #tpu.memory_space<vmem>>, vector<16xf32>,
      %mul3A_2526 = arith.constant 0.899999976 : f32
      %mul3A_2527 = vector.broadcast %mul3A_2526 : f32 to vector<16xf32>
      %mul3A_2528 = arith.mulf %mul3A_2527, %get3A_2525 : vector<16xf32>
      %get3A_2529 = arith.constant 80 : index
      %get3A_2530 = tpu.vector_load %arg15[%get3A_2529] {strides = array<i32>} : memref<640xf32, #tpu.memory_space<vmem>>, vector<16xf32>,
      %get3A_2531 = arith.constant 80 : index
      %get3A_2532 = tpu.vector_load %arg13[%get3A_2531] {strides = array<i32>} : memref<640xf32, #tpu.memory_space<vmem>>, vector<16xf32>,
      %mul3A_2533 = arith.mulf %get3A_2525, %get3A_2532 : vector<16xf32>
      %add3A_2534 = arith.addf %get3A_2530, %mul3A_2533 : vector<16xf32>
      %mul3A_2535 = arith.mulf %mul3A_2528, %add3A_2534 : vector<16xf32>
      %get3A_2536 = arith.constant 80 : index
      %get3A_2537 = tpu.vector_load %arg11[%get3A_2536] {strides = array<i32>} : memref<640xf32, #tpu.memory_space<vmem>>, vector<16xf32>,
      %mul3A_2538 = arith.constant 1.000000e-01 : f32
      %mul3A_2539 = vector.broadcast %mul3A_2538 : f32 to vector<16xf32>
      %mul3A_2540 = arith.mulf %mul3A_2539, %get3A_2537 : vector<16xf32>
      %add3A_2541 = arith.addf %mul3A_2535, %mul3A_2540 : vector<16xf32>
      %swap3A_2542 = arith.constant 80 : index
      %swap3A_2543 = tpu.vector_load %arg13[%swap3A_2542] {strides = array<i32>} : memref<640xf32, #tpu.memory_space<vmem>>, vector<16xf32>,
      tpu.vector_store %arg13[%swap3A_2542], %add3A_2541 {strides = array<i32>} : memref<640xf32, #tpu.memory_space<vmem>>, vector<16xf32>,
      %mul3A_2544 = arith.mulf %get3A_2525, %add3A_2541 : vector<16xf32>
      %swap3A_2545 = arith.constant 80 : index
      %swap3A_2546 = tpu.vector_load %arg14[%swap3A_2545] {strides = array<i32>} : memref<640xf32, #tpu.memory_space<vmem>>, vector<16xf32>,
      tpu.vector_store %arg14[%swap3A_2545], %mul3A_2544 {strides = array<i32>} : memref<640xf32, #tpu.memory_space<vmem>>, vector<16xf32>,
      %get3A_2547 = arith.constant 96 : index
      %get3A_2548 = tpu.vector_load %arg12[%get3A_2547] {strides = array<i32>} : memref<640xf32, #tpu.memory_space<vmem>>, vector<16xf32>,
      %mul3A_2549 = arith.constant 0.899999976 : f32
      %mul3A_2550 = vector.broadcast %mul3A_2549 : f32 to vector<16xf32>
      %mul3A_2551 = arith.mulf %mul3A_2550, %get3A_2548 : vector<16xf32>
      %get3A_2552 = arith.constant 96 : index
      %get3A_2553 = tpu.vector_load %arg15[%get3A_2552] {strides = array<i32>} : memref<640xf32, #tpu.memory_space<vmem>>, vector<16xf32>,
      %get3A_2554 = arith.constant 96 : index
      %get3A_2555 = tpu.vector_load %arg13[%get3A_2554] {strides = array<i32>} : memref<640xf32, #tpu.memory_space<vmem>>, vector<16xf32>,
      %mul3A_2556 = arith.mulf %get3A_2548, %get3A_2555 : vector<16xf32>
      %add3A_2557 = arith.addf %get3A_2553, %mul3A_2556 : vector<16xf32>
      %mul3A_2558 = arith.mulf %mul3A_2551, %add3A_2557 : vector<16xf32>
      %get3A_2559 = arith.constant 96 : index
      %get3A_2560 = tpu.vector_load %arg11[%get3A_2559] {strides = array<i32>} : memref<640xf32, #tpu.memory_space<vmem>>, vector<16xf32>,
      %mul3A_2561 = arith.constant 1.000000e-01 : f32
      %mul3A_2562 = vector.broadcast %mul3A_2561 : f32 to vector<16xf32>
      %mul3A_2563 = arith.mulf %mul3A_2562, %get3A_2560 : vector<16xf32>
      %add3A_2564 = arith.addf %mul3A_2558, %mul3A_2563 : vector<16xf32>
      %swap3A_2565 = arith.constant 96 : index
      %swap3A_2566 = tpu.vector_load %arg13[%swap3A_2565] {strides = array<i32>} : memref<640xf32, #tpu.memory_space<vmem>>, vector<16xf32>,
      tpu.vector_store %arg13[%swap3A_2565], %add3A_2564 {strides = array<i32>} : memref<640xf32, #tpu.memory_space<vmem>>, vector<16xf32>,
      %mul3A_2567 = arith.mulf %get3A_2548, %add3A_2564 : vector<16xf32>
      %swap3A_2568 = arith.constant 96 : index
      %swap3A_2569 = tpu.vector_load %arg14[%swap3A_2568] {strides = array<i32>} : memref<640xf32, #tpu.memory_space<vmem>>, vector<16xf32>,
      tpu.vector_store %arg14[%swap3A_2568], %mul3A_2567 {strides = array<i32>} : memref<640xf32, #tpu.memory_space<vmem>>, vector<16xf32>,
      %get3A_2570 = arith.constant 112 : index
      %get3A_2571 = tpu.vector_load %arg12[%get3A_2570] {strides = array<i32>} : memref<640xf32, #tpu.memory_space<vmem>>, vector<16xf32>,
      %mul3A_2572 = arith.constant 0.899999976 : f32
      %mul3A_2573 = vector.broadcast %mul3A_2572 : f32 to vector<16xf32>
      %mul3A_2574 = arith.mulf %mul3A_2573, %get3A_2571 : vector<16xf32>
      %get3A_2575 = arith.constant 112 : index
      %get3A_2576 = tpu.vector_load %arg15[%get3A_2575] {strides = array<i32>} : memref<640xf32, #tpu.memory_space<vmem>>, vector<16xf32>,
      %get3A_2577 = arith.constant 112 : index
      %get3A_2578 = tpu.vector_load %arg13[%get3A_2577] {strides = array<i32>} : memref<640xf32, #tpu.memory_space<vmem>>, vector<16xf32>,
      %mul3A_2579 = arith.mulf %get3A_2571, %get3A_2578 : vector<16xf32>
      %add3A_2580 = arith.addf %get3A_2576, %mul3A_2579 : vector<16xf32>
      %mul3A_2581 = arith.mulf %mul3A_2574, %add3A_2580 : vector<16xf32>
      %get3A_2582 = arith.constant 112 : index
      %get3A_2583 = tpu.vector_load %arg11[%get3A_2582] {strides = array<i32>} : memref<640xf32, #tpu.memory_space<vmem>>, vector<16xf32>,
      %mul3A_2584 = arith.constant 1.000000e-01 : f32
      %mul3A_2585 = vector.broadcast %mul3A_2584 : f32 to vector<16xf32>
      %mul3A_2586 = arith.mulf %mul3A_2585, %get3A_2583 : vector<16xf32>
      %add3A_2587 = arith.addf %mul3A_2581, %mul3A_2586 : vector<16xf32>
      %swap3A_2588 = arith.constant 112 : index
      %swap3A_2589 = tpu.vector_load %arg13[%swap3A_2588] {strides = array<i32>} : memref<640xf32, #tpu.memory_space<vmem>>, vector<16xf32>,
      tpu.vector_store %arg13[%swap3A_2588], %add3A_2587 {strides = array<i32>} : memref<640xf32, #tpu.memory_space<vmem>>, vector<16xf32>,
      %mul3A_2590 = arith.mulf %get3A_2571, %add3A_2587 : vector<16xf32>
      %swap3A_2591 = arith.constant 112 : index
      %swap3A_2592 = tpu.vector_load %arg14[%swap3A_2591] {strides = array<i32>} : memref<640xf32, #tpu.memory_space<vmem>>, vector<16xf32>,
      tpu.vector_store %arg14[%swap3A_2591], %mul3A_2590 {strides = array<i32>} : memref<640xf32, #tpu.memory_space<vmem>>, vector<16xf32>,
      %get3A_2593 = arith.constant 128 : index
      %get3A_2594 = tpu.vector_load %arg12[%get3A_2593] {strides = array<i32>} : memref<640xf32, #tpu.memory_space<vmem>>, vector<16xf32>,
      %mul3A_2595 = arith.constant 0.899999976 : f32
      %mul3A_2596 = vector.broadcast %mul3A_2595 : f32 to vector<16xf32>
      %mul3A_2597 = arith.mulf %mul3A_2596, %get3A_2594 : vector<16xf32>
      %get3A_2598 = arith.constant 128 : index
      %get3A_2599 = tpu.vector_load %arg15[%get3A_2598] {strides = array<i32>} : memref<640xf32, #tpu.memory_space<vmem>>, vector<16xf32>,
      %get3A_2600 = arith.constant 128 : index
      %get3A_2601 = tpu.vector_load %arg13[%get3A_2600] {strides = array<i32>} : memref<640xf32, #tpu.memory_space<vmem>>, vector<16xf32>,
      %mul3A_2602 = arith.mulf %get3A_2594, %get3A_2601 : vector<16xf32>
      %add3A_2603 = arith.addf %get3A_2599, %mul3A_2602 : vector<16xf32>
      %mul3A_2604 = arith.mulf %mul3A_2597, %add3A_2603 : vector<16xf32>
      %get3A_2605 = arith.constant 128 : index
      %get3A_2606 = tpu.vector_load %arg11[%get3A_2605] {strides = array<i32>} : memref<640xf32, #tpu.memory_space<vmem>>, vector<16xf32>,
      %mul3A_2607 = arith.constant 1.000000e-01 : f32
      %mul3A_2608 = vector.broadcast %mul3A_2607 : f32 to vector<16xf32>
      %mul3A_2609 = arith.mulf %mul3A_2608, %get3A_2606 : vector<16xf32>
      %add3A_2610 = arith.addf %mul3A_2604, %mul3A_2609 : vector<16xf32>
      %swap3A_2611 = arith.constant 128 : index
      %swap3A_2612 = tpu.vector_load %arg13[%swap3A_2611] {strides = array<i32>} : memref<640xf32, #tpu.memory_space<vmem>>, vector<16xf32>,
      tpu.vector_store %arg13[%swap3A_2611], %add3A_2610 {strides = array<i32>} : memref<640xf32, #tpu.memory_space<vmem>>, vector<16xf32>,
      %mul3A_2613 = arith.mulf %get3A_2594, %add3A_2610 : vector<16xf32>
      %swap3A_2614 = arith.constant 128 : index
      %swap3A_2615 = tpu.vector_load %arg14[%swap3A_2614] {strides = array<i32>} : memref<640xf32, #tpu.memory_space<vmem>>, vector<16xf32>,
      tpu.vector_store %arg14[%swap3A_2614], %mul3A_2613 {strides = array<i32>} : memref<640xf32, #tpu.memory_space<vmem>>, vector<16xf32>,
      %get3A_2616 = arith.constant 144 : index
      %get3A_2617 = tpu.vector_load %arg12[%get3A_2616] {strides = array<i32>} : memref<640xf32, #tpu.memory_space<vmem>>, vector<16xf32>,
      %mul3A_2618 = arith.constant 0.899999976 : f32
      %mul3A_2619 = vector.broadcast %mul3A_2618 : f32 to vector<16xf32>
      %mul3A_2620 = arith.mulf %mul3A_2619, %get3A_2617 : vector<16xf32>
      %get3A_2621 = arith.constant 144 : index
      %get3A_2622 = tpu.vector_load %arg15[%get3A_2621] {strides = array<i32>} : memref<640xf32, #tpu.memory_space<vmem>>, vector<16xf32>,
      %get3A_2623 = arith.constant 144 : index
      %get3A_2624 = tpu.vector_load %arg13[%get3A_2623] {strides = array<i32>} : memref<640xf32, #tpu.memory_space<vmem>>, vector<16xf32>,
      %mul3A_2625 = arith.mulf %get3A_2617, %get3A_2624 : vector<16xf32>
      %add3A_2626 = arith.addf %get3A_2622, %mul3A_2625 : vector<16xf32>
      %mul3A_2627 = arith.mulf %mul3A_2620, %add3A_2626 : vector<16xf32>
      %get3A_2628 = arith.constant 144 : index
      %get3A_2629 = tpu.vector_load %arg11[%get3A_2628] {strides = array<i32>} : memref<640xf32, #tpu.memory_space<vmem>>, vector<16xf32>,
      %mul3A_2630 = arith.constant 1.000000e-01 : f32
      %mul3A_2631 = vector.broadcast %mul3A_2630 : f32 to vector<16xf32>
      %mul3A_2632 = arith.mulf %mul3A_2631, %get3A_2629 : vector<16xf32>
      %add3A_2633 = arith.addf %mul3A_2627, %mul3A_2632 : vector<16xf32>
      %swap3A_2634 = arith.constant 144 : index
      %swap3A_2635 = tpu.vector_load %arg13[%swap3A_2634] {strides = array<i32>} : memref<640xf32, #tpu.memory_space<vmem>>, vector<16xf32>,
      tpu.vector_store %arg13[%swap3A_2634], %add3A_2633 {strides = array<i32>} : memref<640xf32, #tpu.memory_space<vmem>>, vector<16xf32>,
      %mul3A_2636 = arith.mulf %get3A_2617, %add3A_2633 : vector<16xf32>
      %swap3A_2637 = arith.constant 144 : index
      %swap3A_2638 = tpu.vector_load %arg14[%swap3A_2637] {strides = array<i32>} : memref<640xf32, #tpu.memory_space<vmem>>, vector<16xf32>,
      tpu.vector_store %arg14[%swap3A_2637], %mul3A_2636 {strides = array<i32>} : memref<640xf32, #tpu.memory_space<vmem>>, vector<16xf32>,
      %get3A_2639 = arith.constant 160 : index
      %get3A_2640 = tpu.vector_load %arg12[%get3A_2639] {strides = array<i32>} : memref<640xf32, #tpu.memory_space<vmem>>, vector<16xf32>,
      %mul3A_2641 = arith.constant 0.899999976 : f32
      %mul3A_2642 = vector.broadcast %mul3A_2641 : f32 to vector<16xf32>
      %mul3A_2643 = arith.mulf %mul3A_2642, %get3A_2640 : vector<16xf32>
      %get3A_2644 = arith.constant 160 : index
      %get3A_2645 = tpu.vector_load %arg15[%get3A_2644] {strides = array<i32>} : memref<640xf32, #tpu.memory_space<vmem>>, vector<16xf32>,
      %get3A_2646 = arith.constant 160 : index
      %get3A_2647 = tpu.vector_load %arg13[%get3A_2646] {strides = array<i32>} : memref<640xf32, #tpu.memory_space<vmem>>, vector<16xf32>,
      %mul3A_2648 = arith.mulf %get3A_2640, %get3A_2647 : vector<16xf32>
      %add3A_2649 = arith.addf %get3A_2645, %mul3A_2648 : vector<16xf32>
      %mul3A_2650 = arith.mulf %mul3A_2643, %add3A_2649 : vector<16xf32>
      %get3A_2651 = arith.constant 160 : index
      %get3A_2652 = tpu.vector_load %arg11[%get3A_2651] {strides = array<i32>} : memref<640xf32, #tpu.memory_space<vmem>>, vector<16xf32>,
      %mul3A_2653 = arith.constant 1.000000e-01 : f32
      %mul3A_2654 = vector.broadcast %mul3A_2653 : f32 to vector<16xf32>
      %mul3A_2655 = arith.mulf %mul3A_2654, %get3A_2652 : vector<16xf32>
      %add3A_2656 = arith.addf %mul3A_2650, %mul3A_2655 : vector<16xf32>
      %swap3A_2657 = arith.constant 160 : index
      %swap3A_2658 = tpu.vector_load %arg13[%swap3A_2657] {strides = array<i32>} : memref<640xf32, #tpu.memory_space<vmem>>, vector<16xf32>,
      tpu.vector_store %arg13[%swap3A_2657], %add3A_2656 {strides = array<i32>} : memref<640xf32, #tpu.memory_space<vmem>>, vector<16xf32>,
      %mul3A_2659 = arith.mulf %get3A_2640, %add3A_2656 : vector<16xf32>
      %swap3A_2660 = arith.constant 160 : index
      %swap3A_2661 = tpu.vector_load %arg14[%swap3A_2660] {strides = array<i32>} : memref<640xf32, #tpu.memory_space<vmem>>, vector<16xf32>,
      tpu.vector_store %arg14[%swap3A_2660], %mul3A_2659 {strides = array<i32>} : memref<640xf32, #tpu.memory_space<vmem>>, vector<16xf32>,
      %get3A_2662 = arith.constant 176 : index
      %get3A_2663 = tpu.vector_load %arg12[%get3A_2662] {strides = array<i32>} : memref<640xf32, #tpu.memory_space<vmem>>, vector<16xf32>,
      %mul3A_2664 = arith.constant 0.899999976 : f32
      %mul3A_2665 = vector.broadcast %mul3A_2664 : f32 to vector<16xf32>
      %mul3A_2666 = arith.mulf %mul3A_2665, %get3A_2663 : vector<16xf32>
      %get3A_2667 = arith.constant 176 : index
      %get3A_2668 = tpu.vector_load %arg15[%get3A_2667] {strides = array<i32>} : memref<640xf32, #tpu.memory_space<vmem>>, vector<16xf32>,
      %get3A_2669 = arith.constant 176 : index
      %get3A_2670 = tpu.vector_load %arg13[%get3A_2669] {strides = array<i32>} : memref<640xf32, #tpu.memory_space<vmem>>, vector<16xf32>,
      %mul3A_2671 = arith.mulf %get3A_2663, %get3A_2670 : vector<16xf32>
      %add3A_2672 = arith.addf %get3A_2668, %mul3A_2671 : vector<16xf32>
      %mul3A_2673 = arith.mulf %mul3A_2666, %add3A_2672 : vector<16xf32>
      %get3A_2674 = arith.constant 176 : index
      %get3A_2675 = tpu.vector_load %arg11[%get3A_2674] {strides = array<i32>} : memref<640xf32, #tpu.memory_space<vmem>>, vector<16xf32>,
      %mul3A_2676 = arith.constant 1.000000e-01 : f32
      %mul3A_2677 = vector.broadcast %mul3A_2676 : f32 to vector<16xf32>
      %mul3A_2678 = arith.mulf %mul3A_2677, %get3A_2675 : vector<16xf32>
      %add3A_2679 = arith.addf %mul3A_2673, %mul3A_2678 : vector<16xf32>
      %swap3A_2680 = arith.constant 176 : index
      %swap3A_2681 = tpu.vector_load %arg13[%swap3A_2680] {strides = array<i32>} : memref<640xf32, #tpu.memory_space<vmem>>, vector<16xf32>,
      tpu.vector_store %arg13[%swap3A_2680], %add3A_2679 {strides = array<i32>} : memref<640xf32, #tpu.memory_space<vmem>>, vector<16xf32>,
      %mul3A_2682 = arith.mulf %get3A_2663, %add3A_2679 : vector<16xf32>
      %swap3A_2683 = arith.constant 176 : index
      %swap3A_2684 = tpu.vector_load %arg14[%swap3A_2683] {strides = array<i32>} : memref<640xf32, #tpu.memory_space<vmem>>, vector<16xf32>,
      tpu.vector_store %arg14[%swap3A_2683], %mul3A_2682 {strides = array<i32>} : memref<640xf32, #tpu.memory_space<vmem>>, vector<16xf32>,
      %get3A_2685 = arith.constant 192 : index
      %get3A_2686 = tpu.vector_load %arg12[%get3A_2685] {strides = array<i32>} : memref<640xf32, #tpu.memory_space<vmem>>, vector<16xf32>,
      %mul3A_2687 = arith.constant 0.899999976 : f32
      %mul3A_2688 = vector.broadcast %mul3A_2687 : f32 to vector<16xf32>
      %mul3A_2689 = arith.mulf %mul3A_2688, %get3A_2686 : vector<16xf32>
      %get3A_2690 = arith.constant 192 : index
      %get3A_2691 = tpu.vector_load %arg15[%get3A_2690] {strides = array<i32>} : memref<640xf32, #tpu.memory_space<vmem>>, vector<16xf32>,
      %get3A_2692 = arith.constant 192 : index
      %get3A_2693 = tpu.vector_load %arg13[%get3A_2692] {strides = array<i32>} : memref<640xf32, #tpu.memory_space<vmem>>, vector<16xf32>,
      %mul3A_2694 = arith.mulf %get3A_2686, %get3A_2693 : vector<16xf32>
      %add3A_2695 = arith.addf %get3A_2691, %mul3A_2694 : vector<16xf32>
      %mul3A_2696 = arith.mulf %mul3A_2689, %add3A_2695 : vector<16xf32>
      %get3A_2697 = arith.constant 192 : index
      %get3A_2698 = tpu.vector_load %arg11[%get3A_2697] {strides = array<i32>} : memref<640xf32, #tpu.memory_space<vmem>>, vector<16xf32>,
      %mul3A_2699 = arith.constant 1.000000e-01 : f32
      %mul3A_2700 = vector.broadcast %mul3A_2699 : f32 to vector<16xf32>
      %mul3A_2701 = arith.mulf %mul3A_2700, %get3A_2698 : vector<16xf32>
      %add3A_2702 = arith.addf %mul3A_2696, %mul3A_2701 : vector<16xf32>
      %swap3A_2703 = arith.constant 192 : index
      %swap3A_2704 = tpu.vector_load %arg13[%swap3A_2703] {strides = array<i32>} : memref<640xf32, #tpu.memory_space<vmem>>, vector<16xf32>,
      tpu.vector_store %arg13[%swap3A_2703], %add3A_2702 {strides = array<i32>} : memref<640xf32, #tpu.memory_space<vmem>>, vector<16xf32>,
      %mul3A_2705 = arith.mulf %get3A_2686, %add3A_2702 : vector<16xf32>
      %swap3A_2706 = arith.constant 192 : index
      %swap3A_2707 = tpu.vector_load %arg14[%swap3A_2706] {strides = array<i32>} : memref<640xf32, #tpu.memory_space<vmem>>, vector<16xf32>,
      tpu.vector_store %arg14[%swap3A_2706], %mul3A_2705 {strides = array<i32>} : memref<640xf32, #tpu.memory_space<vmem>>, vector<16xf32>,
      %get3A_2708 = arith.constant 208 : index
      %get3A_2709 = tpu.vector_load %arg12[%get3A_2708] {strides = array<i32>} : memref<640xf32, #tpu.memory_space<vmem>>, vector<16xf32>,
      %mul3A_2710 = arith.constant 0.899999976 : f32
      %mul3A_2711 = vector.broadcast %mul3A_2710 : f32 to vector<16xf32>
      %mul3A_2712 = arith.mulf %mul3A_2711, %get3A_2709 : vector<16xf32>
      %get3A_2713 = arith.constant 208 : index
      %get3A_2714 = tpu.vector_load %arg15[%get3A_2713] {strides = array<i32>} : memref<640xf32, #tpu.memory_space<vmem>>, vector<16xf32>,
      %get3A_2715 = arith.constant 208 : index
      %get3A_2716 = tpu.vector_load %arg13[%get3A_2715] {strides = array<i32>} : memref<640xf32, #tpu.memory_space<vmem>>, vector<16xf32>,
      %mul3A_2717 = arith.mulf %get3A_2709, %get3A_2716 : vector<16xf32>
      %add3A_2718 = arith.addf %get3A_2714, %mul3A_2717 : vector<16xf32>
      %mul3A_2719 = arith.mulf %mul3A_2712, %add3A_2718 : vector<16xf32>
      %get3A_2720 = arith.constant 208 : index
      %get3A_2721 = tpu.vector_load %arg11[%get3A_2720] {strides = array<i32>} : memref<640xf32, #tpu.memory_space<vmem>>, vector<16xf32>,
      %mul3A_2722 = arith.constant 1.000000e-01 : f32
      %mul3A_2723 = vector.broadcast %mul3A_2722 : f32 to vector<16xf32>
      %mul3A_2724 = arith.mulf %mul3A_2723, %get3A_2721 : vector<16xf32>
      %add3A_2725 = arith.addf %mul3A_2719, %mul3A_2724 : vector<16xf32>
      %swap3A_2726 = arith.constant 208 : index
      %swap3A_2727 = tpu.vector_load %arg13[%swap3A_2726] {strides = array<i32>} : memref<640xf32, #tpu.memory_space<vmem>>, vector<16xf32>,
      tpu.vector_store %arg13[%swap3A_2726], %add3A_2725 {strides = array<i32>} : memref<640xf32, #tpu.memory_space<vmem>>, vector<16xf32>,
      %mul3A_2728 = arith.mulf %get3A_2709, %add3A_2725 : vector<16xf32>
      %swap3A_2729 = arith.constant 208 : index
      %swap3A_2730 = tpu.vector_load %arg14[%swap3A_2729] {strides = array<i32>} : memref<640xf32, #tpu.memory_space<vmem>>, vector<16xf32>,
      tpu.vector_store %arg14[%swap3A_2729], %mul3A_2728 {strides = array<i32>} : memref<640xf32, #tpu.memory_space<vmem>>, vector<16xf32>,
      %get3A_2731 = arith.constant 224 : index
      %get3A_2732 = tpu.vector_load %arg12[%get3A_2731] {strides = array<i32>} : memref<640xf32, #tpu.memory_space<vmem>>, vector<16xf32>,
      %mul3A_2733 = arith.constant 0.899999976 : f32
      %mul3A_2734 = vector.broadcast %mul3A_2733 : f32 to vector<16xf32>
      %mul3A_2735 = arith.mulf %mul3A_2734, %get3A_2732 : vector<16xf32>
      %get3A_2736 = arith.constant 224 : index
      %get3A_2737 = tpu.vector_load %arg15[%get3A_2736] {strides = array<i32>} : memref<640xf32, #tpu.memory_space<vmem>>, vector<16xf32>,
      %get3A_2738 = arith.constant 224 : index
      %get3A_2739 = tpu.vector_load %arg13[%get3A_2738] {strides = array<i32>} : memref<640xf32, #tpu.memory_space<vmem>>, vector<16xf32>,
      %mul3A_2740 = arith.mulf %get3A_2732, %get3A_2739 : vector<16xf32>
      %add3A_2741 = arith.addf %get3A_2737, %mul3A_2740 : vector<16xf32>
      %mul3A_2742 = arith.mulf %mul3A_2735, %add3A_2741 : vector<16xf32>
      %get3A_2743 = arith.constant 224 : index
      %get3A_2744 = tpu.vector_load %arg11[%get3A_2743] {strides = array<i32>} : memref<640xf32, #tpu.memory_space<vmem>>, vector<16xf32>,
      %mul3A_2745 = arith.constant 1.000000e-01 : f32
      %mul3A_2746 = vector.broadcast %mul3A_2745 : f32 to vector<16xf32>
      %mul3A_2747 = arith.mulf %mul3A_2746, %get3A_2744 : vector<16xf32>
      %add3A_2748 = arith.addf %mul3A_2742, %mul3A_2747 : vector<16xf32>
      %swap3A_2749 = arith.constant 224 : index
      %swap3A_2750 = tpu.vector_load %arg13[%swap3A_2749] {strides = array<i32>} : memref<640xf32, #tpu.memory_space<vmem>>, vector<16xf32>,
      tpu.vector_store %arg13[%swap3A_2749], %add3A_2748 {strides = array<i32>} : memref<640xf32, #tpu.memory_space<vmem>>, vector<16xf32>,
      %mul3A_2751 = arith.mulf %get3A_2732, %add3A_2748 : vector<16xf32>
      %swap3A_2752 = arith.constant 224 : index
      %swap3A_2753 = tpu.vector_load %arg14[%swap3A_2752] {strides = array<i32>} : memref<640xf32, #tpu.memory_space<vmem>>, vector<16xf32>,
      tpu.vector_store %arg14[%swap3A_2752], %mul3A_2751 {strides = array<i32>} : memref<640xf32, #tpu.memory_space<vmem>>, vector<16xf32>,
      %get3A_2754 = arith.constant 240 : index
      %get3A_2755 = tpu.vector_load %arg12[%get3A_2754] {strides = array<i32>} : memref<640xf32, #tpu.memory_space<vmem>>, vector<16xf32>,
      %mul3A_2756 = arith.constant 0.899999976 : f32
      %mul3A_2757 = vector.broadcast %mul3A_2756 : f32 to vector<16xf32>
      %mul3A_2758 = arith.mulf %mul3A_2757, %get3A_2755 : vector<16xf32>
      %get3A_2759 = arith.constant 240 : index
      %get3A_2760 = tpu.vector_load %arg15[%get3A_2759] {strides = array<i32>} : memref<640xf32, #tpu.memory_space<vmem>>, vector<16xf32>,
      %get3A_2761 = arith.constant 240 : index
      %get3A_2762 = tpu.vector_load %arg13[%get3A_2761] {strides = array<i32>} : memref<640xf32, #tpu.memory_space<vmem>>, vector<16xf32>,
      %mul3A_2763 = arith.mulf %get3A_2755, %get3A_2762 : vector<16xf32>
      %add3A_2764 = arith.addf %get3A_2760, %mul3A_2763 : vector<16xf32>
      %mul3A_2765 = arith.mulf %mul3A_2758, %add3A_2764 : vector<16xf32>
      %get3A_2766 = arith.constant 240 : index
      %get3A_2767 = tpu.vector_load %arg11[%get3A_2766] {strides = array<i32>} : memref<640xf32, #tpu.memory_space<vmem>>, vector<16xf32>,
      %mul3A_2768 = arith.constant 1.000000e-01 : f32
      %mul3A_2769 = vector.broadcast %mul3A_2768 : f32 to vector<16xf32>
      %mul3A_2770 = arith.mulf %mul3A_2769, %get3A_2767 : vector<16xf32>
      %add3A_2771 = arith.addf %mul3A_2765, %mul3A_2770 : vector<16xf32>
      %swap3A_2772 = arith.constant 240 : index
      %swap3A_2773 = tpu.vector_load %arg13[%swap3A_2772] {strides = array<i32>} : memref<640xf32, #tpu.memory_space<vmem>>, vector<16xf32>,
      tpu.vector_store %arg13[%swap3A_2772], %add3A_2771 {strides = array<i32>} : memref<640xf32, #tpu.memory_space<vmem>>, vector<16xf32>,
      %mul3A_2774 = arith.mulf %get3A_2755, %add3A_2771 : vector<16xf32>
      %swap3A_2775 = arith.constant 240 : index
      %swap3A_2776 = tpu.vector_load %arg14[%swap3A_2775] {strides = array<i32>} : memref<640xf32, #tpu.memory_space<vmem>>, vector<16xf32>,
      tpu.vector_store %arg14[%swap3A_2775], %mul3A_2774 {strides = array<i32>} : memref<640xf32, #tpu.memory_space<vmem>>, vector<16xf32>,
      %get3A_2777 = arith.constant 256 : index
      %get3A_2778 = tpu.vector_load %arg12[%get3A_2777] {strides = array<i32>} : memref<640xf32, #tpu.memory_space<vmem>>, vector<16xf32>,
      %mul3A_2779 = arith.constant 0.899999976 : f32
      %mul3A_2780 = vector.broadcast %mul3A_2779 : f32 to vector<16xf32>
      %mul3A_2781 = arith.mulf %mul3A_2780, %get3A_2778 : vector<16xf32>
      %get3A_2782 = arith.constant 256 : index
      %get3A_2783 = tpu.vector_load %arg15[%get3A_2782] {strides = array<i32>} : memref<640xf32, #tpu.memory_space<vmem>>, vector<16xf32>,
      %get3A_2784 = arith.constant 256 : index
      %get3A_2785 = tpu.vector_load %arg13[%get3A_2784] {strides = array<i32>} : memref<640xf32, #tpu.memory_space<vmem>>, vector<16xf32>,
      %mul3A_2786 = arith.mulf %get3A_2778, %get3A_2785 : vector<16xf32>
      %add3A_2787 = arith.addf %get3A_2783, %mul3A_2786 : vector<16xf32>
      %mul3A_2788 = arith.mulf %mul3A_2781, %add3A_2787 : vector<16xf32>
      %get3A_2789 = arith.constant 256 : index
      %get3A_2790 = tpu.vector_load %arg11[%get3A_2789] {strides = array<i32>} : memref<640xf32, #tpu.memory_space<vmem>>, vector<16xf32>,
      %mul3A_2791 = arith.constant 1.000000e-01 : f32
      %mul3A_2792 = vector.broadcast %mul3A_2791 : f32 to vector<16xf32>
      %mul3A_2793 = arith.mulf %mul3A_2792, %get3A_2790 : vector<16xf32>
      %add3A_2794 = arith.addf %mul3A_2788, %mul3A_2793 : vector<16xf32>
      %swap3A_2795 = arith.constant 256 : index
      %swap3A_2796 = tpu.vector_load %arg13[%swap3A_2795] {strides = array<i32>} : memref<640xf32, #tpu.memory_space<vmem>>, vector<16xf32>,
      tpu.vector_store %arg13[%swap3A_2795], %add3A_2794 {strides = array<i32>} : memref<640xf32, #tpu.memory_space<vmem>>, vector<16xf32>,
      %mul3A_2797 = arith.mulf %get3A_2778, %add3A_2794 : vector<16xf32>
      %swap3A_2798 = arith.constant 256 : index
      %swap3A_2799 = tpu.vector_load %arg14[%swap3A_2798] {strides = array<i32>} : memref<640xf32, #tpu.memory_space<vmem>>, vector<16xf32>,
      tpu.vector_store %arg14[%swap3A_2798], %mul3A_2797 {strides = array<i32>} : memref<640xf32, #tpu.memory_space<vmem>>, vector<16xf32>,
      %get3A_2800 = arith.constant 272 : index
      %get3A_2801 = tpu.vector_load %arg12[%get3A_2800] {strides = array<i32>} : memref<640xf32, #tpu.memory_space<vmem>>, vector<16xf32>,
      %mul3A_2802 = arith.constant 0.899999976 : f32
      %mul3A_2803 = vector.broadcast %mul3A_2802 : f32 to vector<16xf32>
      %mul3A_2804 = arith.mulf %mul3A_2803, %get3A_2801 : vector<16xf32>
      %get3A_2805 = arith.constant 272 : index
      %get3A_2806 = tpu.vector_load %arg15[%get3A_2805] {strides = array<i32>} : memref<640xf32, #tpu.memory_space<vmem>>, vector<16xf32>,
      %get3A_2807 = arith.constant 272 : index
      %get3A_2808 = tpu.vector_load %arg13[%get3A_2807] {strides = array<i32>} : memref<640xf32, #tpu.memory_space<vmem>>, vector<16xf32>,
      %mul3A_2809 = arith.mulf %get3A_2801, %get3A_2808 : vector<16xf32>
      %add3A_2810 = arith.addf %get3A_2806, %mul3A_2809 : vector<16xf32>
      %mul3A_2811 = arith.mulf %mul3A_2804, %add3A_2810 : vector<16xf32>
      %get3A_2812 = arith.constant 272 : index
      %get3A_2813 = tpu.vector_load %arg11[%get3A_2812] {strides = array<i32>} : memref<640xf32, #tpu.memory_space<vmem>>, vector<16xf32>,
      %mul3A_2814 = arith.constant 1.000000e-01 : f32
      %mul3A_2815 = vector.broadcast %mul3A_2814 : f32 to vector<16xf32>
      %mul3A_2816 = arith.mulf %mul3A_2815, %get3A_2813 : vector<16xf32>
      %add3A_2817 = arith.addf %mul3A_2811, %mul3A_2816 : vector<16xf32>
      %swap3A_2818 = arith.constant 272 : index
      %swap3A_2819 = tpu.vector_load %arg13[%swap3A_2818] {strides = array<i32>} : memref<640xf32, #tpu.memory_space<vmem>>, vector<16xf32>,
      tpu.vector_store %arg13[%swap3A_2818], %add3A_2817 {strides = array<i32>} : memref<640xf32, #tpu.memory_space<vmem>>, vector<16xf32>,
      %mul3A_2820 = arith.mulf %get3A_2801, %add3A_2817 : vector<16xf32>
      %swap3A_2821 = arith.constant 272 : index
      %swap3A_2822 = tpu.vector_load %arg14[%swap3A_2821] {strides = array<i32>} : memref<640xf32, #tpu.memory_space<vmem>>, vector<16xf32>,
      tpu.vector_store %arg14[%swap3A_2821], %mul3A_2820 {strides = array<i32>} : memref<640xf32, #tpu.memory_space<vmem>>, vector<16xf32>,
      %get3A_2823 = arith.constant 288 : index
      %get3A_2824 = tpu.vector_load %arg12[%get3A_2823] {strides = array<i32>} : memref<640xf32, #tpu.memory_space<vmem>>, vector<16xf32>,
      %mul3A_2825 = arith.constant 0.899999976 : f32
      %mul3A_2826 = vector.broadcast %mul3A_2825 : f32 to vector<16xf32>
      %mul3A_2827 = arith.mulf %mul3A_2826, %get3A_2824 : vector<16xf32>
      %get3A_2828 = arith.constant 288 : index
      %get3A_2829 = tpu.vector_load %arg15[%get3A_2828] {strides = array<i32>} : memref<640xf32, #tpu.memory_space<vmem>>, vector<16xf32>,
      %get3A_2830 = arith.constant 288 : index
      %get3A_2831 = tpu.vector_load %arg13[%get3A_2830] {strides = array<i32>} : memref<640xf32, #tpu.memory_space<vmem>>, vector<16xf32>,
      %mul3A_2832 = arith.mulf %get3A_2824, %get3A_2831 : vector<16xf32>
      %add3A_2833 = arith.addf %get3A_2829, %mul3A_2832 : vector<16xf32>
      %mul3A_2834 = arith.mulf %mul3A_2827, %add3A_2833 : vector<16xf32>
      %get3A_2835 = arith.constant 288 : index
      %get3A_2836 = tpu.vector_load %arg11[%get3A_2835] {strides = array<i32>} : memref<640xf32, #tpu.memory_space<vmem>>, vector<16xf32>,
      %mul3A_2837 = arith.constant 1.000000e-01 : f32
      %mul3A_2838 = vector.broadcast %mul3A_2837 : f32 to vector<16xf32>
      %mul3A_2839 = arith.mulf %mul3A_2838, %get3A_2836 : vector<16xf32>
      %add3A_2840 = arith.addf %mul3A_2834, %mul3A_2839 : vector<16xf32>
      %swap3A_2841 = arith.constant 288 : index
      %swap3A_2842 = tpu.vector_load %arg13[%swap3A_2841] {strides = array<i32>} : memref<640xf32, #tpu.memory_space<vmem>>, vector<16xf32>,
      tpu.vector_store %arg13[%swap3A_2841], %add3A_2840 {strides = array<i32>} : memref<640xf32, #tpu.memory_space<vmem>>, vector<16xf32>,
      %mul3A_2843 = arith.mulf %get3A_2824, %add3A_2840 : vector<16xf32>
      %swap3A_2844 = arith.constant 288 : index
      %swap3A_2845 = tpu.vector_load %arg14[%swap3A_2844] {strides = array<i32>} : memref<640xf32, #tpu.memory_space<vmem>>, vector<16xf32>,
      tpu.vector_store %arg14[%swap3A_2844], %mul3A_2843 {strides = array<i32>} : memref<640xf32, #tpu.memory_space<vmem>>, vector<16xf32>,
      %get3A_2846 = arith.constant 304 : index
      %get3A_2847 = tpu.vector_load %arg12[%get3A_2846] {strides = array<i32>} : memref<640xf32, #tpu.memory_space<vmem>>, vector<16xf32>,
      %mul3A_2848 = arith.constant 0.899999976 : f32
      %mul3A_2849 = vector.broadcast %mul3A_2848 : f32 to vector<16xf32>
      %mul3A_2850 = arith.mulf %mul3A_2849, %get3A_2847 : vector<16xf32>
      %get3A_2851 = arith.constant 304 : index
      %get3A_2852 = tpu.vector_load %arg15[%get3A_2851] {strides = array<i32>} : memref<640xf32, #tpu.memory_space<vmem>>, vector<16xf32>,
      %get3A_2853 = arith.constant 304 : index
      %get3A_2854 = tpu.vector_load %arg13[%get3A_2853] {strides = array<i32>} : memref<640xf32, #tpu.memory_space<vmem>>, vector<16xf32>,
      %mul3A_2855 = arith.mulf %get3A_2847, %get3A_2854 : vector<16xf32>
      %add3A_2856 = arith.addf %get3A_2852, %mul3A_2855 : vector<16xf32>
      %mul3A_2857 = arith.mulf %mul3A_2850, %add3A_2856 : vector<16xf32>
      %get3A_2858 = arith.constant 304 : index
      %get3A_2859 = tpu.vector_load %arg11[%get3A_2858] {strides = array<i32>} : memref<640xf32, #tpu.memory_space<vmem>>, vector<16xf32>,
      %mul3A_2860 = arith.constant 1.000000e-01 : f32
      %mul3A_2861 = vector.broadcast %mul3A_2860 : f32 to vector<16xf32>
      %mul3A_2862 = arith.mulf %mul3A_2861, %get3A_2859 : vector<16xf32>
      %add3A_2863 = arith.addf %mul3A_2857, %mul3A_2862 : vector<16xf32>
      %swap3A_2864 = arith.constant 304 : index
      %swap3A_2865 = tpu.vector_load %arg13[%swap3A_2864] {strides = array<i32>} : memref<640xf32, #tpu.memory_space<vmem>>, vector<16xf32>,
      tpu.vector_store %arg13[%swap3A_2864], %add3A_2863 {strides = array<i32>} : memref<640xf32, #tpu.memory_space<vmem>>, vector<16xf32>,
      %mul3A_2866 = arith.mulf %get3A_2847, %add3A_2863 : vector<16xf32>
      %swap3A_2867 = arith.constant 304 : index
      %swap3A_2868 = tpu.vector_load %arg14[%swap3A_2867] {strides = array<i32>} : memref<640xf32, #tpu.memory_space<vmem>>, vector<16xf32>,
      tpu.vector_store %arg14[%swap3A_2867], %mul3A_2866 {strides = array<i32>} : memref<640xf32, #tpu.memory_space<vmem>>, vector<16xf32>,
      %get3A_2869 = arith.constant 320 : index
      %get3A_2870 = tpu.vector_load %arg12[%get3A_2869] {strides = array<i32>} : memref<640xf32, #tpu.memory_space<vmem>>, vector<16xf32>,
      %mul3A_2871 = arith.constant 0.899999976 : f32
      %mul3A_2872 = vector.broadcast %mul3A_2871 : f32 to vector<16xf32>
      %mul3A_2873 = arith.mulf %mul3A_2872, %get3A_2870 : vector<16xf32>
      %get3A_2874 = arith.constant 320 : index
      %get3A_2875 = tpu.vector_load %arg15[%get3A_2874] {strides = array<i32>} : memref<640xf32, #tpu.memory_space<vmem>>, vector<16xf32>,
      %get3A_2876 = arith.constant 320 : index
      %get3A_2877 = tpu.vector_load %arg13[%get3A_2876] {strides = array<i32>} : memref<640xf32, #tpu.memory_space<vmem>>, vector<16xf32>,
      %mul3A_2878 = arith.mulf %get3A_2870, %get3A_2877 : vector<16xf32>
      %add3A_2879 = arith.addf %get3A_2875, %mul3A_2878 : vector<16xf32>
      %mul3A_2880 = arith.mulf %mul3A_2873, %add3A_2879 : vector<16xf32>
      %get3A_2881 = arith.constant 320 : index
      %get3A_2882 = tpu.vector_load %arg11[%get3A_2881] {strides = array<i32>} : memref<640xf32, #tpu.memory_space<vmem>>, vector<16xf32>,
      %mul3A_2883 = arith.constant 1.000000e-01 : f32
      %mul3A_2884 = vector.broadcast %mul3A_2883 : f32 to vector<16xf32>
      %mul3A_2885 = arith.mulf %mul3A_2884, %get3A_2882 : vector<16xf32>
      %add3A_2886 = arith.addf %mul3A_2880, %mul3A_2885 : vector<16xf32>
      %swap3A_2887 = arith.constant 320 : index
      %swap3A_2888 = tpu.vector_load %arg13[%swap3A_2887] {strides = array<i32>} : memref<640xf32, #tpu.memory_space<vmem>>, vector<16xf32>,
      tpu.vector_store %arg13[%swap3A_2887], %add3A_2886 {strides = array<i32>} : memref<640xf32, #tpu.memory_space<vmem>>, vector<16xf32>,
      %mul3A_2889 = arith.mulf %get3A_2870, %add3A_2886 : vector<16xf32>
      %swap3A_2890 = arith.constant 320 : index
      %swap3A_2891 = tpu.vector_load %arg14[%swap3A_2890] {strides = array<i32>} : memref<640xf32, #tpu.memory_space<vmem>>, vector<16xf32>,
      tpu.vector_store %arg14[%swap3A_2890], %mul3A_2889 {strides = array<i32>} : memref<640xf32, #tpu.memory_space<vmem>>, vector<16xf32>,
      %get3A_2892 = arith.constant 336 : index
      %get3A_2893 = tpu.vector_load %arg12[%get3A_2892] {strides = array<i32>} : memref<640xf32, #tpu.memory_space<vmem>>, vector<16xf32>,
      %mul3A_2894 = arith.constant 0.899999976 : f32
      %mul3A_2895 = vector.broadcast %mul3A_2894 : f32 to vector<16xf32>
      %mul3A_2896 = arith.mulf %mul3A_2895, %get3A_2893 : vector<16xf32>
      %get3A_2897 = arith.constant 336 : index
      %get3A_2898 = tpu.vector_load %arg15[%get3A_2897] {strides = array<i32>} : memref<640xf32, #tpu.memory_space<vmem>>, vector<16xf32>,
      %get3A_2899 = arith.constant 336 : index
      %get3A_2900 = tpu.vector_load %arg13[%get3A_2899] {strides = array<i32>} : memref<640xf32, #tpu.memory_space<vmem>>, vector<16xf32>,
      %mul3A_2901 = arith.mulf %get3A_2893, %get3A_2900 : vector<16xf32>
      %add3A_2902 = arith.addf %get3A_2898, %mul3A_2901 : vector<16xf32>
      %mul3A_2903 = arith.mulf %mul3A_2896, %add3A_2902 : vector<16xf32>
      %get3A_2904 = arith.constant 336 : index
      %get3A_2905 = tpu.vector_load %arg11[%get3A_2904] {strides = array<i32>} : memref<640xf32, #tpu.memory_space<vmem>>, vector<16xf32>,
      %mul3A_2906 = arith.constant 1.000000e-01 : f32
      %mul3A_2907 = vector.broadcast %mul3A_2906 : f32 to vector<16xf32>
      %mul3A_2908 = arith.mulf %mul3A_2907, %get3A_2905 : vector<16xf32>
      %add3A_2909 = arith.addf %mul3A_2903, %mul3A_2908 : vector<16xf32>
      %swap3A_2910 = arith.constant 336 : index
      %swap3A_2911 = tpu.vector_load %arg13[%swap3A_2910] {strides = array<i32>} : memref<640xf32, #tpu.memory_space<vmem>>, vector<16xf32>,
      tpu.vector_store %arg13[%swap3A_2910], %add3A_2909 {strides = array<i32>} : memref<640xf32, #tpu.memory_space<vmem>>, vector<16xf32>,
      %mul3A_2912 = arith.mulf %get3A_2893, %add3A_2909 : vector<16xf32>
      %swap3A_2913 = arith.constant 336 : index
      %swap3A_2914 = tpu.vector_load %arg14[%swap3A_2913] {strides = array<i32>} : memref<640xf32, #tpu.memory_space<vmem>>, vector<16xf32>,
      tpu.vector_store %arg14[%swap3A_2913], %mul3A_2912 {strides = array<i32>} : memref<640xf32, #tpu.memory_space<vmem>>, vector<16xf32>,
      %get3A_2915 = arith.constant 352 : index
      %get3A_2916 = tpu.vector_load %arg12[%get3A_2915] {strides = array<i32>} : memref<640xf32, #tpu.memory_space<vmem>>, vector<16xf32>,
      %mul3A_2917 = arith.constant 0.899999976 : f32
      %mul3A_2918 = vector.broadcast %mul3A_2917 : f32 to vector<16xf32>
      %mul3A_2919 = arith.mulf %mul3A_2918, %get3A_2916 : vector<16xf32>
      %get3A_2920 = arith.constant 352 : index
      %get3A_2921 = tpu.vector_load %arg15[%get3A_2920] {strides = array<i32>} : memref<640xf32, #tpu.memory_space<vmem>>, vector<16xf32>,
      %get3A_2922 = arith.constant 352 : index
      %get3A_2923 = tpu.vector_load %arg13[%get3A_2922] {strides = array<i32>} : memref<640xf32, #tpu.memory_space<vmem>>, vector<16xf32>,
      %mul3A_2924 = arith.mulf %get3A_2916, %get3A_2923 : vector<16xf32>
      %add3A_2925 = arith.addf %get3A_2921, %mul3A_2924 : vector<16xf32>
      %mul3A_2926 = arith.mulf %mul3A_2919, %add3A_2925 : vector<16xf32>
      %get3A_2927 = arith.constant 352 : index
      %get3A_2928 = tpu.vector_load %arg11[%get3A_2927] {strides = array<i32>} : memref<640xf32, #tpu.memory_space<vmem>>, vector<16xf32>,
      %mul3A_2929 = arith.constant 1.000000e-01 : f32
      %mul3A_2930 = vector.broadcast %mul3A_2929 : f32 to vector<16xf32>
      %mul3A_2931 = arith.mulf %mul3A_2930, %get3A_2928 : vector<16xf32>
      %add3A_2932 = arith.addf %mul3A_2926, %mul3A_2931 : vector<16xf32>
      %swap3A_2933 = arith.constant 352 : index
      %swap3A_2934 = tpu.vector_load %arg13[%swap3A_2933] {strides = array<i32>} : memref<640xf32, #tpu.memory_space<vmem>>, vector<16xf32>,
      tpu.vector_store %arg13[%swap3A_2933], %add3A_2932 {strides = array<i32>} : memref<640xf32, #tpu.memory_space<vmem>>, vector<16xf32>,
      %mul3A_2935 = arith.mulf %get3A_2916, %add3A_2932 : vector<16xf32>
      %swap3A_2936 = arith.constant 352 : index
      %swap3A_2937 = tpu.vector_load %arg14[%swap3A_2936] {strides = array<i32>} : memref<640xf32, #tpu.memory_space<vmem>>, vector<16xf32>,
      tpu.vector_store %arg14[%swap3A_2936], %mul3A_2935 {strides = array<i32>} : memref<640xf32, #tpu.memory_space<vmem>>, vector<16xf32>,
      %get3A_2938 = arith.constant 368 : index
      %get3A_2939 = tpu.vector_load %arg12[%get3A_2938] {strides = array<i32>} : memref<640xf32, #tpu.memory_space<vmem>>, vector<16xf32>,
      %mul3A_2940 = arith.constant 0.899999976 : f32
      %mul3A_2941 = vector.broadcast %mul3A_2940 : f32 to vector<16xf32>
      %mul3A_2942 = arith.mulf %mul3A_2941, %get3A_2939 : vector<16xf32>
      %get3A_2943 = arith.constant 368 : index
      %get3A_2944 = tpu.vector_load %arg15[%get3A_2943] {strides = array<i32>} : memref<640xf32, #tpu.memory_space<vmem>>, vector<16xf32>,
      %get3A_2945 = arith.constant 368 : index
      %get3A_2946 = tpu.vector_load %arg13[%get3A_2945] {strides = array<i32>} : memref<640xf32, #tpu.memory_space<vmem>>, vector<16xf32>,
      %mul3A_2947 = arith.mulf %get3A_2939, %get3A_2946 : vector<16xf32>
      %add3A_2948 = arith.addf %get3A_2944, %mul3A_2947 : vector<16xf32>
      %mul3A_2949 = arith.mulf %mul3A_2942, %add3A_2948 : vector<16xf32>
      %get3A_2950 = arith.constant 368 : index
      %get3A_2951 = tpu.vector_load %arg11[%get3A_2950] {strides = array<i32>} : memref<640xf32, #tpu.memory_space<vmem>>, vector<16xf32>,
      %mul3A_2952 = arith.constant 1.000000e-01 : f32
      %mul3A_2953 = vector.broadcast %mul3A_2952 : f32 to vector<16xf32>
      %mul3A_2954 = arith.mulf %mul3A_2953, %get3A_2951 : vector<16xf32>
      %add3A_2955 = arith.addf %mul3A_2949, %mul3A_2954 : vector<16xf32>
      %swap3A_2956 = arith.constant 368 : index
      %swap3A_2957 = tpu.vector_load %arg13[%swap3A_2956] {strides = array<i32>} : memref<640xf32, #tpu.memory_space<vmem>>, vector<16xf32>,
      tpu.vector_store %arg13[%swap3A_2956], %add3A_2955 {strides = array<i32>} : memref<640xf32, #tpu.memory_space<vmem>>, vector<16xf32>,
      %mul3A_2958 = arith.mulf %get3A_2939, %add3A_2955 : vector<16xf32>
      %swap3A_2959 = arith.constant 368 : index
      %swap3A_2960 = tpu.vector_load %arg14[%swap3A_2959] {strides = array<i32>} : memref<640xf32, #tpu.memory_space<vmem>>, vector<16xf32>,
      tpu.vector_store %arg14[%swap3A_2959], %mul3A_2958 {strides = array<i32>} : memref<640xf32, #tpu.memory_space<vmem>>, vector<16xf32>,
      %get3A_2961 = arith.constant 384 : index
      %get3A_2962 = tpu.vector_load %arg12[%get3A_2961] {strides = array<i32>} : memref<640xf32, #tpu.memory_space<vmem>>, vector<16xf32>,
      %mul3A_2963 = arith.constant 0.899999976 : f32
      %mul3A_2964 = vector.broadcast %mul3A_2963 : f32 to vector<16xf32>
      %mul3A_2965 = arith.mulf %mul3A_2964, %get3A_2962 : vector<16xf32>
      %get3A_2966 = arith.constant 384 : index
      %get3A_2967 = tpu.vector_load %arg15[%get3A_2966] {strides = array<i32>} : memref<640xf32, #tpu.memory_space<vmem>>, vector<16xf32>,
      %get3A_2968 = arith.constant 384 : index
      %get3A_2969 = tpu.vector_load %arg13[%get3A_2968] {strides = array<i32>} : memref<640xf32, #tpu.memory_space<vmem>>, vector<16xf32>,
      %mul3A_2970 = arith.mulf %get3A_2962, %get3A_2969 : vector<16xf32>
      %add3A_2971 = arith.addf %get3A_2967, %mul3A_2970 : vector<16xf32>
      %mul3A_2972 = arith.mulf %mul3A_2965, %add3A_2971 : vector<16xf32>
      %get3A_2973 = arith.constant 384 : index
      %get3A_2974 = tpu.vector_load %arg11[%get3A_2973] {strides = array<i32>} : memref<640xf32, #tpu.memory_space<vmem>>, vector<16xf32>,
      %mul3A_2975 = arith.constant 1.000000e-01 : f32
      %mul3A_2976 = vector.broadcast %mul3A_2975 : f32 to vector<16xf32>
      %mul3A_2977 = arith.mulf %mul3A_2976, %get3A_2974 : vector<16xf32>
      %add3A_2978 = arith.addf %mul3A_2972, %mul3A_2977 : vector<16xf32>
      %swap3A_2979 = arith.constant 384 : index
      %swap3A_2980 = tpu.vector_load %arg13[%swap3A_2979] {strides = array<i32>} : memref<640xf32, #tpu.memory_space<vmem>>, vector<16xf32>,
      tpu.vector_store %arg13[%swap3A_2979], %add3A_2978 {strides = array<i32>} : memref<640xf32, #tpu.memory_space<vmem>>, vector<16xf32>,
      %mul3A_2981 = arith.mulf %get3A_2962, %add3A_2978 : vector<16xf32>
      %swap3A_2982 = arith.constant 384 : index
      %swap3A_2983 = tpu.vector_load %arg14[%swap3A_2982] {strides = array<i32>} : memref<640xf32, #tpu.memory_space<vmem>>, vector<16xf32>,
      tpu.vector_store %arg14[%swap3A_2982], %mul3A_2981 {strides = array<i32>} : memref<640xf32, #tpu.memory_space<vmem>>, vector<16xf32>,
      %get3A_2984 = arith.constant 400 : index
      %get3A_2985 = tpu.vector_load %arg12[%get3A_2984] {strides = array<i32>} : memref<640xf32, #tpu.memory_space<vmem>>, vector<16xf32>,
      %mul3A_2986 = arith.constant 0.899999976 : f32
      %mul3A_2987 = vector.broadcast %mul3A_2986 : f32 to vector<16xf32>
      %mul3A_2988 = arith.mulf %mul3A_2987, %get3A_2985 : vector<16xf32>
      %get3A_2989 = arith.constant 400 : index
      %get3A_2990 = tpu.vector_load %arg15[%get3A_2989] {strides = array<i32>} : memref<640xf32, #tpu.memory_space<vmem>>, vector<16xf32>,
      %get3A_2991 = arith.constant 400 : index
      %get3A_2992 = tpu.vector_load %arg13[%get3A_2991] {strides = array<i32>} : memref<640xf32, #tpu.memory_space<vmem>>, vector<16xf32>,
      %mul3A_2993 = arith.mulf %get3A_2985, %get3A_2992 : vector<16xf32>
      %add3A_2994 = arith.addf %get3A_2990, %mul3A_2993 : vector<16xf32>
      %mul3A_2995 = arith.mulf %mul3A_2988, %add3A_2994 : vector<16xf32>
      %get3A_2996 = arith.constant 400 : index
      %get3A_2997 = tpu.vector_load %arg11[%get3A_2996] {strides = array<i32>} : memref<640xf32, #tpu.memory_space<vmem>>, vector<16xf32>,
      %mul3A_2998 = arith.constant 1.000000e-01 : f32
      %mul3A_2999 = vector.broadcast %mul3A_2998 : f32 to vector<16xf32>
      %mul3A_3000 = arith.mulf %mul3A_2999, %get3A_2997 : vector<16xf32>
      %add3A_3001 = arith.addf %mul3A_2995, %mul3A_3000 : vector<16xf32>
      %swap3A_3002 = arith.constant 400 : index
      %swap3A_3003 = tpu.vector_load %arg13[%swap3A_3002] {strides = array<i32>} : memref<640xf32, #tpu.memory_space<vmem>>, vector<16xf32>,
      tpu.vector_store %arg13[%swap3A_3002], %add3A_3001 {strides = array<i32>} : memref<640xf32, #tpu.memory_space<vmem>>, vector<16xf32>,
      %mul3A_3004 = arith.mulf %get3A_2985, %add3A_3001 : vector<16xf32>
      %swap3A_3005 = arith.constant 400 : index
      %swap3A_3006 = tpu.vector_load %arg14[%swap3A_3005] {strides = array<i32>} : memref<640xf32, #tpu.memory_space<vmem>>, vector<16xf32>,
      tpu.vector_store %arg14[%swap3A_3005], %mul3A_3004 {strides = array<i32>} : memref<640xf32, #tpu.memory_space<vmem>>, vector<16xf32>,
      %get3A_3007 = arith.constant 416 : index
      %get3A_3008 = tpu.vector_load %arg12[%get3A_3007] {strides = array<i32>} : memref<640xf32, #tpu.memory_space<vmem>>, vector<16xf32>,
      %mul3A_3009 = arith.constant 0.899999976 : f32
      %mul3A_3010 = vector.broadcast %mul3A_3009 : f32 to vector<16xf32>
      %mul3A_3011 = arith.mulf %mul3A_3010, %get3A_3008 : vector<16xf32>
      %get3A_3012 = arith.constant 416 : index
      %get3A_3013 = tpu.vector_load %arg15[%get3A_3012] {strides = array<i32>} : memref<640xf32, #tpu.memory_space<vmem>>, vector<16xf32>,
      %get3A_3014 = arith.constant 416 : index
      %get3A_3015 = tpu.vector_load %arg13[%get3A_3014] {strides = array<i32>} : memref<640xf32, #tpu.memory_space<vmem>>, vector<16xf32>,
      %mul3A_3016 = arith.mulf %get3A_3008, %get3A_3015 : vector<16xf32>
      %add3A_3017 = arith.addf %get3A_3013, %mul3A_3016 : vector<16xf32>
      %mul3A_3018 = arith.mulf %mul3A_3011, %add3A_3017 : vector<16xf32>
      %get3A_3019 = arith.constant 416 : index
      %get3A_3020 = tpu.vector_load %arg11[%get3A_3019] {strides = array<i32>} : memref<640xf32, #tpu.memory_space<vmem>>, vector<16xf32>,
      %mul3A_3021 = arith.constant 1.000000e-01 : f32
      %mul3A_3022 = vector.broadcast %mul3A_3021 : f32 to vector<16xf32>
      %mul3A_3023 = arith.mulf %mul3A_3022, %get3A_3020 : vector<16xf32>
      %add3A_3024 = arith.addf %mul3A_3018, %mul3A_3023 : vector<16xf32>
      %swap3A_3025 = arith.constant 416 : index
      %swap3A_3026 = tpu.vector_load %arg13[%swap3A_3025] {strides = array<i32>} : memref<640xf32, #tpu.memory_space<vmem>>, vector<16xf32>,
      tpu.vector_store %arg13[%swap3A_3025], %add3A_3024 {strides = array<i32>} : memref<640xf32, #tpu.memory_space<vmem>>, vector<16xf32>,
      %mul3A_3027 = arith.mulf %get3A_3008, %add3A_3024 : vector<16xf32>
      %swap3A_3028 = arith.constant 416 : index
      %swap3A_3029 = tpu.vector_load %arg14[%swap3A_3028] {strides = array<i32>} : memref<640xf32, #tpu.memory_space<vmem>>, vector<16xf32>,
      tpu.vector_store %arg14[%swap3A_3028], %mul3A_3027 {strides = array<i32>} : memref<640xf32, #tpu.memory_space<vmem>>, vector<16xf32>,
      %get3A_3030 = arith.constant 432 : index
      %get3A_3031 = tpu.vector_load %arg12[%get3A_3030] {strides = array<i32>} : memref<640xf32, #tpu.memory_space<vmem>>, vector<16xf32>,
      %mul3A_3032 = arith.constant 0.899999976 : f32
      %mul3A_3033 = vector.broadcast %mul3A_3032 : f32 to vector<16xf32>
      %mul3A_3034 = arith.mulf %mul3A_3033, %get3A_3031 : vector<16xf32>
      %get3A_3035 = arith.constant 432 : index
      %get3A_3036 = tpu.vector_load %arg15[%get3A_3035] {strides = array<i32>} : memref<640xf32, #tpu.memory_space<vmem>>, vector<16xf32>,
      %get3A_3037 = arith.constant 432 : index
      %get3A_3038 = tpu.vector_load %arg13[%get3A_3037] {strides = array<i32>} : memref<640xf32, #tpu.memory_space<vmem>>, vector<16xf32>,
      %mul3A_3039 = arith.mulf %get3A_3031, %get3A_3038 : vector<16xf32>
      %add3A_3040 = arith.addf %get3A_3036, %mul3A_3039 : vector<16xf32>
      %mul3A_3041 = arith.mulf %mul3A_3034, %add3A_3040 : vector<16xf32>
      %get3A_3042 = arith.constant 432 : index
      %get3A_3043 = tpu.vector_load %arg11[%get3A_3042] {strides = array<i32>} : memref<640xf32, #tpu.memory_space<vmem>>, vector<16xf32>,
      %mul3A_3044 = arith.constant 1.000000e-01 : f32
      %mul3A_3045 = vector.broadcast %mul3A_3044 : f32 to vector<16xf32>
      %mul3A_3046 = arith.mulf %mul3A_3045, %get3A_3043 : vector<16xf32>
      %add3A_3047 = arith.addf %mul3A_3041, %mul3A_3046 : vector<16xf32>
      %swap3A_3048 = arith.constant 432 : index
      %swap3A_3049 = tpu.vector_load %arg13[%swap3A_3048] {strides = array<i32>} : memref<640xf32, #tpu.memory_space<vmem>>, vector<16xf32>,
      tpu.vector_store %arg13[%swap3A_3048], %add3A_3047 {strides = array<i32>} : memref<640xf32, #tpu.memory_space<vmem>>, vector<16xf32>,
      %mul3A_3050 = arith.mulf %get3A_3031, %add3A_3047 : vector<16xf32>
      %swap3A_3051 = arith.constant 432 : index
      %swap3A_3052 = tpu.vector_load %arg14[%swap3A_3051] {strides = array<i32>} : memref<640xf32, #tpu.memory_space<vmem>>, vector<16xf32>,
      tpu.vector_store %arg14[%swap3A_3051], %mul3A_3050 {strides = array<i32>} : memref<640xf32, #tpu.memory_space<vmem>>, vector<16xf32>,
      %get3A_3053 = arith.constant 448 : index
      %get3A_3054 = tpu.vector_load %arg12[%get3A_3053] {strides = array<i32>} : memref<640xf32, #tpu.memory_space<vmem>>, vector<16xf32>,
      %mul3A_3055 = arith.constant 0.899999976 : f32
      %mul3A_3056 = vector.broadcast %mul3A_3055 : f32 to vector<16xf32>
      %mul3A_3057 = arith.mulf %mul3A_3056, %get3A_3054 : vector<16xf32>
      %get3A_3058 = arith.constant 448 : index
      %get3A_3059 = tpu.vector_load %arg15[%get3A_3058] {strides = array<i32>} : memref<640xf32, #tpu.memory_space<vmem>>, vector<16xf32>,
      %get3A_3060 = arith.constant 448 : index
      %get3A_3061 = tpu.vector_load %arg13[%get3A_3060] {strides = array<i32>} : memref<640xf32, #tpu.memory_space<vmem>>, vector<16xf32>,
      %mul3A_3062 = arith.mulf %get3A_3054, %get3A_3061 : vector<16xf32>
      %add3A_3063 = arith.addf %get3A_3059, %mul3A_3062 : vector<16xf32>
      %mul3A_3064 = arith.mulf %mul3A_3057, %add3A_3063 : vector<16xf32>
      %get3A_3065 = arith.constant 448 : index
      %get3A_3066 = tpu.vector_load %arg11[%get3A_3065] {strides = array<i32>} : memref<640xf32, #tpu.memory_space<vmem>>, vector<16xf32>,
      %mul3A_3067 = arith.constant 1.000000e-01 : f32
      %mul3A_3068 = vector.broadcast %mul3A_3067 : f32 to vector<16xf32>
      %mul3A_3069 = arith.mulf %mul3A_3068, %get3A_3066 : vector<16xf32>
      %add3A_3070 = arith.addf %mul3A_3064, %mul3A_3069 : vector<16xf32>
      %swap3A_3071 = arith.constant 448 : index
      %swap3A_3072 = tpu.vector_load %arg13[%swap3A_3071] {strides = array<i32>} : memref<640xf32, #tpu.memory_space<vmem>>, vector<16xf32>,
      tpu.vector_store %arg13[%swap3A_3071], %add3A_3070 {strides = array<i32>} : memref<640xf32, #tpu.memory_space<vmem>>, vector<16xf32>,
      %mul3A_3073 = arith.mulf %get3A_3054, %add3A_3070 : vector<16xf32>
      %swap3A_3074 = arith.constant 448 : index
      %swap3A_3075 = tpu.vector_load %arg14[%swap3A_3074] {strides = array<i32>} : memref<640xf32, #tpu.memory_space<vmem>>, vector<16xf32>,
      tpu.vector_store %arg14[%swap3A_3074], %mul3A_3073 {strides = array<i32>} : memref<640xf32, #tpu.memory_space<vmem>>, vector<16xf32>,
      %get3A_3076 = arith.constant 464 : index
      %get3A_3077 = tpu.vector_load %arg12[%get3A_3076] {strides = array<i32>} : memref<640xf32, #tpu.memory_space<vmem>>, vector<16xf32>,
      %mul3A_3078 = arith.constant 0.899999976 : f32
      %mul3A_3079 = vector.broadcast %mul3A_3078 : f32 to vector<16xf32>
      %mul3A_3080 = arith.mulf %mul3A_3079, %get3A_3077 : vector<16xf32>
      %get3A_3081 = arith.constant 464 : index
      %get3A_3082 = tpu.vector_load %arg15[%get3A_3081] {strides = array<i32>} : memref<640xf32, #tpu.memory_space<vmem>>, vector<16xf32>,
      %get3A_3083 = arith.constant 464 : index
      %get3A_3084 = tpu.vector_load %arg13[%get3A_3083] {strides = array<i32>} : memref<640xf32, #tpu.memory_space<vmem>>, vector<16xf32>,
      %mul3A_3085 = arith.mulf %get3A_3077, %get3A_3084 : vector<16xf32>
      %add3A_3086 = arith.addf %get3A_3082, %mul3A_3085 : vector<16xf32>
      %mul3A_3087 = arith.mulf %mul3A_3080, %add3A_3086 : vector<16xf32>
      %get3A_3088 = arith.constant 464 : index
      %get3A_3089 = tpu.vector_load %arg11[%get3A_3088] {strides = array<i32>} : memref<640xf32, #tpu.memory_space<vmem>>, vector<16xf32>,
      %mul3A_3090 = arith.constant 1.000000e-01 : f32
      %mul3A_3091 = vector.broadcast %mul3A_3090 : f32 to vector<16xf32>
      %mul3A_3092 = arith.mulf %mul3A_3091, %get3A_3089 : vector<16xf32>
      %add3A_3093 = arith.addf %mul3A_3087, %mul3A_3092 : vector<16xf32>
      %swap3A_3094 = arith.constant 464 : index
      %swap3A_3095 = tpu.vector_load %arg13[%swap3A_3094] {strides = array<i32>} : memref<640xf32, #tpu.memory_space<vmem>>, vector<16xf32>,
      tpu.vector_store %arg13[%swap3A_3094], %add3A_3093 {strides = array<i32>} : memref<640xf32, #tpu.memory_space<vmem>>, vector<16xf32>,
      %mul3A_3096 = arith.mulf %get3A_3077, %add3A_3093 : vector<16xf32>
      %swap3A_3097 = arith.constant 464 : index
      %swap3A_3098 = tpu.vector_load %arg14[%swap3A_3097] {strides = array<i32>} : memref<640xf32, #tpu.memory_space<vmem>>, vector<16xf32>,
      tpu.vector_store %arg14[%swap3A_3097], %mul3A_3096 {strides = array<i32>} : memref<640xf32, #tpu.memory_space<vmem>>, vector<16xf32>,
      %get3A_3099 = arith.constant 480 : index
      %get3A_3100 = tpu.vector_load %arg12[%get3A_3099] {strides = array<i32>} : memref<640xf32, #tpu.memory_space<vmem>>, vector<16xf32>,
      %mul3A_3101 = arith.constant 0.899999976 : f32
      %mul3A_3102 = vector.broadcast %mul3A_3101 : f32 to vector<16xf32>
      %mul3A_3103 = arith.mulf %mul3A_3102, %get3A_3100 : vector<16xf32>
      %get3A_3104 = arith.constant 480 : index
      %get3A_3105 = tpu.vector_load %arg15[%get3A_3104] {strides = array<i32>} : memref<640xf32, #tpu.memory_space<vmem>>, vector<16xf32>,
      %get3A_3106 = arith.constant 480 : index
      %get3A_3107 = tpu.vector_load %arg13[%get3A_3106] {strides = array<i32>} : memref<640xf32, #tpu.memory_space<vmem>>, vector<16xf32>,
      %mul3A_3108 = arith.mulf %get3A_3100, %get3A_3107 : vector<16xf32>
      %add3A_3109 = arith.addf %get3A_3105, %mul3A_3108 : vector<16xf32>
      %mul3A_3110 = arith.mulf %mul3A_3103, %add3A_3109 : vector<16xf32>
      %get3A_3111 = arith.constant 480 : index
      %get3A_3112 = tpu.vector_load %arg11[%get3A_3111] {strides = array<i32>} : memref<640xf32, #tpu.memory_space<vmem>>, vector<16xf32>,
      %mul3A_3113 = arith.constant 1.000000e-01 : f32
      %mul3A_3114 = vector.broadcast %mul3A_3113 : f32 to vector<16xf32>
      %mul3A_3115 = arith.mulf %mul3A_3114, %get3A_3112 : vector<16xf32>
      %add3A_3116 = arith.addf %mul3A_3110, %mul3A_3115 : vector<16xf32>
      %swap3A_3117 = arith.constant 480 : index
      %swap3A_3118 = tpu.vector_load %arg13[%swap3A_3117] {strides = array<i32>} : memref<640xf32, #tpu.memory_space<vmem>>, vector<16xf32>,
      tpu.vector_store %arg13[%swap3A_3117], %add3A_3116 {strides = array<i32>} : memref<640xf32, #tpu.memory_space<vmem>>, vector<16xf32>,
      %mul3A_3119 = arith.mulf %get3A_3100, %add3A_3116 : vector<16xf32>
      %swap3A_3120 = arith.constant 480 : index
      %swap3A_3121 = tpu.vector_load %arg14[%swap3A_3120] {strides = array<i32>} : memref<640xf32, #tpu.memory_space<vmem>>, vector<16xf32>,
      tpu.vector_store %arg14[%swap3A_3120], %mul3A_3119 {strides = array<i32>} : memref<640xf32, #tpu.memory_space<vmem>>, vector<16xf32>,
      %get3A_3122 = arith.constant 496 : index
      %get3A_3123 = tpu.vector_load %arg12[%get3A_3122] {strides = array<i32>} : memref<640xf32, #tpu.memory_space<vmem>>, vector<16xf32>,
      %mul3A_3124 = arith.constant 0.899999976 : f32
      %mul3A_3125 = vector.broadcast %mul3A_3124 : f32 to vector<16xf32>
      %mul3A_3126 = arith.mulf %mul3A_3125, %get3A_3123 : vector<16xf32>
      %get3A_3127 = arith.constant 496 : index
      %get3A_3128 = tpu.vector_load %arg15[%get3A_3127] {strides = array<i32>} : memref<640xf32, #tpu.memory_space<vmem>>, vector<16xf32>,
      %get3A_3129 = arith.constant 496 : index
      %get3A_3130 = tpu.vector_load %arg13[%get3A_3129] {strides = array<i32>} : memref<640xf32, #tpu.memory_space<vmem>>, vector<16xf32>,
      %mul3A_3131 = arith.mulf %get3A_3123, %get3A_3130 : vector<16xf32>
      %add3A_3132 = arith.addf %get3A_3128, %mul3A_3131 : vector<16xf32>
      %mul3A_3133 = arith.mulf %mul3A_3126, %add3A_3132 : vector<16xf32>
      %get3A_3134 = arith.constant 496 : index
      %get3A_3135 = tpu.vector_load %arg11[%get3A_3134] {strides = array<i32>} : memref<640xf32, #tpu.memory_space<vmem>>, vector<16xf32>,
      %mul3A_3136 = arith.constant 1.000000e-01 : f32
      %mul3A_3137 = vector.broadcast %mul3A_3136 : f32 to vector<16xf32>
      %mul3A_3138 = arith.mulf %mul3A_3137, %get3A_3135 : vector<16xf32>
      %add3A_3139 = arith.addf %mul3A_3133, %mul3A_3138 : vector<16xf32>
      %swap3A_3140 = arith.constant 496 : index
      %swap3A_3141 = tpu.vector_load %arg13[%swap3A_3140] {strides = array<i32>} : memref<640xf32, #tpu.memory_space<vmem>>, vector<16xf32>,
      tpu.vector_store %arg13[%swap3A_3140], %add3A_3139 {strides = array<i32>} : memref<640xf32, #tpu.memory_space<vmem>>, vector<16xf32>,
      %mul3A_3142 = arith.mulf %get3A_3123, %add3A_3139 : vector<16xf32>
      %swap3A_3143 = arith.constant 496 : index
      %swap3A_3144 = tpu.vector_load %arg14[%swap3A_3143] {strides = array<i32>} : memref<640xf32, #tpu.memory_space<vmem>>, vector<16xf32>,
      tpu.vector_store %arg14[%swap3A_3143], %mul3A_3142 {strides = array<i32>} : memref<640xf32, #tpu.memory_space<vmem>>, vector<16xf32>,
      %get3A_3145 = arith.constant 512 : index
      %get3A_3146 = tpu.vector_load %arg12[%get3A_3145] {strides = array<i32>} : memref<640xf32, #tpu.memory_space<vmem>>, vector<16xf32>,
      %mul3A_3147 = arith.constant 0.899999976 : f32
      %mul3A_3148 = vector.broadcast %mul3A_3147 : f32 to vector<16xf32>
      %mul3A_3149 = arith.mulf %mul3A_3148, %get3A_3146 : vector<16xf32>
      %get3A_3150 = arith.constant 512 : index
      %get3A_3151 = tpu.vector_load %arg15[%get3A_3150] {strides = array<i32>} : memref<640xf32, #tpu.memory_space<vmem>>, vector<16xf32>,
      %get3A_3152 = arith.constant 512 : index
      %get3A_3153 = tpu.vector_load %arg13[%get3A_3152] {strides = array<i32>} : memref<640xf32, #tpu.memory_space<vmem>>, vector<16xf32>,
      %mul3A_3154 = arith.mulf %get3A_3146, %get3A_3153 : vector<16xf32>
      %add3A_3155 = arith.addf %get3A_3151, %mul3A_3154 : vector<16xf32>
      %mul3A_3156 = arith.mulf %mul3A_3149, %add3A_3155 : vector<16xf32>
      %get3A_3157 = arith.constant 512 : index
      %get3A_3158 = tpu.vector_load %arg11[%get3A_3157] {strides = array<i32>} : memref<640xf32, #tpu.memory_space<vmem>>, vector<16xf32>,
      %mul3A_3159 = arith.constant 1.000000e-01 : f32
      %mul3A_3160 = vector.broadcast %mul3A_3159 : f32 to vector<16xf32>
      %mul3A_3161 = arith.mulf %mul3A_3160, %get3A_3158 : vector<16xf32>
      %add3A_3162 = arith.addf %mul3A_3156, %mul3A_3161 : vector<16xf32>
      %swap3A_3163 = arith.constant 512 : index
      %swap3A_3164 = tpu.vector_load %arg13[%swap3A_3163] {strides = array<i32>} : memref<640xf32, #tpu.memory_space<vmem>>, vector<16xf32>,
      tpu.vector_store %arg13[%swap3A_3163], %add3A_3162 {strides = array<i32>} : memref<640xf32, #tpu.memory_space<vmem>>, vector<16xf32>,
      %mul3A_3165 = arith.mulf %get3A_3146, %add3A_3162 : vector<16xf32>
      %swap3A_3166 = arith.constant 512 : index
      %swap3A_3167 = tpu.vector_load %arg14[%swap3A_3166] {strides = array<i32>} : memref<640xf32, #tpu.memory_space<vmem>>, vector<16xf32>,
      tpu.vector_store %arg14[%swap3A_3166], %mul3A_3165 {strides = array<i32>} : memref<640xf32, #tpu.memory_space<vmem>>, vector<16xf32>,
      %get3A_3168 = arith.constant 528 : index
      %get3A_3169 = tpu.vector_load %arg12[%get3A_3168] {strides = array<i32>} : memref<640xf32, #tpu.memory_space<vmem>>, vector<16xf32>,
      %mul3A_3170 = arith.constant 0.899999976 : f32
      %mul3A_3171 = vector.broadcast %mul3A_3170 : f32 to vector<16xf32>
      %mul3A_3172 = arith.mulf %mul3A_3171, %get3A_3169 : vector<16xf32>
      %get3A_3173 = arith.constant 528 : index
      %get3A_3174 = tpu.vector_load %arg15[%get3A_3173] {strides = array<i32>} : memref<640xf32, #tpu.memory_space<vmem>>, vector<16xf32>,
      %get3A_3175 = arith.constant 528 : index
      %get3A_3176 = tpu.vector_load %arg13[%get3A_3175] {strides = array<i32>} : memref<640xf32, #tpu.memory_space<vmem>>, vector<16xf32>,
      %mul3A_3177 = arith.mulf %get3A_3169, %get3A_3176 : vector<16xf32>
      %add3A_3178 = arith.addf %get3A_3174, %mul3A_3177 : vector<16xf32>
      %mul3A_3179 = arith.mulf %mul3A_3172, %add3A_3178 : vector<16xf32>
      %get3A_3180 = arith.constant 528 : index
      %get3A_3181 = tpu.vector_load %arg11[%get3A_3180] {strides = array<i32>} : memref<640xf32, #tpu.memory_space<vmem>>, vector<16xf32>,
      %mul3A_3182 = arith.constant 1.000000e-01 : f32
      %mul3A_3183 = vector.broadcast %mul3A_3182 : f32 to vector<16xf32>
      %mul3A_3184 = arith.mulf %mul3A_3183, %get3A_3181 : vector<16xf32>
      %add3A_3185 = arith.addf %mul3A_3179, %mul3A_3184 : vector<16xf32>
      %swap3A_3186 = arith.constant 528 : index
      %swap3A_3187 = tpu.vector_load %arg13[%swap3A_3186] {strides = array<i32>} : memref<640xf32, #tpu.memory_space<vmem>>, vector<16xf32>,
      tpu.vector_store %arg13[%swap3A_3186], %add3A_3185 {strides = array<i32>} : memref<640xf32, #tpu.memory_space<vmem>>, vector<16xf32>,
      %mul3A_3188 = arith.mulf %get3A_3169, %add3A_3185 : vector<16xf32>
      %swap3A_3189 = arith.constant 528 : index
      %swap3A_3190 = tpu.vector_load %arg14[%swap3A_3189] {strides = array<i32>} : memref<640xf32, #tpu.memory_space<vmem>>, vector<16xf32>,
      tpu.vector_store %arg14[%swap3A_3189], %mul3A_3188 {strides = array<i32>} : memref<640xf32, #tpu.memory_space<vmem>>, vector<16xf32>,
      %get3A_3191 = arith.constant 544 : index
      %get3A_3192 = tpu.vector_load %arg12[%get3A_3191] {strides = array<i32>} : memref<640xf32, #tpu.memory_space<vmem>>, vector<16xf32>,
      %mul3A_3193 = arith.constant 0.899999976 : f32
      %mul3A_3194 = vector.broadcast %mul3A_3193 : f32 to vector<16xf32>
      %mul3A_3195 = arith.mulf %mul3A_3194, %get3A_3192 : vector<16xf32>
      %get3A_3196 = arith.constant 544 : index
      %get3A_3197 = tpu.vector_load %arg15[%get3A_3196] {strides = array<i32>} : memref<640xf32, #tpu.memory_space<vmem>>, vector<16xf32>,
      %get3A_3198 = arith.constant 544 : index
      %get3A_3199 = tpu.vector_load %arg13[%get3A_3198] {strides = array<i32>} : memref<640xf32, #tpu.memory_space<vmem>>, vector<16xf32>,
      %mul3A_3200 = arith.mulf %get3A_3192, %get3A_3199 : vector<16xf32>
      %add3A_3201 = arith.addf %get3A_3197, %mul3A_3200 : vector<16xf32>
      %mul3A_3202 = arith.mulf %mul3A_3195, %add3A_3201 : vector<16xf32>
      %get3A_3203 = arith.constant 544 : index
      %get3A_3204 = tpu.vector_load %arg11[%get3A_3203] {strides = array<i32>} : memref<640xf32, #tpu.memory_space<vmem>>, vector<16xf32>,
      %mul3A_3205 = arith.constant 1.000000e-01 : f32
      %mul3A_3206 = vector.broadcast %mul3A_3205 : f32 to vector<16xf32>
      %mul3A_3207 = arith.mulf %mul3A_3206, %get3A_3204 : vector<16xf32>
      %add3A_3208 = arith.addf %mul3A_3202, %mul3A_3207 : vector<16xf32>
      %swap3A_3209 = arith.constant 544 : index
      %swap3A_3210 = tpu.vector_load %arg13[%swap3A_3209] {strides = array<i32>} : memref<640xf32, #tpu.memory_space<vmem>>, vector<16xf32>,
      tpu.vector_store %arg13[%swap3A_3209], %add3A_3208 {strides = array<i32>} : memref<640xf32, #tpu.memory_space<vmem>>, vector<16xf32>,
      %mul3A_3211 = arith.mulf %get3A_3192, %add3A_3208 : vector<16xf32>
      %swap3A_3212 = arith.constant 544 : index
      %swap3A_3213 = tpu.vector_load %arg14[%swap3A_3212] {strides = array<i32>} : memref<640xf32, #tpu.memory_space<vmem>>, vector<16xf32>,
      tpu.vector_store %arg14[%swap3A_3212], %mul3A_3211 {strides = array<i32>} : memref<640xf32, #tpu.memory_space<vmem>>, vector<16xf32>,
      %get3A_3214 = arith.constant 560 : index
      %get3A_3215 = tpu.vector_load %arg12[%get3A_3214] {strides = array<i32>} : memref<640xf32, #tpu.memory_space<vmem>>, vector<16xf32>,
      %mul3A_3216 = arith.constant 0.899999976 : f32
      %mul3A_3217 = vector.broadcast %mul3A_3216 : f32 to vector<16xf32>
      %mul3A_3218 = arith.mulf %mul3A_3217, %get3A_3215 : vector<16xf32>
      %get3A_3219 = arith.constant 560 : index
      %get3A_3220 = tpu.vector_load %arg15[%get3A_3219] {strides = array<i32>} : memref<640xf32, #tpu.memory_space<vmem>>, vector<16xf32>,
      %get3A_3221 = arith.constant 560 : index
      %get3A_3222 = tpu.vector_load %arg13[%get3A_3221] {strides = array<i32>} : memref<640xf32, #tpu.memory_space<vmem>>, vector<16xf32>,
      %mul3A_3223 = arith.mulf %get3A_3215, %get3A_3222 : vector<16xf32>
      %add3A_3224 = arith.addf %get3A_3220, %mul3A_3223 : vector<16xf32>
      %mul3A_3225 = arith.mulf %mul3A_3218, %add3A_3224 : vector<16xf32>
      %get3A_3226 = arith.constant 560 : index
      %get3A_3227 = tpu.vector_load %arg11[%get3A_3226] {strides = array<i32>} : memref<640xf32, #tpu.memory_space<vmem>>, vector<16xf32>,
      %mul3A_3228 = arith.constant 1.000000e-01 : f32
      %mul3A_3229 = vector.broadcast %mul3A_3228 : f32 to vector<16xf32>
      %mul3A_3230 = arith.mulf %mul3A_3229, %get3A_3227 : vector<16xf32>
      %add3A_3231 = arith.addf %mul3A_3225, %mul3A_3230 : vector<16xf32>
      %swap3A_3232 = arith.constant 560 : index
      %swap3A_3233 = tpu.vector_load %arg13[%swap3A_3232] {strides = array<i32>} : memref<640xf32, #tpu.memory_space<vmem>>, vector<16xf32>,
      tpu.vector_store %arg13[%swap3A_3232], %add3A_3231 {strides = array<i32>} : memref<640xf32, #tpu.memory_space<vmem>>, vector<16xf32>,
      %mul3A_3234 = arith.mulf %get3A_3215, %add3A_3231 : vector<16xf32>
      %swap3A_3235 = arith.constant 560 : index
      %swap3A_3236 = tpu.vector_load %arg14[%swap3A_3235] {strides = array<i32>} : memref<640xf32, #tpu.memory_space<vmem>>, vector<16xf32>,
      tpu.vector_store %arg14[%swap3A_3235], %mul3A_3234 {strides = array<i32>} : memref<640xf32, #tpu.memory_space<vmem>>, vector<16xf32>,
      %get3A_3237 = arith.constant 576 : index
      %get3A_3238 = tpu.vector_load %arg12[%get3A_3237] {strides = array<i32>} : memref<640xf32, #tpu.memory_space<vmem>>, vector<16xf32>,
      %mul3A_3239 = arith.constant 0.899999976 : f32
      %mul3A_3240 = vector.broadcast %mul3A_3239 : f32 to vector<16xf32>
      %mul3A_3241 = arith.mulf %mul3A_3240, %get3A_3238 : vector<16xf32>
      %get3A_3242 = arith.constant 576 : index
      %get3A_3243 = tpu.vector_load %arg15[%get3A_3242] {strides = array<i32>} : memref<640xf32, #tpu.memory_space<vmem>>, vector<16xf32>,
      %get3A_3244 = arith.constant 576 : index
      %get3A_3245 = tpu.vector_load %arg13[%get3A_3244] {strides = array<i32>} : memref<640xf32, #tpu.memory_space<vmem>>, vector<16xf32>,
      %mul3A_3246 = arith.mulf %get3A_3238, %get3A_3245 : vector<16xf32>
      %add3A_3247 = arith.addf %get3A_3243, %mul3A_3246 : vector<16xf32>
      %mul3A_3248 = arith.mulf %mul3A_3241, %add3A_3247 : vector<16xf32>
      %get3A_3249 = arith.constant 576 : index
      %get3A_3250 = tpu.vector_load %arg11[%get3A_3249] {strides = array<i32>} : memref<640xf32, #tpu.memory_space<vmem>>, vector<16xf32>,
      %mul3A_3251 = arith.constant 1.000000e-01 : f32
      %mul3A_3252 = vector.broadcast %mul3A_3251 : f32 to vector<16xf32>
      %mul3A_3253 = arith.mulf %mul3A_3252, %get3A_3250 : vector<16xf32>
      %add3A_3254 = arith.addf %mul3A_3248, %mul3A_3253 : vector<16xf32>
      %swap3A_3255 = arith.constant 576 : index
      %swap3A_3256 = tpu.vector_load %arg13[%swap3A_3255] {strides = array<i32>} : memref<640xf32, #tpu.memory_space<vmem>>, vector<16xf32>,
      tpu.vector_store %arg13[%swap3A_3255], %add3A_3254 {strides = array<i32>} : memref<640xf32, #tpu.memory_space<vmem>>, vector<16xf32>,
      %mul3A_3257 = arith.mulf %get3A_3238, %add3A_3254 : vector<16xf32>
      %swap3A_3258 = arith.constant 576 : index
      %swap3A_3259 = tpu.vector_load %arg14[%swap3A_3258] {strides = array<i32>} : memref<640xf32, #tpu.memory_space<vmem>>, vector<16xf32>,
      tpu.vector_store %arg14[%swap3A_3258], %mul3A_3257 {strides = array<i32>} : memref<640xf32, #tpu.memory_space<vmem>>, vector<16xf32>,
      %get3A_3260 = arith.constant 592 : index
      %get3A_3261 = tpu.vector_load %arg12[%get3A_3260] {strides = array<i32>} : memref<640xf32, #tpu.memory_space<vmem>>, vector<16xf32>,
      %mul3A_3262 = arith.constant 0.899999976 : f32
      %mul3A_3263 = vector.broadcast %mul3A_3262 : f32 to vector<16xf32>
      %mul3A_3264 = arith.mulf %mul3A_3263, %get3A_3261 : vector<16xf32>
      %get3A_3265 = arith.constant 592 : index
      %get3A_3266 = tpu.vector_load %arg15[%get3A_3265] {strides = array<i32>} : memref<640xf32, #tpu.memory_space<vmem>>, vector<16xf32>,
      %get3A_3267 = arith.constant 592 : index
      %get3A_3268 = tpu.vector_load %arg13[%get3A_3267] {strides = array<i32>} : memref<640xf32, #tpu.memory_space<vmem>>, vector<16xf32>,
      %mul3A_3269 = arith.mulf %get3A_3261, %get3A_3268 : vector<16xf32>
      %add3A_3270 = arith.addf %get3A_3266, %mul3A_3269 : vector<16xf32>
      %mul3A_3271 = arith.mulf %mul3A_3264, %add3A_3270 : vector<16xf32>
      %get3A_3272 = arith.constant 592 : index
      %get3A_3273 = tpu.vector_load %arg11[%get3A_3272] {strides = array<i32>} : memref<640xf32, #tpu.memory_space<vmem>>, vector<16xf32>,
      %mul3A_3274 = arith.constant 1.000000e-01 : f32
      %mul3A_3275 = vector.broadcast %mul3A_3274 : f32 to vector<16xf32>
      %mul3A_3276 = arith.mulf %mul3A_3275, %get3A_3273 : vector<16xf32>
      %add3A_3277 = arith.addf %mul3A_3271, %mul3A_3276 : vector<16xf32>
      %swap3A_3278 = arith.constant 592 : index
      %swap3A_3279 = tpu.vector_load %arg13[%swap3A_3278] {strides = array<i32>} : memref<640xf32, #tpu.memory_space<vmem>>, vector<16xf32>,
      tpu.vector_store %arg13[%swap3A_3278], %add3A_3277 {strides = array<i32>} : memref<640xf32, #tpu.memory_space<vmem>>, vector<16xf32>,
      %mul3A_3280 = arith.mulf %get3A_3261, %add3A_3277 : vector<16xf32>
      %swap3A_3281 = arith.constant 592 : index
      %swap3A_3282 = tpu.vector_load %arg14[%swap3A_3281] {strides = array<i32>} : memref<640xf32, #tpu.memory_space<vmem>>, vector<16xf32>,
      tpu.vector_store %arg14[%swap3A_3281], %mul3A_3280 {strides = array<i32>} : memref<640xf32, #tpu.memory_space<vmem>>, vector<16xf32>,
      %get3A_3283 = arith.constant 608 : index
      %get3A_3284 = tpu.vector_load %arg12[%get3A_3283] {strides = array<i32>} : memref<640xf32, #tpu.memory_space<vmem>>, vector<16xf32>,
      %mul3A_3285 = arith.constant 0.899999976 : f32
      %mul3A_3286 = vector.broadcast %mul3A_3285 : f32 to vector<16xf32>
      %mul3A_3287 = arith.mulf %mul3A_3286, %get3A_3284 : vector<16xf32>
      %get3A_3288 = arith.constant 608 : index
      %get3A_3289 = tpu.vector_load %arg15[%get3A_3288] {strides = array<i32>} : memref<640xf32, #tpu.memory_space<vmem>>, vector<16xf32>,
      %get3A_3290 = arith.constant 608 : index
      %get3A_3291 = tpu.vector_load %arg13[%get3A_3290] {strides = array<i32>} : memref<640xf32, #tpu.memory_space<vmem>>, vector<16xf32>,
      %mul3A_3292 = arith.mulf %get3A_3284, %get3A_3291 : vector<16xf32>
      %add3A_3293 = arith.addf %get3A_3289, %mul3A_3292 : vector<16xf32>
      %mul3A_3294 = arith.mulf %mul3A_3287, %add3A_3293 : vector<16xf32>
      %get3A_3295 = arith.constant 608 : index
      %get3A_3296 = tpu.vector_load %arg11[%get3A_3295] {strides = array<i32>} : memref<640xf32, #tpu.memory_space<vmem>>, vector<16xf32>,
      %mul3A_3297 = arith.constant 1.000000e-01 : f32
      %mul3A_3298 = vector.broadcast %mul3A_3297 : f32 to vector<16xf32>
      %mul3A_3299 = arith.mulf %mul3A_3298, %get3A_3296 : vector<16xf32>
      %add3A_3300 = arith.addf %mul3A_3294, %mul3A_3299 : vector<16xf32>
      %swap3A_3301 = arith.constant 608 : index
      %swap3A_3302 = tpu.vector_load %arg13[%swap3A_3301] {strides = array<i32>} : memref<640xf32, #tpu.memory_space<vmem>>, vector<16xf32>,
      tpu.vector_store %arg13[%swap3A_3301], %add3A_3300 {strides = array<i32>} : memref<640xf32, #tpu.memory_space<vmem>>, vector<16xf32>,
      %mul3A_3303 = arith.mulf %get3A_3284, %add3A_3300 : vector<16xf32>
      %swap3A_3304 = arith.constant 608 : index
      %swap3A_3305 = tpu.vector_load %arg14[%swap3A_3304] {strides = array<i32>} : memref<640xf32, #tpu.memory_space<vmem>>, vector<16xf32>,
      tpu.vector_store %arg14[%swap3A_3304], %mul3A_3303 {strides = array<i32>} : memref<640xf32, #tpu.memory_space<vmem>>, vector<16xf32>,
      %get3A_3306 = arith.constant 624 : index
      %get3A_3307 = tpu.vector_load %arg12[%get3A_3306] {strides = array<i32>} : memref<640xf32, #tpu.memory_space<vmem>>, vector<16xf32>,
      %mul3A_3308 = arith.constant 0.899999976 : f32
      %mul3A_3309 = vector.broadcast %mul3A_3308 : f32 to vector<16xf32>
      %mul3A_3310 = arith.mulf %mul3A_3309, %get3A_3307 : vector<16xf32>
      %get3A_3311 = arith.constant 624 : index
      %get3A_3312 = tpu.vector_load %arg15[%get3A_3311] {strides = array<i32>} : memref<640xf32, #tpu.memory_space<vmem>>, vector<16xf32>,
      %get3A_3313 = arith.constant 624 : index
      %get3A_3314 = tpu.vector_load %arg13[%get3A_3313] {strides = array<i32>} : memref<640xf32, #tpu.memory_space<vmem>>, vector<16xf32>,
      %mul3A_3315 = arith.mulf %get3A_3307, %get3A_3314 : vector<16xf32>
      %add3A_3316 = arith.addf %get3A_3312, %mul3A_3315 : vector<16xf32>
      %mul3A_3317 = arith.mulf %mul3A_3310, %add3A_3316 : vector<16xf32>
      %get3A_3318 = arith.constant 624 : index
      %get3A_3319 = tpu.vector_load %arg11[%get3A_3318] {strides = array<i32>} : memref<640xf32, #tpu.memory_space<vmem>>, vector<16xf32>,
      %mul3A_3320 = arith.constant 1.000000e-01 : f32
      %mul3A_3321 = vector.broadcast %mul3A_3320 : f32 to vector<16xf32>
      %mul3A_3322 = arith.mulf %mul3A_3321, %get3A_3319 : vector<16xf32>
      %add3A_3323 = arith.addf %mul3A_3317, %mul3A_3322 : vector<16xf32>
      %swap3A_3324 = arith.constant 624 : index
      %swap3A_3325 = tpu.vector_load %arg13[%swap3A_3324] {strides = array<i32>} : memref<640xf32, #tpu.memory_space<vmem>>, vector<16xf32>,
      tpu.vector_store %arg13[%swap3A_3324], %add3A_3323 {strides = array<i32>} : memref<640xf32, #tpu.memory_space<vmem>>, vector<16xf32>,
      %mul3A_3326 = arith.mulf %get3A_3307, %add3A_3323 : vector<16xf32>
      %swap3A_3327 = arith.constant 624 : index
      %swap3A_3328 = tpu.vector_load %arg14[%swap3A_3327] {strides = array<i32>} : memref<640xf32, #tpu.memory_space<vmem>>, vector<16xf32>,
      tpu.vector_store %arg14[%swap3A_3327], %mul3A_3326 {strides = array<i32>} : memref<640xf32, #tpu.memory_space<vmem>>, vector<16xf32>,
    }
    %scan3A_2379 = arith.constant 10 : i32
    %eq3A = arith.constant 0 : i32
    %eq3A_2380 = arith.cmpi eq, %arg0, %eq3A : i32
    %convert_element_type3A = arith.extui %eq3A_2380 : i1 to i32
    %cond3A = arith.constant 0 : i32
    %cond3A_2381 = arith.cmpi ne, %convert_element_type3A, %cond3A : i32
    scf.if %cond3A_2381 {
      "tpu.region"() ({
        %run_scoped3A = tpu.sem_alloc : memref<!tpu.dma_semaphore, #tpu.memory_space<semaphore_mem>>
        %dma_start3A_2382 = tpu.memref_slice %arg5[%mul3A_2] : memref<10240xf32, #tpu.memory_space<hbm>> -> memref<640xf32, #tpu.memory_space<hbm>>
        %dma_start3A_2383 = tpu.memref_slice %arg5[%mul3A_2] : memref<10240xf32, #tpu.memory_space<hbm>> -> memref<640xf32, #tpu.memory_space<hbm>>
        tpu.enqueue_dma source(%arg13 : memref<640xf32, #tpu.memory_space<vmem>>) target(%dma_start3A_2383 : memref<640xf32, #tpu.memory_space<hbm>>) target_semaphore(%run_scoped3A : memref<!tpu.dma_semaphore, #tpu.memory_space<semaphore_mem>>)
        %dma_wait3A_2384 = tpu.memref_slice %arg5[%mul3A_2] : memref<10240xf32, #tpu.memory_space<hbm>> -> memref<640xf32, #tpu.memory_space<hbm>>
        %dma_wait3A_2385 = tpu.memref_slice %arg5[%mul3A_2] : memref<10240xf32, #tpu.memory_space<hbm>> -> memref<640xf32, #tpu.memory_space<hbm>>
        tpu.wait_dma2 semaphore(%run_scoped3A : memref<!tpu.dma_semaphore, #tpu.memory_space<semaphore_mem>>) src(%arg13 : memref<640xf32, #tpu.memory_space<vmem>>) dst(%dma_wait3A_2385 : memref<640xf32, #tpu.memory_space<hbm>>)
        tpu.yield
      }) : () -> ()
    } else {
    }
    return
  }
}

module attributes {stable_mosaic.version = 14 : i64} {
  func.func @_mlp_body(%arg0: memref<10000x128xf32, #tpu.memory_space<vmem>>, %arg1: memref<128x64xf32, #tpu.memory_space<vmem>>, %arg2: memref<64xf32, #tpu.memory_space<vmem>>, %arg3: memref<64x1xf32, #tpu.memory_space<vmem>>, %arg4: memref<1xf32, #tpu.memory_space<vmem>>, %arg5: memref<10000x1xf32, #tpu.memory_space<vmem>>) attributes {dimension_semantics = [], scalar_prefetch = 0 : i64, scratch_operands = 0 : i64, tpu.core_type = #tpu.core_type<tc>} {
    %get3A = arith.constant 0 : index
    %get3A_0 = arith.constant 0 : index
    %get3A_1 = vector.load %arg0[%get3A, %get3A_0] : memref<10000x128xf32, #tpu.memory_space<vmem>>, vector<10000x128xf32>
    %get3A_2 = arith.constant 0 : index
    %get3A_3 = arith.constant 0 : index
    %get3A_4 = vector.load %arg1[%get3A_2, %get3A_3] : memref<128x64xf32, #tpu.memory_space<vmem>>, vector<128x64xf32>
    %dot_general3A = arith.constant dense<0.000000e+00> : vector<10000x64xf32>
    %dot_general3A_5 = tpu.matmul %get3A_1, %get3A_4, %dot_general3A {dimension_numbers = #tpu.dot_dimension_numbers<[1], [0], [0], [1], [0, 0, 1, 1], [], []>, transpose_lhs_hint = false} : vector<10000x128xf32>, vector<128x64xf32>, vector<10000x64xf32> -> vector<10000x64xf32>
    %get3A_6 = arith.constant 0 : index
    %get3A_7 = vector.load %arg2[%get3A_6] : memref<64xf32, #tpu.memory_space<vmem>>, vector<64xf32>
    %broadcast_in_dim3A = vector.shape_cast %get3A_7 : vector<64xf32> to vector<1x64xf32>
    %add3A = vector.broadcast %broadcast_in_dim3A : vector<1x64xf32> to vector<10000x64xf32>
    %add3A_8 = arith.addf %dot_general3A_5, %add3A : vector<10000x64xf32>
    %max3A = arith.constant 0.000000e+00 : f32
    %max3A_9 = vector.broadcast %max3A : f32 to vector<10000x64xf32>
    %max3A_10 = arith.maximumf %add3A_8, %max3A_9 : vector<10000x64xf32>
    %get3A_11 = arith.constant 0 : index
    %get3A_12 = arith.constant 0 : index
    %get3A_13 = vector.load %arg3[%get3A_11, %get3A_12] : memref<64x1xf32, #tpu.memory_space<vmem>>, vector<64x1xf32>
    %squeeze3A = vector.shape_cast %get3A_13 : vector<64x1xf32> to vector<64xf32>
    %broadcast_in_dim3A_14 = vector.shape_cast %squeeze3A : vector<64xf32> to vector<1x64xf32>
    %mul3A = vector.broadcast %broadcast_in_dim3A_14 : vector<1x64xf32> to vector<10000x64xf32>
    %mul3A_15 = arith.mulf %max3A_10, %mul3A : vector<10000x64xf32>
    %reduce_sum3A = arith.constant dense<0.000000e+00> : vector<10000xf32>
    %reduce_sum3A_16 = vector.multi_reduction <add>, %mul3A_15, %reduce_sum3A [1] : vector<10000x64xf32> to vector<10000xf32>
    %broadcast_in_dim3A_17 = vector.shape_cast %reduce_sum3A_16 : vector<10000xf32> to vector<10000x1xf32>
    %get3A_18 = arith.constant 0 : index
    %get3A_19 = vector.load %arg4[%get3A_18] : memref<1xf32, #tpu.memory_space<vmem>>, vector<1xf32>
    %broadcast_in_dim3A_20 = vector.shape_cast %get3A_19 : vector<1xf32> to vector<1x1xf32>
    %add3A_21 = vector.broadcast %broadcast_in_dim3A_20 : vector<1x1xf32> to vector<10000x1xf32>
    %add3A_22 = arith.addf %broadcast_in_dim3A_17, %add3A_21 : vector<10000x1xf32>
    %swap3A = arith.constant 0 : index
    %swap3A_23 = arith.constant 0 : index
    %swap3A_24 = vector.load %arg5[%swap3A, %swap3A_23] : memref<10000x1xf32, #tpu.memory_space<vmem>>, vector<10000x1xf32>
    tpu.vector_store %arg5[%swap3A, %swap3A_23], %add3A_22 {strides = array<i32>} : memref<10000x1xf32, #tpu.memory_space<vmem>>, vector<10000x1xf32>,
    return
  }
}

</mosaic_0001>

<sc_bundles>
// kernel: kernel.4.cloned.1.call-start
scs
__scs_entry_jumppad:
0x0: {  	(pc) =	sbr.rel $0x88, $3  }
0x1: {  	(tag) =	ssettag $0x0;
	lr =	simm.s32 $0x1  }
0x2: {  	[smem:$0x3F9B] =	sst lr;
	_ =	strace $0xD0000000  }
0x3: {  	_ = 	snop  }
0x4: {  	_ = 	snop  }
0x5: {  	_ = 	snop  }
0x6: {  	_ = 	snop  }
0x7: {  	_ = 	snop  }
__scs_overlays_trampoline_lowered:
0x8: {  	[smem:$0x3FAA] =	sst s0  }
0x9: {  	[smem:$0x3FAB] =	sst s1  }
0xa: {  	[smem:$0x3FAC] =	sst s2  }
0xb: {  	[smem:$0x3FAD] =	sst s3  }
0xc: {  	[smem:$0x3FAE] =	sst s4  }
0xd: {  	[smem:$0x3FAF] =	sst s5  }
0xe: {  	[smem:$0x3FB0] =	sst s6  }
0xf: {  	[smem:$0x3FB1] =	sst s7  }
0x10: {  	[smem:$0x3FB2] =	sst s8  }
0x11: {  	[smem:$0x3FB3] =	sst s9;
	s0 =	simm.s32 @!p0 $0x0  }
0x12: {  	s1 =	sld [smem:$0x3F99];
	s0 =	simm.s32 @p0 $0x1  }
0x13: {  	[smem:$0x3FB4] =	sst s0;
	s0 =	simm.s32 @!p1 $0x0  }
0x14: {  	s2 =	sld [smem:$0x3F98];
	s0 =	simm.s32 @p1 $0x1  }
0x15: {  	[smem:$0x3FB5] =	sst s0;
	s0 =	simm.s32 @!p2 $0x0  }
0x16: {  	s3 =	sld [smem:$0x3FDB];
	s0 =	simm.s32 @p2 $0x1  }
0x17: {  	s4 =	simm.s32 $0x1BF5;
	[smem:$0x3FB7] =	sst s0  }
0x18: {  	s0 =	sld [smem:$0x3F9A];
	_ =	swait.ge [sflag:s4], $0x0  }
0x19: {  	s7 =	sld [smem:$0x3F9B]  }
0x1a: {  	s8 =	sadd.s32 $0xFFFFE003, lr  }
0x1b: {  	s9 =	sadd.s32 $0xFFFFFEF7, lr;
	s5 =	simm.s32 $0xFFFFFFFF;
	p2 =	slt.u32 s8, $0xFFFFF086  }
0x1c: {  	p1 =	slt.u32 s9, $0xF7A;
	s5 =	simm.s32 @!p2 $0x0  }
0x1d: {  	s5 =	simm.s32 @p1 $0x1;
	p0 =	seq.s32 s7, s2  }
0x1e: {  	s7 =	smul.u32 @!p0 $0xF7A, s2;
	p2 =	seq.s32 @!p0 s5, $0x0  }
0x1f: {  	s9 =	smul.u32 $0xF7A, s1;
	s8 =	simm.s32 @!p0 $0x1BF5;
	p2 =	por !p2, p0  }
0x20: {  	[sflag:s8] =	ssyncset.s32 @!p0 $0xFFFFF086;
	s6 =	sadd.s32 @!p0 s3, s7;
	s7 =	simm.s32 @!p0 $0x108  }
0x21: {  	s3 =	sadd.s32 s3, s9;
	s6 =	sadd.s32 @!p0 $0x88, s6;
	s7 =	simm.s32 @p2 $0x1082  }
0x22: {  	[simem:s7], [sflag:s8] =	dma.local @!p0 [hbm:s6], $0xF7A  }
0x23: {  	s9 =	sor.u32 $0xD0000000, s2;
	s6 =	simm.s32 $0x108;
	_ =	swait.ge @!p0 [sflag:s8], $0x0  }
0x24: {  	s3 =	sadd.s32 $0x88, s3;
	s6 =	simm.s32 @!p1 $0x1082;
	[sflag:s4] =	ssyncset.s32 $0xFFFFF086  }
0x25: {  	[simem:s6], [sflag:s4] =	dma.local [hbm:s3], $0xF7A  }
0x26: {  	[smem:$0x3F9B] =	sst s1;
	(tag) =	ssettag s2;
	_ =	strace s9  }
0x27: {  	s1 =	sld [smem:$0x3FAB]  }
0x28: {  	s2 =	sld [smem:$0x3FAC]  }
0x29: {  	s4 =	sld [smem:$0x3FAE]  }
0x2a: {  	p0 =	seq.s32 s5, $0x0;
	s5 =	sld [smem:$0x3FAF]  }
0x2b: {  	s6 =	sld [smem:$0x3FB0]  }
0x2c: {  	s7 =	sld [smem:$0x3FB1]  }
0x2d: {  	s3 =	simm.s32 $0x108;
	s8 =	sld [smem:$0x3FB2]  }
0x2e: {  	s3 =	simm.s32 @!p0 $0x1082;
	s9 =	sld [smem:$0x3FB3]  }
0x2f: {  	lr =	sadd.s32 s0, s3;
	s0 =	sld [smem:$0x3FAA]  }
0x30: {  	s3 =	sld [smem:$0x3FAD]  }
0x31: {  	[smem:$0x3FB6] =	sst s10  }
0x32: {  	s10 =	sld [smem:$0x3FB4];
	_ =	sdelay $0x3  }
0x33: {  	p0 =	seq.s32 s10, $0x1;
	s10 =	sld [smem:$0x3FB6];
	_ =	sdelay $0x3  }
0x34: {  	[smem:$0x3FB6] =	sst s10  }
0x35: {  	s10 =	sld [smem:$0x3FB5];
	_ =	sdelay $0x3  }
0x36: {  	p1 =	seq.s32 s10, $0x1;
	s10 =	sld [smem:$0x3FB6];
	_ =	sdelay $0x3  }
0x37: {  	[smem:$0x3FB6] =	sst s10  }
0x38: {  	s10 =	sld [smem:$0x3FB7]  }
0x39: {  	_ = 	snop;
	(pc) =	sbr.ind lr, $3  }
0x3a: {  	_ = 	snop  }
0x3b: {  	_ = 	snop  }
0x3c: {  	p2 =	seq.s32 s10, $0x1;
	s10 =	sld [smem:$0x3FB6]  }
0x3d: {  	_ =	shalt  }
0x3e: {  	_ =	shalt  }
0x3f: {  	_ =	shalt  }
0x40: {  	_ =	shalt  }
0x41: {  	_ =	shalt  }
0x42: {  	_ =	shalt  }
0x43: {  	_ =	shalt  }
0x44: {  	_ =	shalt  }
0x45: {  	_ =	shalt  }
0x46: {  	_ =	shalt  }
0x47: {  	_ =	shalt  }
0x48: {  	_ =	shalt  }
0x49: {  	_ =	shalt  }
0x4a: {  	_ =	shalt  }
0x4b: {  	_ =	shalt  }
0x4c: {  	_ =	shalt  }
0x4d: {  	_ =	shalt  }
0x4e: {  	_ =	shalt  }
0x4f: {  	_ =	shalt  }
0x50: {  	_ =	shalt  }
0x51: {  	_ =	shalt  }
0x52: {  	_ =	shalt  }
0x53: {  	_ =	shalt  }
0x54: {  	_ =	shalt  }
0x55: {  	_ =	shalt  }
0x56: {  	_ =	shalt  }
0x57: {  	_ =	shalt  }
0x58: {  	_ =	shalt  }
0x59: {  	_ =	shalt  }
0x5a: {  	_ =	shalt  }
0x5b: {  	_ =	shalt  }
0x5c: {  	_ =	shalt  }
0x5d: {  	_ =	shalt  }
0x5e: {  	_ =	shalt  }
0x5f: {  	_ =	shalt  }
0x60: {  	_ =	shalt  }
0x61: {  	_ =	shalt  }
0x62: {  	_ =	shalt  }
0x63: {  	_ =	shalt  }
0x64: {  	_ =	shalt  }
0x65: {  	_ =	shalt  }
0x66: {  	_ =	shalt  }
0x67: {  	_ =	shalt  }
0x68: {  	_ =	shalt  }
0x69: {  	_ =	shalt  }
0x6a: {  	_ =	shalt  }
0x6b: {  	_ =	shalt  }
0x6c: {  	_ =	shalt  }
0x6d: {  	_ =	shalt  }
0x6e: {  	_ =	shalt  }
0x6f: {  	_ =	shalt  }
0x70: {  	_ =	shalt  }
0x71: {  	_ =	shalt  }
0x72: {  	_ =	shalt  }
0x73: {  	_ =	shalt  }
0x74: {  	_ =	shalt  }
0x75: {  	_ =	shalt  }
0x76: {  	_ =	shalt  }
0x77: {  	_ =	shalt  }
0x78: {  	_ =	shalt  }
0x79: {  	_ =	shalt  }
0x7a: {  	_ =	shalt  }
0x7b: {  	_ =	shalt  }
0x7c: {  	_ =	shalt  }
0x7d: {  	_ =	shalt  }
0x7e: {  	_ =	shalt  }
0x7f: {  	_ =	shalt  }
0x80: {  	_ =	shalt  }
0x81: {  	_ =	shalt  }
0x82: {  	_ =	shalt  }
0x83: {  	_ =	shalt  }
0x84: {  	_ =	shalt  }
0x85: {  	_ =	shalt  }
0x86: {  	_ =	shalt  }
0x87: {  	_ =	shalt  }
.Lfunc_end0:
.L_simem_size_0:
called_computation_lowered:
.L_overlay_start_0:
0x88: {  	s2 =	sld [smem:$0x3FD9]  }
0x89: {  	s3 =	sld [smem:$0x3FFE];
	_ =	sdelay $0x1  }
0x8a: {  	s1 =	srdreg.scid  }
0x8b: {  	s0 =	sand.u32 $0x1, s1  }
0x8c: {  	s16 =	sshll.u32 s0, $0xA;
	s2 =	sadd.s32 s3, s2  }
0x8d: {  	s2 =	sadd.s32 s2, s16  }
0x8e: {  	[smem:$0x3FC2] =	sst s2  }
0x8f: {  	_ = 	snop  }
0x90: {  	(tm) =	ssettm $0x1  }
0x91: {  	s17 =	sld [smem:$0x3FFB];
	_ =	sdelay $0x3  }
0x92: {  	_ =	strace s17  }
0x93: {  	s2 =	sld [smem:$0x3FFC];
	_ =	sdelay $0x3  }
0x94: {  	_ =	strace s2  }
0x95: {  	s2 =	sld [smem:$0x3FFD];
	_ =	sdelay $0x3  }
0x96: {  	_ =	strace s2  }
0x97: {  	_ =	strace $0x8FFFFFFF  }
0x98: {  	s18 =	sld [smem:$0x3FDB];
	_ =	sdelay $0x1  }
0x99: {  	s19 =	simm.s32 $_scs_section_size  }
0x9a: {  	s4 =	simm.s32 $_size__tile_overlayer_lowered;
	s5 =	simm.s32 $_tile_overlayer_lowered  }
0x9b: {  	s22 =	simm.s32 $0x1BFF;
	s21 =	sshll.u32 s5, $0x1;
	s2 =	sadd.s32 s19, s18  }
0x9c: {  	s6 =	simm.s32 $0x0;
	s20 =	sshll.u32 s4, $0x1;
	s4 =	sadd.s32 s21, s2  }
0x9d: {  	[timem:s6], [sflag:s22] =	dma.local [hbm:s4], s20  }
0x9e: {  	_ =	swait.ge [sflag:s22], s20  }
0x9f: {  	s3 =	ssub.s32 $0x0, s20;
	[sflag:s22] =	ssyncset.done $0x0  }
0xa0: {  	[sflag:s22] =	ssyncadd.s32 s3;
	_ =	sdelay $0x1  }
0xa1: {  	s23 =	simm.s32 $0x1B8B  }
0xa2: {  	_ =	swait.ge [sflag:s23], $0x1  }
0xa3: {  	[sflag:s23] =	ssyncset.done $0x0  }
0xa4: {  	s25 =	simm.s32 $0x1B8E;
	s24 =	sld [smem:$0x3FFE];
	[sflag:s23] =	ssyncadd.s32 $0xFFFFFFFF  }
0xa5: {  	s26 =	simm.s32 $execute0_lowered;
	[smem:$0x3FD2] =	sst s25  }
0xa6: {  	s4 =	sshll.u32 s26, $0x1;
	_ =	strace $0x80000046;
	[dreg:$0x1] =	wrdreg $0xFFFFFFFF  }
0xa7: {  	s28 =	simm.s32 $_size_execute0_lowered;
	s2 =	sadd.s32 s2, s4;
	[dreg:$0x0] =	wrdreg $0x0  }
0xa8: {  	s4 =	sshll.u32 s28, $0x1;
	[dreg:$0x2] =	wrdreg s2  }
0xa9: {  	[dreg:$0x3] =	wrdreg s4  }
0xaa: {  	[dreg:$0x4] =	wrdreg $0xC0  }
0xab: {  	_ =	task [dreg:s6], $0x5FFFF  }
0xac: {  	[dreg:$0x1] =	wrdreg $0xFFFFFFFF  }
0xad: {  	[dreg:$0x0] =	wrdreg $0x60  }
0xae: {  	[dreg:$0x2] =	wrdreg s24  }
0xaf: {  	[dreg:$0x3] =	wrdreg $0x2800  }
0xb0: {  	[dreg:$0x4] =	wrdreg $0x0  }
0xb1: {  	[dreg:$0x5] =	wrdreg $0x9  }
0xb2: {  	_ =	task.clear_ibuf [dreg:s6], $0x6FFFF;
	_ =	strace $0x90000046  }
0xb3: {  	s29 =	simm.s32 $0x9;
	_ =	strace $0x80000048  }
0xb4: {  	_ =	swait.ge [sflag:s29], $0x1  }
0xb5: {  	[sflag:s29] =	ssyncadd.s32 $0xFFFFFFFF  }
0xb6: {  	_ =	strace $0x90000048  }
0xb7: {  	_ =	sfence  }
0xb8: {  	s30 =	sld [smem:$0x0];
	_ =	sdelay $0x2  }
0xb9: {  	s31 =	sshll.u32 s1, $0xD;
	s1 =	sshrl.u32 s1, $0x2  }
0xba: {  	s3 =	sand.u32 $0x4000, s31;
	s1 =	sadd.s32 s1, s30  }
0xbb: {  	s0 =	sor.u32 s3, s0;
	s1 =	sshll.u32 s1, $0x11  }
0xbc: {  	s0 =	sor.u32 s1, s0  }
0xbd: {  	s0 =	sadd.s32 $0x8F2B, s0  }
0xbe: {  	[sflag:s0] =	ssyncadd.remote.s32 $0x1  }
0xbf: {  	_ =	sfence.sel $0xFFFF  }
0xc0: {  	[dreg:$0x0] =	wrdreg $0xFFFFFFFF;
	(pc) =	sbr.abs _section_cstart, $3  }
0xc1: {  	[dreg:$0x1] =	wrdreg $0xFFFFFFFF  }
0xc2: {  	_ =	task.clear_ibuf [dreg:s6], $0x2FFFF;
	_ =	strace $0x9FFFFFFF  }
0xc3: {  	(tm) =	ssettm $0x7FFFFFFF  }
tec
execute0_lowered:
.L_overlay_start_1:
0x0: {  	(tag) =	ssettag $0x1  }
0x1: {  	s7 =	rddreg [dreg:$0x0]  }
0x2: {  	s2 =	rddreg [dreg:$0x1]  }
0x3: {  	s3 =	rddreg [dreg:$0x2]  }
0x4: {  	s0 =	rddreg [dreg:$0x3];
	s1 =	stileid.u32  }
0x5: {  	s5 =	srdreg.scid;
	s4 =	simm.s32 $0x0;
	s14 =	simm.s32 $0xF500  }
0x6: {  	s15 =	simm.s32 $0x1;
	s16 =	simm.s32 $0x10180;
	s6 =	smul.u32 $0xA00, s1  }
0x7: {  	s25 =	sand.u32 $0x1, s5;
	[smem:$0x7FF] =	sst s4;
	s9 =	smul.u32 $0x280, s1  }
0x8: {  	s5 =	ssub.s32 $0x2, s25;
	_ =	strace $0x80000047;
	p1 =	sne.s32 s25, $0x0  }
0x9: {  	s6 =	sadd.s32 s6, s7;
	s8 =	sshrl.u32 s5, $0x1;
	s26 =	sshrl.u32 s9, $0x3  }
0xa: {  	s10 =	sadd.s32 $0x190, s9;
	s28 =	sadd.s32 $0x1A0, s9;
	s12 =	sadd.s32 $0x1B0, s9  }
0xb: {  	s13 =	sadd.s32 $0x1C0, s9;
	s29 =	sadd.s32 $0x1D0, s9;
	s30 =	sadd.s32 $0x1E0, s9  }
0xc: {  	s31 =	sadd.s32 $0x1F0, s9;
	s17 =	sadd.s32 $0x200, s9;
	s18 =	sadd.s32 $0x210, s9  }
0xd: {  	s19 =	sadd.s32 $0x220, s9;
	s20 =	sadd.s32 $0x230, s9;
	s21 =	sadd.s32 $0x240, s9  }
0xe: {  	s22 =	sadd.s32 $0x250, s9;
	s23 =	sadd.s32 $0x260, s9;
	p0 =	slt.u32 s10, $0x2710  }
0xf: {  	s24 =	sadd.s32 $0x270, s9;
	s11 =	ssub.s32 s5, s8;
	s10 =	simm.s32 @!p0 $0x0  }
0x10: {  	s5 =	sadd.s32 $0x600, s6;
	s10 =	simm.s32 @p0 $0x1;
	p0 =	slt.u32 s28, $0x2710  }
0x11: {  	s6 =	sadd.s32 $0xA600, s6;
	[smem:$0x7F4] =	sst s10;
	s10 =	simm.s32 @!p0 $0x0  }
0x12: {  	s7 =	sadd.s32 s7, s26;
	s10 =	simm.s32 @p0 $0x1;
	p0 =	slt.u32 s12, $0x2710  }
0x13: {  	s8 =	sadd.s32 s9, s2;
	[smem:$0x7F5] =	sst s10;
	s10 =	simm.s32 @!p0 $0x0  }
0x14: {  	s9 =	sadd.s32 s9, s3;
	s10 =	simm.s32 @p0 $0x1;
	p0 =	slt.u32 s13, $0x2710  }
0x15: {  	p3 =	slt.u32 s20, $0x2710;
	[smem:$0x7F6] =	sst s10;
	s10 =	simm.s32 @!p0 $0x0  }
0x16: {  	s20 =	simm.s32 $0x3;
	s10 =	simm.s32 @p0 $0x1;
	p0 =	slt.u32 s29, $0x2710  }
0x17: {  	p4 =	slt.u32 s21, $0x2710;
	[smem:$0x7F7] =	sst s10;
	s10 =	simm.s32 @!p0 $0x0  }
0x18: {  	s21 =	simm.s32 $0xFF00;
	s10 =	simm.s32 @p0 $0x1;
	p0 =	slt.u32 s30, $0x2710  }
0x19: {  	p5 =	slt.u32 s22, $0x2710;
	[smem:$0x7F8] =	sst s10;
	s10 =	simm.s32 @!p0 $0x0  }
0x1a: {  	s22 =	simm.s32 $0xFC80;
	s10 =	simm.s32 @p0 $0x1;
	p0 =	slt.u32 s31, $0x2710  }
0x1b: {  	p6 =	slt.u32 s23, $0x2710;
	[smem:$0x7F9] =	sst s10;
	s10 =	simm.s32 @!p0 $0x0  }
0x1c: {  	s23 =	simm.s32 $0x2;
	s10 =	simm.s32 @p0 $0x1;
	p0 =	slt.u32 s17, $0x2710  }
0x1d: {  	s11 =	smax.u32 s11, $0x1;
	s12 =	simm.s32 $0x500;
	s17 =	simm.s32 @!p0 $0x0  }
0x1e: {  	s13 =	simm.s32 $0x5500;
	s17 =	simm.s32 @p0 $0x1;
	p0 =	slt.u32 s18, $0x2710  }
0x1f: {  	[smem:$0x7FA] =	sst s10;
	s10 =	sadd.s32 $0x14600, s7;
	s18 =	simm.s32 @!p0 $0x0  }
0x20: {  	[smem:$0x7FB] =	sst s17;
	s18 =	simm.s32 @p0 $0x1;
	p0 =	slt.u32 s19, $0x2710  }
0x21: {  	s17 =	simm.s32 $0x4;
	[smem:$0x7FC] =	sst s18;
	s19 =	simm.s32 @!p0 $0x0  }
0x22: {  	s18 =	simm.s32 $0x80;
	s19 =	simm.s32 @p0 $0x1;
	p0 =	slt.u32 s24, $0x2710  }
0x23: {  	s24 =	simm.s32 $0x0;
	[smem:$0x7FD] =	sst s19;
	s19 =	simm.s32 $0x10400  }
.LBB2_1:
0x24: {  	[tilespmem:s12], [sflag:$0x1] =	stream.linear.gather [hbm4b:s5+s4], $0x5000, $0x38;
	[tilespmem:$0x10480] =	vst v63  }
0x25: {  	_ = 	snop  }
0x26: {  	[tilespmem:s13], [sflag:$0x1] =	stream.linear.gather [hbm4b:s6+s4], $0x5000, $0x38;
	[tilespmem:$0x10480] =	vst v63  }
0x27: {  	_ = 	snop  }
0x28: {  	[tilespmem:s14], [sflag:$0x1] =	stream.linear.gather [hbm4b:s7+s4], $0x280, $0x38;
	[tilespmem:$0x10480] =	vst v63  }
0x29: {  	_ =	swait.ge [sflag:s15], $0x5000  }
0x2a: {  	[sflag:s15] =	ssyncset.done $0x0  }
0x2b: {  	[sflag:s15] =	ssyncadd.s32 $0xFFFFB000  }
0x2c: {  	_ =	swait.ge [sflag:s15], $0x5000  }
0x2d: {  	[sflag:s15] =	ssyncset.done $0x0  }
0x2e: {  	[sflag:s15] =	ssyncadd.s32 $0xFFFFB000  }
0x2f: {  	_ =	swait.ge [sflag:s15], $0x280  }
0x30: {  	[sflag:s15] =	ssyncset.done $0x0  }
0x31: {  	v0 =	vimm.f32 $1.000000000e+00;
	[sflag:s15] =	ssyncadd.s32 $0xFFFFFD80  }
0x32: {  	[tilespmem:$0x10400] =	vst v0  }
0x33: {  	[tilespmem:$0x10410] =	vst v0  }
0x34: {  	[tilespmem:$0x10420] =	vst v0  }
0x35: {  	[tilespmem:$0x10430] =	vst v0  }
0x36: {  	[tilespmem:$0x10440] =	vst v0  }
0x37: {  	[tilespmem:$0x10450] =	vst v0  }
0x38: {  	[tilespmem:$0x10460] =	vst v0  }
0x39: {  	v63 =	vimm.f32 $0.0e+00;
	[tilespmem:$0x10470] =	vst v0  }
0x3a: {  	[tilespmem:$0x10180] =	vst v63  }
0x3b: {  	[tilespmem:$0x10190] =	vst v63  }
0x3c: {  	[tilespmem:$0x101A0] =	vst v63  }
0x3d: {  	[tilespmem:$0x101B0] =	vst v63  }
0x3e: {  	[tilespmem:$0x101C0] =	vst v63  }
0x3f: {  	[tilespmem:$0x101D0] =	vst v63  }
0x40: {  	[tilespmem:$0x101E0] =	vst v63  }
0x41: {  	[tilespmem:$0x101F0] =	vst v63  }
0x42: {  	[tilespmem:$0x10200] =	vst v63  }
0x43: {  	[tilespmem:$0x10210] =	vst v63  }
0x44: {  	[tilespmem:$0x10220] =	vst v63  }
0x45: {  	[tilespmem:$0x10230] =	vst v63  }
0x46: {  	[tilespmem:$0x10240] =	vst v63  }
0x47: {  	[tilespmem:$0x10250] =	vst v63  }
0x48: {  	[tilespmem:$0x10260] =	vst v63  }
0x49: {  	[tilespmem:$0x10270] =	vst v63  }
0x4a: {  	[tilespmem:$0x10280] =	vst v63  }
0x4b: {  	[tilespmem:$0x10290] =	vst v63  }
0x4c: {  	[tilespmem:$0x102A0] =	vst v63  }
0x4d: {  	[tilespmem:$0x102B0] =	vst v63  }
0x4e: {  	[tilespmem:$0x102C0] =	vst v63  }
0x4f: {  	[tilespmem:$0x102D0] =	vst v63  }
0x50: {  	[tilespmem:$0x102E0] =	vst v63  }
0x51: {  	[tilespmem:$0x102F0] =	vst v63  }
0x52: {  	[tilespmem:$0x10300] =	vst v63  }
0x53: {  	[tilespmem:$0x10310] =	vst v63  }
0x54: {  	[tilespmem:$0x10320] =	vst v63  }
0x55: {  	[tilespmem:$0x10330] =	vst v63  }
0x56: {  	[tilespmem:$0x10340] =	vst v63  }
0x57: {  	[tilespmem:$0x10350] =	vst v63  }
0x58: {  	[tilespmem:$0x10360] =	vst v63  }
0x59: {  	[tilespmem:$0x10370] =	vst v63  }
0x5a: {  	[tilespmem:$0x10380] =	vst v63  }
0x5b: {  	[tilespmem:$0x10390] =	vst v63  }
0x5c: {  	[tilespmem:$0x103A0] =	vst v63  }
0x5d: {  	[tilespmem:$0x103B0] =	vst v63  }
0x5e: {  	[tilespmem:$0x103C0] =	vst v63  }
0x5f: {  	[tilespmem:$0x103D0] =	vst v63  }
0x60: {  	[tilespmem:$0x103E0] =	vst v63  }
0x61: {  	[tilespmem:$0x103F0] =	vst v63  }
0x62: {  	[spmem:s8] =	stream.linear.scatter [tilespmem:s16], [sflag:$0x4], $0x280, $0x38;
	[tilespmem:$0x10480] =	vst v63  }
0x63: {  	_ =	swait.ge [sflag:s17], $0x280  }
0x64: {  	[sflag:s17] =	ssyncset.done $0x0  }
0x65: {  	[sflag:s17] =	ssyncadd.s32 $0xFFFFFD80  }
0x66: {  	s25 =	simm.s32 $0x0;
	[bflag:$0x0] =	sbarrier.arrive $0xFFFF  }
.LBB2_2:
0x67: {  	p2 =	sne.s32 s25, $0x13E00  }
.Ltmp0:
0x68: {  	_ = 	snop;
	(pc) =	sbr.rel @p2 .LBB2_2-.Ltmp0, $4  }
0x69: {  	_ = 	snop  }
0x6a: {  	s26 =	sshra.s32 s25, $0x2  }
0x6b: {  	s25 =	sadd.s32 $0x200, s25;
	s26 =	sadd.s32 $0x5500, s26  }
0x6c: {  	[spmem:s2] =	stream.indirect.scatter.add.f32 [tilespmem:s19], [sflag:$0x3], $0x1, s26, s18, $0xb8;
	[tilespmem:$0x10480] =	vst v63  }
0x6d: {  	_ =	swait.ge [sflag:s20], $0x80  }
0x6e: {  	s25 =	simm.s32 $0x9F;
	[sflag:s20] =	ssyncset.done $0x0  }
.LBB2_4:
0x6f: {  	p2 =	sne.s32 s25, $0x1;
	s25 =	sadd.s32 $0xFFFFFFFF, s25;
	[sflag:s20] =	ssyncadd.s32 $0xFFFFFF80  }
.Ltmp1:
0x70: {  	(pc) =	sbr.rel @p2 .LBB2_4-.Ltmp1, $3  }
0x71: {  	_ =	sdelay $0x1  }
0x72: {  	_ =	swait.ge [sflag:s20], $0x80  }
0x73: {  	[sflag:s20] =	ssyncset.done $0x0  }
0x74: {  	[sflag:s20] =	ssyncadd.s32 $0xFFFFFF80  }
0x75: {  	[bflag:$0x0] =	sbarrier.arrive $0xFFFF  }
0x76: {  	[tilespmem:s21], [sflag:$0x4] =	stream.linear.gather [spmem:s8], $0x280, $0x38;
	[tilespmem:$0x10480] =	vst v63  }
0x77: {  	_ =	swait.ge [sflag:s17], $0x280  }
0x78: {  	[sflag:s17] =	ssyncset.done $0x0  }
0x79: {  	[sflag:s17] =	ssyncadd.s32 $0xFFFFFD80  }
0x7a: {  	v2 =	vld [tilespmem:$0xFF00];
	_ =	sdelay $0x2  }
0x7b: {  	v3 =	vld [tilespmem:$0xFF10]  }
0x7c: {  	v7 =	vld [tilespmem:$0xFF20]  }
0x7d: {  	v9 =	vld [tilespmem:$0xFF30];
	v2 =	vadd.f32 $1.000000000e+00, v2  }
0x7e: {  	v54 =	vld [tilespmem:$0xFF60]  }
0x7f: {  	v21 =	vld [tilespmem:$0xFF70];
	v4 =	vshra.s32 v2, $0x1;
	v2 =	vmul.f32 $5.000000000e-01, v2  }
0x80: {  	v23 =	vld [tilespmem:$0xFF80];
	v4 =	vsub.s32 $0x5F3759DF, v4  }
0x81: {  	v27 =	vld [tilespmem:$0xFF90];
	v3 =	vadd.f32 $1.000000000e+00, v3;
	v5 =	vmul.f32 v4, v2  }
0x82: {  	v7 =	vadd.f32 $1.000000000e+00, v7;
	v9 =	vadd.f32 $1.000000000e+00, v9  }
0x83: {  	v42 =	vld [tilespmem:$0xFF40];
	v6 =	vshra.s32 v3, $0x1;
	v3 =	vmul.f32 $5.000000000e-01, v3;
	v5 =	vmul.f32 v4, v5  }
0x84: {  	v19 =	vadd.f32 $1.000000000e+00, v54;
	v21 =	vadd.f32 $1.000000000e+00, v21;
	v6 =	vsub.s32 $0x5F3759DF, v6  }
0x85: {  	v61 =	vadd.f32 $1.000000000e+00, v23;
	v39 =	vmul.f32 v6, v3;
	v5 =	vsub.f32 $1.500000000e+00, v5  }
0x86: {  	v27 =	vadd.f32 $1.000000000e+00, v27;
	v40 =	vshra.s32 v7, $0x1;
	v7 =	vmul.f32 $5.000000000e-01, v7  }
0x87: {  	v11 =	vshra.s32 v9, $0x1;
	v4 =	vmul.f32 v4, v5;
	v5 =	vmul.f32 v6, v39  }
0x88: {  	v12 =	vmul.f32 $5.000000000e-01, v9;
	v9 =	vadd.f32 $1.000000000e+00, v42;
	v20 =	vshra.s32 v19, $0x1  }
0x89: {  	v19 =	vmul.f32 $5.000000000e-01, v19;
	v8 =	vmul.f32 v4, v2;
	v5 =	vsub.f32 $1.500000000e+00, v5  }
0x8a: {  	v24 =	vshra.s32 v21, $0x1;
	v21 =	vmul.f32 $5.000000000e-01, v21;
	v1 =	vmul.f32 $5.000000000e-01, v61  }
0x8b: {  	v11 =	vsub.s32 $0x5F3759DF, v11;
	v8 =	vmul.f32 v8, v4;
	v5 =	vmul.f32 v6, v5  }
0x8c: {  	v37 =	vshra.s32 v27, $0x1;
	v27 =	vmul.f32 $5.000000000e-01, v27;
	v13 =	vmul.f32 v11, v12  }
0x8d: {  	v6 =	vsub.s32 $0x5F3759DF, v40;
	v8 =	vsub.f32 $1.500000000e+00, v8;
	v41 =	vmul.f32 v5, v3  }
0x8e: {  	v20 =	vsub.s32 $0x5F3759DF, v20;
	v15 =	vmul.f32 $5.000000000e-01, v9;
	v10 =	vmul.f32 v6, v7  }
0x8f: {  	v24 =	vsub.s32 $0x5F3759DF, v24;
	v4 =	vmul.f32 v8, v4;
	v8 =	vmul.f32 v41, v5  }
0x90: {  	v14 =	vshra.s32 v9, $0x1;
	v57 =	vmul.f32 v20, v19;
	v10 =	vmul.f32 v6, v10  }
0x91: {  	v26 =	vmul.f32 v24, v21;
	v49 =	vsub.s32 $0x5F3759DF, v14;
	v8 =	vsub.f32 $1.500000000e+00, v8  }
0x92: {  	v44 =	vmul.f32 v11, v13;
	v10 =	vsub.f32 $1.500000000e+00, v10;
	v2 =	vmul.f32 v4, v2  }
0x93: {  	v47 =	vld [tilespmem:$0xFF50];
	v14 =	vmul.f32 v49, v15;
	v5 =	vmul.f32 v8, v5  }
0x94: {  	v10 =	vmul.f32 v6, v10;
	v2 =	vmul.f32 v2, v4  }
0x95: {  	v63 =	vmul.f32 v24, v26;
	v45 =	vmul.f32 v5, v3  }
0x96: {  	v58 =	vmul.f32 v20, v57;
	v46 =	vmul.f32 v10, v7;
	v43 =	vsub.f32 $1.500000000e+00, v2  }
0x97: {  	v23 =	vsub.f32 $1.500000000e+00, v63;
	v6 =	vsub.f32 $1.500000000e+00, v44;
	v13 =	vmul.f32 v45, v5  }
0x98: {  	v8 =	vadd.f32 $1.000000000e+00, v47;
	v3 =	vmul.f32 v43, v4;
	v4 =	vmul.f32 v46, v10  }
0x99: {  	v38 =	vld [tilespmem:$0xFFA0];
	v50 =	vmul.f32 v49, v14;
	v48 =	vmul.f32 v11, v6;
	v13 =	vsub.f32 $1.500000000e+00, v13  }
0x9a: {  	v23 =	vmul.f32 v24, v23;
	v53 =	vmul.f32 $5.000000000e-01, v8;
	v16 =	vsub.f32 $1.500000000e+00, v4  }
0x9b: {  	v52 =	vshra.s32 v8, $0x1;
	v17 =	vmul.f32 v48, v12;
	v5 =	vmul.f32 v13, v5  }
0x9c: {  	v10 =	vmul.f32 v16, v10;
	v13 =	vsub.f32 $1.500000000e+00, v50;
	v16 =	vsub.s32 $0x5F3759DF, v52  }
0x9d: {  	v51 =	vmul.f32 v17, v48;
	v55 =	vmul.f32 v16, v53  }
0x9e: {  	v24 =	vadd.f32 $1.000000000e+00, v38;
	v7 =	vmul.f32 v10, v7;
	v11 =	vmul.f32 v49, v13  }
0x9f: {  	v39 =	vmul.f32 v23, v21;
	v14 =	vsub.f32 $1.500000000e+00, v51;
	v13 =	vmul.f32 v16, v55  }
0xa0: {  	v31 =	vsub.s32 $0x5F3759DF, v37;
	v7 =	vmul.f32 v7, v10;
	v18 =	vmul.f32 v11, v15  }
0xa1: {  	v34 =	vmul.f32 $5.000000000e-01, v24;
	v14 =	vmul.f32 v14, v48;
	v13 =	vsub.f32 $1.500000000e+00, v13  }
0xa2: {  	v40 =	vmul.f32 v31, v27;
	v2 =	vld [tilespmem:$0xF500];
	v7 =	vsub.f32 $1.500000000e+00, v7;
	v18 =	vmul.f32 v18, v11  }
0xa3: {  	v12 =	vmul.f32 v14, v12;
	v16 =	vmul.f32 v16, v13  }
0xa4: {  	v47 =	vld [tilespmem:$0xFFC0];
	v18 =	vsub.f32 $1.500000000e+00, v18;
	v13 =	vmul.f32 v7, v10;
	v10 =	vsub.f32 $1.500000000e+00, v58  }
0xa5: {  	v12 =	vmul.f32 v12, v14;
	v22 =	vmul.f32 v16, v53  }
0xa6: {  	v8 =	vld [tilespmem:$0xF520];
	v18 =	vmul.f32 v18, v11;
	v20 =	vmul.f32 v20, v10  }
0xa7: {  	v4 =	vld [tilespmem:$0xF510];
	v6 =	vmul.f32 v3, v2;
	v56 =	vsub.f32 $1.500000000e+00, v12;
	v22 =	vmul.f32 v22, v16  }
0xa8: {  	v0 =	vshra.s32 v61, $0x1;
	v59 =	vmul.f32 v18, v15;
	v25 =	vmul.f32 v20, v19  }
0xa9: {  	v52 =	vadd.f32 $1.000000000e+00, v47;
	v11 =	vmul.f32 v56, v14;
	v22 =	vsub.f32 $1.500000000e+00, v22  }
0xaa: {  	v7 =	vld [tilespmem:$0xF530];
	v14 =	vmul.f32 v59, v18;
	v62 =	vmul.f32 v25, v20;
	v25 =	vsub.s32 $0x5F3759DF, v0  }
0xab: {  	v42 =	vshra.s32 v24, $0x1;
	v22 =	vmul.f32 v22, v16;
	v28 =	vmul.f32 v25, v1  }
0xac: {  	v38 =	vshra.s32 v52, $0x1;
	v9 =	vmul.f32 v5, v4;
	v10 =	vld [tilespmem:$0xF540];
	v15 =	vmul.f32 v13, v8  }
0xad: {  	v14 =	vsub.f32 $1.500000000e+00, v14;
	v60 =	vmul.f32 v22, v53;
	v36 =	vmul.f32 v25, v28  }
0xae: {  	v38 =	vsub.s32 $0x5F3759DF, v38;
	v28 =	vmul.f32 v39, v23;
	v39 =	vmul.f32 $5.000000000e-01, v52  }
0xaf: {  	v12 =	vmul.f32 v11, v7;
	v16 =	vmul.f32 v14, v18;
	v18 =	vsub.f32 $1.500000000e+00, v62  }
0xb0: {  	v41 =	vld [tilespmem:$0xFFB0];
	v14 =	vmul.f32 v60, v22;
	v28 =	vsub.f32 $1.500000000e+00, v28;
	v55 =	vmul.f32 v38, v39  }
0xb1: {  	v17 =	vmul.f32 v16, v10;
	v30 =	vmul.f32 v18, v20;
	v18 =	vsub.f32 $1.500000000e+00, v36  }
0xb2: {  	v29 =	vsub.f32 $1.500000000e+00, v14;
	v28 =	vmul.f32 v28, v23;
	v58 =	vmul.f32 v38, v55  }
0xb3: {  	v23 =	vsub.s32 $0x5F3759DF, v42;
	v19 =	vmul.f32 v30, v19;
	v25 =	vmul.f32 v25, v18  }
0xb4: {  	v14 =	vld [tilespmem:$0xF550];
	v44 =	vmul.f32 v23, v34;
	v20 =	vmul.f32 v29, v22  }
0xb5: {  	v22 =	vmul.f32 v31, v40;
	v29 =	vadd.f32 $1.000000000e+00, v41;
	v21 =	vmul.f32 v28, v21  }
0xb6: {  	v41 =	vld [tilespmem:$0xFFD0];
	v19 =	vmul.f32 v19, v30;
	v33 =	vmul.f32 v25, v1  }
0xb7: {  	v22 =	vsub.f32 $1.500000000e+00, v22;
	v46 =	vshra.s32 v29, $0x1;
	v35 =	vmul.f32 $5.000000000e-01, v29  }
0xb8: {  	v21 =	vmul.f32 v21, v28;
	v32 =	vsub.f32 $1.500000000e+00, v19;
	v43 =	vmul.f32 v33, v25  }
0xb9: {  	v18 =	vmul.f32 v20, v14;
	v19 =	vld [tilespmem:$0xF560];
	v49 =	vsub.s32 $0x5F3759DF, v46;
	v31 =	vmul.f32 v31, v22  }
0xba: {  	v33 =	vmul.f32 v49, v35;
	v22 =	vmul.f32 v32, v30;
	v24 =	vsub.f32 $1.500000000e+00, v43  }
0xbb: {  	v62 =	vld [tilespmem:$0xFFF0];
	v30 =	vmul.f32 v23, v44;
	v60 =	vadd.f32 $1.000000000e+00, v41;
	v45 =	vmul.f32 v31, v27  }
0xbc: {  	v51 =	vsub.f32 $1.500000000e+00, v21;
	v50 =	vmul.f32 v49, v33;
	v36 =	vmul.f32 v24, v25  }
0xbd: {  	v30 =	vsub.f32 $1.500000000e+00, v30;
	v41 =	vshra.s32 v60, $0x1;
	v42 =	vmul.f32 $5.000000000e-01, v60  }
0xbe: {  	v48 =	vmul.f32 v45, v31;
	v24 =	vmul.f32 v22, v19;
	v54 =	vsub.f32 $1.500000000e+00, v50  }
0xbf: {  	v41 =	vsub.s32 $0x5F3759DF, v41;
	v26 =	vmul.f32 v36, v1;
	v30 =	vmul.f32 v23, v30  }
0xc0: {  	v43 =	vmul.f32 v41, v42;
	v1 =	vadd.f32 $1.000000000e+00, v62;
	v40 =	vmul.f32 v49, v54  }
0xc1: {  	v25 =	vsub.f32 $1.500000000e+00, v48;
	v26 =	vmul.f32 v26, v36;
	v53 =	vmul.f32 v30, v34  }
0xc2: {  	v43 =	vmul.f32 v41, v43;
	v47 =	vmul.f32 $5.000000000e-01, v1  }
0xc3: {  	v23 =	vld [tilespmem:$0xF580];
	v46 =	vshra.s32 v1, $0x1;
	v37 =	vmul.f32 v25, v31;
	v31 =	vmul.f32 v51, v28  }
0xc4: {  	v25 =	vld [tilespmem:$0xF570];
	v56 =	vmul.f32 v40, v35;
	v46 =	vsub.s32 $0x5F3759DF, v46;
	v29 =	vmul.f32 v53, v30  }
0xc5: {  	v26 =	vsub.f32 $1.500000000e+00, v26;
	v49 =	vsub.f32 $1.500000000e+00, v43;
	v52 =	vmul.f32 v46, v47  }
0xc6: {  	v27 =	vmul.f32 v37, v27;
	v33 =	vmul.f32 v56, v40;
	v29 =	vsub.f32 $1.500000000e+00, v29  }
0xc7: {  	v28 =	vmul.f32 v26, v36;
	v41 =	vmul.f32 v41, v49  }
0xc8: {  	v59 =	vld [tilespmem:$0xFFE0];
	v36 =	vsub.f32 $1.500000000e+00, v58;
	v27 =	vmul.f32 v27, v37;
	v30 =	vmul.f32 v29, v30  }
0xc9: {  	[tilespmem:$0xF7C0] =	vst v16;
	v16 =	vld [tilespmem:$0x100C0];
	v33 =	vsub.f32 $1.500000000e+00, v33;
	v32 =	vmul.f32 v31, v25;
	v29 =	vmul.f32 v28, v23  }
0xca: {  	v36 =	vmul.f32 v38, v36;
	v54 =	vmul.f32 v41, v42  }
0xcb: {  	v57 =	vsub.f32 $1.500000000e+00, v27;
	v40 =	vmul.f32 v33, v40;
	v34 =	vmul.f32 v30, v34  }
0xcc: {  	v61 =	vmul.f32 v36, v39;
	v43 =	vmul.f32 v54, v41  }
0xcd: {  	v27 =	vmul.f32 v57, v37;
	v35 =	vmul.f32 v40, v35;
	v37 =	vadd.f32 $1.000000000e+00, v59  }
0xce: {  	v16 =	vadd.f32 $1.000000000e+00, v16;
	v34 =	vmul.f32 v34, v30;
	v33 =	vmul.f32 v61, v36  }
0xcf: {  	v55 =	vsub.f32 $1.500000000e+00, v43;
	v44 =	vshra.s32 v37, $0x1;
	v45 =	vmul.f32 $5.000000000e-01, v37  }
0xd0: {  	v35 =	vmul.f32 v35, v40;
	v34 =	vsub.f32 $1.500000000e+00, v34;
	v44 =	vsub.s32 $0x5F3759DF, v44  }
0xd1: {  	v21 =	vld [tilespmem:$0xF590];
	[tilespmem:$0xFA70] =	vst v25;
	v25 =	vmul.f32 $5.000000000e-01, v16;
	v63 =	vsub.f32 $1.500000000e+00, v33;
	v0 =	vmul.f32 v44, v45  }
0xd2: {  	v53 =	vld [tilespmem:$0x10000];
	v41 =	vmul.f32 v55, v41;
	v48 =	vsub.f32 $1.500000000e+00, v35;
	v33 =	vmul.f32 v34, v30  }
0xd3: {  	v54 =	vld [tilespmem:$0x10030];
	v37 =	vmul.f32 v63, v36;
	v50 =	vmul.f32 v44, v0  }
0xd4: {  	v35 =	vld [tilespmem:$0xF5A0];
	v34 =	vmul.f32 v48, v40;
	v48 =	vmul.f32 v46, v52  }
0xd5: {  	v30 =	vld [tilespmem:$0xF5B0];
	v42 =	vmul.f32 v41, v42;
	v39 =	vmul.f32 v37, v39  }
0xd6: {  	v26 =	vmul.f32 v27, v21;
	v51 =	vsub.f32 $1.500000000e+00, v50;
	v48 =	vsub.f32 $1.500000000e+00, v48;
	v50 =	vld [tilespmem:$0x10010]  }
0xd7: {  	v40 =	vadd.f32 $1.000000000e+00, v53;
	v42 =	vmul.f32 v42, v41;
	v39 =	vmul.f32 v39, v37  }
0xd8: {  	v54 =	vadd.f32 $1.000000000e+00, v54;
	v44 =	vmul.f32 v44, v51;
	v46 =	vmul.f32 v46, v48  }
0xd9: {  	v57 =	vshra.s32 v40, $0x1;
	v38 =	vmul.f32 v33, v35;
	v48 =	vmul.f32 $5.000000000e-01, v40  }
0xda: {  	v60 =	vsub.s32 $0x5F3759DF, v57;
	v49 =	vmul.f32 v44, v45;
	v59 =	vmul.f32 v46, v47  }
0xdb: {  	v36 =	vmul.f32 v34, v30;
	v51 =	vmul.f32 v60, v48;
	v50 =	vadd.f32 $1.000000000e+00, v50  }
0xdc: {  	v53 =	vld [tilespmem:$0x10020];
	v39 =	vsub.f32 $1.500000000e+00, v39;
	v56 =	vmul.f32 v49, v44;
	v43 =	vmul.f32 v59, v46  }
0xdd: {  	v55 =	vld [tilespmem:$0x10050];
	v61 =	vmul.f32 v60, v51;
	v62 =	vshra.s32 v50, $0x1;
	v50 =	vmul.f32 $5.000000000e-01, v50  }
0xde: {  	v58 =	vsub.f32 $1.500000000e+00, v56;
	v43 =	vsub.f32 $1.500000000e+00, v43;
	v51 =	vsub.s32 $0x5F3759DF, v62  }
0xdf: {  	v63 =	vsub.f32 $1.500000000e+00, v42;
	v37 =	vmul.f32 v39, v37;
	v52 =	vmul.f32 v51, v50  }
0xe0: {  	v59 =	vld [tilespmem:$0x10040];
	v40 =	vmul.f32 v58, v44;
	v44 =	vsub.f32 $1.500000000e+00, v61;
	v46 =	vmul.f32 v43, v46  }
0xe1: {  	v43 =	vmul.f32 v63, v41;
	v58 =	vadd.f32 $1.000000000e+00, v53;
	v0 =	vmul.f32 v51, v52  }
0xe2: {  	v55 =	vadd.f32 $1.000000000e+00, v55;
	v45 =	vmul.f32 v40, v45;
	v44 =	vmul.f32 v60, v44  }
0xe3: {  	v47 =	vmul.f32 v46, v47;
	v60 =	vshra.s32 v58, $0x1;
	v49 =	vsub.f32 $1.500000000e+00, v0  }
0xe4: {  	v0 =	vshra.s32 v54, $0x1;
	v54 =	vmul.f32 $5.000000000e-01, v54;
	v45 =	vmul.f32 v45, v40  }
0xe5: {  	v1 =	vmul.f32 v44, v48;
	v57 =	vmul.f32 v47, v46;
	v47 =	vadd.f32 $1.000000000e+00, v59  }
0xe6: {  	v53 =	vsub.s32 $0x5F3759DF, v0;
	v49 =	vmul.f32 v51, v49;
	v45 =	vsub.f32 $1.500000000e+00, v45  }
0xe7: {  	v51 =	vsub.s32 $0x5F3759DF, v60;
	v52 =	vmul.f32 v1, v44;
	v1 =	vmul.f32 v53, v54  }
0xe8: {  	v56 =	vshra.s32 v47, $0x1;
	v41 =	vmul.f32 v45, v40;
	v45 =	vmul.f32 $5.000000000e-01, v58  }
0xe9: {  	v61 =	vmul.f32 v49, v50;
	v40 =	vsub.f32 $1.500000000e+00, v57;
	v57 =	vmul.f32 $5.000000000e-01, v47  }
0xea: {  	v39 =	vld [tilespmem:$0xF5C0];
	v56 =	vsub.s32 $0x5F3759DF, v56;
	v47 =	vmul.f32 v53, v1;
	v62 =	vmul.f32 v51, v45  }
0xeb: {  	v52 =	vsub.f32 $1.500000000e+00, v52;
	v63 =	vmul.f32 v61, v49;
	v40 =	vmul.f32 v40, v46  }
0xec: {  	v58 =	vmul.f32 v56, v57;
	v46 =	vmul.f32 v51, v62  }
0xed: {  	v61 =	vshra.s32 v55, $0x1;
	v55 =	vmul.f32 $5.000000000e-01, v55;
	v44 =	vmul.f32 v52, v44  }
0xee: {  	v60 =	vmul.f32 v56, v58;
	v58 =	vsub.s32 $0x5F3759DF, v61;
	v46 =	vsub.f32 $1.500000000e+00, v46  }
0xef: {  	v42 =	vmul.f32 v37, v39;
	v47 =	vsub.f32 $1.500000000e+00, v47;
	v62 =	vmul.f32 v58, v55  }
0xf0: {  	v52 =	vsub.f32 $1.500000000e+00, v63;
	v48 =	vmul.f32 v44, v48;
	v46 =	vmul.f32 v51, v46  }
0xf1: {  	v53 =	vmul.f32 v53, v47;
	v63 =	vmul.f32 v58, v62;
	v51 =	vsub.f32 $1.500000000e+00, v60  }
0xf2: {  	v49 =	vmul.f32 v52, v49;
	v59 =	vmul.f32 v46, v45  }
0xf3: {  	v48 =	vmul.f32 v48, v44;
	v47 =	vsub.f32 $1.500000000e+00, v63;
	v51 =	vmul.f32 v56, v51  }
0xf4: {  	v0 =	vmul.f32 v53, v54;
	v59 =	vmul.f32 v59, v46  }
0xf5: {  	v60 =	vld [tilespmem:$0x10060];
	v58 =	vmul.f32 v58, v47;
	v1 =	vmul.f32 v51, v57  }
0xf6: {  	v50 =	vmul.f32 v49, v50;
	v61 =	vmul.f32 v0, v53;
	v52 =	vsub.f32 $1.500000000e+00, v59  }
0xf7: {  	v62 =	vmul.f32 v1, v51;
	v59 =	vmul.f32 v58, v55  }
0xf8: {  	v48 =	vsub.f32 $1.500000000e+00, v48;
	v0 =	vsub.f32 $1.500000000e+00, v61;
	v46 =	vmul.f32 v52, v46  }
0xf9: {  	v1 =	vmul.f32 v50, v49;
	v56 =	vsub.f32 $1.500000000e+00, v62;
	v61 =	vmul.f32 v59, v58  }
0xfa: {  	v60 =	vadd.f32 $1.000000000e+00, v60;
	v63 =	vmul.f32 v46, v45;
	v45 =	vmul.f32 v0, v53  }
0xfb: {  	v47 =	vmul.f32 v48, v44;
	v48 =	vsub.f32 $1.500000000e+00, v1;
	v50 =	vmul.f32 v56, v51  }
0xfc: {  	v56 =	vmul.f32 $5.000000000e-01, v60;
	v51 =	vsub.f32 $1.500000000e+00, v61;
	v62 =	vmul.f32 v45, v54  }
0xfd: {  	v44 =	vmul.f32 v63, v46;
	v63 =	vshra.s32 v60, $0x1;
	v0 =	vmul.f32 v50, v57;
	v57 =	vld [tilespmem:$0x10070]  }
0xfe: {  	v60 =	vld [tilespmem:$0x10080];
	v58 =	vmul.f32 v51, v58;
	v54 =	vsub.s32 $0x5F3759DF, v63;
	v52 =	vmul.f32 v62, v45  }
0xff: {  	v1 =	vmul.f32 v54, v56;
	v53 =	vmul.f32 v0, v50  }
0x100: {  	v49 =	vmul.f32 v48, v49;
	v44 =	vsub.f32 $1.500000000e+00, v44;
	v63 =	vsub.f32 $1.500000000e+00, v52  }
0x101: {  	v59 =	vmul.f32 v58, v55;
	v0 =	vmul.f32 v54, v1;
	v1 =	vsub.f32 $1.500000000e+00, v53  }
0x102: {  	v48 =	vmul.f32 v44, v46;
	v53 =	vld [tilespmem:$0x10090];
	v62 =	vadd.f32 $1.000000000e+00, v57;
	v46 =	vmul.f32 v63, v45  }
0x103: {  	v61 =	vsub.f32 $1.500000000e+00, v0;
	v44 =	vmul.f32 v1, v50;
	v63 =	vadd.f32 $1.000000000e+00, v60  }
0x104: {  	v1 =	vmul.f32 v59, v58;
	v0 =	vshra.s32 v62, $0x1;
	v57 =	vmul.f32 $5.000000000e-01, v62  }
0x105: {  	v55 =	vmul.f32 v54, v61;
	v59 =	vsub.s32 $0x5F3759DF, v0;
	v45 =	vshra.s32 v63, $0x1  }
0x106: {  	[tilespmem:$0xF790] =	vst v5;
	v5 =	vld [tilespmem:$0xF600];
	v60 =	vmul.f32 $5.000000000e-01, v63;
	v1 =	vsub.f32 $1.500000000e+00, v1;
	v0 =	vmul.f32 v59, v57  }
0x107: {  	[tilespmem:$0xF7B0] =	vst v11;
	v11 =	vld [tilespmem:$0xF620];
	v61 =	vsub.s32 $0x5F3759DF, v45;
	v53 =	vadd.f32 $1.000000000e+00, v53;
	v62 =	vmul.f32 v55, v56  }
0x108: {  	v51 =	vld [tilespmem:$0xF5D0];
	v63 =	vmul.f32 v61, v60;
	v45 =	vmul.f32 v1, v58  }
0x109: {  	v50 =	vld [tilespmem:$0xF5E0];
	v1 =	vmul.f32 v59, v0;
	v0 =	vshra.s32 v53, $0x1;
	v53 =	vmul.f32 $5.000000000e-01, v53  }
0x10a: {  	[tilespmem:$0xF780] =	vst v3;
	v58 =	vmul.f32 v62, v55;
	v62 =	vmul.f32 v61, v63;
	v63 =	vld [tilespmem:$0x100A0]  }
0x10b: {  	[tilespmem:$0xF7A0] =	vst v13;
	v13 =	vmul.f32 v47, v5;
	v0 =	vsub.s32 $0x5F3759DF, v0;
	v52 =	vsub.f32 $1.500000000e+00, v1  }
0x10c: {  	[tilespmem:$0xF7D0] =	vst v20;
	v20 =	vmul.f32 v48, v11;
	v1 =	vmul.f32 v0, v53;
	v62 =	vsub.f32 $1.500000000e+00, v62  }
0x10d: {  	[tilespmem:$0xFA00] =	vst v2;
	v54 =	vmul.f32 v43, v51;
	v3 =	vsub.f32 $1.500000000e+00, v58;
	v59 =	vmul.f32 v59, v52  }
0x10e: {  	[tilespmem:$0xFA20] =	vst v8;
	v1 =	vmul.f32 v0, v1;
	v2 =	vmul.f32 v61, v62  }
0x10f: {  	[tilespmem:$0xFC80] =	vst v6;
	v58 =	vmul.f32 v41, v50;
	v52 =	vld [tilespmem:$0xF5F0];
	v3 =	vmul.f32 v3, v55;
	v6 =	vadd.f32 $1.000000000e+00, v63  }
0x110: {  	[tilespmem:$0xFA10] =	vst v4;
	v55 =	vmul.f32 v59, v57;
	v1 =	vsub.f32 $1.500000000e+00, v1;
	v61 =	vmul.f32 v2, v60  }
0x111: {  	[tilespmem:$0xFC90] =	vst v9;
	v56 =	vmul.f32 v3, v56;
	v4 =	vshra.s32 v6, $0x1;
	v62 =	vmul.f32 $5.000000000e-01, v6  }
0x112: {  	[tilespmem:$0xFB00] =	vst v5;
	v9 =	vmul.f32 v55, v59;
	v6 =	vld [tilespmem:$0xF610];
	v61 =	vmul.f32 v61, v2;
	v4 =	vsub.s32 $0x5F3759DF, v4  }
0x113: {  	[tilespmem:$0xFA30] =	vst v7;
	v7 =	vld [tilespmem:$0xF630];
	v0 =	vmul.f32 v0, v1;
	v1 =	vmul.f32 v4, v62  }
0x114: {  	[tilespmem:$0xFCA0] =	vst v15;
	v55 =	vmul.f32 v40, v52;
	v9 =	vsub.f32 $1.500000000e+00, v9;
	v63 =	vsub.f32 $1.500000000e+00, v61  }
0x115: {  	[tilespmem:$0xFCB0] =	vst v12;
	v8 =	vmul.f32 v56, v3;
	v1 =	vmul.f32 v4, v1  }
0x116: {  	[tilespmem:$0xFA40] =	vst v10;
	v56 =	vmul.f32 v9, v59;
	v9 =	vld [tilespmem:$0x100B0];
	v59 =	vmul.f32 v63, v2  }
0x117: {  	[tilespmem:$0xFB20] =	vst v11;
	v2 =	vmul.f32 v0, v53;
	v12 =	vmul.f32 v49, v6  }
0x118: {  	[tilespmem:$0xFB30] =	vst v7;
	v63 =	vsub.f32 $1.500000000e+00, v8;
	v1 =	vsub.f32 $1.500000000e+00, v1;
	v61 =	vmul.f32 v56, v57  }
0x119: {  	[tilespmem:$0xFCC0] =	vst v17;
	v57 =	vmul.f32 v2, v0;
	v15 =	vmul.f32 v59, v60  }
0x11a: {  	[tilespmem:$0xFA50] =	vst v14;
	v2 =	vmul.f32 v63, v3;
	v1 =	vmul.f32 v4, v1  }
0x11b: {  	[tilespmem:$0xFCD0] =	vst v18;
	v61 =	vmul.f32 v61, v56;
	v63 =	vsub.f32 $1.500000000e+00, v57;
	v57 =	vadd.f32 $1.000000000e+00, v9  }
0x11c: {  	[tilespmem:$0xF7E0] =	vst v22;
	v10 =	vmul.f32 v15, v59;
	v60 =	vmul.f32 v1, v62  }
0x11d: {  	[tilespmem:$0xFA60] =	vst v19;
	v9 =	vld [tilespmem:$0xF640];
	v8 =	vsub.f32 $1.500000000e+00, v61;
	v61 =	vshra.s32 v57, $0x1;
	v57 =	vmul.f32 $5.000000000e-01, v57  }
0x11e: {  	[tilespmem:$0xFA90] =	vst v21;
	v0 =	vmul.f32 v63, v0;
	v63 =	vmul.f32 v60, v1;
	v17 =	vsub.s32 $0x5F3759DF, v61  }
0x11f: {  	[tilespmem:$0xFCE0] =	vst v24;
	v22 =	vsub.f32 $1.500000000e+00, v10;
	v4 =	vmul.f32 v8, v56;
	v8 =	vld [tilespmem:$0xF650];
	v56 =	vmul.f32 v17, v57  }
0x120: {  	[tilespmem:$0xF7F0] =	vst v31;
	v15 =	vmul.f32 v46, v7;
	v61 =	vld [tilespmem:$0x100D0];
	v60 =	vmul.f32 v0, v53  }
0x121: {  	[tilespmem:$0xFA80] =	vst v23;
	v3 =	vmul.f32 v22, v59;
	v53 =	vld [tilespmem:$0x100E0];
	v14 =	vsub.f32 $1.500000000e+00, v63;
	v10 =	vmul.f32 v17, v56  }
0x122: {  	[tilespmem:$0xF800] =	vst v28;
	v63 =	vshra.s32 v16, $0x1;
	v19 =	vmul.f32 v44, v9;
	v18 =	vmul.f32 v60, v0  }
0x123: {  	[tilespmem:$0xFCF0] =	vst v32;
	v32 =	vsub.s32 $0x5F3759DF, v63;
	v1 =	vmul.f32 v14, v1;
	v10 =	vsub.f32 $1.500000000e+00, v10  }
0x124: {  	[tilespmem:$0xFD00] =	vst v29;
	v59 =	vmul.f32 v32, v25;
	v18 =	vsub.f32 $1.500000000e+00, v18;
	v16 =	vmul.f32 v45, v8  }
0x125: {  	[tilespmem:$0xF810] =	vst v27;
	v14 =	vadd.f32 $1.000000000e+00, v61;
	v56 =	vmul.f32 v1, v62;
	v28 =	vmul.f32 v17, v10  }
0x126: {  	[tilespmem:$0xFD10] =	vst v26;
	v63 =	vadd.f32 $1.000000000e+00, v53;
	v0 =	vmul.f32 v18, v0;
	v10 =	vmul.f32 v32, v59  }
0x127: {  	[tilespmem:$0xF820] =	vst v33;
	v24 =	vshra.s32 v14, $0x1;
	v29 =	vmul.f32 $5.000000000e-01, v14;
	v60 =	vmul.f32 v56, v1  }
0x128: {  	[tilespmem:$0xF830] =	vst v34;
	v17 =	vld [tilespmem:$0xF670];
	v21 =	vsub.s32 $0x5F3759DF, v24;
	v53 =	vshra.s32 v63, $0x1;
	v31 =	vmul.f32 $5.000000000e-01, v63  }
0x129: {  	[tilespmem:$0xFAA0] =	vst v35;
	v14 =	vld [tilespmem:$0xF680];
	v62 =	vmul.f32 v28, v57;
	v10 =	vsub.f32 $1.500000000e+00, v10;
	v27 =	vsub.s32 $0x5F3759DF, v53  }
0x12a: {  	[tilespmem:$0xFAB0] =	vst v30;
	v56 =	vmul.f32 v21, v29;
	v61 =	vsub.f32 $1.500000000e+00, v60;
	v59 =	vmul.f32 v27, v31  }
0x12b: {  	[tilespmem:$0xFD20] =	vst v38;
	v22 =	vld [tilespmem:$0xF660];
	v23 =	vmul.f32 v62, v28;
	v32 =	vmul.f32 v32, v10  }
0x12c: {  	s25 =	sld [smem:$0x7F4];
	[tilespmem:$0xFD30] =	vst v36;
	v10 =	vld [tilespmem:$0xF690];
	v1 =	vmul.f32 v61, v1;
	v61 =	vmul.f32 v21, v56  }
0x12d: {  	[tilespmem:$0xF840] =	vst v37;
	v63 =	vmul.f32 v27, v59;
	v59 =	vld [tilespmem:$0x100F0];
	v60 =	vsub.f32 $1.500000000e+00, v23;
	v62 =	vmul.f32 v32, v25  }
0x12e: {  	[tilespmem:$0xF8D0] =	vst v45;
	v45 =	vld [tilespmem:$0x10140];
	v26 =	vmul.f32 v4, v17;
	v24 =	vmul.f32 v3, v14;
	v23 =	vsub.f32 $1.500000000e+00, v61  }
0x12f: {  	p2 =	seq.s32 s25, $0x1;
	[tilespmem:$0xFAC0] =	vst v39;
	v33 =	vsub.f32 $1.500000000e+00, v63;
	v30 =	vmul.f32 v60, v28;
	v38 =	vmul.f32 v62, v32  }
0x130: {  	[tilespmem:$0xFAE0] =	vst v50;
	v50 =	vld [tilespmem:$0x10100];
	v28 =	vmul.f32 v2, v22;
	v53 =	vmul.f32 v21, v23;
	v23 =	vpsel !p2, $0x0, v0  }
0x131: {  	[tilespmem:$0xFD40] =	vst v42;
	v27 =	vmul.f32 v27, v33;
	v18 =	vmul.f32 v23, v10;
	v56 =	vsub.f32 $1.500000000e+00, v38  }
0x132: {  	[tilespmem:$0xF850] =	vst v43;
	v60 =	vmul.f32 v30, v57;
	v33 =	vadd.f32 $1.000000000e+00, v59;
	v61 =	vmul.f32 v53, v29  }
0x133: {  	s28 =	sld [smem:$0x7F5];
	[tilespmem:$0xFDD0] =	vst v16;
	v16 =	vadd.f32 $1.000000000e+00, v45;
	v62 =	vmul.f32 v27, v31;
	v0 =	vmul.f32 v56, v32  }
0x134: {  	[tilespmem:$0xFAD0] =	vst v51;
	v57 =	vld [tilespmem:$0x10110];
	v34 =	vmul.f32 v60, v30;
	v51 =	vshra.s32 v33, $0x1;
	v33 =	vmul.f32 $5.000000000e-01, v33  }
0x135: {  	[tilespmem:$0xF890] =	vst v49;
	v49 =	vld [tilespmem:$0x10130];
	v56 =	vadd.f32 $1.000000000e+00, v50;
	v36 =	vmul.f32 v61, v53;
	v32 =	vmul.f32 v62, v27  }
0x136: {  	[tilespmem:$0xF860] =	vst v41;
	v21 =	vld [tilespmem:$0xF6A0];
	p2 =	seq.s32 s28, $0x1;
	v35 =	vsub.s32 $0x5F3759DF, v51;
	v63 =	vmul.f32 v0, v25;
	v34 =	vsub.f32 $1.500000000e+00, v34  }
0x137: {  	[tilespmem:$0xFD50] =	vst v54;
	v25 =	vpsel !p2, $0x0, v1;
	v54 =	vmul.f32 v35, v33;
	v42 =	vsub.f32 $1.500000000e+00, v36  }
0x138: {  	[tilespmem:$0xFDA0] =	vst v20;
	v20 =	vld [tilespmem:$0xF6B0];
	v32 =	vsub.f32 $1.500000000e+00, v32;
	v43 =	vmul.f32 v63, v0;
	v30 =	vmul.f32 v34, v30  }
0x139: {  	s29 =	sld [smem:$0x7F6];
	[tilespmem:$0xFD70] =	vst v55;
	v62 =	vld [tilespmem:$0x10120];
	v41 =	vadd.f32 $1.000000000e+00, v57;
	v55 =	vmul.f32 v35, v54;
	v34 =	vmul.f32 $5.000000000e-01, v56  }
0x13a: {  	[tilespmem:$0xF870] =	vst v40;
	v61 =	vshra.s32 v56, $0x1;
	v1 =	vmul.f32 v42, v53;
	v32 =	vmul.f32 v32, v27  }
0x13b: {  	[tilespmem:$0xFD90] =	vst v12;
	v56 =	vadd.f32 $1.000000000e+00, v49;
	v27 =	vmul.f32 v25, v21;
	v12 =	vmul.f32 $5.000000000e-01, v41  }
0x13c: {  	[tilespmem:$0xF880] =	vst v47;
	p2 =	seq.s32 s29, $0x1;
	v53 =	vsub.f32 $1.500000000e+00, v43;
	v60 =	vsub.f32 $1.500000000e+00, v55;
	v43 =	vshra.s32 v41, $0x1  }
0x13d: {  	[tilespmem:$0xFD80] =	vst v13;
	v30 =	vpsel !p2, $0x0, v30;
	v29 =	vmul.f32 v1, v29;
	v31 =	vmul.f32 v32, v31  }
0x13e: {  	[tilespmem:$0xFB40] =	vst v9;
	v47 =	vadd.f32 $1.000000000e+00, v62;
	v9 =	vmul.f32 v30, v20;
	v0 =	vmul.f32 v53, v0  }
0x13f: {  	[tilespmem:$0xFD60] =	vst v58;
	v11 =	vsub.s32 $0x5F3759DF, v43;
	v63 =	vmul.f32 v35, v60;
	v58 =	vmul.f32 v29, v1  }
0x140: {  	[tilespmem:$0xF8A0] =	vst v48;
	v48 =	vmul.f32 v11, v12;
	v59 =	vmul.f32 v31, v32;
	v31 =	vsub.s32 $0x5F3759DF, v61  }
0x141: {  	s30 =	sld [smem:$0x7F7];
	[tilespmem:$0xF8B0] =	vst v46;
	v36 =	vshra.s32 v47, $0x1;
	v40 =	vmul.f32 v31, v34;
	v5 =	vsub.f32 $1.500000000e+00, v58  }
0x142: {  	[tilespmem:$0xFAF0] =	vst v52;
	v42 =	vmul.f32 v63, v33;
	v52 =	vmul.f32 v11, v48;
	v29 =	vsub.f32 $1.500000000e+00, v59  }
0x143: {  	s31 =	sld [smem:$0x7F8];
	[tilespmem:$0xF8E0] =	vst v2;
	v2 =	vld [tilespmem:$0xF6D0];
	v51 =	vsub.s32 $0x5F3759DF, v36;
	v13 =	vmul.f32 v31, v40;
	v1 =	vmul.f32 v5, v1  }
0x144: {  	[tilespmem:$0xFDB0] =	vst v15;
	p2 =	seq.s32 s30, $0x1;
	v15 =	vsub.f32 $1.500000000e+00, v52;
	v5 =	vmul.f32 v29, v32;
	v29 =	vmul.f32 v42, v63  }
0x145: {  	s26 =	sld [smem:$0x7F9];
	[tilespmem:$0xF8C0] =	vst v44;
	v0 =	vpsel !p2, $0x0, v0;
	v32 =	vmul.f32 $5.000000000e-01, v47;
	v13 =	vsub.f32 $1.500000000e+00, v13  }
0x146: {  	[tilespmem:$0xFBB0] =	vst v20;
	p2 =	seq.s32 s31, $0x1;
	v58 =	vshra.s32 v56, $0x1;
	v11 =	vmul.f32 v11, v15;
	v29 =	vsub.f32 $1.500000000e+00, v29  }
0x147: {  	[tilespmem:$0xFB10] =	vst v6;
	v42 =	vld [tilespmem:$0xF6E0];
	v53 =	vmul.f32 v51, v32;
	v1 =	vpsel !p2, $0x0, v1;
	v50 =	vmul.f32 v31, v13  }
0x148: {  	[tilespmem:$0xFDC0] =	vst v19;
	v19 =	vsub.s32 $0x5F3759DF, v58;
	p2 =	seq.s32 s26, $0x1;
	v60 =	vmul.f32 v11, v12;
	v40 =	vmul.f32 v1, v2  }
0x149: {  	[tilespmem:$0xF8F0] =	vst v4;
	v5 =	vpsel !p2, $0x0, v5;
	v6 =	vmul.f32 v29, v63;
	v35 =	vmul.f32 v51, v53  }
0x14a: {  	[tilespmem:$0xF900] =	vst v3;
	v13 =	vld [tilespmem:$0xF6C0];
	v29 =	vmul.f32 $5.000000000e-01, v56;
	v56 =	vshra.s32 v16, $0x1;
	v16 =	vmul.f32 $5.000000000e-01, v16  }
0x14b: {  	[tilespmem:$0xFB50] =	vst v8;
	v54 =	vmul.f32 v50, v34;
	v62 =	vmul.f32 v60, v11;
	v35 =	vsub.f32 $1.500000000e+00, v35  }
0x14c: {  	[tilespmem:$0xFB60] =	vst v22;
	v53 =	vmul.f32 v5, v42;
	v61 =	vmul.f32 v19, v29  }
0x14d: {  	[tilespmem:$0xFB70] =	vst v17;
	v55 =	vmul.f32 v54, v50;
	v36 =	vsub.f32 $1.500000000e+00, v62;
	v59 =	vmul.f32 v51, v35  }
0x14e: {  	[tilespmem:$0xFB80] =	vst v14;
	v35 =	vmul.f32 v6, v33;
	v8 =	vmul.f32 v19, v61  }
0x14f: {  	[tilespmem:$0xFDF0] =	vst v26;
	v15 =	vmul.f32 v0, v13;
	v51 =	vld [tilespmem:$0x10150];
	v57 =	vsub.f32 $1.500000000e+00, v55;
	v4 =	vmul.f32 v36, v11  }
0x150: {  	[tilespmem:$0xFE00] =	vst v24;
	v55 =	vld [tilespmem:$0x10160];
	v63 =	vmul.f32 v59, v32;
	v38 =	vmul.f32 v35, v6;
	v8 =	vsub.f32 $1.500000000e+00, v8  }
0x151: {  	[tilespmem:$0xFB90] =	vst v10;
	v7 =	vmul.f32 v57, v50;
	v12 =	vmul.f32 v4, v12  }
0x152: {  	[tilespmem:$0xFDE0] =	vst v28;
	v37 =	vmul.f32 v63, v59;
	v41 =	vmul.f32 v19, v8;
	v17 =	vsub.f32 $1.500000000e+00, v38  }
0x153: {  	s28 =	sld [smem:$0x7FA];
	[tilespmem:$0xF910] =	vst v23;
	v39 =	vmul.f32 v7, v34;
	v12 =	vmul.f32 v12, v4  }
0x154: {  	[tilespmem:$0xFE10] =	vst v18;
	v48 =	vld [tilespmem:$0xF6F0];
	v22 =	vsub.f32 $1.500000000e+00, v37;
	v6 =	vmul.f32 v17, v6;
	v47 =	vmul.f32 v41, v29  }
0x155: {  	[tilespmem:$0xFBD0] =	vst v2;
	v17 =	vadd.f32 $1.000000000e+00, v51;
	v18 =	vadd.f32 $1.000000000e+00, v55;
	v43 =	vmul.f32 v39, v7  }
0x156: {  	[tilespmem:$0xFBA0] =	vst v21;
	p2 =	seq.s32 s28, $0x1;
	v12 =	vsub.f32 $1.500000000e+00, v12;
	v44 =	vmul.f32 v22, v59;
	v50 =	vmul.f32 v47, v41  }
0x157: {  	[tilespmem:$0xF920] =	vst v25;
	v6 =	vpsel !p2, $0x0, v6;
	v61 =	vshra.s32 v17, $0x1;
	v17 =	vmul.f32 $5.000000000e-01, v17  }
0x158: {  	[tilespmem:$0xFE20] =	vst v27;
	v24 =	vshra.s32 v18, $0x1;
	v18 =	vmul.f32 $5.000000000e-01, v18;
	v10 =	vsub.f32 $1.500000000e+00, v50  }
0x159: {  	[tilespmem:$0xF930] =	vst v30;
	v59 =	vld [tilespmem:$0x10170];
	v46 =	vsub.f32 $1.500000000e+00, v43;
	v4 =	vmul.f32 v12, v4;
	v57 =	vmul.f32 v6, v48  }
0x15a: {  	[tilespmem:$0xFE30] =	vst v9;
	v63 =	vsub.s32 $0x5F3759DF, v61;
	v3 =	vmul.f32 v10, v41;
	v10 =	vsub.s32 $0x5F3759DF, v56  }
0x15b: {  	s29 =	sld [smem:$0x7FB];
	[tilespmem:$0xF940] =	vst v0;
	v26 =	vsub.s32 $0x5F3759DF, v24;
	v49 =	vmul.f32 v44, v32;
	v58 =	vmul.f32 v10, v16  }
0x15c: {  	[tilespmem:$0xFBF0] =	vst v48;
	v23 =	vmul.f32 v63, v17;
	v28 =	vmul.f32 v26, v18  }
0x15d: {  	[tilespmem:$0xF950] =	vst v1;
	v32 =	vld [tilespmem:$0xF700];
	v7 =	vmul.f32 v46, v7;
	v62 =	vmul.f32 v10, v58  }
0x15e: {  	s30 =	sld [smem:$0x7FC];
	[tilespmem:$0xF960] =	vst v5;
	v34 =	vld [tilespmem:$0xF710];
	p2 =	seq.s32 s29, $0x1;
	v52 =	vmul.f32 v49, v44;
	v25 =	vmul.f32 v63, v23;
	v27 =	vadd.f32 $1.000000000e+00, v59  }
0x15f: {  	[tilespmem:$0xFE50] =	vst v40;
	v2 =	vmul.f32 v26, v28;
	v7 =	vpsel !p2, $0x0, v7;
	v0 =	vsub.f32 $1.500000000e+00, v62  }
0x160: {  	[tilespmem:$0xFBE0] =	vst v42;
	v60 =	vmul.f32 v3, v29;
	v29 =	vshra.s32 v27, $0x1;
	v30 =	vmul.f32 $5.000000000e-01, v27  }
0x161: {  	[tilespmem:$0xFE60] =	vst v53;
	p2 =	seq.s32 s30, $0x1;
	v1 =	vsub.f32 $1.500000000e+00, v25;
	v0 =	vmul.f32 v10, v0;
	v10 =	vsub.s32 $0x5F3759DF, v29  }
0x162: {  	[tilespmem:$0xFBC0] =	vst v13;
	v51 =	vld [tilespmem:$0xF740];
	v4 =	vpsel !p2, $0x0, v4;
	v38 =	vmul.f32 v7, v32;
	v33 =	vmul.f32 v10, v30  }
0x163: {  	[tilespmem:$0xFE40] =	vst v15;
	v55 =	vld [tilespmem:$0xF750];
	v2 =	vsub.f32 $1.500000000e+00, v2;
	v43 =	vmul.f32 v4, v34;
	v1 =	vmul.f32 v63, v1  }
0x164: {  	v39 =	vld [tilespmem:$0xF720];
	[tilespmem:$0xF970] =	vst v6;
	v31 =	vmul.f32 v0, v16;
	v14 =	vmul.f32 v10, v33  }
0x165: {  	[tilespmem:$0xFC10] =	vst v34;
	v54 =	vsub.f32 $1.500000000e+00, v52;
	v2 =	vmul.f32 v26, v2;
	v35 =	vmul.f32 v1, v17  }
0x166: {  	[tilespmem:$0xFE70] =	vst v57;
	v9 =	vmul.f32 v60, v3;
	v5 =	vmul.f32 v31, v0;
	v37 =	vsub.f32 $1.500000000e+00, v14  }
0x167: {  	v61 =	vld [tilespmem:$0xF770];
	[tilespmem:$0xFC40] =	vst v51;
	v42 =	vmul.f32 v2, v18;
	v36 =	vmul.f32 v35, v1  }
0x168: {  	[tilespmem:$0xFC50] =	vst v55;
	v12 =	vmul.f32 v54, v44;
	v5 =	vsub.f32 $1.500000000e+00, v5;
	v41 =	vmul.f32 v10, v37  }
0x169: {  	s31 =	sld [smem:$0x7FD];
	v46 =	vld [tilespmem:$0xF730];
	[tilespmem:$0xFC20] =	vst v39;
	v9 =	vsub.f32 $1.500000000e+00, v9;
	v45 =	vmul.f32 v42, v2;
	v40 =	vsub.f32 $1.500000000e+00, v36  }
0x16a: {  	[tilespmem:$0xF980] =	vst v7;
	v0 =	vmul.f32 v5, v0;
	v48 =	vmul.f32 v41, v30  }
0x16b: {  	[tilespmem:$0xF990] =	vst v4;
	v3 =	vmul.f32 v9, v3;
	v4 =	vsub.f32 $1.500000000e+00, v45;
	v1 =	vmul.f32 v40, v1  }
0x16c: {  	p2 =	seq.s32 s31, $0x1;
	[tilespmem:$0xFC70] =	vst v61;
	v44 =	vmul.f32 v0, v16;
	v10 =	vmul.f32 v48, v41  }
0x16d: {  	[tilespmem:$0xFC00] =	vst v32;
	v49 =	vpsel !p2, $0x0, v12;
	v2 =	vmul.f32 v4, v2;
	v50 =	vmul.f32 v1, v17  }
0x16e: {  	[tilespmem:$0xFC30] =	vst v46;
	v5 =	vmul.f32 v49, v39;
	v47 =	vmul.f32 v44, v0;
	v53 =	vsub.f32 $1.500000000e+00, v10  }
0x16f: {  	[tilespmem:$0xFE80] =	vst v38;
	v3 =	vpsel !p3, $0x0, v3;
	v54 =	vmul.f32 v2, v18  }
0x170: {  	v52 =	vmul.f32 v50, v1;
	[tilespmem:$0xFEA0] =	vst v5;
	v8 =	vsub.f32 $1.500000000e+00, v47;
	v5 =	vmul.f32 v53, v41  }
0x171: {  	v58 =	vld [tilespmem:$0xF760];
	[tilespmem:$0xF9B0] =	vst v3;
	v3 =	vmul.f32 v3, v46;
	v56 =	vmul.f32 v54, v2  }
0x172: {  	[tilespmem:$0xFE90] =	vst v43;
	v7 =	vsub.f32 $1.500000000e+00, v52;
	v0 =	vmul.f32 v8, v0;
	v57 =	vmul.f32 v5, v30  }
0x173: {  	[tilespmem:$0xFEB0] =	vst v3;
	v3 =	vsub.f32 $1.500000000e+00, v56  }
0x174: {  	[tilespmem:$0xF9A0] =	vst v49;
	v1 =	vmul.f32 v7, v1;
	v0 =	vpsel !p4, $0x0, v0;
	v60 =	vmul.f32 v57, v5  }
0x175: {  	[tilespmem:$0xF9C0] =	vst v0;
	v0 =	vmul.f32 v0, v51  }
0x176: {  	[tilespmem:$0xFC60] =	vst v58;
	v2 =	vmul.f32 v3, v2;
	v59 =	vpsel !p5, $0x0, v1;
	v1 =	vsub.f32 $1.500000000e+00, v60  }
0x177: {  	[tilespmem:$0xFEC0] =	vst v0;
	v0 =	vmul.f32 v59, v55  }
0x178: {  	v62 =	vpsel !p6, $0x0, v2;
	[tilespmem:$0xF9D0] =	vst v59;
	v1 =	vmul.f32 v1, v5  }
0x179: {  	[tilespmem:$0xFED0] =	vst v0;
	v0 =	vmul.f32 v62, v58  }
0x17a: {  	[tilespmem:$0xF9E0] =	vst v62;
	v63 =	vpsel !p0, $0x0, v1  }
0x17b: {  	[tilespmem:$0xFEE0] =	vst v0;
	v0 =	vmul.f32 v63, v61  }
0x17c: {  	[tilespmem:$0xF9F0] =	vst v63  }
0x17d: {  	s25 =	simm.s32 $0x0;
	[tilespmem:$0xFEF0] =	vst v0  }
.LBB2_6:
0x17e: {  	[spmem:s8] =	stream.linear.scatter [tilespmem:s16], [sflag:$0x4], $0x280, $0x38;
	[tilespmem:$0x10480] =	vst v63  }
0x17f: {  	_ =	swait.ge [sflag:s17], $0x280  }
0x180: {  	[sflag:s17] =	ssyncset.done $0x0  }
0x181: {  	[sflag:s17] =	ssyncadd.s32 $0xFFFFFD80  }
0x182: {  	[spmem:s9] =	stream.linear.scatter [tilespmem:s22], [sflag:$0x4], $0x280, $0x38;
	[tilespmem:$0x10480] =	vst v63  }
0x183: {  	_ =	swait.ge [sflag:s17], $0x280  }
0x184: {  	[sflag:s17] =	ssyncset.done $0x0  }
0x185: {  	[sflag:s17] =	ssyncadd.s32 $0xFFFFFD80  }
0x186: {  	s26 =	simm.s32 $0x0;
	[bflag:$0x0] =	sbarrier.arrive $0xFFFF  }
.LBB2_7:
0x187: {  	p2 =	sne.s32 s26, $0x13E00  }
.Ltmp2:
0x188: {  	_ = 	snop;
	(pc) =	sbr.rel @p2 .LBB2_7-.Ltmp2, $4  }
0x189: {  	_ = 	snop  }
0x18a: {  	s28 =	sshra.s32 s26, $0x2  }
0x18b: {  	s26 =	sadd.s32 $0x200, s26;
	s29 =	sadd.s32 $0xA500, s28;
	s28 =	sadd.s32 $0x500, s28  }
0x18c: {  	[tilespmem:s29], [sflag:$0x2] =	stream.indirect.gather [spmem:s3], $0x1, s28, s18, $0xb8;
	[tilespmem:$0x10480] =	vst v63  }
0x18d: {  	s26 =	simm.s32 $0xA0  }
.LBB2_9:
0x18e: {  	p2 =	sne.s32 s26, $0x1  }
.Ltmp3:
0x18f: {  	_ = 	snop;
	(pc) =	sbr.rel @p2 .LBB2_9-.Ltmp3, $4  }
0x190: {  	_ = 	snop  }
0x191: {  	_ =	swait.ge [sflag:s23], $0x80  }
0x192: {  	[sflag:s23] =	ssyncset.done $0x0  }
0x193: {  	s26 =	sadd.s32 $0xFFFFFFFF, s26;
	[sflag:s23] =	ssyncadd.s32 $0xFFFFFF80  }
0x194: {  	s26 =	simm.s32 $0x0  }
.LBB2_11:
0x195: {  	p2 =	sne.s32 s26, $0x13E00  }
.Ltmp4:
0x196: {  	_ = 	snop;
	(pc) =	sbr.rel @p2 .LBB2_11-.Ltmp4, $4  }
0x197: {  	_ = 	snop  }
0x198: {  	s28 =	sshra.s32 s26, $0x2  }
0x199: {  	s26 =	sadd.s32 $0x200, s26;
	s29 =	sadd.s32 $0xA500, s28;
	s28 =	sadd.s32 $0x5500, s28  }
0x19a: {  	[spmem:s2] =	stream.indirect.scatter.add.f32 [tilespmem:s29], [sflag:$0x3], $0x1, s28, s18, $0xb8;
	[tilespmem:$0x10480] =	vst v63  }
0x19b: {  	_ =	swait.ge [sflag:s20], $0x80  }
0x19c: {  	s26 =	simm.s32 $0x9F;
	[sflag:s20] =	ssyncset.done $0x0  }
.LBB2_13:
0x19d: {  	p2 =	sne.s32 s26, $0x1;
	s26 =	sadd.s32 $0xFFFFFFFF, s26;
	[sflag:s20] =	ssyncadd.s32 $0xFFFFFF80  }
.Ltmp5:
0x19e: {  	(pc) =	sbr.rel @p2 .LBB2_13-.Ltmp5, $3  }
0x19f: {  	_ =	sdelay $0x1  }
0x1a0: {  	_ =	swait.ge [sflag:s20], $0x80  }
0x1a1: {  	[sflag:s20] =	ssyncset.done $0x0  }
0x1a2: {  	[sflag:s20] =	ssyncadd.s32 $0xFFFFFF80  }
0x1a3: {  	[bflag:$0x0] =	sbarrier.arrive $0xFFFF  }
0x1a4: {  	[tilespmem:s21], [sflag:$0x4] =	stream.linear.gather [spmem:s8], $0x280, $0x38;
	[tilespmem:$0x10480] =	vst v63  }
0x1a5: {  	_ =	swait.ge [sflag:s17], $0x280  }
0x1a6: {  	[sflag:s17] =	ssyncset.done $0x0  }
0x1a7: {  	[sflag:s17] =	ssyncadd.s32 $0xFFFFFD80  }
0x1a8: {  	v33 =	vld [tilespmem:$0xF780]  }
0x1a9: {  	v0 =	vld [tilespmem:$0xFF00]  }
0x1aa: {  	v1 =	vld [tilespmem:$0xFA00]  }
0x1ab: {  	v36 =	vld [tilespmem:$0xF500]  }
0x1ac: {  	v34 =	vld [tilespmem:$0xF790]  }
0x1ad: {  	v3 =	vld [tilespmem:$0xFF10]  }
0x1ae: {  	v4 =	vld [tilespmem:$0xFA10]  }
0x1af: {  	v44 =	vld [tilespmem:$0xF510]  }
0x1b0: {  	v35 =	vld [tilespmem:$0xF7A0]  }
0x1b1: {  	v6 =	vld [tilespmem:$0xFF20]  }
0x1b2: {  	v8 =	vld [tilespmem:$0xFA20]  }
0x1b3: {  	v54 =	vld [tilespmem:$0xF520]  }
0x1b4: {  	v12 =	vld [tilespmem:$0xF7B0]  }
0x1b5: {  	v16 =	vld [tilespmem:$0xFF30]  }
0x1b6: {  	v19 =	vld [tilespmem:$0xFA30]  }
0x1b7: {  	v47 =	vld [tilespmem:$0xF530]  }
0x1b8: {  	v28 =	vld [tilespmem:$0xF7C0]  }
0x1b9: {  	v21 =	vld [tilespmem:$0xFF40]  }
0x1ba: {  	v22 =	vld [tilespmem:$0xFA40]  }
0x1bb: {  	v46 =	vld [tilespmem:$0xF540]  }
0x1bc: {  	v23 =	vld [tilespmem:$0xF7D0]  }
0x1bd: {  	v26 =	vld [tilespmem:$0xFF50]  }
0x1be: {  	v40 =	vld [tilespmem:$0xFA50]  }
0x1bf: {  	v56 =	vld [tilespmem:$0xF550]  }
0x1c0: {  	v15 =	vld [tilespmem:$0xF7E0]  }
0x1c1: {  	v41 =	vld [tilespmem:$0xFF60]  }
0x1c2: {  	v42 =	vld [tilespmem:$0xFA60]  }
0x1c3: {  	v57 =	vld [tilespmem:$0xF560]  }
0x1c4: {  	v30 =	vld [tilespmem:$0xF7F0]  }
0x1c5: {  	v45 =	vld [tilespmem:$0xFF70]  }
0x1c6: {  	v43 =	vld [tilespmem:$0xFA70]  }
0x1c7: {  	v58 =	vld [tilespmem:$0xF570]  }
0x1c8: {  	v31 =	vld [tilespmem:$0xF800]  }
0x1c9: {  	v53 =	vld [tilespmem:$0xFF80]  }
0x1ca: {  	v59 =	vld [tilespmem:$0xFA80]  }
0x1cb: {  	v55 =	vld [tilespmem:$0xF580]  }
0x1cc: {  	v32 =	vld [tilespmem:$0xF810]  }
0x1cd: {  	v60 =	vld [tilespmem:$0xFF90]  }
0x1ce: {  	v61 =	vld [tilespmem:$0xFA90]  }
0x1cf: {  	v51 =	vld [tilespmem:$0xF590]  }
0x1d0: {  	v29 =	vld [tilespmem:$0xF820]  }
0x1d1: {  	v62 =	vld [tilespmem:$0xFFA0]  }
0x1d2: {  	v63 =	vld [tilespmem:$0xFAA0]  }
0x1d3: {  	v49 =	vld [tilespmem:$0xF5A0]  }
0x1d4: {  	v17 =	vld [tilespmem:$0xF830]  }
0x1d5: {  	v14 =	vld [tilespmem:$0xFFB0]  }
0x1d6: {  	v18 =	vld [tilespmem:$0xFAB0]  }
0x1d7: {  	v48 =	vld [tilespmem:$0xF5B0]  }
0x1d8: {  	v11 =	vld [tilespmem:$0xF840]  }
0x1d9: {  	v27 =	vld [tilespmem:$0xFFC0]  }
0x1da: {  	v7 =	vld [tilespmem:$0xFAC0]  }
0x1db: {  	v2 =	vld [tilespmem:$0xF5C0]  }
0x1dc: {  	v13 =	vld [tilespmem:$0xF850]  }
0x1dd: {  	v25 =	vld [tilespmem:$0xFFD0]  }
0x1de: {  	v24 =	vld [tilespmem:$0xFAD0]  }
0x1df: {  	v5 =	vld [tilespmem:$0xF5D0]  }
0x1e0: {  	v20 =	vld [tilespmem:$0xF860]  }
0x1e1: {  	v9 =	vld [tilespmem:$0xFFE0]  }
0x1e2: {  	v10 =	vld [tilespmem:$0xF5E0]  }
0x1e3: {  	v37 =	vld [tilespmem:$0xFFF0]  }
0x1e4: {  	v38 =	vld [tilespmem:$0xF5F0]  }
0x1e5: {  	v52 =	vld [tilespmem:$0xFAE0]  }
0x1e6: {  	v50 =	vld [tilespmem:$0xFAF0]  }
0x1e7: {  	v39 =	vld [tilespmem:$0x10000];
	[tilespmem:$0x1FF90] =	vst v10  }
0x1e8: {  	v10 =	vld [tilespmem:$0xF870];
	[tilespmem:$0x1FF70] =	vst v37  }
0x1e9: {  	[tilespmem:$0x1FFA0] =	vst v38;
	v37 =	vmul.f32 v1, v33;
	v38 =	vld [tilespmem:$0xF880]  }
0x1ea: {  	[tilespmem:$0x1FF80] =	vst v5;
	v4 =	vmul.f32 v4, v34;
	v5 =	vld [tilespmem:$0xFB00];
	v40 =	vmul.f32 v40, v23  }
0x1eb: {  	v8 =	vmul.f32 v8, v35;
	v61 =	vmul.f32 v61, v32;
	v1 =	vadd.f32 v37, v0;
	v37 =	vld [tilespmem:$0xF890]  }
0x1ec: {  	[tilespmem:$0x1FF50] =	vst v9;
	v9 =	vmul.f32 $8.999999760e-01, v34;
	v4 =	vadd.f32 v4, v3;
	v0 =	vadd.f32 v40, v26;
	v26 =	vld [tilespmem:$0x10020]  }
0x1ed: {  	[tilespmem:$0x1FFC0] =	vst v39;
	v39 =	vmul.f32 $8.999999760e-01, v33;
	v7 =	vmul.f32 v7, v11;
	v61 =	vadd.f32 v61, v60;
	v60 =	vld [tilespmem:$0xF630]  }
0x1ee: {  	v3 =	vmul.f32 $8.999999760e-01, v23;
	v9 =	vmul.f32 v4, v9;
	v4 =	vadd.f32 v8, v6;
	v8 =	vld [tilespmem:$0x10010]  }
0x1ef: {  	[tilespmem:$0x1FF60] =	vst v2;
	v2 =	vmul.f32 v1, v39;
	v39 =	vld [tilespmem:$0xFB10];
	v1 =	vmul.f32 v42, v15  }
0x1f0: {  	v63 =	vmul.f32 v63, v29;
	v7 =	vadd.f32 v7, v27;
	v27 =	vmul.f32 $1.000000010e-01, v44;
	[tilespmem:$0x1FFB0] =	vst v5;
	v5 =	vld [tilespmem:$0xF600]  }
0x1f1: {  	v42 =	vmul.f32 v0, v3;
	v0 =	vmul.f32 $8.999999760e-01, v32;
	v40 =	vadd.f32 v1, v41;
	v41 =	vld [tilespmem:$0x10030]  }
0x1f2: {  	v36 =	vmul.f32 $1.000000010e-01, v36;
	v44 =	vmul.f32 $8.999999760e-01, v11;
	v1 =	vadd.f32 v63, v62;
	v62 =	vld [tilespmem:$0x10040]  }
0x1f3: {  	v61 =	vmul.f32 v61, v0;
	v63 =	vmul.f32 $8.999999760e-01, v29;
	v9 =	vadd.f32 v9, v27;
	v27 =	vld [tilespmem:$0xF650]  }
0x1f4: {  	v0 =	vmul.f32 v24, v13;
	v24 =	vmul.f32 v7, v44;
	v7 =	vld [tilespmem:$0xF8E0]  }
0x1f5: {  	v19 =	vmul.f32 v19, v12;
	v44 =	vmul.f32 $1.000000010e-01, v47;
	v47 =	vld [tilespmem:$0xFB70]  }
0x1f6: {  	v6 =	vmul.f32 $8.999999760e-01, v35;
	v2 =	vadd.f32 v2, v36;
	v3 =	vmul.f32 v1, v63;
	v63 =	vld [tilespmem:$0xF640]  }
0x1f7: {  	v25 =	vadd.f32 v0, v25;
	v0 =	vmul.f32 $1.000000010e-01, v54;
	v1 =	vmul.f32 $8.999999760e-01, v13;
	v54 =	vld [tilespmem:$0xFB50]  }
0x1f8: {  	[tilespmem:$0x1FFD0] =	vst v8;
	v8 =	vadd.f32 v19, v16;
	v19 =	vmul.f32 v22, v28;
	v22 =	vmul.f32 $8.999999760e-01, v12;
	v16 =	vld [tilespmem:$0xF610]  }
0x1f9: {  	[tilespmem:$0x1FFE0] =	vst v5;
	v5 =	vmul.f32 v4, v6;
	v6 =	vld [tilespmem:$0xF8A0];
	v4 =	vmul.f32 v43, v30  }
0x1fa: {  	v43 =	vld [tilespmem:$0xFB20];
	v1 =	vmul.f32 v25, v1;
	v25 =	vmul.f32 v2, v33  }
0x1fb: {  	v33 =	vmul.f32 $1.000000010e-01, v56;
	v56 =	vld [tilespmem:$0xFB60];
	v22 =	vmul.f32 v8, v22  }
0x1fc: {  	v8 =	vadd.f32 v19, v21;
	v19 =	vmul.f32 $8.999999760e-01, v28;
	v21 =	vld [tilespmem:$0xF620];
	v45 =	vadd.f32 v4, v45  }
0x1fd: {  	v4 =	vmul.f32 $8.999999760e-01, v30;
	v0 =	vadd.f32 v5, v0;
	v5 =	vmul.f32 $1.000000010e-01, v46;
	v46 =	vld [tilespmem:$0x10060]  }
0x1fe: {  	v59 =	vmul.f32 v59, v31;
	v58 =	vmul.f32 $1.000000010e-01, v58;
	v42 =	vadd.f32 v42, v33;
	v33 =	vld [tilespmem:$0xF660]  }
0x1ff: {  	v19 =	vmul.f32 v8, v19;
	v8 =	vld [tilespmem:$0xF8B0];
	v22 =	vadd.f32 v22, v44;
	v4 =	vmul.f32 v45, v4  }
0x200: {  	v45 =	vadd.f32 v59, v53;
	v53 =	vld [tilespmem:$0xFB30];
	v35 =	vmul.f32 v0, v35;
	v44 =	vmul.f32 v42, v23  }
0x201: {  	v23 =	vld [tilespmem:$0xF900];
	v5 =	vadd.f32 v19, v5;
	v19 =	vmul.f32 v9, v34;
	v34 =	vmul.f32 $1.000000010e-01, v57  }
0x202: {  	[tilespmem:$0x1FFF0] =	vst v16;
	v57 =	vmul.f32 $1.000000010e-01, v55;
	v55 =	vmul.f32 v52, v20;
	v52 =	vld [tilespmem:$0x1FF70]  }
0x203: {  	v16 =	vmul.f32 $8.999999760e-01, v15;
	[tilespmem:$0xFCA0] =	vst v35;
	v35 =	vld [tilespmem:$0x10080]  }
0x204: {  	v4 =	vadd.f32 v4, v58;
	v58 =	vmul.f32 $1.000000010e-01, v51;
	v51 =	vmul.f32 $1.000000010e-01, v48;
	v48 =	vld [tilespmem:$0xFB90]  }
0x205: {  	v40 =	vmul.f32 v40, v16;
	v16 =	vmul.f32 $8.999999760e-01, v31;
	[tilespmem:$0xFCD0] =	vst v44;
	v44 =	vld [tilespmem:$0x100A0]  }
0x206: {  	[tilespmem:$0xFC80] =	vst v25;
	v25 =	vmul.f32 v5, v28;
	v28 =	vld [tilespmem:$0xF670]  }
0x207: {  	v59 =	vmul.f32 v45, v16;
	v45 =	vmul.f32 v18, v17;
	v18 =	vld [tilespmem:$0xF8C0]  }
0x208: {  	[tilespmem:$0xFA00] =	vst v2;
	v2 =	vadd.f32 v40, v34;
	v40 =	vmul.f32 v22, v12;
	v12 =	vld [tilespmem:$0xF8F0]  }
0x209: {  	v34 =	vld [tilespmem:$0x10070]  }
0x20a: {  	[tilespmem:$0xFC90] =	vst v19;
	v19 =	vadd.f32 v61, v58;
	v58 =	vld [tilespmem:$0x1FF50]  }
0x20b: {  	v14 =	vadd.f32 v45, v14;
	v45 =	vld [tilespmem:$0xFB40]  }
0x20c: {  	[tilespmem:$0xFA10] =	vst v9;
	v16 =	vmul.f32 $8.999999760e-01, v17;
	v9 =	vadd.f32 v59, v57;
	v57 =	vmul.f32 v50, v10;
	v50 =	vld [tilespmem:$0xF680]  }
0x20d: {  	v59 =	vmul.f32 $1.000000010e-01, v49;
	v49 =	vmul.f32 v2, v15;
	v15 =	vld [tilespmem:$0xF910]  }
0x20e: {  	v36 =	vmul.f32 v14, v16;
	v14 =	vld [tilespmem:$0xF8D0]  }
0x20f: {  	v16 =	vld [tilespmem:$0x10050]  }
0x210: {  	[tilespmem:$0xFA20] =	vst v0;
	v0 =	vadd.f32 v3, v59;
	v59 =	vld [tilespmem:$0x1FF60]  }
0x211: {  	[tilespmem:$0xFA40] =	vst v5;
	v3 =	vmul.f32 v9, v31;
	v31 =	vmul.f32 v19, v32;
	v32 =	vadd.f32 v55, v58;
	v55 =	vld [tilespmem:$0x1FF80]  }
0x212: {  	v5 =	vadd.f32 v57, v52;
	[tilespmem:$0xFCE0] =	vst v49;
	v49 =	vld [tilespmem:$0x1FFC0];
	v58 =	vmul.f32 $8.999999760e-01, v10  }
0x213: {  	[tilespmem:$0xFA30] =	vst v22;
	v22 =	vadd.f32 v36, v51;
	v36 =	vld [tilespmem:$0xFB80]  }
0x214: {  	v43 =	vmul.f32 v43, v6;
	v5 =	vmul.f32 v5, v58;
	v58 =	vld [tilespmem:$0x1FFB0]  }
0x215: {  	v61 =	vmul.f32 $8.999999760e-01, v20;
	[tilespmem:$0xFCB0] =	vst v40;
	v40 =	vmul.f32 $1.000000010e-01, v59;
	v59 =	vld [tilespmem:$0x1FF90]  }
0x216: {  	v30 =	vmul.f32 v4, v30;
	v57 =	vmul.f32 $1.000000010e-01, v55;
	v55 =	vld [tilespmem:$0x1FFA0]  }
0x217: {  	[tilespmem:$0xFA80] =	vst v9;
	v9 =	vld [tilespmem:$0xF930];
	v29 =	vmul.f32 v0, v29;
	v32 =	vmul.f32 v32, v61;
	v24 =	vadd.f32 v24, v40  }
0x218: {  	[tilespmem:$0xFCC0] =	vst v25;
	v51 =	vld [tilespmem:$0x100B0];
	v45 =	vmul.f32 v45, v18;
	v25 =	vmul.f32 v22, v17  }
0x219: {  	v17 =	vld [tilespmem:$0xF690];
	v36 =	vmul.f32 v36, v23;
	v1 =	vadd.f32 v1, v57;
	v52 =	vmul.f32 v24, v11  }
0x21a: {  	[tilespmem:$0xFD20] =	vst v29;
	v29 =	vld [tilespmem:$0x100C0];
	v61 =	vmul.f32 $1.000000010e-01, v59;
	v59 =	vmul.f32 v58, v38  }
0x21b: {  	v13 =	vmul.f32 v1, v13;
	v58 =	vld [tilespmem:$0x1FFD0];
	v57 =	vmul.f32 $1.000000010e-01, v55  }
0x21c: {  	[tilespmem:$0xFA50] =	vst v42;
	v11 =	vld [tilespmem:$0xF920];
	v32 =	vadd.f32 v32, v61;
	v61 =	vmul.f32 $8.999999760e-01, v38;
	v42 =	vadd.f32 v59, v49  }
0x21d: {  	[tilespmem:$0xFA70] =	vst v4;
	v55 =	vmul.f32 v39, v37;
	v39 =	vld [tilespmem:$0xFBA0];
	v5 =	vadd.f32 v5, v57;
	v57 =	vmul.f32 $8.999999760e-01, v37  }
0x21e: {  	[tilespmem:$0xFA60] =	vst v2;
	v59 =	vld [tilespmem:$0x1FFE0];
	v4 =	vmul.f32 v32, v20;
	v2 =	vmul.f32 v42, v61  }
0x21f: {  	v40 =	vld [tilespmem:$0x10090];
	[tilespmem:$0xFD50] =	vst v13;
	v13 =	vadd.f32 v36, v35;
	v61 =	vmul.f32 v53, v8;
	v53 =	vmul.f32 $8.999999760e-01, v6  }
0x220: {  	[tilespmem:$0xFCF0] =	vst v30;
	v49 =	vld [tilespmem:$0xF6B0];
	v30 =	vmul.f32 v5, v10;
	v20 =	vadd.f32 v55, v58;
	v58 =	vmul.f32 $8.999999760e-01, v8  }
0x221: {  	v35 =	vld [tilespmem:$0xF6E0];
	v55 =	vadd.f32 v43, v26;
	v43 =	vmul.f32 $1.000000010e-01, v60;
	v60 =	vmul.f32 $1.000000010e-01, v63  }
0x222: {  	[tilespmem:$0xFD00] =	vst v3;
	v42 =	vld [tilespmem:$0xF6A0];
	v63 =	vmul.f32 $1.000000010e-01, v27;
	v41 =	vadd.f32 v61, v41;
	v61 =	vmul.f32 $1.000000010e-01, v21  }
0x223: {  	[tilespmem:$0xFAE0] =	vst v32;
	v32 =	vld [tilespmem:$0xFBF0];
	v39 =	vmul.f32 v39, v11;
	v3 =	vmul.f32 $1.000000010e-01, v59  }
0x224: {  	[tilespmem:$0xFA90] =	vst v19;
	v26 =	vld [tilespmem:$0xFBB0];
	v19 =	vmul.f32 v20, v57;
	v59 =	vmul.f32 v55, v53  }
0x225: {  	[tilespmem:$0xFD10] =	vst v31;
	v10 =	vld [tilespmem:$0xF940];
	v53 =	vmul.f32 v54, v14;
	v54 =	vmul.f32 $8.999999760e-01, v18;
	v55 =	vadd.f32 v45, v62  }
0x226: {  	[tilespmem:$0xFAA0] =	vst v0;
	v27 =	vld [tilespmem:$0x100E0];
	v62 =	vmul.f32 v47, v12;
	v47 =	vmul.f32 $8.999999760e-01, v12  }
0x227: {  	[tilespmem:$0xFAB0] =	vst v22;
	v57 =	vld [tilespmem:$0x1FFF0];
	v41 =	vmul.f32 v41, v58;
	v0 =	vadd.f32 v2, v3;
	v58 =	vmul.f32 v55, v54  }
0x228: {  	[tilespmem:$0xFD30] =	vst v25;
	v21 =	vld [tilespmem:$0xF6C0];
	v3 =	vadd.f32 v53, v16;
	v53 =	vmul.f32 $1.000000010e-01, v33;
	v54 =	vmul.f32 $8.999999760e-01, v23  }
0x229: {  	[tilespmem:$0xFD70] =	vst v30;
	v30 =	vld [tilespmem:$0xF980];
	v20 =	vadd.f32 v41, v43;
	v45 =	vmul.f32 v26, v9;
	v22 =	vmul.f32 v0, v38  }
0x22a: {  	[tilespmem:$0xFAD0] =	vst v1;
	v2 =	vld [tilespmem:$0xF950];
	v1 =	vadd.f32 v58, v60;
	v58 =	vmul.f32 $1.000000010e-01, v28;
	v13 =	vmul.f32 v13, v54  }
0x22b: {  	[tilespmem:$0xFAC0] =	vst v24;
	v16 =	vld [tilespmem:$0x100D0];
	v60 =	vmul.f32 v48, v15;
	v54 =	vmul.f32 $8.999999760e-01, v10  }
0x22c: {  	[tilespmem:$0xFD40] =	vst v52;
	v52 =	vadd.f32 v62, v34;
	v34 =	vld [tilespmem:$0xFBE0];
	v31 =	vmul.f32 $1.000000010e-01, v57;
	v8 =	vmul.f32 v20, v8  }
0x22d: {  	[tilespmem:$0xFAF0] =	vst v5;
	v33 =	vld [tilespmem:$0xF990];
	v57 =	vmul.f32 $8.999999760e-01, v14;
	v51 =	vadd.f32 v45, v51;
	v45 =	vmul.f32 $1.000000010e-01, v35  }
0x22e: {  	[tilespmem:$0xFD60] =	vst v4;
	v38 =	vld [tilespmem:$0xFBC0];
	v19 =	vadd.f32 v19, v31;
	v31 =	vadd.f32 v59, v61;
	v59 =	vmul.f32 v56, v7  }
0x22f: {  	v43 =	vld [tilespmem:$0xF6D0];
	[tilespmem:$0xFB00] =	vst v0;
	v41 =	vmul.f32 v3, v57;
	v61 =	vmul.f32 $8.999999760e-01, v7  }
0x230: {  	v26 =	vld [tilespmem:$0xF700];
	[tilespmem:$0xFB30] =	vst v20;
	v56 =	vmul.f32 v1, v18;
	v57 =	vmul.f32 v52, v47  }
0x231: {  	v28 =	vld [tilespmem:$0x100F0];
	[tilespmem:$0xFD80] =	vst v22;
	v25 =	vmul.f32 v19, v37;
	v6 =	vmul.f32 v31, v6;
	v24 =	vadd.f32 v59, v46  }
0x232: {  	v35 =	vld [tilespmem:$0xF9F0];
	[tilespmem:$0xFB40] =	vst v1;
	v55 =	vadd.f32 v41, v63;
	v59 =	vmul.f32 $1.000000010e-01, v50;
	v41 =	vmul.f32 $8.999999760e-01, v11  }
0x233: {  	v22 =	vld [tilespmem:$0xF6F0];
	[tilespmem:$0xFDB0] =	vst v8;
	v47 =	vmul.f32 v38, v10;
	v50 =	vmul.f32 $8.999999760e-01, v9  }
0x234: {  	v3 =	vld [tilespmem:$0xF960];
	v18 =	vadd.f32 v57, v58;
	[tilespmem:$0xFDC0] =	vst v56;
	v56 =	vmul.f32 $1.000000010e-01, v49;
	v58 =	vmul.f32 $1.000000010e-01, v21  }
0x235: {  	v52 =	vld [tilespmem:$0x10110];
	[tilespmem:$0xFB10] =	vst v19;
	v46 =	vmul.f32 v24, v61;
	v14 =	vmul.f32 v55, v14  }
0x236: {  	v37 =	vld [tilespmem:$0xFBD0];
	[tilespmem:$0xFB20] =	vst v31;
	v13 =	vadd.f32 v13, v59;
	v61 =	vmul.f32 $8.999999760e-01, v15;
	v63 =	vmul.f32 v18, v12  }
0x237: {  	v31 =	vld [tilespmem:$0x10100];
	[tilespmem:$0xFD90] =	vst v25;
	v12 =	vadd.f32 v39, v44;
	v8 =	vmul.f32 v51, v50;
	v39 =	vmul.f32 $1.000000010e-01, v43  }
0x238: {  	v62 =	vadd.f32 v60, v40;
	v38 =	vld [tilespmem:$0x10130];
	[tilespmem:$0xFDA0] =	vst v6;
	v50 =	vmul.f32 $1.000000010e-01, v22;
	v51 =	vmul.f32 $8.999999760e-01, v33  }
0x239: {  	v49 =	vld [tilespmem:$0x10140];
	[tilespmem:$0xFB50] =	vst v55;
	v36 =	vmul.f32 $8.999999760e-01, v3;
	v40 =	vmul.f32 v13, v23  }
0x23a: {  	v24 =	vld [tilespmem:$0xF970];
	[tilespmem:$0xFB70] =	vst v18;
	v5 =	vadd.f32 v46, v53;
	v19 =	vmul.f32 v62, v61;
	v46 =	vmul.f32 $1.000000010e-01, v17  }
0x23b: {  	v55 =	vld [tilespmem:$0xFC10];
	v48 =	vmul.f32 v12, v41;
	v53 =	vmul.f32 $1.000000010e-01, v42;
	[tilespmem:$0xFDD0] =	vst v14  }
0x23c: {  	v23 =	vld [tilespmem:$0xFC00];
	v17 =	vadd.f32 v47, v29;
	v61 =	vmul.f32 v34, v3;
	[tilespmem:$0xFDF0] =	vst v63;
	v34 =	vmul.f32 $8.999999760e-01, v2  }
0x23d: {  	v14 =	vld [tilespmem:$0xF710];
	v8 =	vadd.f32 v8, v56;
	[tilespmem:$0xFB80] =	vst v13;
	v47 =	vmul.f32 $8.999999760e-01, v30;
	v60 =	vmul.f32 v37, v2  }
0x23e: {  	v62 =	vld [tilespmem:$0xFC20];
	v7 =	vmul.f32 v5, v7;
	v1 =	vadd.f32 v19, v46;
	[tilespmem:$0xFB60] =	vst v5;
	v57 =	vmul.f32 v17, v54  }
0x23f: {  	v0 =	vadd.f32 v48, v53;
	v17 =	vld [tilespmem:$0xF9A0];
	v63 =	vmul.f32 v8, v9;
	[tilespmem:$0xFE00] =	vst v40;
	v54 =	vmul.f32 $1.000000010e-01, v26  }
0x240: {  	v5 =	vadd.f32 v61, v27;
	v19 =	vld [tilespmem:$0xF9B0];
	[tilespmem:$0xFBB0] =	vst v8;
	v37 =	vmul.f32 v32, v24;
	v41 =	vmul.f32 $8.999999760e-01, v24  }
0x241: {  	v40 =	vld [tilespmem:$0xFC30];
	v12 =	vadd.f32 v60, v16;
	v46 =	vmul.f32 v55, v33;
	[tilespmem:$0xFDE0] =	vst v7;
	v59 =	vmul.f32 v1, v15  }
0x242: {  	v27 =	vld [tilespmem:$0xF9C0];
	v11 =	vmul.f32 v0, v11;
	v4 =	vadd.f32 v57, v58;
	[tilespmem:$0xFB90] =	vst v1;
	v5 =	vmul.f32 v5, v36  }
0x243: {  	v43 =	vld [tilespmem:$0xF730];
	[tilespmem:$0xFBA0] =	vst v0;
	v9 =	vmul.f32 v12, v34;
	v12 =	vadd.f32 v37, v28;
	v42 =	vmul.f32 v23, v30  }
0x244: {  	v16 =	vld [tilespmem:$0xF720];
	[tilespmem:$0xFE30] =	vst v63;
	v58 =	vmul.f32 $1.000000010e-01, v14;
	v10 =	vmul.f32 v4, v10  }
0x245: {  	v15 =	vld [tilespmem:$0x10120];
	[tilespmem:$0xFE10] =	vst v59;
	v1 =	vadd.f32 v5, v45;
	v7 =	vmul.f32 v12, v41;
	v59 =	vmul.f32 v62, v17  }
0x246: {  	v55 =	vld [tilespmem:$0xF740];
	[tilespmem:$0xFE20] =	vst v11;
	v44 =	vadd.f32 v9, v39;
	v26 =	vmul.f32 $8.999999760e-01, v17;
	v13 =	vmul.f32 v40, v19  }
0x247: {  	v60 =	vld [tilespmem:$0xFC50];
	[tilespmem:$0xFBC0] =	vst v4;
	v48 =	vadd.f32 v42, v31;
	v34 =	vmul.f32 $8.999999760e-01, v19;
	v37 =	vmul.f32 $8.999999760e-01, v27  }
0x248: {  	v9 =	vadd.f32 v46, v52;
	v52 =	vld [tilespmem:$0xFC40];
	v41 =	vmul.f32 $1.000000010e-01, v43;
	[tilespmem:$0xFE40] =	vst v10;
	v61 =	vmul.f32 v1, v3  }
0x249: {  	v40 =	vld [tilespmem:$0xF750];
	[tilespmem:$0xFBE0] =	vst v1;
	v36 =	vmul.f32 $1.000000010e-01, v16;
	v53 =	vmul.f32 v48, v47  }
0x24a: {  	v63 =	vld [tilespmem:$0x10150];
	v56 =	vadd.f32 v7, v50;
	v2 =	vmul.f32 v44, v2;
	[tilespmem:$0xFBD0] =	vst v44;
	v6 =	vadd.f32 v59, v15  }
0x24b: {  	v57 =	vmul.f32 v9, v51;
	v9 =	vld [tilespmem:$0xF9D0];
	v13 =	vadd.f32 v13, v38;
	v48 =	vmul.f32 $1.000000010e-01, v55;
	[tilespmem:$0xFE60] =	vst v61  }
0x24c: {  	v28 =	vld [tilespmem:$0xF9E0];
	v5 =	vadd.f32 v53, v54;
	v62 =	vmul.f32 v56, v24;
	[tilespmem:$0xFE50] =	vst v2;
	v31 =	vmul.f32 v6, v26  }
0x24d: {  	v38 =	vld [tilespmem:$0xFC70];
	v7 =	vadd.f32 v57, v58;
	[tilespmem:$0xFBF0] =	vst v56;
	v4 =	vmul.f32 v13, v34;
	v56 =	vmul.f32 $8.999999760e-01, v35  }
0x24e: {  	v43 =	vld [tilespmem:$0x10170];
	v32 =	vmul.f32 v52, v27;
	v54 =	vmul.f32 $1.000000010e-01, v40;
	[tilespmem:$0xFE70] =	vst v62  }
0x24f: {  	v24 =	vmul.f32 v5, v30;
	v29 =	vmul.f32 v7, v33;
	v33 =	vld [tilespmem:$0xFC60];
	[tilespmem:$0xFC00] =	vst v5  }
0x250: {  	v51 =	vld [tilespmem:$0xF770];
	v0 =	vadd.f32 v31, v36;
	[tilespmem:$0xFC10] =	vst v7;
	v10 =	vmul.f32 v60, v9;
	v6 =	vadd.f32 v32, v49  }
0x251: {  	v30 =	vld [tilespmem:$0x10160];
	v46 =	vadd.f32 v4, v41;
	v39 =	vmul.f32 $8.999999760e-01, v9;
	v49 =	vmul.f32 $8.999999760e-01, v28;
	[tilespmem:$0xFE80] =	vst v24  }
0x252: {  	v50 =	vmul.f32 v38, v35;
	[tilespmem:$0xFE90] =	vst v29;
	v42 =	vmul.f32 v6, v37  }
0x253: {  	v45 =	vld [tilespmem:$0xF760];
	v47 =	vmul.f32 v0, v17;
	[tilespmem:$0xFC20] =	vst v0;
	v53 =	vmul.f32 v46, v19;
	v8 =	vadd.f32 v10, v63  }
0x254: {  	[tilespmem:$0xFC30] =	vst v46;
	v55 =	vadd.f32 v50, v43;
	v44 =	vmul.f32 v33, v28;
	v52 =	vadd.f32 v42, v48  }
0x255: {  	v61 =	vmul.f32 $1.000000010e-01, v51;
	[tilespmem:$0xFEA0] =	vst v47;
	v5 =	vmul.f32 v8, v39  }
0x256: {  	[tilespmem:$0xFEB0] =	vst v53;
	v1 =	vmul.f32 v55, v56;
	v7 =	vadd.f32 v44, v30;
	v58 =	vmul.f32 v52, v27  }
0x257: {  	v57 =	vadd.f32 v5, v54;
	[tilespmem:$0xFC40] =	vst v52  }
0x258: {  	s25 =	sadd.s32 $0x1, s25;
	v59 =	vmul.f32 $1.000000010e-01, v45;
	v1 =	vadd.f32 v1, v61;
	v0 =	vmul.f32 v7, v49;
	[tilespmem:$0xFEC0] =	vst v58  }
0x259: {  	p2 =	sne.s32 s25, $0xA;
	v60 =	vmul.f32 v57, v9;
	[tilespmem:$0xFC50] =	vst v57  }
.Ltmp6:
0x25a: {  	v63 =	vmul.f32 v1, v35;
	[tilespmem:$0xFC70] =	vst v1;
	v0 =	vadd.f32 v0, v59;
	(pc) =	sbr.rel @p2 .LBB2_6-.Ltmp6, $4  }
0x25b: {  	[tilespmem:$0xFED0] =	vst v60  }
0x25c: {  	[tilespmem:$0xFEF0] =	vst v63;
	v62 =	vmul.f32 v0, v28  }
0x25d: {  	[tilespmem:$0xFC60] =	vst v0  }
0x25e: {  	[tilespmem:$0xFEE0] =	vst v62  }
0x25f: {  	s25 =	simm.s32 @!p1 $0x0;
	s26 =	simm.s32 @!p1 $0xFA00;
	s24 =	sadd.s32 $0x1, s24  }
0x260: {  	[hbm4b:s10+s25] =	stream.linear.scatter @!p1 [tilespmem:s26], [sflag:$0x4], $0x280, $0x38;
	[tilespmem:$0x10480] =	vst v63  }
0x261: {  	p2 =	sne.s32 s24, s11  }
.Ltmp7:
0x262: {  	_ = 	snop;
	(pc) =	sbr.rel @p2 .LBB2_1-.Ltmp7, $4  }
0x263: {  	s25 =	simm.s32 @!p1 $0x4  }
0x264: {  	_ =	swait.ge @!p1 [sflag:s25], $0x280  }
0x265: {  	[sflag:s25] =	ssyncset.done @!p1 $0x0  }
0x266: {  	[sflag:s25] =	ssyncadd.s32 @!p1 $0xFFFFFD80  }
0x267: {  	_ =	sfence.sel $0x180000  }
0x268: {  	[bflag:$0x0] =	sbarrier.arrive $0xFFFF  }
0x269: {  	p0 =	sne.s32 s1, $0x0;
	_ =	strace $0x90000047  }
0x26a: {  	s0 =	sadd.s32 @!p0 $0x100000, s0;
	[bflag:$0x2] =	sbarrier.arrive $0xFFFF  }
0x26b: {  	[sflag:s0] =	ssyncadd.tile.s32 @!p0 $0x1;
	_ =	shalt  }
.Lfunc_end2:
_tile_overlayer_lowered:
.L_overlay_start_2:
0x26c: {  	(tag) =	ssettag $0x2  }
0x26d: {  	s0 =	rddreg [dreg:$0x0];
	s2 =	stileid.u32  }
0x26e: {  	s1 =	rddreg [dreg:$0x1];
	p0 =	sne.s32 s2, $0x0  }
0x26f: {  	s3 =	rddreg [dreg:$0x2];
	[bflag:$0x3] =	sbarrier.arrive $0xFFFF;
	s2 =	simm.s32 @!p0 $0x1C04  }
0x270: {  	[timem:s3], [sflag:s2] =	dma.local @!p0 [hbm:s0], s1  }
0x271: {  	s0 =	simm.s32 @!p0 $0x4  }
0x272: {  	_ =	swait.ge @!p0 [sflag:s0], s1  }
0x273: {  	s1 =	ssub.s32 @!p0 $0x0, s1;
	[sflag:s0] =	ssyncset.done @!p0 $0x0  }
0x274: {  	[sflag:s0] =	ssyncadd.s32 @!p0 s1  }
0x275: {  	[bflag:$0x3] =	sbarrier.arrive $0xFFFF  }
0x276: {  	_ =	shalt  }

</sc_bundles>
